<compile_context>
chip_gen: v7x
topology: tpu7x:2x2x1
jax: 0.10.2.dev20260603
libtpu: 0.0.44.dev20260713+nightly
codegen_flags: <defaults>
</compile_context>

<pallas_src>
import functools

import jax
import jax.numpy as jnp
from jax import lax
from jax.experimental import pallas as pl
from jax.experimental.pallas import tpu as pltpu
from jax.experimental.pallas import tpu_sc as plsc

MAXLEN = 200
EMBED = 32
BATCH = 4096
NC, NS = 2, 16
NW = NC * NS
BT = 128
EG = EMBED // 8
SG = 4
NG = MAXLEN // SG
NPAIR = NG // 2
BTP = BT + 1

_mesh = plsc.VectorSubcoreMesh(core_axis_name="c", subcore_axis_name="s")


@functools.partial(
    pl.kernel,
    mesh=_mesh,
    out_type=jax.ShapeDtypeStruct((MAXLEN, EG, NW, 8, BT), jnp.float32),
    compiler_params=pltpu.CompilerParams(
        use_tc_tiling_on_sc=False, needs_layout_passes=False),
    scratch_types=[
        pltpu.VMEM((SG, BT), jnp.int32),
        pltpu.VMEM((SG, BT), jnp.int32),
        pltpu.VMEM((SG, BT, EMBED), jnp.float32),
        pltpu.VMEM((SG, BT, EMBED), jnp.float32),
        pltpu.VMEM((SG * EMBED, BTP), jnp.float32),
        pltpu.VMEM((SG * EMBED, BTP), jnp.float32),
        pltpu.VMEM((MAXLEN, EMBED), jnp.float32),
        pltpu.SemaphoreType.DMA,
        pltpu.SemaphoreType.DMA,
        pltpu.SemaphoreType.DMA,
        pltpu.SemaphoreType.DMA,
    ],
)
def _embed_kernel(xt_hbm, tok_hbm, pos_hbm, out_hbm,
                  idx_a, idx_b, rows_a, rows_b, outt_a, outt_b, pos_v,
                  sem_idx, sem_g, sem_oa, sem_ob):
    w = lax.axis_index("s") * NC + lax.axis_index("c")
    c0 = w * BT
    iota16 = lax.iota(jnp.int32, 16)

    def idx_src(sg):
        return xt_hbm.at[pl.ds(sg * SG, SG), pl.ds(c0, BT)]

    def fire_gathers(idx_x, rows_x):
        for si in range(SG):
            pltpu.async_copy(tok_hbm.at[idx_x.at[si]], rows_x.at[si], sem_g)

    def wait_gathers(idx_x, rows_x):
        for si in range(SG):
            pltpu.make_async_copy(
                tok_hbm.at[idx_x.at[si]], rows_x.at[si], sem_g).wait()

    def fire_outs(outt_x, sg, sem_o):
        for si in range(SG):
            for g in range(EG):
                pltpu.async_copy(
                    outt_x.at[pl.ds(si * EMBED + g * 8, 8), pl.ds(0, BT)],
                    out_hbm.at[sg * SG + si, g, w], sem_o)

    def drain_outs(outt_x, sg, sem_o):
        for si in range(SG):
            for g in range(EG):
                pltpu.make_async_copy(
                    outt_x.at[pl.ds(si * EMBED + g * 8, 8), pl.ds(0, BT)],
                    out_hbm.at[sg * SG + si, g, w], sem_o).wait()

    def transpose_group(rows_x, outt_x, sg):
        for si in range(SG):
            s = sg * SG + si
            p0 = pos_v[s, pl.ds(0, 16)]
            p1 = pos_v[s, pl.ds(16, 16)]
            r0 = iota16 + (si * EMBED)
            r1 = r0 + 16

            def t_body(t4, c2):
                for u in range(4):
                    t = t4 * 4 + u
                    t_v = jnp.full((16,), t, jnp.int32)
                    v0 = rows_x[si, t, pl.ds(0, 16)] + p0
                    v1 = rows_x[si, t, pl.ds(16, 16)] + p1
                    plsc.store_scatter(outt_x, [r0, t_v], v0)
                    plsc.store_scatter(outt_x, [r1, t_v], v1)
                return c2

            lax.fori_loop(0, BT // 4, t_body, 0)

    pltpu.sync_copy(pos_hbm, pos_v)
    pltpu.sync_copy(idx_src(0), idx_a)
    fire_gathers(idx_a, rows_a)
    pltpu.async_copy(idx_src(1), idx_b, sem_idx)

    def pair_body(p, carry):
        for b in range(2):
            sg = p * 2 + b
            idx_x, rows_x, outt_x, sem_o = (
                (idx_a, rows_a, outt_a, sem_oa) if b == 0
                else (idx_b, rows_b, outt_b, sem_ob))
            idx_y, rows_y = (idx_b, rows_b) if b == 0 else (idx_a, rows_a)

            wait_gathers(idx_x, rows_x)

            @pl.when(sg + 1 < NG)
            def _():
                pltpu.make_async_copy(idx_src(sg + 1), idx_y, sem_idx).wait()
                fire_gathers(idx_y, rows_y)

            @pl.when(sg + 2 < NG)
            def _():
                pltpu.async_copy(idx_src(sg + 2), idx_x, sem_idx)

            @pl.when(sg >= 2)
            def _():
                drain_outs(outt_x, sg - 2, sem_o)

            transpose_group(rows_x, outt_x, sg)
            fire_outs(outt_x, sg, sem_o)
        return carry

    lax.fori_loop(0, NPAIR, pair_body, 0)
    drain_outs(outt_a, NG - 2, sem_oa)
    drain_outs(outt_b, NG - 1, sem_ob)


def kernel(x, token_table, pos_table):
    xt = jnp.transpose(x.astype(jnp.int32))
    out5 = _embed_kernel(xt, token_table, pos_table)
    out = out5.transpose(0, 1, 3, 2, 4).reshape(MAXLEN, EMBED, BATCH)
    return out.transpose(2, 0, 1)

# --- scband reference (transcript-rebuilt; emitter-appended) ---
"""Pipeline reference for scband-token-and-position-embedding-7361573946069 (READ-ONLY COPY).

The authoritative reference and input builder live on the scoring server;
editing this copy changes nothing except your own understanding.
"""

import jax, jax.numpy as jnp
import numpy as np

MAXLEN = 200
VOCAB_SIZE = 1000000
EMBED_DIM = 32
BATCH = 4096

def setup_inputs(seed: int = 0) -> dict:
    key = jax.random.key(seed)
    k1, k2, k3 = jax.random.split(key, 3)
    x = jax.random.randint(k1, (BATCH, MAXLEN), 0, VOCAB_SIZE, dtype=jnp.int64 if jax.config.jax_enable_x64 else jnp.int32)
    token_table = jax.random.normal(k2, (VOCAB_SIZE, EMBED_DIM), dtype=jnp.float32) * 0.05
    pos_table = jax.random.normal(k3, (MAXLEN, EMBED_DIM), dtype=jnp.float32) * 0.05
    return {"x": x, "token_table": token_table, "pos_table": pos_table}

def reference(x, token_table, pos_table):
    seqlen = x.shape[-1]
    positions = jnp.arange(0, seqlen, 1)
    pos = jnp.take(pos_table, positions, axis=0)  # [seqlen, embed_dim]
    tok = jnp.take(token_table, x, axis=0)        # [batch, seqlen, embed_dim]
    return tok + pos

if __name__ == "__main__":
    import jax
    _d = setup_inputs()
    print(jax.jit(kernel)(*tuple(_d.values())))

</pallas_src>

<mosaic_0001>
#map = affine_map<(d0, d1) -> (0, 0)>
#map1 = affine_map<(d0, d1) -> (0, 0, 0, 0, 0)>
module attributes {stable_mosaic.version = 14 : i64} {
  func.func @_embed_kernel(%arg0: i32, %arg1: i32, %arg2: memref<200x4096xi32, #tpu.memory_space<hbm>>, %arg3: memref<1000000x32xf32, #tpu.memory_space<hbm>>, %arg4: memref<200x32xf32, #tpu.memory_space<hbm>>, %arg5: memref<200x4x32x8x128xf32, #tpu.memory_space<hbm>>, %arg6: memref<4x128xi32, #tpu.memory_space<vmem>>, %arg7: memref<4x128xi32, #tpu.memory_space<vmem>>, %arg8: memref<4x128x32xf32, #tpu.memory_space<vmem>>, %arg9: memref<4x128x32xf32, #tpu.memory_space<vmem>>, %arg10: memref<128x129xf32, #tpu.memory_space<vmem>>, %arg11: memref<128x129xf32, #tpu.memory_space<vmem>>, %arg12: memref<200x32xf32, #tpu.memory_space<vmem>>, %arg13: memref<!tpu.dma_semaphore, #tpu.memory_space<semaphore_mem>>, %arg14: memref<!tpu.dma_semaphore, #tpu.memory_space<semaphore_mem>>, %arg15: memref<!tpu.dma_semaphore, #tpu.memory_space<semaphore_mem>>, %arg16: memref<!tpu.dma_semaphore, #tpu.memory_space<semaphore_mem>>) attributes {dimension_semantics = [#tpu.dimension_semantics<core_parallel>, #tpu.dimension_semantics<subcore_parallel>], iteration_bounds = array<i64: 2, 16>, scalar_prefetch = 0 : i64, scratch_operands = 11 : i64, tpu.core_type = #tpu.core_type<sc_vector_subcore>, window_params = [{transform_indices = #map}, {transform_indices = #map}, {transform_indices = #map}, {transform_indices = #map1}]} {
    %mul3A = arith.constant 2 : i32
    %mul3A_0 = arith.muli %arg1, %mul3A : i32
    %add3A = arith.addi %mul3A_0, %arg0 : i32
    %mul3A_1 = arith.constant 128 : i32
    %mul3A_2 = arith.muli %add3A, %mul3A_1 : i32
    %iota3A = tpu.iota {dimensions = array<i32: 0>} : vector<16xi32>
    "tpu.region"() ({
      %run_scoped3A = tpu.sem_alloc : memref<!tpu.dma_semaphore, #tpu.memory_space<semaphore_mem>>
      tpu.enqueue_dma source(%arg4 : memref<200x32xf32, #tpu.memory_space<hbm>>) target(%arg12 : memref<200x32xf32, #tpu.memory_space<vmem>>) target_semaphore(%run_scoped3A : memref<!tpu.dma_semaphore, #tpu.memory_space<semaphore_mem>>)
      tpu.wait_dma2 semaphore(%run_scoped3A : memref<!tpu.dma_semaphore, #tpu.memory_space<semaphore_mem>>) src(%arg4 : memref<200x32xf32, #tpu.memory_space<hbm>>) dst(%arg12 : memref<200x32xf32, #tpu.memory_space<vmem>>)
      tpu.yield
    }) : () -> ()
    "tpu.region"() ({
      %run_scoped3A = tpu.sem_alloc : memref<!tpu.dma_semaphore, #tpu.memory_space<semaphore_mem>>
      %dma_start3A_570 = arith.constant 0 : i32
      %dma_start3A_571 = tpu.memref_slice %arg2[%dma_start3A_570, %mul3A_2] : memref<200x4096xi32, #tpu.memory_space<hbm>> -> memref<4x128xi32, #tpu.memory_space<hbm>>
      %dma_start3A_572 = arith.constant 0 : i32
      %dma_start3A_573 = tpu.memref_slice %arg2[%dma_start3A_572, %mul3A_2] : memref<200x4096xi32, #tpu.memory_space<hbm>> -> memref<4x128xi32, #tpu.memory_space<hbm>>
      tpu.enqueue_dma source(%dma_start3A_573 : memref<4x128xi32, #tpu.memory_space<hbm>>) target(%arg6 : memref<4x128xi32, #tpu.memory_space<vmem>>) target_semaphore(%run_scoped3A : memref<!tpu.dma_semaphore, #tpu.memory_space<semaphore_mem>>)
      %dma_wait3A_574 = arith.constant 0 : i32
      %dma_wait3A_575 = tpu.memref_slice %arg2[%dma_wait3A_574, %mul3A_2] : memref<200x4096xi32, #tpu.memory_space<hbm>> -> memref<4x128xi32, #tpu.memory_space<hbm>>
      %dma_wait3A_576 = arith.constant 0 : i32
      %dma_wait3A_577 = tpu.memref_slice %arg2[%dma_wait3A_576, %mul3A_2] : memref<200x4096xi32, #tpu.memory_space<hbm>> -> memref<4x128xi32, #tpu.memory_space<hbm>>
      tpu.wait_dma2 semaphore(%run_scoped3A : memref<!tpu.dma_semaphore, #tpu.memory_space<semaphore_mem>>) src(%dma_wait3A_577 : memref<4x128xi32, #tpu.memory_space<hbm>>) dst(%arg6 : memref<4x128xi32, #tpu.memory_space<vmem>>)
      tpu.yield
    }) : () -> ()
    %dma_start3A = arith.constant 0 : i32
    %dma_start3A_3 = arith.constant 0 : i32
    %dma_start3A_4 = arith.constant 0 : i32
    %dma_start3A_5 = arith.constant 0 : i32
    %dma_start3A_6 = tpu.memref_slice %arg8[%dma_start3A_3, %dma_start3A_4, %dma_start3A_5] : memref<4x128x32xf32, #tpu.memory_space<vmem>> -> memref<1x128x32xf32, #tpu.memory_space<vmem>>
    %dma_start3A_7 = tpu.memref_squeeze %dma_start3A_6 : memref<1x128x32xf32, #tpu.memory_space<vmem>> -> memref<128x32xf32, #tpu.memory_space<vmem>>
    %dma_start3A_8 = arith.constant 0 : i32
    %dma_start3A_9 = tpu.memref_slice %arg6[%dma_start3A, %dma_start3A_8] : memref<4x128xi32, #tpu.memory_space<vmem>> -> memref<1x128xi32, #tpu.memory_space<vmem>>
    %dma_start3A_10 = tpu.memref_squeeze %dma_start3A_9 : memref<1x128xi32, #tpu.memory_space<vmem>> -> memref<128xi32, #tpu.memory_space<vmem>>
    %dma_start3A_11 = arith.constant 0 : i32
    %dma_start3A_12 = arith.constant 0 : i32
    %dma_start3A_13 = tpu.memref_slice %arg3[%dma_start3A_11, %dma_start3A_12] : memref<1000000x32xf32, #tpu.memory_space<hbm>> -> memref<1000000x32xf32, #tpu.memory_space<hbm>>
    tpu.enqueue_indirect_dma source(%dma_start3A_13 : memref<1000000x32xf32, #tpu.memory_space<hbm>>) target(%dma_start3A_7 : memref<128x32xf32, #tpu.memory_space<vmem>>) offsets(%dma_start3A_10 : memref<128xi32, #tpu.memory_space<vmem>>) semaphore(%arg14 : memref<!tpu.dma_semaphore, #tpu.memory_space<semaphore_mem>>)
    %dma_start3A_14 = arith.constant 1 : i32
    %dma_start3A_15 = arith.constant 1 : i32
    %dma_start3A_16 = arith.constant 0 : i32
    %dma_start3A_17 = arith.constant 0 : i32
    %dma_start3A_18 = tpu.memref_slice %arg8[%dma_start3A_15, %dma_start3A_16, %dma_start3A_17] : memref<4x128x32xf32, #tpu.memory_space<vmem>> -> memref<1x128x32xf32, #tpu.memory_space<vmem>>
    %dma_start3A_19 = tpu.memref_squeeze %dma_start3A_18 : memref<1x128x32xf32, #tpu.memory_space<vmem>> -> memref<128x32xf32, #tpu.memory_space<vmem>>
    %dma_start3A_20 = arith.constant 0 : i32
    %dma_start3A_21 = tpu.memref_slice %arg6[%dma_start3A_14, %dma_start3A_20] : memref<4x128xi32, #tpu.memory_space<vmem>> -> memref<1x128xi32, #tpu.memory_space<vmem>>
    %dma_start3A_22 = tpu.memref_squeeze %dma_start3A_21 : memref<1x128xi32, #tpu.memory_space<vmem>> -> memref<128xi32, #tpu.memory_space<vmem>>
    %dma_start3A_23 = arith.constant 0 : i32
    %dma_start3A_24 = arith.constant 0 : i32
    %dma_start3A_25 = tpu.memref_slice %arg3[%dma_start3A_23, %dma_start3A_24] : memref<1000000x32xf32, #tpu.memory_space<hbm>> -> memref<1000000x32xf32, #tpu.memory_space<hbm>>
    tpu.enqueue_indirect_dma source(%dma_start3A_25 : memref<1000000x32xf32, #tpu.memory_space<hbm>>) target(%dma_start3A_19 : memref<128x32xf32, #tpu.memory_space<vmem>>) offsets(%dma_start3A_22 : memref<128xi32, #tpu.memory_space<vmem>>) semaphore(%arg14 : memref<!tpu.dma_semaphore, #tpu.memory_space<semaphore_mem>>)
    %dma_start3A_26 = arith.constant 2 : i32
    %dma_start3A_27 = arith.constant 2 : i32
    %dma_start3A_28 = arith.constant 0 : i32
    %dma_start3A_29 = arith.constant 0 : i32
    %dma_start3A_30 = tpu.memref_slice %arg8[%dma_start3A_27, %dma_start3A_28, %dma_start3A_29] : memref<4x128x32xf32, #tpu.memory_space<vmem>> -> memref<1x128x32xf32, #tpu.memory_space<vmem>>
    %dma_start3A_31 = tpu.memref_squeeze %dma_start3A_30 : memref<1x128x32xf32, #tpu.memory_space<vmem>> -> memref<128x32xf32, #tpu.memory_space<vmem>>
    %dma_start3A_32 = arith.constant 0 : i32
    %dma_start3A_33 = tpu.memref_slice %arg6[%dma_start3A_26, %dma_start3A_32] : memref<4x128xi32, #tpu.memory_space<vmem>> -> memref<1x128xi32, #tpu.memory_space<vmem>>
    %dma_start3A_34 = tpu.memref_squeeze %dma_start3A_33 : memref<1x128xi32, #tpu.memory_space<vmem>> -> memref<128xi32, #tpu.memory_space<vmem>>
    %dma_start3A_35 = arith.constant 0 : i32
    %dma_start3A_36 = arith.constant 0 : i32
    %dma_start3A_37 = tpu.memref_slice %arg3[%dma_start3A_35, %dma_start3A_36] : memref<1000000x32xf32, #tpu.memory_space<hbm>> -> memref<1000000x32xf32, #tpu.memory_space<hbm>>
    tpu.enqueue_indirect_dma source(%dma_start3A_37 : memref<1000000x32xf32, #tpu.memory_space<hbm>>) target(%dma_start3A_31 : memref<128x32xf32, #tpu.memory_space<vmem>>) offsets(%dma_start3A_34 : memref<128xi32, #tpu.memory_space<vmem>>) semaphore(%arg14 : memref<!tpu.dma_semaphore, #tpu.memory_space<semaphore_mem>>)
    %dma_start3A_38 = arith.constant 3 : i32
    %dma_start3A_39 = arith.constant 3 : i32
    %dma_start3A_40 = arith.constant 0 : i32
    %dma_start3A_41 = arith.constant 0 : i32
    %dma_start3A_42 = tpu.memref_slice %arg8[%dma_start3A_39, %dma_start3A_40, %dma_start3A_41] : memref<4x128x32xf32, #tpu.memory_space<vmem>> -> memref<1x128x32xf32, #tpu.memory_space<vmem>>
    %dma_start3A_43 = tpu.memref_squeeze %dma_start3A_42 : memref<1x128x32xf32, #tpu.memory_space<vmem>> -> memref<128x32xf32, #tpu.memory_space<vmem>>
    %dma_start3A_44 = arith.constant 0 : i32
    %dma_start3A_45 = tpu.memref_slice %arg6[%dma_start3A_38, %dma_start3A_44] : memref<4x128xi32, #tpu.memory_space<vmem>> -> memref<1x128xi32, #tpu.memory_space<vmem>>
    %dma_start3A_46 = tpu.memref_squeeze %dma_start3A_45 : memref<1x128xi32, #tpu.memory_space<vmem>> -> memref<128xi32, #tpu.memory_space<vmem>>
    %dma_start3A_47 = arith.constant 0 : i32
    %dma_start3A_48 = arith.constant 0 : i32
    %dma_start3A_49 = tpu.memref_slice %arg3[%dma_start3A_47, %dma_start3A_48] : memref<1000000x32xf32, #tpu.memory_space<hbm>> -> memref<1000000x32xf32, #tpu.memory_space<hbm>>
    tpu.enqueue_indirect_dma source(%dma_start3A_49 : memref<1000000x32xf32, #tpu.memory_space<hbm>>) target(%dma_start3A_43 : memref<128x32xf32, #tpu.memory_space<vmem>>) offsets(%dma_start3A_46 : memref<128xi32, #tpu.memory_space<vmem>>) semaphore(%arg14 : memref<!tpu.dma_semaphore, #tpu.memory_space<semaphore_mem>>)
    %dma_start3A_50 = arith.constant 4 : i32
    %dma_start3A_51 = tpu.memref_slice %arg2[%dma_start3A_50, %mul3A_2] : memref<200x4096xi32, #tpu.memory_space<hbm>> -> memref<4x128xi32, #tpu.memory_space<hbm>>
    %dma_start3A_52 = arith.constant 4 : i32
    %dma_start3A_53 = tpu.memref_slice %arg2[%dma_start3A_52, %mul3A_2] : memref<200x4096xi32, #tpu.memory_space<hbm>> -> memref<4x128xi32, #tpu.memory_space<hbm>>
    tpu.enqueue_dma source(%dma_start3A_53 : memref<4x128xi32, #tpu.memory_space<hbm>>) target(%arg7 : memref<4x128xi32, #tpu.memory_space<vmem>>) target_semaphore(%arg13 : memref<!tpu.dma_semaphore, #tpu.memory_space<semaphore_mem>>)
    %scan3A = arith.constant 0 : i32
    %scan3A_54 = arith.constant 0 : i32
    %scan3A_55 = arith.constant 25 : i32
    %scan3A_56 = arith.addi %scan3A_54, %scan3A_55 : i32
    %scan3A_57 = arith.constant 1 : i32
    scf.for %scan3A_570 = %scan3A_54 to %scan3A_56 step %scan3A_57  : i32 {
      %mul3A_571 = arith.constant 2 : i32
      %mul3A_572 = arith.muli %scan3A_570, %mul3A_571 : i32
      %add3A_573 = arith.constant 0 : i32
      %add3A_574 = arith.addi %mul3A_572, %add3A_573 : i32
      %dma_wait3A_575 = arith.constant 0 : i32
      %dma_wait3A_576 = arith.constant 0 : i32
      %dma_wait3A_577 = arith.constant 0 : i32
      %dma_wait3A_578 = arith.constant 0 : i32
      %dma_wait3A_579 = tpu.memref_slice %arg8[%dma_wait3A_576, %dma_wait3A_577, %dma_wait3A_578] : memref<4x128x32xf32, #tpu.memory_space<vmem>> -> memref<1x128x32xf32, #tpu.memory_space<vmem>>
      %dma_wait3A_580 = tpu.memref_squeeze %dma_wait3A_579 : memref<1x128x32xf32, #tpu.memory_space<vmem>> -> memref<128x32xf32, #tpu.memory_space<vmem>>
      %dma_wait3A_581 = arith.constant 0 : i32
      %dma_wait3A_582 = tpu.memref_slice %arg6[%dma_wait3A_575, %dma_wait3A_581] : memref<4x128xi32, #tpu.memory_space<vmem>> -> memref<1x128xi32, #tpu.memory_space<vmem>>
      %dma_wait3A_583 = tpu.memref_squeeze %dma_wait3A_582 : memref<1x128xi32, #tpu.memory_space<vmem>> -> memref<128xi32, #tpu.memory_space<vmem>>
      %dma_wait3A_584 = arith.constant 0 : i32
      %dma_wait3A_585 = arith.constant 0 : i32
      %dma_wait3A_586 = tpu.memref_slice %arg3[%dma_wait3A_584, %dma_wait3A_585] : memref<1000000x32xf32, #tpu.memory_space<hbm>> -> memref<1000000x32xf32, #tpu.memory_space<hbm>>
      tpu.wait_indirect_dma semaphore(%arg14 : memref<!tpu.dma_semaphore, #tpu.memory_space<semaphore_mem>>) src(%dma_wait3A_586 : memref<1000000x32xf32, #tpu.memory_space<hbm>>) dst(%dma_wait3A_580 : memref<128x32xf32, #tpu.memory_space<vmem>>)
      %dma_wait3A_587 = arith.constant 1 : i32
      %dma_wait3A_588 = arith.constant 1 : i32
      %dma_wait3A_589 = arith.constant 0 : i32
      %dma_wait3A_590 = arith.constant 0 : i32
      %dma_wait3A_591 = tpu.memref_slice %arg8[%dma_wait3A_588, %dma_wait3A_589, %dma_wait3A_590] : memref<4x128x32xf32, #tpu.memory_space<vmem>> -> memref<1x128x32xf32, #tpu.memory_space<vmem>>
      %dma_wait3A_592 = tpu.memref_squeeze %dma_wait3A_591 : memref<1x128x32xf32, #tpu.memory_space<vmem>> -> memref<128x32xf32, #tpu.memory_space<vmem>>
      %dma_wait3A_593 = arith.constant 0 : i32
      %dma_wait3A_594 = tpu.memref_slice %arg6[%dma_wait3A_587, %dma_wait3A_593] : memref<4x128xi32, #tpu.memory_space<vmem>> -> memref<1x128xi32, #tpu.memory_space<vmem>>
      %dma_wait3A_595 = tpu.memref_squeeze %dma_wait3A_594 : memref<1x128xi32, #tpu.memory_space<vmem>> -> memref<128xi32, #tpu.memory_space<vmem>>
      %dma_wait3A_596 = arith.constant 0 : i32
      %dma_wait3A_597 = arith.constant 0 : i32
      %dma_wait3A_598 = tpu.memref_slice %arg3[%dma_wait3A_596, %dma_wait3A_597] : memref<1000000x32xf32, #tpu.memory_space<hbm>> -> memref<1000000x32xf32, #tpu.memory_space<hbm>>
      tpu.wait_indirect_dma semaphore(%arg14 : memref<!tpu.dma_semaphore, #tpu.memory_space<semaphore_mem>>) src(%dma_wait3A_598 : memref<1000000x32xf32, #tpu.memory_space<hbm>>) dst(%dma_wait3A_592 : memref<128x32xf32, #tpu.memory_space<vmem>>)
      %dma_wait3A_599 = arith.constant 2 : i32
      %dma_wait3A_600 = arith.constant 2 : i32
      %dma_wait3A_601 = arith.constant 0 : i32
      %dma_wait3A_602 = arith.constant 0 : i32
      %dma_wait3A_603 = tpu.memref_slice %arg8[%dma_wait3A_600, %dma_wait3A_601, %dma_wait3A_602] : memref<4x128x32xf32, #tpu.memory_space<vmem>> -> memref<1x128x32xf32, #tpu.memory_space<vmem>>
      %dma_wait3A_604 = tpu.memref_squeeze %dma_wait3A_603 : memref<1x128x32xf32, #tpu.memory_space<vmem>> -> memref<128x32xf32, #tpu.memory_space<vmem>>
      %dma_wait3A_605 = arith.constant 0 : i32
      %dma_wait3A_606 = tpu.memref_slice %arg6[%dma_wait3A_599, %dma_wait3A_605] : memref<4x128xi32, #tpu.memory_space<vmem>> -> memref<1x128xi32, #tpu.memory_space<vmem>>
      %dma_wait3A_607 = tpu.memref_squeeze %dma_wait3A_606 : memref<1x128xi32, #tpu.memory_space<vmem>> -> memref<128xi32, #tpu.memory_space<vmem>>
      %dma_wait3A_608 = arith.constant 0 : i32
      %dma_wait3A_609 = arith.constant 0 : i32
      %dma_wait3A_610 = tpu.memref_slice %arg3[%dma_wait3A_608, %dma_wait3A_609] : memref<1000000x32xf32, #tpu.memory_space<hbm>> -> memref<1000000x32xf32, #tpu.memory_space<hbm>>
      tpu.wait_indirect_dma semaphore(%arg14 : memref<!tpu.dma_semaphore, #tpu.memory_space<semaphore_mem>>) src(%dma_wait3A_610 : memref<1000000x32xf32, #tpu.memory_space<hbm>>) dst(%dma_wait3A_604 : memref<128x32xf32, #tpu.memory_space<vmem>>)
      %dma_wait3A_611 = arith.constant 3 : i32
      %dma_wait3A_612 = arith.constant 3 : i32
      %dma_wait3A_613 = arith.constant 0 : i32
      %dma_wait3A_614 = arith.constant 0 : i32
      %dma_wait3A_615 = tpu.memref_slice %arg8[%dma_wait3A_612, %dma_wait3A_613, %dma_wait3A_614] : memref<4x128x32xf32, #tpu.memory_space<vmem>> -> memref<1x128x32xf32, #tpu.memory_space<vmem>>
      %dma_wait3A_616 = tpu.memref_squeeze %dma_wait3A_615 : memref<1x128x32xf32, #tpu.memory_space<vmem>> -> memref<128x32xf32, #tpu.memory_space<vmem>>
      %dma_wait3A_617 = arith.constant 0 : i32
      %dma_wait3A_618 = tpu.memref_slice %arg6[%dma_wait3A_611, %dma_wait3A_617] : memref<4x128xi32, #tpu.memory_space<vmem>> -> memref<1x128xi32, #tpu.memory_space<vmem>>
      %dma_wait3A_619 = tpu.memref_squeeze %dma_wait3A_618 : memref<1x128xi32, #tpu.memory_space<vmem>> -> memref<128xi32, #tpu.memory_space<vmem>>
      %dma_wait3A_620 = arith.constant 0 : i32
      %dma_wait3A_621 = arith.constant 0 : i32
      %dma_wait3A_622 = tpu.memref_slice %arg3[%dma_wait3A_620, %dma_wait3A_621] : memref<1000000x32xf32, #tpu.memory_space<hbm>> -> memref<1000000x32xf32, #tpu.memory_space<hbm>>
      tpu.wait_indirect_dma semaphore(%arg14 : memref<!tpu.dma_semaphore, #tpu.memory_space<semaphore_mem>>) src(%dma_wait3A_622 : memref<1000000x32xf32, #tpu.memory_space<hbm>>) dst(%dma_wait3A_616 : memref<128x32xf32, #tpu.memory_space<vmem>>)
      %add3A_623 = arith.constant 1 : i32
      %add3A_624 = arith.addi %add3A_574, %add3A_623 : i32
      %lt3A = arith.constant 50 : i32
      %lt3A_625 = arith.cmpi slt, %add3A_624, %lt3A : i32
      %convert_element_type3A = arith.extui %lt3A_625 : i1 to i32
      %cond3A = arith.constant 0 : i32
      %cond3A_626 = arith.cmpi ne, %convert_element_type3A, %cond3A : i32
      scf.if %cond3A_626 {
        %add3A_1492 = arith.constant 1 : i32
        %add3A_1493 = arith.addi %add3A_574, %add3A_1492 : i32
        %mul3A_1494 = arith.constant 4 : i32
        %mul3A_1495 = arith.muli %add3A_1493, %mul3A_1494 : i32
        %dma_wait3A_1496 = tpu.memref_slice %arg2[%mul3A_1495, %mul3A_2] : memref<200x4096xi32, #tpu.memory_space<hbm>> -> memref<4x128xi32, #tpu.memory_space<hbm>>
        %dma_wait3A_1497 = tpu.memref_slice %arg2[%mul3A_1495, %mul3A_2] : memref<200x4096xi32, #tpu.memory_space<hbm>> -> memref<4x128xi32, #tpu.memory_space<hbm>>
        tpu.wait_dma2 semaphore(%arg13 : memref<!tpu.dma_semaphore, #tpu.memory_space<semaphore_mem>>) src(%dma_wait3A_1497 : memref<4x128xi32, #tpu.memory_space<hbm>>) dst(%arg7 : memref<4x128xi32, #tpu.memory_space<vmem>>)
        %dma_start3A_1498 = arith.constant 0 : i32
        %dma_start3A_1499 = arith.constant 0 : i32
        %dma_start3A_1500 = arith.constant 0 : i32
        %dma_start3A_1501 = arith.constant 0 : i32
        %dma_start3A_1502 = tpu.memref_slice %arg9[%dma_start3A_1499, %dma_start3A_1500, %dma_start3A_1501] : memref<4x128x32xf32, #tpu.memory_space<vmem>> -> memref<1x128x32xf32, #tpu.memory_space<vmem>>
        %dma_start3A_1503 = tpu.memref_squeeze %dma_start3A_1502 : memref<1x128x32xf32, #tpu.memory_space<vmem>> -> memref<128x32xf32, #tpu.memory_space<vmem>>
        %dma_start3A_1504 = arith.constant 0 : i32
        %dma_start3A_1505 = tpu.memref_slice %arg7[%dma_start3A_1498, %dma_start3A_1504] : memref<4x128xi32, #tpu.memory_space<vmem>> -> memref<1x128xi32, #tpu.memory_space<vmem>>
        %dma_start3A_1506 = tpu.memref_squeeze %dma_start3A_1505 : memref<1x128xi32, #tpu.memory_space<vmem>> -> memref<128xi32, #tpu.memory_space<vmem>>
        %dma_start3A_1507 = arith.constant 0 : i32
        %dma_start3A_1508 = arith.constant 0 : i32
        %dma_start3A_1509 = tpu.memref_slice %arg3[%dma_start3A_1507, %dma_start3A_1508] : memref<1000000x32xf32, #tpu.memory_space<hbm>> -> memref<1000000x32xf32, #tpu.memory_space<hbm>>
        tpu.enqueue_indirect_dma source(%dma_start3A_1509 : memref<1000000x32xf32, #tpu.memory_space<hbm>>) target(%dma_start3A_1503 : memref<128x32xf32, #tpu.memory_space<vmem>>) offsets(%dma_start3A_1506 : memref<128xi32, #tpu.memory_space<vmem>>) semaphore(%arg14 : memref<!tpu.dma_semaphore, #tpu.memory_space<semaphore_mem>>)
        %dma_start3A_1510 = arith.constant 1 : i32
        %dma_start3A_1511 = arith.constant 1 : i32
        %dma_start3A_1512 = arith.constant 0 : i32
        %dma_start3A_1513 = arith.constant 0 : i32
        %dma_start3A_1514 = tpu.memref_slice %arg9[%dma_start3A_1511, %dma_start3A_1512, %dma_start3A_1513] : memref<4x128x32xf32, #tpu.memory_space<vmem>> -> memref<1x128x32xf32, #tpu.memory_space<vmem>>
        %dma_start3A_1515 = tpu.memref_squeeze %dma_start3A_1514 : memref<1x128x32xf32, #tpu.memory_space<vmem>> -> memref<128x32xf32, #tpu.memory_space<vmem>>
        %dma_start3A_1516 = arith.constant 0 : i32
        %dma_start3A_1517 = tpu.memref_slice %arg7[%dma_start3A_1510, %dma_start3A_1516] : memref<4x128xi32, #tpu.memory_space<vmem>> -> memref<1x128xi32, #tpu.memory_space<vmem>>
        %dma_start3A_1518 = tpu.memref_squeeze %dma_start3A_1517 : memref<1x128xi32, #tpu.memory_space<vmem>> -> memref<128xi32, #tpu.memory_space<vmem>>
        %dma_start3A_1519 = arith.constant 0 : i32
        %dma_start3A_1520 = arith.constant 0 : i32
        %dma_start3A_1521 = tpu.memref_slice %arg3[%dma_start3A_1519, %dma_start3A_1520] : memref<1000000x32xf32, #tpu.memory_space<hbm>> -> memref<1000000x32xf32, #tpu.memory_space<hbm>>
        tpu.enqueue_indirect_dma source(%dma_start3A_1521 : memref<1000000x32xf32, #tpu.memory_space<hbm>>) target(%dma_start3A_1515 : memref<128x32xf32, #tpu.memory_space<vmem>>) offsets(%dma_start3A_1518 : memref<128xi32, #tpu.memory_space<vmem>>) semaphore(%arg14 : memref<!tpu.dma_semaphore, #tpu.memory_space<semaphore_mem>>)
        %dma_start3A_1522 = arith.constant 2 : i32
        %dma_start3A_1523 = arith.constant 2 : i32
        %dma_start3A_1524 = arith.constant 0 : i32
        %dma_start3A_1525 = arith.constant 0 : i32
        %dma_start3A_1526 = tpu.memref_slice %arg9[%dma_start3A_1523, %dma_start3A_1524, %dma_start3A_1525] : memref<4x128x32xf32, #tpu.memory_space<vmem>> -> memref<1x128x32xf32, #tpu.memory_space<vmem>>
        %dma_start3A_1527 = tpu.memref_squeeze %dma_start3A_1526 : memref<1x128x32xf32, #tpu.memory_space<vmem>> -> memref<128x32xf32, #tpu.memory_space<vmem>>
        %dma_start3A_1528 = arith.constant 0 : i32
        %dma_start3A_1529 = tpu.memref_slice %arg7[%dma_start3A_1522, %dma_start3A_1528] : memref<4x128xi32, #tpu.memory_space<vmem>> -> memref<1x128xi32, #tpu.memory_space<vmem>>
        %dma_start3A_1530 = tpu.memref_squeeze %dma_start3A_1529 : memref<1x128xi32, #tpu.memory_space<vmem>> -> memref<128xi32, #tpu.memory_space<vmem>>
        %dma_start3A_1531 = arith.constant 0 : i32
        %dma_start3A_1532 = arith.constant 0 : i32
        %dma_start3A_1533 = tpu.memref_slice %arg3[%dma_start3A_1531, %dma_start3A_1532] : memref<1000000x32xf32, #tpu.memory_space<hbm>> -> memref<1000000x32xf32, #tpu.memory_space<hbm>>
        tpu.enqueue_indirect_dma source(%dma_start3A_1533 : memref<1000000x32xf32, #tpu.memory_space<hbm>>) target(%dma_start3A_1527 : memref<128x32xf32, #tpu.memory_space<vmem>>) offsets(%dma_start3A_1530 : memref<128xi32, #tpu.memory_space<vmem>>) semaphore(%arg14 : memref<!tpu.dma_semaphore, #tpu.memory_space<semaphore_mem>>)
        %dma_start3A_1534 = arith.constant 3 : i32
        %dma_start3A_1535 = arith.constant 3 : i32
        %dma_start3A_1536 = arith.constant 0 : i32
        %dma_start3A_1537 = arith.constant 0 : i32
        %dma_start3A_1538 = tpu.memref_slice %arg9[%dma_start3A_1535, %dma_start3A_1536, %dma_start3A_1537] : memref<4x128x32xf32, #tpu.memory_space<vmem>> -> memref<1x128x32xf32, #tpu.memory_space<vmem>>
        %dma_start3A_1539 = tpu.memref_squeeze %dma_start3A_1538 : memref<1x128x32xf32, #tpu.memory_space<vmem>> -> memref<128x32xf32, #tpu.memory_space<vmem>>
        %dma_start3A_1540 = arith.constant 0 : i32
        %dma_start3A_1541 = tpu.memref_slice %arg7[%dma_start3A_1534, %dma_start3A_1540] : memref<4x128xi32, #tpu.memory_space<vmem>> -> memref<1x128xi32, #tpu.memory_space<vmem>>
        %dma_start3A_1542 = tpu.memref_squeeze %dma_start3A_1541 : memref<1x128xi32, #tpu.memory_space<vmem>> -> memref<128xi32, #tpu.memory_space<vmem>>
        %dma_start3A_1543 = arith.constant 0 : i32
        %dma_start3A_1544 = arith.constant 0 : i32
        %dma_start3A_1545 = tpu.memref_slice %arg3[%dma_start3A_1543, %dma_start3A_1544] : memref<1000000x32xf32, #tpu.memory_space<hbm>> -> memref<1000000x32xf32, #tpu.memory_space<hbm>>
        tpu.enqueue_indirect_dma source(%dma_start3A_1545 : memref<1000000x32xf32, #tpu.memory_space<hbm>>) target(%dma_start3A_1539 : memref<128x32xf32, #tpu.memory_space<vmem>>) offsets(%dma_start3A_1542 : memref<128xi32, #tpu.memory_space<vmem>>) semaphore(%arg14 : memref<!tpu.dma_semaphore, #tpu.memory_space<semaphore_mem>>)
      } else {
      }
      %add3A_627 = arith.constant 2 : i32
      %add3A_628 = arith.addi %add3A_574, %add3A_627 : i32
      %lt3A_629 = arith.constant 50 : i32
      %lt3A_630 = arith.cmpi slt, %add3A_628, %lt3A_629 : i32
      %convert_element_type3A_631 = arith.extui %lt3A_630 : i1 to i32
      %cond3A_632 = arith.constant 0 : i32
      %cond3A_633 = arith.cmpi ne, %convert_element_type3A_631, %cond3A_632 : i32
      scf.if %cond3A_633 {
        %add3A_1492 = arith.constant 2 : i32
        %add3A_1493 = arith.addi %add3A_574, %add3A_1492 : i32
        %mul3A_1494 = arith.constant 4 : i32
        %mul3A_1495 = arith.muli %add3A_1493, %mul3A_1494 : i32
        %dma_start3A_1496 = tpu.memref_slice %arg2[%mul3A_1495, %mul3A_2] : memref<200x4096xi32, #tpu.memory_space<hbm>> -> memref<4x128xi32, #tpu.memory_space<hbm>>
        %dma_start3A_1497 = tpu.memref_slice %arg2[%mul3A_1495, %mul3A_2] : memref<200x4096xi32, #tpu.memory_space<hbm>> -> memref<4x128xi32, #tpu.memory_space<hbm>>
        tpu.enqueue_dma source(%dma_start3A_1497 : memref<4x128xi32, #tpu.memory_space<hbm>>) target(%arg6 : memref<4x128xi32, #tpu.memory_space<vmem>>) target_semaphore(%arg13 : memref<!tpu.dma_semaphore, #tpu.memory_space<semaphore_mem>>)
      } else {
      }
      %ge3A = arith.constant 2 : i32
      %ge3A_634 = arith.cmpi sge, %add3A_574, %ge3A : i32
      %convert_element_type3A_635 = arith.extui %ge3A_634 : i1 to i32
      %cond3A_636 = arith.constant 0 : i32
      %cond3A_637 = arith.cmpi ne, %convert_element_type3A_635, %cond3A_636 : i32
      scf.if %cond3A_637 {
        %sub3A = arith.constant 2 : i32
        %sub3A_1492 = arith.subi %add3A_574, %sub3A : i32
        %mul3A_1493 = arith.constant 4 : i32
        %mul3A_1494 = arith.muli %sub3A_1492, %mul3A_1493 : i32
        %add3A_1495 = arith.constant 0 : i32
        %add3A_1496 = arith.addi %mul3A_1494, %add3A_1495 : i32
        %dma_wait3A_1497 = arith.constant 0 : i32
        %dma_wait3A_1498 = arith.constant 0 : i32
        %dma_wait3A_1499 = arith.constant 0 : i32
        %dma_wait3A_1500 = tpu.memref_slice %arg10[%dma_wait3A_1498, %dma_wait3A_1499] : memref<128x129xf32, #tpu.memory_space<vmem>> -> memref<8x128xf32, #tpu.memory_space<vmem>>
        %dma_wait3A_1501 = arith.constant 0 : i32
        %dma_wait3A_1502 = arith.constant 0 : i32
        %dma_wait3A_1503 = tpu.memref_slice %arg5[%add3A_1496, %dma_wait3A_1497, %add3A, %dma_wait3A_1501, %dma_wait3A_1502] : memref<200x4x32x8x128xf32, #tpu.memory_space<hbm>> -> memref<1x1x1x8x128xf32, #tpu.memory_space<hbm>>
        %dma_wait3A_1504 = tpu.memref_squeeze %dma_wait3A_1503 : memref<1x1x1x8x128xf32, #tpu.memory_space<hbm>> -> memref<8x128xf32, #tpu.memory_space<hbm>>
        %dma_wait3A_1505 = arith.constant 0 : i32
        %dma_wait3A_1506 = arith.constant 0 : i32
        %dma_wait3A_1507 = tpu.memref_slice %arg5[%add3A_1496, %dma_wait3A_1497, %add3A, %dma_wait3A_1505, %dma_wait3A_1506] : memref<200x4x32x8x128xf32, #tpu.memory_space<hbm>> -> memref<1x1x1x8x128xf32, #tpu.memory_space<hbm>>
        %dma_wait3A_1508 = tpu.memref_squeeze %dma_wait3A_1507 : memref<1x1x1x8x128xf32, #tpu.memory_space<hbm>> -> memref<8x128xf32, #tpu.memory_space<hbm>>
        %dma_wait3A_1509 = arith.constant 0 : i32
        %dma_wait3A_1510 = arith.constant 0 : i32
        %dma_wait3A_1511 = tpu.memref_slice %arg10[%dma_wait3A_1509, %dma_wait3A_1510] : memref<128x129xf32, #tpu.memory_space<vmem>> -> memref<8x128xf32, #tpu.memory_space<vmem>>
        tpu.wait_dma2 semaphore(%arg15 : memref<!tpu.dma_semaphore, #tpu.memory_space<semaphore_mem>>) src(%dma_wait3A_1511 : memref<8x128xf32, #tpu.memory_space<vmem>>) dst(%dma_wait3A_1508 : memref<8x128xf32, #tpu.memory_space<hbm>>)
        %mul3A_1512 = arith.constant 4 : i32
        %mul3A_1513 = arith.muli %sub3A_1492, %mul3A_1512 : i32
        %add3A_1514 = arith.constant 0 : i32
        %add3A_1515 = arith.addi %mul3A_1513, %add3A_1514 : i32
        %dma_wait3A_1516 = arith.constant 1 : i32
        %dma_wait3A_1517 = arith.constant 8 : i32
        %dma_wait3A_1518 = arith.constant 0 : i32
        %dma_wait3A_1519 = tpu.memref_slice %arg10[%dma_wait3A_1517, %dma_wait3A_1518] : memref<128x129xf32, #tpu.memory_space<vmem>> -> memref<8x128xf32, #tpu.memory_space<vmem>>
        %dma_wait3A_1520 = arith.constant 0 : i32
        %dma_wait3A_1521 = arith.constant 0 : i32
        %dma_wait3A_1522 = tpu.memref_slice %arg5[%add3A_1515, %dma_wait3A_1516, %add3A, %dma_wait3A_1520, %dma_wait3A_1521] : memref<200x4x32x8x128xf32, #tpu.memory_space<hbm>> -> memref<1x1x1x8x128xf32, #tpu.memory_space<hbm>>
        %dma_wait3A_1523 = tpu.memref_squeeze %dma_wait3A_1522 : memref<1x1x1x8x128xf32, #tpu.memory_space<hbm>> -> memref<8x128xf32, #tpu.memory_space<hbm>>
        %dma_wait3A_1524 = arith.constant 0 : i32
        %dma_wait3A_1525 = arith.constant 0 : i32
        %dma_wait3A_1526 = tpu.memref_slice %arg5[%add3A_1515, %dma_wait3A_1516, %add3A, %dma_wait3A_1524, %dma_wait3A_1525] : memref<200x4x32x8x128xf32, #tpu.memory_space<hbm>> -> memref<1x1x1x8x128xf32, #tpu.memory_space<hbm>>
        %dma_wait3A_1527 = tpu.memref_squeeze %dma_wait3A_1526 : memref<1x1x1x8x128xf32, #tpu.memory_space<hbm>> -> memref<8x128xf32, #tpu.memory_space<hbm>>
        %dma_wait3A_1528 = arith.constant 8 : i32
        %dma_wait3A_1529 = arith.constant 0 : i32
        %dma_wait3A_1530 = tpu.memref_slice %arg10[%dma_wait3A_1528, %dma_wait3A_1529] : memref<128x129xf32, #tpu.memory_space<vmem>> -> memref<8x128xf32, #tpu.memory_space<vmem>>
        tpu.wait_dma2 semaphore(%arg15 : memref<!tpu.dma_semaphore, #tpu.memory_space<semaphore_mem>>) src(%dma_wait3A_1530 : memref<8x128xf32, #tpu.memory_space<vmem>>) dst(%dma_wait3A_1527 : memref<8x128xf32, #tpu.memory_space<hbm>>)
        %mul3A_1531 = arith.constant 4 : i32
        %mul3A_1532 = arith.muli %sub3A_1492, %mul3A_1531 : i32
        %add3A_1533 = arith.constant 0 : i32
        %add3A_1534 = arith.addi %mul3A_1532, %add3A_1533 : i32
        %dma_wait3A_1535 = arith.constant 2 : i32
        %dma_wait3A_1536 = arith.constant 16 : i32
        %dma_wait3A_1537 = arith.constant 0 : i32
        %dma_wait3A_1538 = tpu.memref_slice %arg10[%dma_wait3A_1536, %dma_wait3A_1537] : memref<128x129xf32, #tpu.memory_space<vmem>> -> memref<8x128xf32, #tpu.memory_space<vmem>>
        %dma_wait3A_1539 = arith.constant 0 : i32
        %dma_wait3A_1540 = arith.constant 0 : i32
        %dma_wait3A_1541 = tpu.memref_slice %arg5[%add3A_1534, %dma_wait3A_1535, %add3A, %dma_wait3A_1539, %dma_wait3A_1540] : memref<200x4x32x8x128xf32, #tpu.memory_space<hbm>> -> memref<1x1x1x8x128xf32, #tpu.memory_space<hbm>>
        %dma_wait3A_1542 = tpu.memref_squeeze %dma_wait3A_1541 : memref<1x1x1x8x128xf32, #tpu.memory_space<hbm>> -> memref<8x128xf32, #tpu.memory_space<hbm>>
        %dma_wait3A_1543 = arith.constant 0 : i32
        %dma_wait3A_1544 = arith.constant 0 : i32
        %dma_wait3A_1545 = tpu.memref_slice %arg5[%add3A_1534, %dma_wait3A_1535, %add3A, %dma_wait3A_1543, %dma_wait3A_1544] : memref<200x4x32x8x128xf32, #tpu.memory_space<hbm>> -> memref<1x1x1x8x128xf32, #tpu.memory_space<hbm>>
        %dma_wait3A_1546 = tpu.memref_squeeze %dma_wait3A_1545 : memref<1x1x1x8x128xf32, #tpu.memory_space<hbm>> -> memref<8x128xf32, #tpu.memory_space<hbm>>
        %dma_wait3A_1547 = arith.constant 16 : i32
        %dma_wait3A_1548 = arith.constant 0 : i32
        %dma_wait3A_1549 = tpu.memref_slice %arg10[%dma_wait3A_1547, %dma_wait3A_1548] : memref<128x129xf32, #tpu.memory_space<vmem>> -> memref<8x128xf32, #tpu.memory_space<vmem>>
        tpu.wait_dma2 semaphore(%arg15 : memref<!tpu.dma_semaphore, #tpu.memory_space<semaphore_mem>>) src(%dma_wait3A_1549 : memref<8x128xf32, #tpu.memory_space<vmem>>) dst(%dma_wait3A_1546 : memref<8x128xf32, #tpu.memory_space<hbm>>)
        %mul3A_1550 = arith.constant 4 : i32
        %mul3A_1551 = arith.muli %sub3A_1492, %mul3A_1550 : i32
        %add3A_1552 = arith.constant 0 : i32
        %add3A_1553 = arith.addi %mul3A_1551, %add3A_1552 : i32
        %dma_wait3A_1554 = arith.constant 3 : i32
        %dma_wait3A_1555 = arith.constant 24 : i32
        %dma_wait3A_1556 = arith.constant 0 : i32
        %dma_wait3A_1557 = tpu.memref_slice %arg10[%dma_wait3A_1555, %dma_wait3A_1556] : memref<128x129xf32, #tpu.memory_space<vmem>> -> memref<8x128xf32, #tpu.memory_space<vmem>>
        %dma_wait3A_1558 = arith.constant 0 : i32
        %dma_wait3A_1559 = arith.constant 0 : i32
        %dma_wait3A_1560 = tpu.memref_slice %arg5[%add3A_1553, %dma_wait3A_1554, %add3A, %dma_wait3A_1558, %dma_wait3A_1559] : memref<200x4x32x8x128xf32, #tpu.memory_space<hbm>> -> memref<1x1x1x8x128xf32, #tpu.memory_space<hbm>>
        %dma_wait3A_1561 = tpu.memref_squeeze %dma_wait3A_1560 : memref<1x1x1x8x128xf32, #tpu.memory_space<hbm>> -> memref<8x128xf32, #tpu.memory_space<hbm>>
        %dma_wait3A_1562 = arith.constant 0 : i32
        %dma_wait3A_1563 = arith.constant 0 : i32
        %dma_wait3A_1564 = tpu.memref_slice %arg5[%add3A_1553, %dma_wait3A_1554, %add3A, %dma_wait3A_1562, %dma_wait3A_1563] : memref<200x4x32x8x128xf32, #tpu.memory_space<hbm>> -> memref<1x1x1x8x128xf32, #tpu.memory_space<hbm>>
        %dma_wait3A_1565 = tpu.memref_squeeze %dma_wait3A_1564 : memref<1x1x1x8x128xf32, #tpu.memory_space<hbm>> -> memref<8x128xf32, #tpu.memory_space<hbm>>
        %dma_wait3A_1566 = arith.constant 24 : i32
        %dma_wait3A_1567 = arith.constant 0 : i32
        %dma_wait3A_1568 = tpu.memref_slice %arg10[%dma_wait3A_1566, %dma_wait3A_1567] : memref<128x129xf32, #tpu.memory_space<vmem>> -> memref<8x128xf32, #tpu.memory_space<vmem>>
        tpu.wait_dma2 semaphore(%arg15 : memref<!tpu.dma_semaphore, #tpu.memory_space<semaphore_mem>>) src(%dma_wait3A_1568 : memref<8x128xf32, #tpu.memory_space<vmem>>) dst(%dma_wait3A_1565 : memref<8x128xf32, #tpu.memory_space<hbm>>)
        %mul3A_1569 = arith.constant 4 : i32
        %mul3A_1570 = arith.muli %sub3A_1492, %mul3A_1569 : i32
        %add3A_1571 = arith.constant 1 : i32
        %add3A_1572 = arith.addi %mul3A_1570, %add3A_1571 : i32
        %dma_wait3A_1573 = arith.constant 0 : i32
        %dma_wait3A_1574 = arith.constant 32 : i32
        %dma_wait3A_1575 = arith.constant 0 : i32
        %dma_wait3A_1576 = tpu.memref_slice %arg10[%dma_wait3A_1574, %dma_wait3A_1575] : memref<128x129xf32, #tpu.memory_space<vmem>> -> memref<8x128xf32, #tpu.memory_space<vmem>>
        %dma_wait3A_1577 = arith.constant 0 : i32
        %dma_wait3A_1578 = arith.constant 0 : i32
        %dma_wait3A_1579 = tpu.memref_slice %arg5[%add3A_1572, %dma_wait3A_1573, %add3A, %dma_wait3A_1577, %dma_wait3A_1578] : memref<200x4x32x8x128xf32, #tpu.memory_space<hbm>> -> memref<1x1x1x8x128xf32, #tpu.memory_space<hbm>>
        %dma_wait3A_1580 = tpu.memref_squeeze %dma_wait3A_1579 : memref<1x1x1x8x128xf32, #tpu.memory_space<hbm>> -> memref<8x128xf32, #tpu.memory_space<hbm>>
        %dma_wait3A_1581 = arith.constant 0 : i32
        %dma_wait3A_1582 = arith.constant 0 : i32
        %dma_wait3A_1583 = tpu.memref_slice %arg5[%add3A_1572, %dma_wait3A_1573, %add3A, %dma_wait3A_1581, %dma_wait3A_1582] : memref<200x4x32x8x128xf32, #tpu.memory_space<hbm>> -> memref<1x1x1x8x128xf32, #tpu.memory_space<hbm>>
        %dma_wait3A_1584 = tpu.memref_squeeze %dma_wait3A_1583 : memref<1x1x1x8x128xf32, #tpu.memory_space<hbm>> -> memref<8x128xf32, #tpu.memory_space<hbm>>
        %dma_wait3A_1585 = arith.constant 32 : i32
        %dma_wait3A_1586 = arith.constant 0 : i32
        %dma_wait3A_1587 = tpu.memref_slice %arg10[%dma_wait3A_1585, %dma_wait3A_1586] : memref<128x129xf32, #tpu.memory_space<vmem>> -> memref<8x128xf32, #tpu.memory_space<vmem>>
        tpu.wait_dma2 semaphore(%arg15 : memref<!tpu.dma_semaphore, #tpu.memory_space<semaphore_mem>>) src(%dma_wait3A_1587 : memref<8x128xf32, #tpu.memory_space<vmem>>) dst(%dma_wait3A_1584 : memref<8x128xf32, #tpu.memory_space<hbm>>)
        %mul3A_1588 = arith.constant 4 : i32
        %mul3A_1589 = arith.muli %sub3A_1492, %mul3A_1588 : i32
        %add3A_1590 = arith.constant 1 : i32
        %add3A_1591 = arith.addi %mul3A_1589, %add3A_1590 : i32
        %dma_wait3A_1592 = arith.constant 1 : i32
        %dma_wait3A_1593 = arith.constant 40 : i32
        %dma_wait3A_1594 = arith.constant 0 : i32
        %dma_wait3A_1595 = tpu.memref_slice %arg10[%dma_wait3A_1593, %dma_wait3A_1594] : memref<128x129xf32, #tpu.memory_space<vmem>> -> memref<8x128xf32, #tpu.memory_space<vmem>>
        %dma_wait3A_1596 = arith.constant 0 : i32
        %dma_wait3A_1597 = arith.constant 0 : i32
        %dma_wait3A_1598 = tpu.memref_slice %arg5[%add3A_1591, %dma_wait3A_1592, %add3A, %dma_wait3A_1596, %dma_wait3A_1597] : memref<200x4x32x8x128xf32, #tpu.memory_space<hbm>> -> memref<1x1x1x8x128xf32, #tpu.memory_space<hbm>>
        %dma_wait3A_1599 = tpu.memref_squeeze %dma_wait3A_1598 : memref<1x1x1x8x128xf32, #tpu.memory_space<hbm>> -> memref<8x128xf32, #tpu.memory_space<hbm>>
        %dma_wait3A_1600 = arith.constant 0 : i32
        %dma_wait3A_1601 = arith.constant 0 : i32
        %dma_wait3A_1602 = tpu.memref_slice %arg5[%add3A_1591, %dma_wait3A_1592, %add3A, %dma_wait3A_1600, %dma_wait3A_1601] : memref<200x4x32x8x128xf32, #tpu.memory_space<hbm>> -> memref<1x1x1x8x128xf32, #tpu.memory_space<hbm>>
        %dma_wait3A_1603 = tpu.memref_squeeze %dma_wait3A_1602 : memref<1x1x1x8x128xf32, #tpu.memory_space<hbm>> -> memref<8x128xf32, #tpu.memory_space<hbm>>
        %dma_wait3A_1604 = arith.constant 40 : i32
        %dma_wait3A_1605 = arith.constant 0 : i32
        %dma_wait3A_1606 = tpu.memref_slice %arg10[%dma_wait3A_1604, %dma_wait3A_1605] : memref<128x129xf32, #tpu.memory_space<vmem>> -> memref<8x128xf32, #tpu.memory_space<vmem>>
        tpu.wait_dma2 semaphore(%arg15 : memref<!tpu.dma_semaphore, #tpu.memory_space<semaphore_mem>>) src(%dma_wait3A_1606 : memref<8x128xf32, #tpu.memory_space<vmem>>) dst(%dma_wait3A_1603 : memref<8x128xf32, #tpu.memory_space<hbm>>)
        %mul3A_1607 = arith.constant 4 : i32
        %mul3A_1608 = arith.muli %sub3A_1492, %mul3A_1607 : i32
        %add3A_1609 = arith.constant 1 : i32
        %add3A_1610 = arith.addi %mul3A_1608, %add3A_1609 : i32
        %dma_wait3A_1611 = arith.constant 2 : i32
        %dma_wait3A_1612 = arith.constant 48 : i32
        %dma_wait3A_1613 = arith.constant 0 : i32
        %dma_wait3A_1614 = tpu.memref_slice %arg10[%dma_wait3A_1612, %dma_wait3A_1613] : memref<128x129xf32, #tpu.memory_space<vmem>> -> memref<8x128xf32, #tpu.memory_space<vmem>>
        %dma_wait3A_1615 = arith.constant 0 : i32
        %dma_wait3A_1616 = arith.constant 0 : i32
        %dma_wait3A_1617 = tpu.memref_slice %arg5[%add3A_1610, %dma_wait3A_1611, %add3A, %dma_wait3A_1615, %dma_wait3A_1616] : memref<200x4x32x8x128xf32, #tpu.memory_space<hbm>> -> memref<1x1x1x8x128xf32, #tpu.memory_space<hbm>>
        %dma_wait3A_1618 = tpu.memref_squeeze %dma_wait3A_1617 : memref<1x1x1x8x128xf32, #tpu.memory_space<hbm>> -> memref<8x128xf32, #tpu.memory_space<hbm>>
        %dma_wait3A_1619 = arith.constant 0 : i32
        %dma_wait3A_1620 = arith.constant 0 : i32
        %dma_wait3A_1621 = tpu.memref_slice %arg5[%add3A_1610, %dma_wait3A_1611, %add3A, %dma_wait3A_1619, %dma_wait3A_1620] : memref<200x4x32x8x128xf32, #tpu.memory_space<hbm>> -> memref<1x1x1x8x128xf32, #tpu.memory_space<hbm>>
        %dma_wait3A_1622 = tpu.memref_squeeze %dma_wait3A_1621 : memref<1x1x1x8x128xf32, #tpu.memory_space<hbm>> -> memref<8x128xf32, #tpu.memory_space<hbm>>
        %dma_wait3A_1623 = arith.constant 48 : i32
        %dma_wait3A_1624 = arith.constant 0 : i32
        %dma_wait3A_1625 = tpu.memref_slice %arg10[%dma_wait3A_1623, %dma_wait3A_1624] : memref<128x129xf32, #tpu.memory_space<vmem>> -> memref<8x128xf32, #tpu.memory_space<vmem>>
        tpu.wait_dma2 semaphore(%arg15 : memref<!tpu.dma_semaphore, #tpu.memory_space<semaphore_mem>>) src(%dma_wait3A_1625 : memref<8x128xf32, #tpu.memory_space<vmem>>) dst(%dma_wait3A_1622 : memref<8x128xf32, #tpu.memory_space<hbm>>)
        %mul3A_1626 = arith.constant 4 : i32
        %mul3A_1627 = arith.muli %sub3A_1492, %mul3A_1626 : i32
        %add3A_1628 = arith.constant 1 : i32
        %add3A_1629 = arith.addi %mul3A_1627, %add3A_1628 : i32
        %dma_wait3A_1630 = arith.constant 3 : i32
        %dma_wait3A_1631 = arith.constant 56 : i32
        %dma_wait3A_1632 = arith.constant 0 : i32
        %dma_wait3A_1633 = tpu.memref_slice %arg10[%dma_wait3A_1631, %dma_wait3A_1632] : memref<128x129xf32, #tpu.memory_space<vmem>> -> memref<8x128xf32, #tpu.memory_space<vmem>>
        %dma_wait3A_1634 = arith.constant 0 : i32
        %dma_wait3A_1635 = arith.constant 0 : i32
        %dma_wait3A_1636 = tpu.memref_slice %arg5[%add3A_1629, %dma_wait3A_1630, %add3A, %dma_wait3A_1634, %dma_wait3A_1635] : memref<200x4x32x8x128xf32, #tpu.memory_space<hbm>> -> memref<1x1x1x8x128xf32, #tpu.memory_space<hbm>>
        %dma_wait3A_1637 = tpu.memref_squeeze %dma_wait3A_1636 : memref<1x1x1x8x128xf32, #tpu.memory_space<hbm>> -> memref<8x128xf32, #tpu.memory_space<hbm>>
        %dma_wait3A_1638 = arith.constant 0 : i32
        %dma_wait3A_1639 = arith.constant 0 : i32
        %dma_wait3A_1640 = tpu.memref_slice %arg5[%add3A_1629, %dma_wait3A_1630, %add3A, %dma_wait3A_1638, %dma_wait3A_1639] : memref<200x4x32x8x128xf32, #tpu.memory_space<hbm>> -> memref<1x1x1x8x128xf32, #tpu.memory_space<hbm>>
        %dma_wait3A_1641 = tpu.memref_squeeze %dma_wait3A_1640 : memref<1x1x1x8x128xf32, #tpu.memory_space<hbm>> -> memref<8x128xf32, #tpu.memory_space<hbm>>
        %dma_wait3A_1642 = arith.constant 56 : i32
        %dma_wait3A_1643 = arith.constant 0 : i32
        %dma_wait3A_1644 = tpu.memref_slice %arg10[%dma_wait3A_1642, %dma_wait3A_1643] : memref<128x129xf32, #tpu.memory_space<vmem>> -> memref<8x128xf32, #tpu.memory_space<vmem>>
        tpu.wait_dma2 semaphore(%arg15 : memref<!tpu.dma_semaphore, #tpu.memory_space<semaphore_mem>>) src(%dma_wait3A_1644 : memref<8x128xf32, #tpu.memory_space<vmem>>) dst(%dma_wait3A_1641 : memref<8x128xf32, #tpu.memory_space<hbm>>)
        %mul3A_1645 = arith.constant 4 : i32
        %mul3A_1646 = arith.muli %sub3A_1492, %mul3A_1645 : i32
        %add3A_1647 = arith.constant 2 : i32
        %add3A_1648 = arith.addi %mul3A_1646, %add3A_1647 : i32
        %dma_wait3A_1649 = arith.constant 0 : i32
        %dma_wait3A_1650 = arith.constant 64 : i32
        %dma_wait3A_1651 = arith.constant 0 : i32
        %dma_wait3A_1652 = tpu.memref_slice %arg10[%dma_wait3A_1650, %dma_wait3A_1651] : memref<128x129xf32, #tpu.memory_space<vmem>> -> memref<8x128xf32, #tpu.memory_space<vmem>>
        %dma_wait3A_1653 = arith.constant 0 : i32
        %dma_wait3A_1654 = arith.constant 0 : i32
        %dma_wait3A_1655 = tpu.memref_slice %arg5[%add3A_1648, %dma_wait3A_1649, %add3A, %dma_wait3A_1653, %dma_wait3A_1654] : memref<200x4x32x8x128xf32, #tpu.memory_space<hbm>> -> memref<1x1x1x8x128xf32, #tpu.memory_space<hbm>>
        %dma_wait3A_1656 = tpu.memref_squeeze %dma_wait3A_1655 : memref<1x1x1x8x128xf32, #tpu.memory_space<hbm>> -> memref<8x128xf32, #tpu.memory_space<hbm>>
        %dma_wait3A_1657 = arith.constant 0 : i32
        %dma_wait3A_1658 = arith.constant 0 : i32
        %dma_wait3A_1659 = tpu.memref_slice %arg5[%add3A_1648, %dma_wait3A_1649, %add3A, %dma_wait3A_1657, %dma_wait3A_1658] : memref<200x4x32x8x128xf32, #tpu.memory_space<hbm>> -> memref<1x1x1x8x128xf32, #tpu.memory_space<hbm>>
        %dma_wait3A_1660 = tpu.memref_squeeze %dma_wait3A_1659 : memref<1x1x1x8x128xf32, #tpu.memory_space<hbm>> -> memref<8x128xf32, #tpu.memory_space<hbm>>
        %dma_wait3A_1661 = arith.constant 64 : i32
        %dma_wait3A_1662 = arith.constant 0 : i32
        %dma_wait3A_1663 = tpu.memref_slice %arg10[%dma_wait3A_1661, %dma_wait3A_1662] : memref<128x129xf32, #tpu.memory_space<vmem>> -> memref<8x128xf32, #tpu.memory_space<vmem>>
        tpu.wait_dma2 semaphore(%arg15 : memref<!tpu.dma_semaphore, #tpu.memory_space<semaphore_mem>>) src(%dma_wait3A_1663 : memref<8x128xf32, #tpu.memory_space<vmem>>) dst(%dma_wait3A_1660 : memref<8x128xf32, #tpu.memory_space<hbm>>)
        %mul3A_1664 = arith.constant 4 : i32
        %mul3A_1665 = arith.muli %sub3A_1492, %mul3A_1664 : i32
        %add3A_1666 = arith.constant 2 : i32
        %add3A_1667 = arith.addi %mul3A_1665, %add3A_1666 : i32
        %dma_wait3A_1668 = arith.constant 1 : i32
        %dma_wait3A_1669 = arith.constant 72 : i32
        %dma_wait3A_1670 = arith.constant 0 : i32
        %dma_wait3A_1671 = tpu.memref_slice %arg10[%dma_wait3A_1669, %dma_wait3A_1670] : memref<128x129xf32, #tpu.memory_space<vmem>> -> memref<8x128xf32, #tpu.memory_space<vmem>>
        %dma_wait3A_1672 = arith.constant 0 : i32
        %dma_wait3A_1673 = arith.constant 0 : i32
        %dma_wait3A_1674 = tpu.memref_slice %arg5[%add3A_1667, %dma_wait3A_1668, %add3A, %dma_wait3A_1672, %dma_wait3A_1673] : memref<200x4x32x8x128xf32, #tpu.memory_space<hbm>> -> memref<1x1x1x8x128xf32, #tpu.memory_space<hbm>>
        %dma_wait3A_1675 = tpu.memref_squeeze %dma_wait3A_1674 : memref<1x1x1x8x128xf32, #tpu.memory_space<hbm>> -> memref<8x128xf32, #tpu.memory_space<hbm>>
        %dma_wait3A_1676 = arith.constant 0 : i32
        %dma_wait3A_1677 = arith.constant 0 : i32
        %dma_wait3A_1678 = tpu.memref_slice %arg5[%add3A_1667, %dma_wait3A_1668, %add3A, %dma_wait3A_1676, %dma_wait3A_1677] : memref<200x4x32x8x128xf32, #tpu.memory_space<hbm>> -> memref<1x1x1x8x128xf32, #tpu.memory_space<hbm>>
        %dma_wait3A_1679 = tpu.memref_squeeze %dma_wait3A_1678 : memref<1x1x1x8x128xf32, #tpu.memory_space<hbm>> -> memref<8x128xf32, #tpu.memory_space<hbm>>
        %dma_wait3A_1680 = arith.constant 72 : i32
        %dma_wait3A_1681 = arith.constant 0 : i32
        %dma_wait3A_1682 = tpu.memref_slice %arg10[%dma_wait3A_1680, %dma_wait3A_1681] : memref<128x129xf32, #tpu.memory_space<vmem>> -> memref<8x128xf32, #tpu.memory_space<vmem>>
        tpu.wait_dma2 semaphore(%arg15 : memref<!tpu.dma_semaphore, #tpu.memory_space<semaphore_mem>>) src(%dma_wait3A_1682 : memref<8x128xf32, #tpu.memory_space<vmem>>) dst(%dma_wait3A_1679 : memref<8x128xf32, #tpu.memory_space<hbm>>)
        %mul3A_1683 = arith.constant 4 : i32
        %mul3A_1684 = arith.muli %sub3A_1492, %mul3A_1683 : i32
        %add3A_1685 = arith.constant 2 : i32
        %add3A_1686 = arith.addi %mul3A_1684, %add3A_1685 : i32
        %dma_wait3A_1687 = arith.constant 2 : i32
        %dma_wait3A_1688 = arith.constant 80 : i32
        %dma_wait3A_1689 = arith.constant 0 : i32
        %dma_wait3A_1690 = tpu.memref_slice %arg10[%dma_wait3A_1688, %dma_wait3A_1689] : memref<128x129xf32, #tpu.memory_space<vmem>> -> memref<8x128xf32, #tpu.memory_space<vmem>>
        %dma_wait3A_1691 = arith.constant 0 : i32
        %dma_wait3A_1692 = arith.constant 0 : i32
        %dma_wait3A_1693 = tpu.memref_slice %arg5[%add3A_1686, %dma_wait3A_1687, %add3A, %dma_wait3A_1691, %dma_wait3A_1692] : memref<200x4x32x8x128xf32, #tpu.memory_space<hbm>> -> memref<1x1x1x8x128xf32, #tpu.memory_space<hbm>>
        %dma_wait3A_1694 = tpu.memref_squeeze %dma_wait3A_1693 : memref<1x1x1x8x128xf32, #tpu.memory_space<hbm>> -> memref<8x128xf32, #tpu.memory_space<hbm>>
        %dma_wait3A_1695 = arith.constant 0 : i32
        %dma_wait3A_1696 = arith.constant 0 : i32
        %dma_wait3A_1697 = tpu.memref_slice %arg5[%add3A_1686, %dma_wait3A_1687, %add3A, %dma_wait3A_1695, %dma_wait3A_1696] : memref<200x4x32x8x128xf32, #tpu.memory_space<hbm>> -> memref<1x1x1x8x128xf32, #tpu.memory_space<hbm>>
        %dma_wait3A_1698 = tpu.memref_squeeze %dma_wait3A_1697 : memref<1x1x1x8x128xf32, #tpu.memory_space<hbm>> -> memref<8x128xf32, #tpu.memory_space<hbm>>
        %dma_wait3A_1699 = arith.constant 80 : i32
        %dma_wait3A_1700 = arith.constant 0 : i32
        %dma_wait3A_1701 = tpu.memref_slice %arg10[%dma_wait3A_1699, %dma_wait3A_1700] : memref<128x129xf32, #tpu.memory_space<vmem>> -> memref<8x128xf32, #tpu.memory_space<vmem>>
        tpu.wait_dma2 semaphore(%arg15 : memref<!tpu.dma_semaphore, #tpu.memory_space<semaphore_mem>>) src(%dma_wait3A_1701 : memref<8x128xf32, #tpu.memory_space<vmem>>) dst(%dma_wait3A_1698 : memref<8x128xf32, #tpu.memory_space<hbm>>)
        %mul3A_1702 = arith.constant 4 : i32
        %mul3A_1703 = arith.muli %sub3A_1492, %mul3A_1702 : i32
        %add3A_1704 = arith.constant 2 : i32
        %add3A_1705 = arith.addi %mul3A_1703, %add3A_1704 : i32
        %dma_wait3A_1706 = arith.constant 3 : i32
        %dma_wait3A_1707 = arith.constant 88 : i32
        %dma_wait3A_1708 = arith.constant 0 : i32
        %dma_wait3A_1709 = tpu.memref_slice %arg10[%dma_wait3A_1707, %dma_wait3A_1708] : memref<128x129xf32, #tpu.memory_space<vmem>> -> memref<8x128xf32, #tpu.memory_space<vmem>>
        %dma_wait3A_1710 = arith.constant 0 : i32
        %dma_wait3A_1711 = arith.constant 0 : i32
        %dma_wait3A_1712 = tpu.memref_slice %arg5[%add3A_1705, %dma_wait3A_1706, %add3A, %dma_wait3A_1710, %dma_wait3A_1711] : memref<200x4x32x8x128xf32, #tpu.memory_space<hbm>> -> memref<1x1x1x8x128xf32, #tpu.memory_space<hbm>>
        %dma_wait3A_1713 = tpu.memref_squeeze %dma_wait3A_1712 : memref<1x1x1x8x128xf32, #tpu.memory_space<hbm>> -> memref<8x128xf32, #tpu.memory_space<hbm>>
        %dma_wait3A_1714 = arith.constant 0 : i32
        %dma_wait3A_1715 = arith.constant 0 : i32
        %dma_wait3A_1716 = tpu.memref_slice %arg5[%add3A_1705, %dma_wait3A_1706, %add3A, %dma_wait3A_1714, %dma_wait3A_1715] : memref<200x4x32x8x128xf32, #tpu.memory_space<hbm>> -> memref<1x1x1x8x128xf32, #tpu.memory_space<hbm>>
        %dma_wait3A_1717 = tpu.memref_squeeze %dma_wait3A_1716 : memref<1x1x1x8x128xf32, #tpu.memory_space<hbm>> -> memref<8x128xf32, #tpu.memory_space<hbm>>
        %dma_wait3A_1718 = arith.constant 88 : i32
        %dma_wait3A_1719 = arith.constant 0 : i32
        %dma_wait3A_1720 = tpu.memref_slice %arg10[%dma_wait3A_1718, %dma_wait3A_1719] : memref<128x129xf32, #tpu.memory_space<vmem>> -> memref<8x128xf32, #tpu.memory_space<vmem>>
        tpu.wait_dma2 semaphore(%arg15 : memref<!tpu.dma_semaphore, #tpu.memory_space<semaphore_mem>>) src(%dma_wait3A_1720 : memref<8x128xf32, #tpu.memory_space<vmem>>) dst(%dma_wait3A_1717 : memref<8x128xf32, #tpu.memory_space<hbm>>)
        %mul3A_1721 = arith.constant 4 : i32
        %mul3A_1722 = arith.muli %sub3A_1492, %mul3A_1721 : i32
        %add3A_1723 = arith.constant 3 : i32
        %add3A_1724 = arith.addi %mul3A_1722, %add3A_1723 : i32
        %dma_wait3A_1725 = arith.constant 0 : i32
        %dma_wait3A_1726 = arith.constant 96 : i32
        %dma_wait3A_1727 = arith.constant 0 : i32
        %dma_wait3A_1728 = tpu.memref_slice %arg10[%dma_wait3A_1726, %dma_wait3A_1727] : memref<128x129xf32, #tpu.memory_space<vmem>> -> memref<8x128xf32, #tpu.memory_space<vmem>>
        %dma_wait3A_1729 = arith.constant 0 : i32
        %dma_wait3A_1730 = arith.constant 0 : i32
        %dma_wait3A_1731 = tpu.memref_slice %arg5[%add3A_1724, %dma_wait3A_1725, %add3A, %dma_wait3A_1729, %dma_wait3A_1730] : memref<200x4x32x8x128xf32, #tpu.memory_space<hbm>> -> memref<1x1x1x8x128xf32, #tpu.memory_space<hbm>>
        %dma_wait3A_1732 = tpu.memref_squeeze %dma_wait3A_1731 : memref<1x1x1x8x128xf32, #tpu.memory_space<hbm>> -> memref<8x128xf32, #tpu.memory_space<hbm>>
        %dma_wait3A_1733 = arith.constant 0 : i32
        %dma_wait3A_1734 = arith.constant 0 : i32
        %dma_wait3A_1735 = tpu.memref_slice %arg5[%add3A_1724, %dma_wait3A_1725, %add3A, %dma_wait3A_1733, %dma_wait3A_1734] : memref<200x4x32x8x128xf32, #tpu.memory_space<hbm>> -> memref<1x1x1x8x128xf32, #tpu.memory_space<hbm>>
        %dma_wait3A_1736 = tpu.memref_squeeze %dma_wait3A_1735 : memref<1x1x1x8x128xf32, #tpu.memory_space<hbm>> -> memref<8x128xf32, #tpu.memory_space<hbm>>
        %dma_wait3A_1737 = arith.constant 96 : i32
        %dma_wait3A_1738 = arith.constant 0 : i32
        %dma_wait3A_1739 = tpu.memref_slice %arg10[%dma_wait3A_1737, %dma_wait3A_1738] : memref<128x129xf32, #tpu.memory_space<vmem>> -> memref<8x128xf32, #tpu.memory_space<vmem>>
        tpu.wait_dma2 semaphore(%arg15 : memref<!tpu.dma_semaphore, #tpu.memory_space<semaphore_mem>>) src(%dma_wait3A_1739 : memref<8x128xf32, #tpu.memory_space<vmem>>) dst(%dma_wait3A_1736 : memref<8x128xf32, #tpu.memory_space<hbm>>)
        %mul3A_1740 = arith.constant 4 : i32
        %mul3A_1741 = arith.muli %sub3A_1492, %mul3A_1740 : i32
        %add3A_1742 = arith.constant 3 : i32
        %add3A_1743 = arith.addi %mul3A_1741, %add3A_1742 : i32
        %dma_wait3A_1744 = arith.constant 1 : i32
        %dma_wait3A_1745 = arith.constant 104 : i32
        %dma_wait3A_1746 = arith.constant 0 : i32
        %dma_wait3A_1747 = tpu.memref_slice %arg10[%dma_wait3A_1745, %dma_wait3A_1746] : memref<128x129xf32, #tpu.memory_space<vmem>> -> memref<8x128xf32, #tpu.memory_space<vmem>>
        %dma_wait3A_1748 = arith.constant 0 : i32
        %dma_wait3A_1749 = arith.constant 0 : i32
        %dma_wait3A_1750 = tpu.memref_slice %arg5[%add3A_1743, %dma_wait3A_1744, %add3A, %dma_wait3A_1748, %dma_wait3A_1749] : memref<200x4x32x8x128xf32, #tpu.memory_space<hbm>> -> memref<1x1x1x8x128xf32, #tpu.memory_space<hbm>>
        %dma_wait3A_1751 = tpu.memref_squeeze %dma_wait3A_1750 : memref<1x1x1x8x128xf32, #tpu.memory_space<hbm>> -> memref<8x128xf32, #tpu.memory_space<hbm>>
        %dma_wait3A_1752 = arith.constant 0 : i32
        %dma_wait3A_1753 = arith.constant 0 : i32
        %dma_wait3A_1754 = tpu.memref_slice %arg5[%add3A_1743, %dma_wait3A_1744, %add3A, %dma_wait3A_1752, %dma_wait3A_1753] : memref<200x4x32x8x128xf32, #tpu.memory_space<hbm>> -> memref<1x1x1x8x128xf32, #tpu.memory_space<hbm>>
        %dma_wait3A_1755 = tpu.memref_squeeze %dma_wait3A_1754 : memref<1x1x1x8x128xf32, #tpu.memory_space<hbm>> -> memref<8x128xf32, #tpu.memory_space<hbm>>
        %dma_wait3A_1756 = arith.constant 104 : i32
        %dma_wait3A_1757 = arith.constant 0 : i32
        %dma_wait3A_1758 = tpu.memref_slice %arg10[%dma_wait3A_1756, %dma_wait3A_1757] : memref<128x129xf32, #tpu.memory_space<vmem>> -> memref<8x128xf32, #tpu.memory_space<vmem>>
        tpu.wait_dma2 semaphore(%arg15 : memref<!tpu.dma_semaphore, #tpu.memory_space<semaphore_mem>>) src(%dma_wait3A_1758 : memref<8x128xf32, #tpu.memory_space<vmem>>) dst(%dma_wait3A_1755 : memref<8x128xf32, #tpu.memory_space<hbm>>)
        %mul3A_1759 = arith.constant 4 : i32
        %mul3A_1760 = arith.muli %sub3A_1492, %mul3A_1759 : i32
        %add3A_1761 = arith.constant 3 : i32
        %add3A_1762 = arith.addi %mul3A_1760, %add3A_1761 : i32
        %dma_wait3A_1763 = arith.constant 2 : i32
        %dma_wait3A_1764 = arith.constant 112 : i32
        %dma_wait3A_1765 = arith.constant 0 : i32
        %dma_wait3A_1766 = tpu.memref_slice %arg10[%dma_wait3A_1764, %dma_wait3A_1765] : memref<128x129xf32, #tpu.memory_space<vmem>> -> memref<8x128xf32, #tpu.memory_space<vmem>>
        %dma_wait3A_1767 = arith.constant 0 : i32
        %dma_wait3A_1768 = arith.constant 0 : i32
        %dma_wait3A_1769 = tpu.memref_slice %arg5[%add3A_1762, %dma_wait3A_1763, %add3A, %dma_wait3A_1767, %dma_wait3A_1768] : memref<200x4x32x8x128xf32, #tpu.memory_space<hbm>> -> memref<1x1x1x8x128xf32, #tpu.memory_space<hbm>>
        %dma_wait3A_1770 = tpu.memref_squeeze %dma_wait3A_1769 : memref<1x1x1x8x128xf32, #tpu.memory_space<hbm>> -> memref<8x128xf32, #tpu.memory_space<hbm>>
        %dma_wait3A_1771 = arith.constant 0 : i32
        %dma_wait3A_1772 = arith.constant 0 : i32
        %dma_wait3A_1773 = tpu.memref_slice %arg5[%add3A_1762, %dma_wait3A_1763, %add3A, %dma_wait3A_1771, %dma_wait3A_1772] : memref<200x4x32x8x128xf32, #tpu.memory_space<hbm>> -> memref<1x1x1x8x128xf32, #tpu.memory_space<hbm>>
        %dma_wait3A_1774 = tpu.memref_squeeze %dma_wait3A_1773 : memref<1x1x1x8x128xf32, #tpu.memory_space<hbm>> -> memref<8x128xf32, #tpu.memory_space<hbm>>
        %dma_wait3A_1775 = arith.constant 112 : i32
        %dma_wait3A_1776 = arith.constant 0 : i32
        %dma_wait3A_1777 = tpu.memref_slice %arg10[%dma_wait3A_1775, %dma_wait3A_1776] : memref<128x129xf32, #tpu.memory_space<vmem>> -> memref<8x128xf32, #tpu.memory_space<vmem>>
        tpu.wait_dma2 semaphore(%arg15 : memref<!tpu.dma_semaphore, #tpu.memory_space<semaphore_mem>>) src(%dma_wait3A_1777 : memref<8x128xf32, #tpu.memory_space<vmem>>) dst(%dma_wait3A_1774 : memref<8x128xf32, #tpu.memory_space<hbm>>)
        %mul3A_1778 = arith.constant 4 : i32
        %mul3A_1779 = arith.muli %sub3A_1492, %mul3A_1778 : i32
        %add3A_1780 = arith.constant 3 : i32
        %add3A_1781 = arith.addi %mul3A_1779, %add3A_1780 : i32
        %dma_wait3A_1782 = arith.constant 3 : i32
        %dma_wait3A_1783 = arith.constant 120 : i32
        %dma_wait3A_1784 = arith.constant 0 : i32
        %dma_wait3A_1785 = tpu.memref_slice %arg10[%dma_wait3A_1783, %dma_wait3A_1784] : memref<128x129xf32, #tpu.memory_space<vmem>> -> memref<8x128xf32, #tpu.memory_space<vmem>>
        %dma_wait3A_1786 = arith.constant 0 : i32
        %dma_wait3A_1787 = arith.constant 0 : i32
        %dma_wait3A_1788 = tpu.memref_slice %arg5[%add3A_1781, %dma_wait3A_1782, %add3A, %dma_wait3A_1786, %dma_wait3A_1787] : memref<200x4x32x8x128xf32, #tpu.memory_space<hbm>> -> memref<1x1x1x8x128xf32, #tpu.memory_space<hbm>>
        %dma_wait3A_1789 = tpu.memref_squeeze %dma_wait3A_1788 : memref<1x1x1x8x128xf32, #tpu.memory_space<hbm>> -> memref<8x128xf32, #tpu.memory_space<hbm>>
        %dma_wait3A_1790 = arith.constant 0 : i32
        %dma_wait3A_1791 = arith.constant 0 : i32
        %dma_wait3A_1792 = tpu.memref_slice %arg5[%add3A_1781, %dma_wait3A_1782, %add3A, %dma_wait3A_1790, %dma_wait3A_1791] : memref<200x4x32x8x128xf32, #tpu.memory_space<hbm>> -> memref<1x1x1x8x128xf32, #tpu.memory_space<hbm>>
        %dma_wait3A_1793 = tpu.memref_squeeze %dma_wait3A_1792 : memref<1x1x1x8x128xf32, #tpu.memory_space<hbm>> -> memref<8x128xf32, #tpu.memory_space<hbm>>
        %dma_wait3A_1794 = arith.constant 120 : i32
        %dma_wait3A_1795 = arith.constant 0 : i32
        %dma_wait3A_1796 = tpu.memref_slice %arg10[%dma_wait3A_1794, %dma_wait3A_1795] : memref<128x129xf32, #tpu.memory_space<vmem>> -> memref<8x128xf32, #tpu.memory_space<vmem>>
        tpu.wait_dma2 semaphore(%arg15 : memref<!tpu.dma_semaphore, #tpu.memory_space<semaphore_mem>>) src(%dma_wait3A_1796 : memref<8x128xf32, #tpu.memory_space<vmem>>) dst(%dma_wait3A_1793 : memref<8x128xf32, #tpu.memory_space<hbm>>)
      } else {
      }
      %mul3A_638 = arith.constant 4 : i32
      %mul3A_639 = arith.muli %add3A_574, %mul3A_638 : i32
      %add3A_640 = arith.constant 0 : i32
      %add3A_641 = arith.addi %mul3A_639, %add3A_640 : i32
      %get3A = arith.index_cast %add3A_641 : i32 to index
      %get3A_642 = arith.constant 0 : index
      %get3A_643 = tpu.vector_load %arg12[%get3A, %get3A_642] {strides = array<i32>} : memref<200x32xf32, #tpu.memory_space<vmem>>, vector<16xf32>,
      %get3A_644 = arith.index_cast %add3A_641 : i32 to index
      %get3A_645 = arith.constant 16 : index
      %get3A_646 = tpu.vector_load %arg12[%get3A_644, %get3A_645] {strides = array<i32>} : memref<200x32xf32, #tpu.memory_space<vmem>>, vector<16xf32>,
      %add3A_647 = arith.constant 0 : i32
      %add3A_648 = vector.broadcast %add3A_647 : i32 to vector<16xi32>
      %add3A_649 = arith.addi %iota3A, %add3A_648 : vector<16xi32>
      %add3A_650 = arith.constant 16 : i32
      %add3A_651 = vector.broadcast %add3A_650 : i32 to vector<16xi32>
      %add3A_652 = arith.addi %add3A_649, %add3A_651 : vector<16xi32>
      %scan3A_653 = arith.constant 0 : i32
      %scan3A_654 = arith.constant 0 : i32
      %scan3A_655 = arith.constant 32 : i32
      %scan3A_656 = arith.addi %scan3A_654, %scan3A_655 : i32
      %scan3A_657 = arith.constant 1 : i32
      scf.for %scan3A_1492 = %scan3A_654 to %scan3A_656 step %scan3A_657  : i32 {
        %mul3A_1493 = arith.constant 4 : i32
        %mul3A_1494 = arith.muli %scan3A_1492, %mul3A_1493 : i32
        %add3A_1495 = arith.constant 0 : i32
        %add3A_1496 = arith.addi %mul3A_1494, %add3A_1495 : i32
        %broadcast_in_dim3A = vector.broadcast %add3A_1496 : i32 to vector<16xi32>
        %get3A_1497 = arith.constant 0 : i32
        %get3A_1498 = arith.index_cast %get3A_1497 : i32 to index
        %get3A_1499 = arith.index_cast %add3A_1496 : i32 to index
        %get3A_1500 = arith.constant 0 : index
        %get3A_1501 = tpu.vector_load %arg8[%get3A_1498, %get3A_1499, %get3A_1500] {strides = array<i32>} : memref<4x128x32xf32, #tpu.memory_space<vmem>>, vector<16xf32>,
        %add3A_1502 = arith.addf %get3A_1501, %get3A_643 : vector<16xf32>
        %get3A_1503 = arith.constant 0 : i32
        %get3A_1504 = arith.index_cast %get3A_1503 : i32 to index
        %get3A_1505 = arith.index_cast %add3A_1496 : i32 to index
        %get3A_1506 = arith.constant 16 : index
        %get3A_1507 = tpu.vector_load %arg8[%get3A_1504, %get3A_1505, %get3A_1506] {strides = array<i32>} : memref<4x128x32xf32, #tpu.memory_space<vmem>>, vector<16xf32>,
        %add3A_1508 = arith.addf %get3A_1507, %get3A_646 : vector<16xf32>
        tpu.vector_store_idx %arg10[%add3A_649, %broadcast_in_dim3A], %add3A_1502 : memref<128x129xf32, #tpu.memory_space<vmem>>[vector<16xi32>, vector<16xi32>], vector<16xf32>,
        tpu.vector_store_idx %arg10[%add3A_652, %broadcast_in_dim3A], %add3A_1508 : memref<128x129xf32, #tpu.memory_space<vmem>>[vector<16xi32>, vector<16xi32>], vector<16xf32>,
        %mul3A_1509 = arith.constant 4 : i32
        %mul3A_1510 = arith.muli %scan3A_1492, %mul3A_1509 : i32
        %add3A_1511 = arith.constant 1 : i32
        %add3A_1512 = arith.addi %mul3A_1510, %add3A_1511 : i32
        %broadcast_in_dim3A_1513 = vector.broadcast %add3A_1512 : i32 to vector<16xi32>
        %get3A_1514 = arith.constant 0 : i32
        %get3A_1515 = arith.index_cast %get3A_1514 : i32 to index
        %get3A_1516 = arith.index_cast %add3A_1512 : i32 to index
        %get3A_1517 = arith.constant 0 : index
        %get3A_1518 = tpu.vector_load %arg8[%get3A_1515, %get3A_1516, %get3A_1517] {strides = array<i32>} : memref<4x128x32xf32, #tpu.memory_space<vmem>>, vector<16xf32>,
        %add3A_1519 = arith.addf %get3A_1518, %get3A_643 : vector<16xf32>
        %get3A_1520 = arith.constant 0 : i32
        %get3A_1521 = arith.index_cast %get3A_1520 : i32 to index
        %get3A_1522 = arith.index_cast %add3A_1512 : i32 to index
        %get3A_1523 = arith.constant 16 : index
        %get3A_1524 = tpu.vector_load %arg8[%get3A_1521, %get3A_1522, %get3A_1523] {strides = array<i32>} : memref<4x128x32xf32, #tpu.memory_space<vmem>>, vector<16xf32>,
        %add3A_1525 = arith.addf %get3A_1524, %get3A_646 : vector<16xf32>
        tpu.vector_store_idx %arg10[%add3A_649, %broadcast_in_dim3A_1513], %add3A_1519 : memref<128x129xf32, #tpu.memory_space<vmem>>[vector<16xi32>, vector<16xi32>], vector<16xf32>,
        tpu.vector_store_idx %arg10[%add3A_652, %broadcast_in_dim3A_1513], %add3A_1525 : memref<128x129xf32, #tpu.memory_space<vmem>>[vector<16xi32>, vector<16xi32>], vector<16xf32>,
        %mul3A_1526 = arith.constant 4 : i32
        %mul3A_1527 = arith.muli %scan3A_1492, %mul3A_1526 : i32
        %add3A_1528 = arith.constant 2 : i32
        %add3A_1529 = arith.addi %mul3A_1527, %add3A_1528 : i32
        %broadcast_in_dim3A_1530 = vector.broadcast %add3A_1529 : i32 to vector<16xi32>
        %get3A_1531 = arith.constant 0 : i32
        %get3A_1532 = arith.index_cast %get3A_1531 : i32 to index
        %get3A_1533 = arith.index_cast %add3A_1529 : i32 to index
        %get3A_1534 = arith.constant 0 : index
        %get3A_1535 = tpu.vector_load %arg8[%get3A_1532, %get3A_1533, %get3A_1534] {strides = array<i32>} : memref<4x128x32xf32, #tpu.memory_space<vmem>>, vector<16xf32>,
        %add3A_1536 = arith.addf %get3A_1535, %get3A_643 : vector<16xf32>
        %get3A_1537 = arith.constant 0 : i32
        %get3A_1538 = arith.index_cast %get3A_1537 : i32 to index
        %get3A_1539 = arith.index_cast %add3A_1529 : i32 to index
        %get3A_1540 = arith.constant 16 : index
        %get3A_1541 = tpu.vector_load %arg8[%get3A_1538, %get3A_1539, %get3A_1540] {strides = array<i32>} : memref<4x128x32xf32, #tpu.memory_space<vmem>>, vector<16xf32>,
        %add3A_1542 = arith.addf %get3A_1541, %get3A_646 : vector<16xf32>
        tpu.vector_store_idx %arg10[%add3A_649, %broadcast_in_dim3A_1530], %add3A_1536 : memref<128x129xf32, #tpu.memory_space<vmem>>[vector<16xi32>, vector<16xi32>], vector<16xf32>,
        tpu.vector_store_idx %arg10[%add3A_652, %broadcast_in_dim3A_1530], %add3A_1542 : memref<128x129xf32, #tpu.memory_space<vmem>>[vector<16xi32>, vector<16xi32>], vector<16xf32>,
        %mul3A_1543 = arith.constant 4 : i32
        %mul3A_1544 = arith.muli %scan3A_1492, %mul3A_1543 : i32
        %add3A_1545 = arith.constant 3 : i32
        %add3A_1546 = arith.addi %mul3A_1544, %add3A_1545 : i32
        %broadcast_in_dim3A_1547 = vector.broadcast %add3A_1546 : i32 to vector<16xi32>
        %get3A_1548 = arith.constant 0 : i32
        %get3A_1549 = arith.index_cast %get3A_1548 : i32 to index
        %get3A_1550 = arith.index_cast %add3A_1546 : i32 to index
        %get3A_1551 = arith.constant 0 : index
        %get3A_1552 = tpu.vector_load %arg8[%get3A_1549, %get3A_1550, %get3A_1551] {strides = array<i32>} : memref<4x128x32xf32, #tpu.memory_space<vmem>>, vector<16xf32>,
        %add3A_1553 = arith.addf %get3A_1552, %get3A_643 : vector<16xf32>
        %get3A_1554 = arith.constant 0 : i32
        %get3A_1555 = arith.index_cast %get3A_1554 : i32 to index
        %get3A_1556 = arith.index_cast %add3A_1546 : i32 to index
        %get3A_1557 = arith.constant 16 : index
        %get3A_1558 = tpu.vector_load %arg8[%get3A_1555, %get3A_1556, %get3A_1557] {strides = array<i32>} : memref<4x128x32xf32, #tpu.memory_space<vmem>>, vector<16xf32>,
        %add3A_1559 = arith.addf %get3A_1558, %get3A_646 : vector<16xf32>
        tpu.vector_store_idx %arg10[%add3A_649, %broadcast_in_dim3A_1547], %add3A_1553 : memref<128x129xf32, #tpu.memory_space<vmem>>[vector<16xi32>, vector<16xi32>], vector<16xf32>,
        tpu.vector_store_idx %arg10[%add3A_652, %broadcast_in_dim3A_1547], %add3A_1559 : memref<128x129xf32, #tpu.memory_space<vmem>>[vector<16xi32>, vector<16xi32>], vector<16xf32>,
      }
      %scan3A_658 = arith.constant 32 : i32
      %mul3A_659 = arith.constant 4 : i32
      %mul3A_660 = arith.muli %add3A_574, %mul3A_659 : i32
      %add3A_661 = arith.constant 1 : i32
      %add3A_662 = arith.addi %mul3A_660, %add3A_661 : i32
      %get3A_663 = arith.index_cast %add3A_662 : i32 to index
      %get3A_664 = arith.constant 0 : index
      %get3A_665 = tpu.vector_load %arg12[%get3A_663, %get3A_664] {strides = array<i32>} : memref<200x32xf32, #tpu.memory_space<vmem>>, vector<16xf32>,
      %get3A_666 = arith.index_cast %add3A_662 : i32 to index
      %get3A_667 = arith.constant 16 : index
      %get3A_668 = tpu.vector_load %arg12[%get3A_666, %get3A_667] {strides = array<i32>} : memref<200x32xf32, #tpu.memory_space<vmem>>, vector<16xf32>,
      %add3A_669 = arith.constant 32 : i32
      %add3A_670 = vector.broadcast %add3A_669 : i32 to vector<16xi32>
      %add3A_671 = arith.addi %iota3A, %add3A_670 : vector<16xi32>
      %add3A_672 = arith.constant 16 : i32
      %add3A_673 = vector.broadcast %add3A_672 : i32 to vector<16xi32>
      %add3A_674 = arith.addi %add3A_671, %add3A_673 : vector<16xi32>
      %scan3A_675 = arith.constant 0 : i32
      %scan3A_676 = arith.constant 0 : i32
      %scan3A_677 = arith.constant 32 : i32
      %scan3A_678 = arith.addi %scan3A_676, %scan3A_677 : i32
      %scan3A_679 = arith.constant 1 : i32
      scf.for %scan3A_1492 = %scan3A_676 to %scan3A_678 step %scan3A_679  : i32 {
        %mul3A_1493 = arith.constant 4 : i32
        %mul3A_1494 = arith.muli %scan3A_1492, %mul3A_1493 : i32
        %add3A_1495 = arith.constant 0 : i32
        %add3A_1496 = arith.addi %mul3A_1494, %add3A_1495 : i32
        %broadcast_in_dim3A = vector.broadcast %add3A_1496 : i32 to vector<16xi32>
        %get3A_1497 = arith.constant 1 : i32
        %get3A_1498 = arith.index_cast %get3A_1497 : i32 to index
        %get3A_1499 = arith.index_cast %add3A_1496 : i32 to index
        %get3A_1500 = arith.constant 0 : index
        %get3A_1501 = tpu.vector_load %arg8[%get3A_1498, %get3A_1499, %get3A_1500] {strides = array<i32>} : memref<4x128x32xf32, #tpu.memory_space<vmem>>, vector<16xf32>,
        %add3A_1502 = arith.addf %get3A_1501, %get3A_665 : vector<16xf32>
        %get3A_1503 = arith.constant 1 : i32
        %get3A_1504 = arith.index_cast %get3A_1503 : i32 to index
        %get3A_1505 = arith.index_cast %add3A_1496 : i32 to index
        %get3A_1506 = arith.constant 16 : index
        %get3A_1507 = tpu.vector_load %arg8[%get3A_1504, %get3A_1505, %get3A_1506] {strides = array<i32>} : memref<4x128x32xf32, #tpu.memory_space<vmem>>, vector<16xf32>,
        %add3A_1508 = arith.addf %get3A_1507, %get3A_668 : vector<16xf32>
        tpu.vector_store_idx %arg10[%add3A_671, %broadcast_in_dim3A], %add3A_1502 : memref<128x129xf32, #tpu.memory_space<vmem>>[vector<16xi32>, vector<16xi32>], vector<16xf32>,
        tpu.vector_store_idx %arg10[%add3A_674, %broadcast_in_dim3A], %add3A_1508 : memref<128x129xf32, #tpu.memory_space<vmem>>[vector<16xi32>, vector<16xi32>], vector<16xf32>,
        %mul3A_1509 = arith.constant 4 : i32
        %mul3A_1510 = arith.muli %scan3A_1492, %mul3A_1509 : i32
        %add3A_1511 = arith.constant 1 : i32
        %add3A_1512 = arith.addi %mul3A_1510, %add3A_1511 : i32
        %broadcast_in_dim3A_1513 = vector.broadcast %add3A_1512 : i32 to vector<16xi32>
        %get3A_1514 = arith.constant 1 : i32
        %get3A_1515 = arith.index_cast %get3A_1514 : i32 to index
        %get3A_1516 = arith.index_cast %add3A_1512 : i32 to index
        %get3A_1517 = arith.constant 0 : index
        %get3A_1518 = tpu.vector_load %arg8[%get3A_1515, %get3A_1516, %get3A_1517] {strides = array<i32>} : memref<4x128x32xf32, #tpu.memory_space<vmem>>, vector<16xf32>,
        %add3A_1519 = arith.addf %get3A_1518, %get3A_665 : vector<16xf32>
        %get3A_1520 = arith.constant 1 : i32
        %get3A_1521 = arith.index_cast %get3A_1520 : i32 to index
        %get3A_1522 = arith.index_cast %add3A_1512 : i32 to index
        %get3A_1523 = arith.constant 16 : index
        %get3A_1524 = tpu.vector_load %arg8[%get3A_1521, %get3A_1522, %get3A_1523] {strides = array<i32>} : memref<4x128x32xf32, #tpu.memory_space<vmem>>, vector<16xf32>,
        %add3A_1525 = arith.addf %get3A_1524, %get3A_668 : vector<16xf32>
        tpu.vector_store_idx %arg10[%add3A_671, %broadcast_in_dim3A_1513], %add3A_1519 : memref<128x129xf32, #tpu.memory_space<vmem>>[vector<16xi32>, vector<16xi32>], vector<16xf32>,
        tpu.vector_store_idx %arg10[%add3A_674, %broadcast_in_dim3A_1513], %add3A_1525 : memref<128x129xf32, #tpu.memory_space<vmem>>[vector<16xi32>, vector<16xi32>], vector<16xf32>,
        %mul3A_1526 = arith.constant 4 : i32
        %mul3A_1527 = arith.muli %scan3A_1492, %mul3A_1526 : i32
        %add3A_1528 = arith.constant 2 : i32
        %add3A_1529 = arith.addi %mul3A_1527, %add3A_1528 : i32
        %broadcast_in_dim3A_1530 = vector.broadcast %add3A_1529 : i32 to vector<16xi32>
        %get3A_1531 = arith.constant 1 : i32
        %get3A_1532 = arith.index_cast %get3A_1531 : i32 to index
        %get3A_1533 = arith.index_cast %add3A_1529 : i32 to index
        %get3A_1534 = arith.constant 0 : index
        %get3A_1535 = tpu.vector_load %arg8[%get3A_1532, %get3A_1533, %get3A_1534] {strides = array<i32>} : memref<4x128x32xf32, #tpu.memory_space<vmem>>, vector<16xf32>,
        %add3A_1536 = arith.addf %get3A_1535, %get3A_665 : vector<16xf32>
        %get3A_1537 = arith.constant 1 : i32
        %get3A_1538 = arith.index_cast %get3A_1537 : i32 to index
        %get3A_1539 = arith.index_cast %add3A_1529 : i32 to index
        %get3A_1540 = arith.constant 16 : index
        %get3A_1541 = tpu.vector_load %arg8[%get3A_1538, %get3A_1539, %get3A_1540] {strides = array<i32>} : memref<4x128x32xf32, #tpu.memory_space<vmem>>, vector<16xf32>,
        %add3A_1542 = arith.addf %get3A_1541, %get3A_668 : vector<16xf32>
        tpu.vector_store_idx %arg10[%add3A_671, %broadcast_in_dim3A_1530], %add3A_1536 : memref<128x129xf32, #tpu.memory_space<vmem>>[vector<16xi32>, vector<16xi32>], vector<16xf32>,
        tpu.vector_store_idx %arg10[%add3A_674, %broadcast_in_dim3A_1530], %add3A_1542 : memref<128x129xf32, #tpu.memory_space<vmem>>[vector<16xi32>, vector<16xi32>], vector<16xf32>,
        %mul3A_1543 = arith.constant 4 : i32
        %mul3A_1544 = arith.muli %scan3A_1492, %mul3A_1543 : i32
        %add3A_1545 = arith.constant 3 : i32
        %add3A_1546 = arith.addi %mul3A_1544, %add3A_1545 : i32
        %broadcast_in_dim3A_1547 = vector.broadcast %add3A_1546 : i32 to vector<16xi32>
        %get3A_1548 = arith.constant 1 : i32
        %get3A_1549 = arith.index_cast %get3A_1548 : i32 to index
        %get3A_1550 = arith.index_cast %add3A_1546 : i32 to index
        %get3A_1551 = arith.constant 0 : index
        %get3A_1552 = tpu.vector_load %arg8[%get3A_1549, %get3A_1550, %get3A_1551] {strides = array<i32>} : memref<4x128x32xf32, #tpu.memory_space<vmem>>, vector<16xf32>,
        %add3A_1553 = arith.addf %get3A_1552, %get3A_665 : vector<16xf32>
        %get3A_1554 = arith.constant 1 : i32
        %get3A_1555 = arith.index_cast %get3A_1554 : i32 to index
        %get3A_1556 = arith.index_cast %add3A_1546 : i32 to index
        %get3A_1557 = arith.constant 16 : index
        %get3A_1558 = tpu.vector_load %arg8[%get3A_1555, %get3A_1556, %get3A_1557] {strides = array<i32>} : memref<4x128x32xf32, #tpu.memory_space<vmem>>, vector<16xf32>,
        %add3A_1559 = arith.addf %get3A_1558, %get3A_668 : vector<16xf32>
        tpu.vector_store_idx %arg10[%add3A_671, %broadcast_in_dim3A_1547], %add3A_1553 : memref<128x129xf32, #tpu.memory_space<vmem>>[vector<16xi32>, vector<16xi32>], vector<16xf32>,
        tpu.vector_store_idx %arg10[%add3A_674, %broadcast_in_dim3A_1547], %add3A_1559 : memref<128x129xf32, #tpu.memory_space<vmem>>[vector<16xi32>, vector<16xi32>], vector<16xf32>,
      }
      %scan3A_680 = arith.constant 32 : i32
      %mul3A_681 = arith.constant 4 : i32
      %mul3A_682 = arith.muli %add3A_574, %mul3A_681 : i32
      %add3A_683 = arith.constant 2 : i32
      %add3A_684 = arith.addi %mul3A_682, %add3A_683 : i32
      %get3A_685 = arith.index_cast %add3A_684 : i32 to index
      %get3A_686 = arith.constant 0 : index
      %get3A_687 = tpu.vector_load %arg12[%get3A_685, %get3A_686] {strides = array<i32>} : memref<200x32xf32, #tpu.memory_space<vmem>>, vector<16xf32>,
      %get3A_688 = arith.index_cast %add3A_684 : i32 to index
      %get3A_689 = arith.constant 16 : index
      %get3A_690 = tpu.vector_load %arg12[%get3A_688, %get3A_689] {strides = array<i32>} : memref<200x32xf32, #tpu.memory_space<vmem>>, vector<16xf32>,
      %add3A_691 = arith.constant 64 : i32
      %add3A_692 = vector.broadcast %add3A_691 : i32 to vector<16xi32>
      %add3A_693 = arith.addi %iota3A, %add3A_692 : vector<16xi32>
      %add3A_694 = arith.constant 16 : i32
      %add3A_695 = vector.broadcast %add3A_694 : i32 to vector<16xi32>
      %add3A_696 = arith.addi %add3A_693, %add3A_695 : vector<16xi32>
      %scan3A_697 = arith.constant 0 : i32
      %scan3A_698 = arith.constant 0 : i32
      %scan3A_699 = arith.constant 32 : i32
      %scan3A_700 = arith.addi %scan3A_698, %scan3A_699 : i32
      %scan3A_701 = arith.constant 1 : i32
      scf.for %scan3A_1492 = %scan3A_698 to %scan3A_700 step %scan3A_701  : i32 {
        %mul3A_1493 = arith.constant 4 : i32
        %mul3A_1494 = arith.muli %scan3A_1492, %mul3A_1493 : i32
        %add3A_1495 = arith.constant 0 : i32
        %add3A_1496 = arith.addi %mul3A_1494, %add3A_1495 : i32
        %broadcast_in_dim3A = vector.broadcast %add3A_1496 : i32 to vector<16xi32>
        %get3A_1497 = arith.constant 2 : i32
        %get3A_1498 = arith.index_cast %get3A_1497 : i32 to index
        %get3A_1499 = arith.index_cast %add3A_1496 : i32 to index
        %get3A_1500 = arith.constant 0 : index
        %get3A_1501 = tpu.vector_load %arg8[%get3A_1498, %get3A_1499, %get3A_1500] {strides = array<i32>} : memref<4x128x32xf32, #tpu.memory_space<vmem>>, vector<16xf32>,
        %add3A_1502 = arith.addf %get3A_1501, %get3A_687 : vector<16xf32>
        %get3A_1503 = arith.constant 2 : i32
        %get3A_1504 = arith.index_cast %get3A_1503 : i32 to index
        %get3A_1505 = arith.index_cast %add3A_1496 : i32 to index
        %get3A_1506 = arith.constant 16 : index
        %get3A_1507 = tpu.vector_load %arg8[%get3A_1504, %get3A_1505, %get3A_1506] {strides = array<i32>} : memref<4x128x32xf32, #tpu.memory_space<vmem>>, vector<16xf32>,
        %add3A_1508 = arith.addf %get3A_1507, %get3A_690 : vector<16xf32>
        tpu.vector_store_idx %arg10[%add3A_693, %broadcast_in_dim3A], %add3A_1502 : memref<128x129xf32, #tpu.memory_space<vmem>>[vector<16xi32>, vector<16xi32>], vector<16xf32>,
        tpu.vector_store_idx %arg10[%add3A_696, %broadcast_in_dim3A], %add3A_1508 : memref<128x129xf32, #tpu.memory_space<vmem>>[vector<16xi32>, vector<16xi32>], vector<16xf32>,
        %mul3A_1509 = arith.constant 4 : i32
        %mul3A_1510 = arith.muli %scan3A_1492, %mul3A_1509 : i32
        %add3A_1511 = arith.constant 1 : i32
        %add3A_1512 = arith.addi %mul3A_1510, %add3A_1511 : i32
        %broadcast_in_dim3A_1513 = vector.broadcast %add3A_1512 : i32 to vector<16xi32>
        %get3A_1514 = arith.constant 2 : i32
        %get3A_1515 = arith.index_cast %get3A_1514 : i32 to index
        %get3A_1516 = arith.index_cast %add3A_1512 : i32 to index
        %get3A_1517 = arith.constant 0 : index
        %get3A_1518 = tpu.vector_load %arg8[%get3A_1515, %get3A_1516, %get3A_1517] {strides = array<i32>} : memref<4x128x32xf32, #tpu.memory_space<vmem>>, vector<16xf32>,
        %add3A_1519 = arith.addf %get3A_1518, %get3A_687 : vector<16xf32>
        %get3A_1520 = arith.constant 2 : i32
        %get3A_1521 = arith.index_cast %get3A_1520 : i32 to index
        %get3A_1522 = arith.index_cast %add3A_1512 : i32 to index
        %get3A_1523 = arith.constant 16 : index
        %get3A_1524 = tpu.vector_load %arg8[%get3A_1521, %get3A_1522, %get3A_1523] {strides = array<i32>} : memref<4x128x32xf32, #tpu.memory_space<vmem>>, vector<16xf32>,
        %add3A_1525 = arith.addf %get3A_1524, %get3A_690 : vector<16xf32>
        tpu.vector_store_idx %arg10[%add3A_693, %broadcast_in_dim3A_1513], %add3A_1519 : memref<128x129xf32, #tpu.memory_space<vmem>>[vector<16xi32>, vector<16xi32>], vector<16xf32>,
        tpu.vector_store_idx %arg10[%add3A_696, %broadcast_in_dim3A_1513], %add3A_1525 : memref<128x129xf32, #tpu.memory_space<vmem>>[vector<16xi32>, vector<16xi32>], vector<16xf32>,
        %mul3A_1526 = arith.constant 4 : i32
        %mul3A_1527 = arith.muli %scan3A_1492, %mul3A_1526 : i32
        %add3A_1528 = arith.constant 2 : i32
        %add3A_1529 = arith.addi %mul3A_1527, %add3A_1528 : i32
        %broadcast_in_dim3A_1530 = vector.broadcast %add3A_1529 : i32 to vector<16xi32>
        %get3A_1531 = arith.constant 2 : i32
        %get3A_1532 = arith.index_cast %get3A_1531 : i32 to index
        %get3A_1533 = arith.index_cast %add3A_1529 : i32 to index
        %get3A_1534 = arith.constant 0 : index
        %get3A_1535 = tpu.vector_load %arg8[%get3A_1532, %get3A_1533, %get3A_1534] {strides = array<i32>} : memref<4x128x32xf32, #tpu.memory_space<vmem>>, vector<16xf32>,
        %add3A_1536 = arith.addf %get3A_1535, %get3A_687 : vector<16xf32>
        %get3A_1537 = arith.constant 2 : i32
        %get3A_1538 = arith.index_cast %get3A_1537 : i32 to index
        %get3A_1539 = arith.index_cast %add3A_1529 : i32 to index
        %get3A_1540 = arith.constant 16 : index
        %get3A_1541 = tpu.vector_load %arg8[%get3A_1538, %get3A_1539, %get3A_1540] {strides = array<i32>} : memref<4x128x32xf32, #tpu.memory_space<vmem>>, vector<16xf32>,
        %add3A_1542 = arith.addf %get3A_1541, %get3A_690 : vector<16xf32>
        tpu.vector_store_idx %arg10[%add3A_693, %broadcast_in_dim3A_1530], %add3A_1536 : memref<128x129xf32, #tpu.memory_space<vmem>>[vector<16xi32>, vector<16xi32>], vector<16xf32>,
        tpu.vector_store_idx %arg10[%add3A_696, %broadcast_in_dim3A_1530], %add3A_1542 : memref<128x129xf32, #tpu.memory_space<vmem>>[vector<16xi32>, vector<16xi32>], vector<16xf32>,
        %mul3A_1543 = arith.constant 4 : i32
        %mul3A_1544 = arith.muli %scan3A_1492, %mul3A_1543 : i32
        %add3A_1545 = arith.constant 3 : i32
        %add3A_1546 = arith.addi %mul3A_1544, %add3A_1545 : i32
        %broadcast_in_dim3A_1547 = vector.broadcast %add3A_1546 : i32 to vector<16xi32>
        %get3A_1548 = arith.constant 2 : i32
        %get3A_1549 = arith.index_cast %get3A_1548 : i32 to index
        %get3A_1550 = arith.index_cast %add3A_1546 : i32 to index
        %get3A_1551 = arith.constant 0 : index
        %get3A_1552 = tpu.vector_load %arg8[%get3A_1549, %get3A_1550, %get3A_1551] {strides = array<i32>} : memref<4x128x32xf32, #tpu.memory_space<vmem>>, vector<16xf32>,
        %add3A_1553 = arith.addf %get3A_1552, %get3A_687 : vector<16xf32>
        %get3A_1554 = arith.constant 2 : i32
        %get3A_1555 = arith.index_cast %get3A_1554 : i32 to index
        %get3A_1556 = arith.index_cast %add3A_1546 : i32 to index
        %get3A_1557 = arith.constant 16 : index
        %get3A_1558 = tpu.vector_load %arg8[%get3A_1555, %get3A_1556, %get3A_1557] {strides = array<i32>} : memref<4x128x32xf32, #tpu.memory_space<vmem>>, vector<16xf32>,
        %add3A_1559 = arith.addf %get3A_1558, %get3A_690 : vector<16xf32>
        tpu.vector_store_idx %arg10[%add3A_693, %broadcast_in_dim3A_1547], %add3A_1553 : memref<128x129xf32, #tpu.memory_space<vmem>>[vector<16xi32>, vector<16xi32>], vector<16xf32>,
        tpu.vector_store_idx %arg10[%add3A_696, %broadcast_in_dim3A_1547], %add3A_1559 : memref<128x129xf32, #tpu.memory_space<vmem>>[vector<16xi32>, vector<16xi32>], vector<16xf32>,
      }
      %scan3A_702 = arith.constant 32 : i32
      %mul3A_703 = arith.constant 4 : i32
      %mul3A_704 = arith.muli %add3A_574, %mul3A_703 : i32
      %add3A_705 = arith.constant 3 : i32
      %add3A_706 = arith.addi %mul3A_704, %add3A_705 : i32
      %get3A_707 = arith.index_cast %add3A_706 : i32 to index
      %get3A_708 = arith.constant 0 : index
      %get3A_709 = tpu.vector_load %arg12[%get3A_707, %get3A_708] {strides = array<i32>} : memref<200x32xf32, #tpu.memory_space<vmem>>, vector<16xf32>,
      %get3A_710 = arith.index_cast %add3A_706 : i32 to index
      %get3A_711 = arith.constant 16 : index
      %get3A_712 = tpu.vector_load %arg12[%get3A_710, %get3A_711] {strides = array<i32>} : memref<200x32xf32, #tpu.memory_space<vmem>>, vector<16xf32>,
      %add3A_713 = arith.constant 96 : i32
      %add3A_714 = vector.broadcast %add3A_713 : i32 to vector<16xi32>
      %add3A_715 = arith.addi %iota3A, %add3A_714 : vector<16xi32>
      %add3A_716 = arith.constant 16 : i32
      %add3A_717 = vector.broadcast %add3A_716 : i32 to vector<16xi32>
      %add3A_718 = arith.addi %add3A_715, %add3A_717 : vector<16xi32>
      %scan3A_719 = arith.constant 0 : i32
      %scan3A_720 = arith.constant 0 : i32
      %scan3A_721 = arith.constant 32 : i32
      %scan3A_722 = arith.addi %scan3A_720, %scan3A_721 : i32
      %scan3A_723 = arith.constant 1 : i32
      scf.for %scan3A_1492 = %scan3A_720 to %scan3A_722 step %scan3A_723  : i32 {
        %mul3A_1493 = arith.constant 4 : i32
        %mul3A_1494 = arith.muli %scan3A_1492, %mul3A_1493 : i32
        %add3A_1495 = arith.constant 0 : i32
        %add3A_1496 = arith.addi %mul3A_1494, %add3A_1495 : i32
        %broadcast_in_dim3A = vector.broadcast %add3A_1496 : i32 to vector<16xi32>
        %get3A_1497 = arith.constant 3 : i32
        %get3A_1498 = arith.index_cast %get3A_1497 : i32 to index
        %get3A_1499 = arith.index_cast %add3A_1496 : i32 to index
        %get3A_1500 = arith.constant 0 : index
        %get3A_1501 = tpu.vector_load %arg8[%get3A_1498, %get3A_1499, %get3A_1500] {strides = array<i32>} : memref<4x128x32xf32, #tpu.memory_space<vmem>>, vector<16xf32>,
        %add3A_1502 = arith.addf %get3A_1501, %get3A_709 : vector<16xf32>
        %get3A_1503 = arith.constant 3 : i32
        %get3A_1504 = arith.index_cast %get3A_1503 : i32 to index
        %get3A_1505 = arith.index_cast %add3A_1496 : i32 to index
        %get3A_1506 = arith.constant 16 : index
        %get3A_1507 = tpu.vector_load %arg8[%get3A_1504, %get3A_1505, %get3A_1506] {strides = array<i32>} : memref<4x128x32xf32, #tpu.memory_space<vmem>>, vector<16xf32>,
        %add3A_1508 = arith.addf %get3A_1507, %get3A_712 : vector<16xf32>
        tpu.vector_store_idx %arg10[%add3A_715, %broadcast_in_dim3A], %add3A_1502 : memref<128x129xf32, #tpu.memory_space<vmem>>[vector<16xi32>, vector<16xi32>], vector<16xf32>,
        tpu.vector_store_idx %arg10[%add3A_718, %broadcast_in_dim3A], %add3A_1508 : memref<128x129xf32, #tpu.memory_space<vmem>>[vector<16xi32>, vector<16xi32>], vector<16xf32>,
        %mul3A_1509 = arith.constant 4 : i32
        %mul3A_1510 = arith.muli %scan3A_1492, %mul3A_1509 : i32
        %add3A_1511 = arith.constant 1 : i32
        %add3A_1512 = arith.addi %mul3A_1510, %add3A_1511 : i32
        %broadcast_in_dim3A_1513 = vector.broadcast %add3A_1512 : i32 to vector<16xi32>
        %get3A_1514 = arith.constant 3 : i32
        %get3A_1515 = arith.index_cast %get3A_1514 : i32 to index
        %get3A_1516 = arith.index_cast %add3A_1512 : i32 to index
        %get3A_1517 = arith.constant 0 : index
        %get3A_1518 = tpu.vector_load %arg8[%get3A_1515, %get3A_1516, %get3A_1517] {strides = array<i32>} : memref<4x128x32xf32, #tpu.memory_space<vmem>>, vector<16xf32>,
        %add3A_1519 = arith.addf %get3A_1518, %get3A_709 : vector<16xf32>
        %get3A_1520 = arith.constant 3 : i32
        %get3A_1521 = arith.index_cast %get3A_1520 : i32 to index
        %get3A_1522 = arith.index_cast %add3A_1512 : i32 to index
        %get3A_1523 = arith.constant 16 : index
        %get3A_1524 = tpu.vector_load %arg8[%get3A_1521, %get3A_1522, %get3A_1523] {strides = array<i32>} : memref<4x128x32xf32, #tpu.memory_space<vmem>>, vector<16xf32>,
        %add3A_1525 = arith.addf %get3A_1524, %get3A_712 : vector<16xf32>
        tpu.vector_store_idx %arg10[%add3A_715, %broadcast_in_dim3A_1513], %add3A_1519 : memref<128x129xf32, #tpu.memory_space<vmem>>[vector<16xi32>, vector<16xi32>], vector<16xf32>,
        tpu.vector_store_idx %arg10[%add3A_718, %broadcast_in_dim3A_1513], %add3A_1525 : memref<128x129xf32, #tpu.memory_space<vmem>>[vector<16xi32>, vector<16xi32>], vector<16xf32>,
        %mul3A_1526 = arith.constant 4 : i32
        %mul3A_1527 = arith.muli %scan3A_1492, %mul3A_1526 : i32
        %add3A_1528 = arith.constant 2 : i32
        %add3A_1529 = arith.addi %mul3A_1527, %add3A_1528 : i32
        %broadcast_in_dim3A_1530 = vector.broadcast %add3A_1529 : i32 to vector<16xi32>
        %get3A_1531 = arith.constant 3 : i32
        %get3A_1532 = arith.index_cast %get3A_1531 : i32 to index
        %get3A_1533 = arith.index_cast %add3A_1529 : i32 to index
        %get3A_1534 = arith.constant 0 : index
        %get3A_1535 = tpu.vector_load %arg8[%get3A_1532, %get3A_1533, %get3A_1534] {strides = array<i32>} : memref<4x128x32xf32, #tpu.memory_space<vmem>>, vector<16xf32>,
        %add3A_1536 = arith.addf %get3A_1535, %get3A_709 : vector<16xf32>
        %get3A_1537 = arith.constant 3 : i32
        %get3A_1538 = arith.index_cast %get3A_1537 : i32 to index
        %get3A_1539 = arith.index_cast %add3A_1529 : i32 to index
        %get3A_1540 = arith.constant 16 : index
        %get3A_1541 = tpu.vector_load %arg8[%get3A_1538, %get3A_1539, %get3A_1540] {strides = array<i32>} : memref<4x128x32xf32, #tpu.memory_space<vmem>>, vector<16xf32>,
        %add3A_1542 = arith.addf %get3A_1541, %get3A_712 : vector<16xf32>
        tpu.vector_store_idx %arg10[%add3A_715, %broadcast_in_dim3A_1530], %add3A_1536 : memref<128x129xf32, #tpu.memory_space<vmem>>[vector<16xi32>, vector<16xi32>], vector<16xf32>,
        tpu.vector_store_idx %arg10[%add3A_718, %broadcast_in_dim3A_1530], %add3A_1542 : memref<128x129xf32, #tpu.memory_space<vmem>>[vector<16xi32>, vector<16xi32>], vector<16xf32>,
        %mul3A_1543 = arith.constant 4 : i32
        %mul3A_1544 = arith.muli %scan3A_1492, %mul3A_1543 : i32
        %add3A_1545 = arith.constant 3 : i32
        %add3A_1546 = arith.addi %mul3A_1544, %add3A_1545 : i32
        %broadcast_in_dim3A_1547 = vector.broadcast %add3A_1546 : i32 to vector<16xi32>
        %get3A_1548 = arith.constant 3 : i32
        %get3A_1549 = arith.index_cast %get3A_1548 : i32 to index
        %get3A_1550 = arith.index_cast %add3A_1546 : i32 to index
        %get3A_1551 = arith.constant 0 : index
        %get3A_1552 = tpu.vector_load %arg8[%get3A_1549, %get3A_1550, %get3A_1551] {strides = array<i32>} : memref<4x128x32xf32, #tpu.memory_space<vmem>>, vector<16xf32>,
        %add3A_1553 = arith.addf %get3A_1552, %get3A_709 : vector<16xf32>
        %get3A_1554 = arith.constant 3 : i32
        %get3A_1555 = arith.index_cast %get3A_1554 : i32 to index
        %get3A_1556 = arith.index_cast %add3A_1546 : i32 to index
        %get3A_1557 = arith.constant 16 : index
        %get3A_1558 = tpu.vector_load %arg8[%get3A_1555, %get3A_1556, %get3A_1557] {strides = array<i32>} : memref<4x128x32xf32, #tpu.memory_space<vmem>>, vector<16xf32>,
        %add3A_1559 = arith.addf %get3A_1558, %get3A_712 : vector<16xf32>
        tpu.vector_store_idx %arg10[%add3A_715, %broadcast_in_dim3A_1547], %add3A_1553 : memref<128x129xf32, #tpu.memory_space<vmem>>[vector<16xi32>, vector<16xi32>], vector<16xf32>,
        tpu.vector_store_idx %arg10[%add3A_718, %broadcast_in_dim3A_1547], %add3A_1559 : memref<128x129xf32, #tpu.memory_space<vmem>>[vector<16xi32>, vector<16xi32>], vector<16xf32>,
      }
      %scan3A_724 = arith.constant 32 : i32
      %mul3A_725 = arith.constant 4 : i32
      %mul3A_726 = arith.muli %add3A_574, %mul3A_725 : i32
      %add3A_727 = arith.constant 0 : i32
      %add3A_728 = arith.addi %mul3A_726, %add3A_727 : i32
      %dma_start3A_729 = arith.constant 0 : i32
      %dma_start3A_730 = arith.constant 0 : i32
      %dma_start3A_731 = arith.constant 0 : i32
      %dma_start3A_732 = tpu.memref_slice %arg10[%dma_start3A_730, %dma_start3A_731] : memref<128x129xf32, #tpu.memory_space<vmem>> -> memref<8x128xf32, #tpu.memory_space<vmem>>
      %dma_start3A_733 = arith.constant 0 : i32
      %dma_start3A_734 = arith.constant 0 : i32
      %dma_start3A_735 = tpu.memref_slice %arg5[%add3A_728, %dma_start3A_729, %add3A, %dma_start3A_733, %dma_start3A_734] : memref<200x4x32x8x128xf32, #tpu.memory_space<hbm>> -> memref<1x1x1x8x128xf32, #tpu.memory_space<hbm>>
      %dma_start3A_736 = tpu.memref_squeeze %dma_start3A_735 : memref<1x1x1x8x128xf32, #tpu.memory_space<hbm>> -> memref<8x128xf32, #tpu.memory_space<hbm>>
      %dma_start3A_737 = arith.constant 0 : i32
      %dma_start3A_738 = arith.constant 0 : i32
      %dma_start3A_739 = tpu.memref_slice %arg5[%add3A_728, %dma_start3A_729, %add3A, %dma_start3A_737, %dma_start3A_738] : memref<200x4x32x8x128xf32, #tpu.memory_space<hbm>> -> memref<1x1x1x8x128xf32, #tpu.memory_space<hbm>>
      %dma_start3A_740 = tpu.memref_squeeze %dma_start3A_739 : memref<1x1x1x8x128xf32, #tpu.memory_space<hbm>> -> memref<8x128xf32, #tpu.memory_space<hbm>>
      %dma_start3A_741 = arith.constant 0 : i32
      %dma_start3A_742 = arith.constant 0 : i32
      %dma_start3A_743 = tpu.memref_slice %arg10[%dma_start3A_741, %dma_start3A_742] : memref<128x129xf32, #tpu.memory_space<vmem>> -> memref<8x128xf32, #tpu.memory_space<vmem>>
      tpu.enqueue_dma source(%dma_start3A_743 : memref<8x128xf32, #tpu.memory_space<vmem>>) target(%dma_start3A_740 : memref<8x128xf32, #tpu.memory_space<hbm>>) target_semaphore(%arg15 : memref<!tpu.dma_semaphore, #tpu.memory_space<semaphore_mem>>)
      %mul3A_744 = arith.constant 4 : i32
      %mul3A_745 = arith.muli %add3A_574, %mul3A_744 : i32
      %add3A_746 = arith.constant 0 : i32
      %add3A_747 = arith.addi %mul3A_745, %add3A_746 : i32
      %dma_start3A_748 = arith.constant 1 : i32
      %dma_start3A_749 = arith.constant 8 : i32
      %dma_start3A_750 = arith.constant 0 : i32
      %dma_start3A_751 = tpu.memref_slice %arg10[%dma_start3A_749, %dma_start3A_750] : memref<128x129xf32, #tpu.memory_space<vmem>> -> memref<8x128xf32, #tpu.memory_space<vmem>>
      %dma_start3A_752 = arith.constant 0 : i32
      %dma_start3A_753 = arith.constant 0 : i32
      %dma_start3A_754 = tpu.memref_slice %arg5[%add3A_747, %dma_start3A_748, %add3A, %dma_start3A_752, %dma_start3A_753] : memref<200x4x32x8x128xf32, #tpu.memory_space<hbm>> -> memref<1x1x1x8x128xf32, #tpu.memory_space<hbm>>
      %dma_start3A_755 = tpu.memref_squeeze %dma_start3A_754 : memref<1x1x1x8x128xf32, #tpu.memory_space<hbm>> -> memref<8x128xf32, #tpu.memory_space<hbm>>
      %dma_start3A_756 = arith.constant 0 : i32
      %dma_start3A_757 = arith.constant 0 : i32
      %dma_start3A_758 = tpu.memref_slice %arg5[%add3A_747, %dma_start3A_748, %add3A, %dma_start3A_756, %dma_start3A_757] : memref<200x4x32x8x128xf32, #tpu.memory_space<hbm>> -> memref<1x1x1x8x128xf32, #tpu.memory_space<hbm>>
      %dma_start3A_759 = tpu.memref_squeeze %dma_start3A_758 : memref<1x1x1x8x128xf32, #tpu.memory_space<hbm>> -> memref<8x128xf32, #tpu.memory_space<hbm>>
      %dma_start3A_760 = arith.constant 8 : i32
      %dma_start3A_761 = arith.constant 0 : i32
      %dma_start3A_762 = tpu.memref_slice %arg10[%dma_start3A_760, %dma_start3A_761] : memref<128x129xf32, #tpu.memory_space<vmem>> -> memref<8x128xf32, #tpu.memory_space<vmem>>
      tpu.enqueue_dma source(%dma_start3A_762 : memref<8x128xf32, #tpu.memory_space<vmem>>) target(%dma_start3A_759 : memref<8x128xf32, #tpu.memory_space<hbm>>) target_semaphore(%arg15 : memref<!tpu.dma_semaphore, #tpu.memory_space<semaphore_mem>>)
      %mul3A_763 = arith.constant 4 : i32
      %mul3A_764 = arith.muli %add3A_574, %mul3A_763 : i32
      %add3A_765 = arith.constant 0 : i32
      %add3A_766 = arith.addi %mul3A_764, %add3A_765 : i32
      %dma_start3A_767 = arith.constant 2 : i32
      %dma_start3A_768 = arith.constant 16 : i32
      %dma_start3A_769 = arith.constant 0 : i32
      %dma_start3A_770 = tpu.memref_slice %arg10[%dma_start3A_768, %dma_start3A_769] : memref<128x129xf32, #tpu.memory_space<vmem>> -> memref<8x128xf32, #tpu.memory_space<vmem>>
      %dma_start3A_771 = arith.constant 0 : i32
      %dma_start3A_772 = arith.constant 0 : i32
      %dma_start3A_773 = tpu.memref_slice %arg5[%add3A_766, %dma_start3A_767, %add3A, %dma_start3A_771, %dma_start3A_772] : memref<200x4x32x8x128xf32, #tpu.memory_space<hbm>> -> memref<1x1x1x8x128xf32, #tpu.memory_space<hbm>>
      %dma_start3A_774 = tpu.memref_squeeze %dma_start3A_773 : memref<1x1x1x8x128xf32, #tpu.memory_space<hbm>> -> memref<8x128xf32, #tpu.memory_space<hbm>>
      %dma_start3A_775 = arith.constant 0 : i32
      %dma_start3A_776 = arith.constant 0 : i32
      %dma_start3A_777 = tpu.memref_slice %arg5[%add3A_766, %dma_start3A_767, %add3A, %dma_start3A_775, %dma_start3A_776] : memref<200x4x32x8x128xf32, #tpu.memory_space<hbm>> -> memref<1x1x1x8x128xf32, #tpu.memory_space<hbm>>
      %dma_start3A_778 = tpu.memref_squeeze %dma_start3A_777 : memref<1x1x1x8x128xf32, #tpu.memory_space<hbm>> -> memref<8x128xf32, #tpu.memory_space<hbm>>
      %dma_start3A_779 = arith.constant 16 : i32
      %dma_start3A_780 = arith.constant 0 : i32
      %dma_start3A_781 = tpu.memref_slice %arg10[%dma_start3A_779, %dma_start3A_780] : memref<128x129xf32, #tpu.memory_space<vmem>> -> memref<8x128xf32, #tpu.memory_space<vmem>>
      tpu.enqueue_dma source(%dma_start3A_781 : memref<8x128xf32, #tpu.memory_space<vmem>>) target(%dma_start3A_778 : memref<8x128xf32, #tpu.memory_space<hbm>>) target_semaphore(%arg15 : memref<!tpu.dma_semaphore, #tpu.memory_space<semaphore_mem>>)
      %mul3A_782 = arith.constant 4 : i32
      %mul3A_783 = arith.muli %add3A_574, %mul3A_782 : i32
      %add3A_784 = arith.constant 0 : i32
      %add3A_785 = arith.addi %mul3A_783, %add3A_784 : i32
      %dma_start3A_786 = arith.constant 3 : i32
      %dma_start3A_787 = arith.constant 24 : i32
      %dma_start3A_788 = arith.constant 0 : i32
      %dma_start3A_789 = tpu.memref_slice %arg10[%dma_start3A_787, %dma_start3A_788] : memref<128x129xf32, #tpu.memory_space<vmem>> -> memref<8x128xf32, #tpu.memory_space<vmem>>
      %dma_start3A_790 = arith.constant 0 : i32
      %dma_start3A_791 = arith.constant 0 : i32
      %dma_start3A_792 = tpu.memref_slice %arg5[%add3A_785, %dma_start3A_786, %add3A, %dma_start3A_790, %dma_start3A_791] : memref<200x4x32x8x128xf32, #tpu.memory_space<hbm>> -> memref<1x1x1x8x128xf32, #tpu.memory_space<hbm>>
      %dma_start3A_793 = tpu.memref_squeeze %dma_start3A_792 : memref<1x1x1x8x128xf32, #tpu.memory_space<hbm>> -> memref<8x128xf32, #tpu.memory_space<hbm>>
      %dma_start3A_794 = arith.constant 0 : i32
      %dma_start3A_795 = arith.constant 0 : i32
      %dma_start3A_796 = tpu.memref_slice %arg5[%add3A_785, %dma_start3A_786, %add3A, %dma_start3A_794, %dma_start3A_795] : memref<200x4x32x8x128xf32, #tpu.memory_space<hbm>> -> memref<1x1x1x8x128xf32, #tpu.memory_space<hbm>>
      %dma_start3A_797 = tpu.memref_squeeze %dma_start3A_796 : memref<1x1x1x8x128xf32, #tpu.memory_space<hbm>> -> memref<8x128xf32, #tpu.memory_space<hbm>>
      %dma_start3A_798 = arith.constant 24 : i32
      %dma_start3A_799 = arith.constant 0 : i32
      %dma_start3A_800 = tpu.memref_slice %arg10[%dma_start3A_798, %dma_start3A_799] : memref<128x129xf32, #tpu.memory_space<vmem>> -> memref<8x128xf32, #tpu.memory_space<vmem>>
      tpu.enqueue_dma source(%dma_start3A_800 : memref<8x128xf32, #tpu.memory_space<vmem>>) target(%dma_start3A_797 : memref<8x128xf32, #tpu.memory_space<hbm>>) target_semaphore(%arg15 : memref<!tpu.dma_semaphore, #tpu.memory_space<semaphore_mem>>)
      %mul3A_801 = arith.constant 4 : i32
      %mul3A_802 = arith.muli %add3A_574, %mul3A_801 : i32
      %add3A_803 = arith.constant 1 : i32
      %add3A_804 = arith.addi %mul3A_802, %add3A_803 : i32
      %dma_start3A_805 = arith.constant 0 : i32
      %dma_start3A_806 = arith.constant 32 : i32
      %dma_start3A_807 = arith.constant 0 : i32
      %dma_start3A_808 = tpu.memref_slice %arg10[%dma_start3A_806, %dma_start3A_807] : memref<128x129xf32, #tpu.memory_space<vmem>> -> memref<8x128xf32, #tpu.memory_space<vmem>>
      %dma_start3A_809 = arith.constant 0 : i32
      %dma_start3A_810 = arith.constant 0 : i32
      %dma_start3A_811 = tpu.memref_slice %arg5[%add3A_804, %dma_start3A_805, %add3A, %dma_start3A_809, %dma_start3A_810] : memref<200x4x32x8x128xf32, #tpu.memory_space<hbm>> -> memref<1x1x1x8x128xf32, #tpu.memory_space<hbm>>
      %dma_start3A_812 = tpu.memref_squeeze %dma_start3A_811 : memref<1x1x1x8x128xf32, #tpu.memory_space<hbm>> -> memref<8x128xf32, #tpu.memory_space<hbm>>
      %dma_start3A_813 = arith.constant 0 : i32
      %dma_start3A_814 = arith.constant 0 : i32
      %dma_start3A_815 = tpu.memref_slice %arg5[%add3A_804, %dma_start3A_805, %add3A, %dma_start3A_813, %dma_start3A_814] : memref<200x4x32x8x128xf32, #tpu.memory_space<hbm>> -> memref<1x1x1x8x128xf32, #tpu.memory_space<hbm>>
      %dma_start3A_816 = tpu.memref_squeeze %dma_start3A_815 : memref<1x1x1x8x128xf32, #tpu.memory_space<hbm>> -> memref<8x128xf32, #tpu.memory_space<hbm>>
      %dma_start3A_817 = arith.constant 32 : i32
      %dma_start3A_818 = arith.constant 0 : i32
      %dma_start3A_819 = tpu.memref_slice %arg10[%dma_start3A_817, %dma_start3A_818] : memref<128x129xf32, #tpu.memory_space<vmem>> -> memref<8x128xf32, #tpu.memory_space<vmem>>
      tpu.enqueue_dma source(%dma_start3A_819 : memref<8x128xf32, #tpu.memory_space<vmem>>) target(%dma_start3A_816 : memref<8x128xf32, #tpu.memory_space<hbm>>) target_semaphore(%arg15 : memref<!tpu.dma_semaphore, #tpu.memory_space<semaphore_mem>>)
      %mul3A_820 = arith.constant 4 : i32
      %mul3A_821 = arith.muli %add3A_574, %mul3A_820 : i32
      %add3A_822 = arith.constant 1 : i32
      %add3A_823 = arith.addi %mul3A_821, %add3A_822 : i32
      %dma_start3A_824 = arith.constant 1 : i32
      %dma_start3A_825 = arith.constant 40 : i32
      %dma_start3A_826 = arith.constant 0 : i32
      %dma_start3A_827 = tpu.memref_slice %arg10[%dma_start3A_825, %dma_start3A_826] : memref<128x129xf32, #tpu.memory_space<vmem>> -> memref<8x128xf32, #tpu.memory_space<vmem>>
      %dma_start3A_828 = arith.constant 0 : i32
      %dma_start3A_829 = arith.constant 0 : i32
      %dma_start3A_830 = tpu.memref_slice %arg5[%add3A_823, %dma_start3A_824, %add3A, %dma_start3A_828, %dma_start3A_829] : memref<200x4x32x8x128xf32, #tpu.memory_space<hbm>> -> memref<1x1x1x8x128xf32, #tpu.memory_space<hbm>>
      %dma_start3A_831 = tpu.memref_squeeze %dma_start3A_830 : memref<1x1x1x8x128xf32, #tpu.memory_space<hbm>> -> memref<8x128xf32, #tpu.memory_space<hbm>>
      %dma_start3A_832 = arith.constant 0 : i32
      %dma_start3A_833 = arith.constant 0 : i32
      %dma_start3A_834 = tpu.memref_slice %arg5[%add3A_823, %dma_start3A_824, %add3A, %dma_start3A_832, %dma_start3A_833] : memref<200x4x32x8x128xf32, #tpu.memory_space<hbm>> -> memref<1x1x1x8x128xf32, #tpu.memory_space<hbm>>
      %dma_start3A_835 = tpu.memref_squeeze %dma_start3A_834 : memref<1x1x1x8x128xf32, #tpu.memory_space<hbm>> -> memref<8x128xf32, #tpu.memory_space<hbm>>
      %dma_start3A_836 = arith.constant 40 : i32
      %dma_start3A_837 = arith.constant 0 : i32
      %dma_start3A_838 = tpu.memref_slice %arg10[%dma_start3A_836, %dma_start3A_837] : memref<128x129xf32, #tpu.memory_space<vmem>> -> memref<8x128xf32, #tpu.memory_space<vmem>>
      tpu.enqueue_dma source(%dma_start3A_838 : memref<8x128xf32, #tpu.memory_space<vmem>>) target(%dma_start3A_835 : memref<8x128xf32, #tpu.memory_space<hbm>>) target_semaphore(%arg15 : memref<!tpu.dma_semaphore, #tpu.memory_space<semaphore_mem>>)
      %mul3A_839 = arith.constant 4 : i32
      %mul3A_840 = arith.muli %add3A_574, %mul3A_839 : i32
      %add3A_841 = arith.constant 1 : i32
      %add3A_842 = arith.addi %mul3A_840, %add3A_841 : i32
      %dma_start3A_843 = arith.constant 2 : i32
      %dma_start3A_844 = arith.constant 48 : i32
      %dma_start3A_845 = arith.constant 0 : i32
      %dma_start3A_846 = tpu.memref_slice %arg10[%dma_start3A_844, %dma_start3A_845] : memref<128x129xf32, #tpu.memory_space<vmem>> -> memref<8x128xf32, #tpu.memory_space<vmem>>
      %dma_start3A_847 = arith.constant 0 : i32
      %dma_start3A_848 = arith.constant 0 : i32
      %dma_start3A_849 = tpu.memref_slice %arg5[%add3A_842, %dma_start3A_843, %add3A, %dma_start3A_847, %dma_start3A_848] : memref<200x4x32x8x128xf32, #tpu.memory_space<hbm>> -> memref<1x1x1x8x128xf32, #tpu.memory_space<hbm>>
      %dma_start3A_850 = tpu.memref_squeeze %dma_start3A_849 : memref<1x1x1x8x128xf32, #tpu.memory_space<hbm>> -> memref<8x128xf32, #tpu.memory_space<hbm>>
      %dma_start3A_851 = arith.constant 0 : i32
      %dma_start3A_852 = arith.constant 0 : i32
      %dma_start3A_853 = tpu.memref_slice %arg5[%add3A_842, %dma_start3A_843, %add3A, %dma_start3A_851, %dma_start3A_852] : memref<200x4x32x8x128xf32, #tpu.memory_space<hbm>> -> memref<1x1x1x8x128xf32, #tpu.memory_space<hbm>>
      %dma_start3A_854 = tpu.memref_squeeze %dma_start3A_853 : memref<1x1x1x8x128xf32, #tpu.memory_space<hbm>> -> memref<8x128xf32, #tpu.memory_space<hbm>>
      %dma_start3A_855 = arith.constant 48 : i32
      %dma_start3A_856 = arith.constant 0 : i32
      %dma_start3A_857 = tpu.memref_slice %arg10[%dma_start3A_855, %dma_start3A_856] : memref<128x129xf32, #tpu.memory_space<vmem>> -> memref<8x128xf32, #tpu.memory_space<vmem>>
      tpu.enqueue_dma source(%dma_start3A_857 : memref<8x128xf32, #tpu.memory_space<vmem>>) target(%dma_start3A_854 : memref<8x128xf32, #tpu.memory_space<hbm>>) target_semaphore(%arg15 : memref<!tpu.dma_semaphore, #tpu.memory_space<semaphore_mem>>)
      %mul3A_858 = arith.constant 4 : i32
      %mul3A_859 = arith.muli %add3A_574, %mul3A_858 : i32
      %add3A_860 = arith.constant 1 : i32
      %add3A_861 = arith.addi %mul3A_859, %add3A_860 : i32
      %dma_start3A_862 = arith.constant 3 : i32
      %dma_start3A_863 = arith.constant 56 : i32
      %dma_start3A_864 = arith.constant 0 : i32
      %dma_start3A_865 = tpu.memref_slice %arg10[%dma_start3A_863, %dma_start3A_864] : memref<128x129xf32, #tpu.memory_space<vmem>> -> memref<8x128xf32, #tpu.memory_space<vmem>>
      %dma_start3A_866 = arith.constant 0 : i32
      %dma_start3A_867 = arith.constant 0 : i32
      %dma_start3A_868 = tpu.memref_slice %arg5[%add3A_861, %dma_start3A_862, %add3A, %dma_start3A_866, %dma_start3A_867] : memref<200x4x32x8x128xf32, #tpu.memory_space<hbm>> -> memref<1x1x1x8x128xf32, #tpu.memory_space<hbm>>
      %dma_start3A_869 = tpu.memref_squeeze %dma_start3A_868 : memref<1x1x1x8x128xf32, #tpu.memory_space<hbm>> -> memref<8x128xf32, #tpu.memory_space<hbm>>
      %dma_start3A_870 = arith.constant 0 : i32
      %dma_start3A_871 = arith.constant 0 : i32
      %dma_start3A_872 = tpu.memref_slice %arg5[%add3A_861, %dma_start3A_862, %add3A, %dma_start3A_870, %dma_start3A_871] : memref<200x4x32x8x128xf32, #tpu.memory_space<hbm>> -> memref<1x1x1x8x128xf32, #tpu.memory_space<hbm>>
      %dma_start3A_873 = tpu.memref_squeeze %dma_start3A_872 : memref<1x1x1x8x128xf32, #tpu.memory_space<hbm>> -> memref<8x128xf32, #tpu.memory_space<hbm>>
      %dma_start3A_874 = arith.constant 56 : i32
      %dma_start3A_875 = arith.constant 0 : i32
      %dma_start3A_876 = tpu.memref_slice %arg10[%dma_start3A_874, %dma_start3A_875] : memref<128x129xf32, #tpu.memory_space<vmem>> -> memref<8x128xf32, #tpu.memory_space<vmem>>
      tpu.enqueue_dma source(%dma_start3A_876 : memref<8x128xf32, #tpu.memory_space<vmem>>) target(%dma_start3A_873 : memref<8x128xf32, #tpu.memory_space<hbm>>) target_semaphore(%arg15 : memref<!tpu.dma_semaphore, #tpu.memory_space<semaphore_mem>>)
      %mul3A_877 = arith.constant 4 : i32
      %mul3A_878 = arith.muli %add3A_574, %mul3A_877 : i32
      %add3A_879 = arith.constant 2 : i32
      %add3A_880 = arith.addi %mul3A_878, %add3A_879 : i32
      %dma_start3A_881 = arith.constant 0 : i32
      %dma_start3A_882 = arith.constant 64 : i32
      %dma_start3A_883 = arith.constant 0 : i32
      %dma_start3A_884 = tpu.memref_slice %arg10[%dma_start3A_882, %dma_start3A_883] : memref<128x129xf32, #tpu.memory_space<vmem>> -> memref<8x128xf32, #tpu.memory_space<vmem>>
      %dma_start3A_885 = arith.constant 0 : i32
      %dma_start3A_886 = arith.constant 0 : i32
      %dma_start3A_887 = tpu.memref_slice %arg5[%add3A_880, %dma_start3A_881, %add3A, %dma_start3A_885, %dma_start3A_886] : memref<200x4x32x8x128xf32, #tpu.memory_space<hbm>> -> memref<1x1x1x8x128xf32, #tpu.memory_space<hbm>>
      %dma_start3A_888 = tpu.memref_squeeze %dma_start3A_887 : memref<1x1x1x8x128xf32, #tpu.memory_space<hbm>> -> memref<8x128xf32, #tpu.memory_space<hbm>>
      %dma_start3A_889 = arith.constant 0 : i32
      %dma_start3A_890 = arith.constant 0 : i32
      %dma_start3A_891 = tpu.memref_slice %arg5[%add3A_880, %dma_start3A_881, %add3A, %dma_start3A_889, %dma_start3A_890] : memref<200x4x32x8x128xf32, #tpu.memory_space<hbm>> -> memref<1x1x1x8x128xf32, #tpu.memory_space<hbm>>
      %dma_start3A_892 = tpu.memref_squeeze %dma_start3A_891 : memref<1x1x1x8x128xf32, #tpu.memory_space<hbm>> -> memref<8x128xf32, #tpu.memory_space<hbm>>
      %dma_start3A_893 = arith.constant 64 : i32
      %dma_start3A_894 = arith.constant 0 : i32
      %dma_start3A_895 = tpu.memref_slice %arg10[%dma_start3A_893, %dma_start3A_894] : memref<128x129xf32, #tpu.memory_space<vmem>> -> memref<8x128xf32, #tpu.memory_space<vmem>>
      tpu.enqueue_dma source(%dma_start3A_895 : memref<8x128xf32, #tpu.memory_space<vmem>>) target(%dma_start3A_892 : memref<8x128xf32, #tpu.memory_space<hbm>>) target_semaphore(%arg15 : memref<!tpu.dma_semaphore, #tpu.memory_space<semaphore_mem>>)
      %mul3A_896 = arith.constant 4 : i32
      %mul3A_897 = arith.muli %add3A_574, %mul3A_896 : i32
      %add3A_898 = arith.constant 2 : i32
      %add3A_899 = arith.addi %mul3A_897, %add3A_898 : i32
      %dma_start3A_900 = arith.constant 1 : i32
      %dma_start3A_901 = arith.constant 72 : i32
      %dma_start3A_902 = arith.constant 0 : i32
      %dma_start3A_903 = tpu.memref_slice %arg10[%dma_start3A_901, %dma_start3A_902] : memref<128x129xf32, #tpu.memory_space<vmem>> -> memref<8x128xf32, #tpu.memory_space<vmem>>
      %dma_start3A_904 = arith.constant 0 : i32
      %dma_start3A_905 = arith.constant 0 : i32
      %dma_start3A_906 = tpu.memref_slice %arg5[%add3A_899, %dma_start3A_900, %add3A, %dma_start3A_904, %dma_start3A_905] : memref<200x4x32x8x128xf32, #tpu.memory_space<hbm>> -> memref<1x1x1x8x128xf32, #tpu.memory_space<hbm>>
      %dma_start3A_907 = tpu.memref_squeeze %dma_start3A_906 : memref<1x1x1x8x128xf32, #tpu.memory_space<hbm>> -> memref<8x128xf32, #tpu.memory_space<hbm>>
      %dma_start3A_908 = arith.constant 0 : i32
      %dma_start3A_909 = arith.constant 0 : i32
      %dma_start3A_910 = tpu.memref_slice %arg5[%add3A_899, %dma_start3A_900, %add3A, %dma_start3A_908, %dma_start3A_909] : memref<200x4x32x8x128xf32, #tpu.memory_space<hbm>> -> memref<1x1x1x8x128xf32, #tpu.memory_space<hbm>>
      %dma_start3A_911 = tpu.memref_squeeze %dma_start3A_910 : memref<1x1x1x8x128xf32, #tpu.memory_space<hbm>> -> memref<8x128xf32, #tpu.memory_space<hbm>>
      %dma_start3A_912 = arith.constant 72 : i32
      %dma_start3A_913 = arith.constant 0 : i32
      %dma_start3A_914 = tpu.memref_slice %arg10[%dma_start3A_912, %dma_start3A_913] : memref<128x129xf32, #tpu.memory_space<vmem>> -> memref<8x128xf32, #tpu.memory_space<vmem>>
      tpu.enqueue_dma source(%dma_start3A_914 : memref<8x128xf32, #tpu.memory_space<vmem>>) target(%dma_start3A_911 : memref<8x128xf32, #tpu.memory_space<hbm>>) target_semaphore(%arg15 : memref<!tpu.dma_semaphore, #tpu.memory_space<semaphore_mem>>)
      %mul3A_915 = arith.constant 4 : i32
      %mul3A_916 = arith.muli %add3A_574, %mul3A_915 : i32
      %add3A_917 = arith.constant 2 : i32
      %add3A_918 = arith.addi %mul3A_916, %add3A_917 : i32
      %dma_start3A_919 = arith.constant 2 : i32
      %dma_start3A_920 = arith.constant 80 : i32
      %dma_start3A_921 = arith.constant 0 : i32
      %dma_start3A_922 = tpu.memref_slice %arg10[%dma_start3A_920, %dma_start3A_921] : memref<128x129xf32, #tpu.memory_space<vmem>> -> memref<8x128xf32, #tpu.memory_space<vmem>>
      %dma_start3A_923 = arith.constant 0 : i32
      %dma_start3A_924 = arith.constant 0 : i32
      %dma_start3A_925 = tpu.memref_slice %arg5[%add3A_918, %dma_start3A_919, %add3A, %dma_start3A_923, %dma_start3A_924] : memref<200x4x32x8x128xf32, #tpu.memory_space<hbm>> -> memref<1x1x1x8x128xf32, #tpu.memory_space<hbm>>
      %dma_start3A_926 = tpu.memref_squeeze %dma_start3A_925 : memref<1x1x1x8x128xf32, #tpu.memory_space<hbm>> -> memref<8x128xf32, #tpu.memory_space<hbm>>
      %dma_start3A_927 = arith.constant 0 : i32
      %dma_start3A_928 = arith.constant 0 : i32
      %dma_start3A_929 = tpu.memref_slice %arg5[%add3A_918, %dma_start3A_919, %add3A, %dma_start3A_927, %dma_start3A_928] : memref<200x4x32x8x128xf32, #tpu.memory_space<hbm>> -> memref<1x1x1x8x128xf32, #tpu.memory_space<hbm>>
      %dma_start3A_930 = tpu.memref_squeeze %dma_start3A_929 : memref<1x1x1x8x128xf32, #tpu.memory_space<hbm>> -> memref<8x128xf32, #tpu.memory_space<hbm>>
      %dma_start3A_931 = arith.constant 80 : i32
      %dma_start3A_932 = arith.constant 0 : i32
      %dma_start3A_933 = tpu.memref_slice %arg10[%dma_start3A_931, %dma_start3A_932] : memref<128x129xf32, #tpu.memory_space<vmem>> -> memref<8x128xf32, #tpu.memory_space<vmem>>
      tpu.enqueue_dma source(%dma_start3A_933 : memref<8x128xf32, #tpu.memory_space<vmem>>) target(%dma_start3A_930 : memref<8x128xf32, #tpu.memory_space<hbm>>) target_semaphore(%arg15 : memref<!tpu.dma_semaphore, #tpu.memory_space<semaphore_mem>>)
      %mul3A_934 = arith.constant 4 : i32
      %mul3A_935 = arith.muli %add3A_574, %mul3A_934 : i32
      %add3A_936 = arith.constant 2 : i32
      %add3A_937 = arith.addi %mul3A_935, %add3A_936 : i32
      %dma_start3A_938 = arith.constant 3 : i32
      %dma_start3A_939 = arith.constant 88 : i32
      %dma_start3A_940 = arith.constant 0 : i32
      %dma_start3A_941 = tpu.memref_slice %arg10[%dma_start3A_939, %dma_start3A_940] : memref<128x129xf32, #tpu.memory_space<vmem>> -> memref<8x128xf32, #tpu.memory_space<vmem>>
      %dma_start3A_942 = arith.constant 0 : i32
      %dma_start3A_943 = arith.constant 0 : i32
      %dma_start3A_944 = tpu.memref_slice %arg5[%add3A_937, %dma_start3A_938, %add3A, %dma_start3A_942, %dma_start3A_943] : memref<200x4x32x8x128xf32, #tpu.memory_space<hbm>> -> memref<1x1x1x8x128xf32, #tpu.memory_space<hbm>>
      %dma_start3A_945 = tpu.memref_squeeze %dma_start3A_944 : memref<1x1x1x8x128xf32, #tpu.memory_space<hbm>> -> memref<8x128xf32, #tpu.memory_space<hbm>>
      %dma_start3A_946 = arith.constant 0 : i32
      %dma_start3A_947 = arith.constant 0 : i32
      %dma_start3A_948 = tpu.memref_slice %arg5[%add3A_937, %dma_start3A_938, %add3A, %dma_start3A_946, %dma_start3A_947] : memref<200x4x32x8x128xf32, #tpu.memory_space<hbm>> -> memref<1x1x1x8x128xf32, #tpu.memory_space<hbm>>
      %dma_start3A_949 = tpu.memref_squeeze %dma_start3A_948 : memref<1x1x1x8x128xf32, #tpu.memory_space<hbm>> -> memref<8x128xf32, #tpu.memory_space<hbm>>
      %dma_start3A_950 = arith.constant 88 : i32
      %dma_start3A_951 = arith.constant 0 : i32
      %dma_start3A_952 = tpu.memref_slice %arg10[%dma_start3A_950, %dma_start3A_951] : memref<128x129xf32, #tpu.memory_space<vmem>> -> memref<8x128xf32, #tpu.memory_space<vmem>>
      tpu.enqueue_dma source(%dma_start3A_952 : memref<8x128xf32, #tpu.memory_space<vmem>>) target(%dma_start3A_949 : memref<8x128xf32, #tpu.memory_space<hbm>>) target_semaphore(%arg15 : memref<!tpu.dma_semaphore, #tpu.memory_space<semaphore_mem>>)
      %mul3A_953 = arith.constant 4 : i32
      %mul3A_954 = arith.muli %add3A_574, %mul3A_953 : i32
      %add3A_955 = arith.constant 3 : i32
      %add3A_956 = arith.addi %mul3A_954, %add3A_955 : i32
      %dma_start3A_957 = arith.constant 0 : i32
      %dma_start3A_958 = arith.constant 96 : i32
      %dma_start3A_959 = arith.constant 0 : i32
      %dma_start3A_960 = tpu.memref_slice %arg10[%dma_start3A_958, %dma_start3A_959] : memref<128x129xf32, #tpu.memory_space<vmem>> -> memref<8x128xf32, #tpu.memory_space<vmem>>
      %dma_start3A_961 = arith.constant 0 : i32
      %dma_start3A_962 = arith.constant 0 : i32
      %dma_start3A_963 = tpu.memref_slice %arg5[%add3A_956, %dma_start3A_957, %add3A, %dma_start3A_961, %dma_start3A_962] : memref<200x4x32x8x128xf32, #tpu.memory_space<hbm>> -> memref<1x1x1x8x128xf32, #tpu.memory_space<hbm>>
      %dma_start3A_964 = tpu.memref_squeeze %dma_start3A_963 : memref<1x1x1x8x128xf32, #tpu.memory_space<hbm>> -> memref<8x128xf32, #tpu.memory_space<hbm>>
      %dma_start3A_965 = arith.constant 0 : i32
      %dma_start3A_966 = arith.constant 0 : i32
      %dma_start3A_967 = tpu.memref_slice %arg5[%add3A_956, %dma_start3A_957, %add3A, %dma_start3A_965, %dma_start3A_966] : memref<200x4x32x8x128xf32, #tpu.memory_space<hbm>> -> memref<1x1x1x8x128xf32, #tpu.memory_space<hbm>>
      %dma_start3A_968 = tpu.memref_squeeze %dma_start3A_967 : memref<1x1x1x8x128xf32, #tpu.memory_space<hbm>> -> memref<8x128xf32, #tpu.memory_space<hbm>>
      %dma_start3A_969 = arith.constant 96 : i32
      %dma_start3A_970 = arith.constant 0 : i32
      %dma_start3A_971 = tpu.memref_slice %arg10[%dma_start3A_969, %dma_start3A_970] : memref<128x129xf32, #tpu.memory_space<vmem>> -> memref<8x128xf32, #tpu.memory_space<vmem>>
      tpu.enqueue_dma source(%dma_start3A_971 : memref<8x128xf32, #tpu.memory_space<vmem>>) target(%dma_start3A_968 : memref<8x128xf32, #tpu.memory_space<hbm>>) target_semaphore(%arg15 : memref<!tpu.dma_semaphore, #tpu.memory_space<semaphore_mem>>)
      %mul3A_972 = arith.constant 4 : i32
      %mul3A_973 = arith.muli %add3A_574, %mul3A_972 : i32
      %add3A_974 = arith.constant 3 : i32
      %add3A_975 = arith.addi %mul3A_973, %add3A_974 : i32
      %dma_start3A_976 = arith.constant 1 : i32
      %dma_start3A_977 = arith.constant 104 : i32
      %dma_start3A_978 = arith.constant 0 : i32
      %dma_start3A_979 = tpu.memref_slice %arg10[%dma_start3A_977, %dma_start3A_978] : memref<128x129xf32, #tpu.memory_space<vmem>> -> memref<8x128xf32, #tpu.memory_space<vmem>>
      %dma_start3A_980 = arith.constant 0 : i32
      %dma_start3A_981 = arith.constant 0 : i32
      %dma_start3A_982 = tpu.memref_slice %arg5[%add3A_975, %dma_start3A_976, %add3A, %dma_start3A_980, %dma_start3A_981] : memref<200x4x32x8x128xf32, #tpu.memory_space<hbm>> -> memref<1x1x1x8x128xf32, #tpu.memory_space<hbm>>
      %dma_start3A_983 = tpu.memref_squeeze %dma_start3A_982 : memref<1x1x1x8x128xf32, #tpu.memory_space<hbm>> -> memref<8x128xf32, #tpu.memory_space<hbm>>
      %dma_start3A_984 = arith.constant 0 : i32
      %dma_start3A_985 = arith.constant 0 : i32
      %dma_start3A_986 = tpu.memref_slice %arg5[%add3A_975, %dma_start3A_976, %add3A, %dma_start3A_984, %dma_start3A_985] : memref<200x4x32x8x128xf32, #tpu.memory_space<hbm>> -> memref<1x1x1x8x128xf32, #tpu.memory_space<hbm>>
      %dma_start3A_987 = tpu.memref_squeeze %dma_start3A_986 : memref<1x1x1x8x128xf32, #tpu.memory_space<hbm>> -> memref<8x128xf32, #tpu.memory_space<hbm>>
      %dma_start3A_988 = arith.constant 104 : i32
      %dma_start3A_989 = arith.constant 0 : i32
      %dma_start3A_990 = tpu.memref_slice %arg10[%dma_start3A_988, %dma_start3A_989] : memref<128x129xf32, #tpu.memory_space<vmem>> -> memref<8x128xf32, #tpu.memory_space<vmem>>
      tpu.enqueue_dma source(%dma_start3A_990 : memref<8x128xf32, #tpu.memory_space<vmem>>) target(%dma_start3A_987 : memref<8x128xf32, #tpu.memory_space<hbm>>) target_semaphore(%arg15 : memref<!tpu.dma_semaphore, #tpu.memory_space<semaphore_mem>>)
      %mul3A_991 = arith.constant 4 : i32
      %mul3A_992 = arith.muli %add3A_574, %mul3A_991 : i32
      %add3A_993 = arith.constant 3 : i32
      %add3A_994 = arith.addi %mul3A_992, %add3A_993 : i32
      %dma_start3A_995 = arith.constant 2 : i32
      %dma_start3A_996 = arith.constant 112 : i32
      %dma_start3A_997 = arith.constant 0 : i32
      %dma_start3A_998 = tpu.memref_slice %arg10[%dma_start3A_996, %dma_start3A_997] : memref<128x129xf32, #tpu.memory_space<vmem>> -> memref<8x128xf32, #tpu.memory_space<vmem>>
      %dma_start3A_999 = arith.constant 0 : i32
      %dma_start3A_1000 = arith.constant 0 : i32
      %dma_start3A_1001 = tpu.memref_slice %arg5[%add3A_994, %dma_start3A_995, %add3A, %dma_start3A_999, %dma_start3A_1000] : memref<200x4x32x8x128xf32, #tpu.memory_space<hbm>> -> memref<1x1x1x8x128xf32, #tpu.memory_space<hbm>>
      %dma_start3A_1002 = tpu.memref_squeeze %dma_start3A_1001 : memref<1x1x1x8x128xf32, #tpu.memory_space<hbm>> -> memref<8x128xf32, #tpu.memory_space<hbm>>
      %dma_start3A_1003 = arith.constant 0 : i32
      %dma_start3A_1004 = arith.constant 0 : i32
      %dma_start3A_1005 = tpu.memref_slice %arg5[%add3A_994, %dma_start3A_995, %add3A, %dma_start3A_1003, %dma_start3A_1004] : memref<200x4x32x8x128xf32, #tpu.memory_space<hbm>> -> memref<1x1x1x8x128xf32, #tpu.memory_space<hbm>>
      %dma_start3A_1006 = tpu.memref_squeeze %dma_start3A_1005 : memref<1x1x1x8x128xf32, #tpu.memory_space<hbm>> -> memref<8x128xf32, #tpu.memory_space<hbm>>
      %dma_start3A_1007 = arith.constant 112 : i32
      %dma_start3A_1008 = arith.constant 0 : i32
      %dma_start3A_1009 = tpu.memref_slice %arg10[%dma_start3A_1007, %dma_start3A_1008] : memref<128x129xf32, #tpu.memory_space<vmem>> -> memref<8x128xf32, #tpu.memory_space<vmem>>
      tpu.enqueue_dma source(%dma_start3A_1009 : memref<8x128xf32, #tpu.memory_space<vmem>>) target(%dma_start3A_1006 : memref<8x128xf32, #tpu.memory_space<hbm>>) target_semaphore(%arg15 : memref<!tpu.dma_semaphore, #tpu.memory_space<semaphore_mem>>)
      %mul3A_1010 = arith.constant 4 : i32
      %mul3A_1011 = arith.muli %add3A_574, %mul3A_1010 : i32
      %add3A_1012 = arith.constant 3 : i32
      %add3A_1013 = arith.addi %mul3A_1011, %add3A_1012 : i32
      %dma_start3A_1014 = arith.constant 3 : i32
      %dma_start3A_1015 = arith.constant 120 : i32
      %dma_start3A_1016 = arith.constant 0 : i32
      %dma_start3A_1017 = tpu.memref_slice %arg10[%dma_start3A_1015, %dma_start3A_1016] : memref<128x129xf32, #tpu.memory_space<vmem>> -> memref<8x128xf32, #tpu.memory_space<vmem>>
      %dma_start3A_1018 = arith.constant 0 : i32
      %dma_start3A_1019 = arith.constant 0 : i32
      %dma_start3A_1020 = tpu.memref_slice %arg5[%add3A_1013, %dma_start3A_1014, %add3A, %dma_start3A_1018, %dma_start3A_1019] : memref<200x4x32x8x128xf32, #tpu.memory_space<hbm>> -> memref<1x1x1x8x128xf32, #tpu.memory_space<hbm>>
      %dma_start3A_1021 = tpu.memref_squeeze %dma_start3A_1020 : memref<1x1x1x8x128xf32, #tpu.memory_space<hbm>> -> memref<8x128xf32, #tpu.memory_space<hbm>>
      %dma_start3A_1022 = arith.constant 0 : i32
      %dma_start3A_1023 = arith.constant 0 : i32
      %dma_start3A_1024 = tpu.memref_slice %arg5[%add3A_1013, %dma_start3A_1014, %add3A, %dma_start3A_1022, %dma_start3A_1023] : memref<200x4x32x8x128xf32, #tpu.memory_space<hbm>> -> memref<1x1x1x8x128xf32, #tpu.memory_space<hbm>>
      %dma_start3A_1025 = tpu.memref_squeeze %dma_start3A_1024 : memref<1x1x1x8x128xf32, #tpu.memory_space<hbm>> -> memref<8x128xf32, #tpu.memory_space<hbm>>
      %dma_start3A_1026 = arith.constant 120 : i32
      %dma_start3A_1027 = arith.constant 0 : i32
      %dma_start3A_1028 = tpu.memref_slice %arg10[%dma_start3A_1026, %dma_start3A_1027] : memref<128x129xf32, #tpu.memory_space<vmem>> -> memref<8x128xf32, #tpu.memory_space<vmem>>
      tpu.enqueue_dma source(%dma_start3A_1028 : memref<8x128xf32, #tpu.memory_space<vmem>>) target(%dma_start3A_1025 : memref<8x128xf32, #tpu.memory_space<hbm>>) target_semaphore(%arg15 : memref<!tpu.dma_semaphore, #tpu.memory_space<semaphore_mem>>)
      %mul3A_1029 = arith.constant 2 : i32
      %mul3A_1030 = arith.muli %scan3A_570, %mul3A_1029 : i32
      %add3A_1031 = arith.constant 1 : i32
      %add3A_1032 = arith.addi %mul3A_1030, %add3A_1031 : i32
      %dma_wait3A_1033 = arith.constant 0 : i32
      %dma_wait3A_1034 = arith.constant 0 : i32
      %dma_wait3A_1035 = arith.constant 0 : i32
      %dma_wait3A_1036 = arith.constant 0 : i32
      %dma_wait3A_1037 = tpu.memref_slice %arg9[%dma_wait3A_1034, %dma_wait3A_1035, %dma_wait3A_1036] : memref<4x128x32xf32, #tpu.memory_space<vmem>> -> memref<1x128x32xf32, #tpu.memory_space<vmem>>
      %dma_wait3A_1038 = tpu.memref_squeeze %dma_wait3A_1037 : memref<1x128x32xf32, #tpu.memory_space<vmem>> -> memref<128x32xf32, #tpu.memory_space<vmem>>
      %dma_wait3A_1039 = arith.constant 0 : i32
      %dma_wait3A_1040 = tpu.memref_slice %arg7[%dma_wait3A_1033, %dma_wait3A_1039] : memref<4x128xi32, #tpu.memory_space<vmem>> -> memref<1x128xi32, #tpu.memory_space<vmem>>
      %dma_wait3A_1041 = tpu.memref_squeeze %dma_wait3A_1040 : memref<1x128xi32, #tpu.memory_space<vmem>> -> memref<128xi32, #tpu.memory_space<vmem>>
      %dma_wait3A_1042 = arith.constant 0 : i32
      %dma_wait3A_1043 = arith.constant 0 : i32
      %dma_wait3A_1044 = tpu.memref_slice %arg3[%dma_wait3A_1042, %dma_wait3A_1043] : memref<1000000x32xf32, #tpu.memory_space<hbm>> -> memref<1000000x32xf32, #tpu.memory_space<hbm>>
      tpu.wait_indirect_dma semaphore(%arg14 : memref<!tpu.dma_semaphore, #tpu.memory_space<semaphore_mem>>) src(%dma_wait3A_1044 : memref<1000000x32xf32, #tpu.memory_space<hbm>>) dst(%dma_wait3A_1038 : memref<128x32xf32, #tpu.memory_space<vmem>>)
      %dma_wait3A_1045 = arith.constant 1 : i32
      %dma_wait3A_1046 = arith.constant 1 : i32
      %dma_wait3A_1047 = arith.constant 0 : i32
      %dma_wait3A_1048 = arith.constant 0 : i32
      %dma_wait3A_1049 = tpu.memref_slice %arg9[%dma_wait3A_1046, %dma_wait3A_1047, %dma_wait3A_1048] : memref<4x128x32xf32, #tpu.memory_space<vmem>> -> memref<1x128x32xf32, #tpu.memory_space<vmem>>
      %dma_wait3A_1050 = tpu.memref_squeeze %dma_wait3A_1049 : memref<1x128x32xf32, #tpu.memory_space<vmem>> -> memref<128x32xf32, #tpu.memory_space<vmem>>
      %dma_wait3A_1051 = arith.constant 0 : i32
      %dma_wait3A_1052 = tpu.memref_slice %arg7[%dma_wait3A_1045, %dma_wait3A_1051] : memref<4x128xi32, #tpu.memory_space<vmem>> -> memref<1x128xi32, #tpu.memory_space<vmem>>
      %dma_wait3A_1053 = tpu.memref_squeeze %dma_wait3A_1052 : memref<1x128xi32, #tpu.memory_space<vmem>> -> memref<128xi32, #tpu.memory_space<vmem>>
      %dma_wait3A_1054 = arith.constant 0 : i32
      %dma_wait3A_1055 = arith.constant 0 : i32
      %dma_wait3A_1056 = tpu.memref_slice %arg3[%dma_wait3A_1054, %dma_wait3A_1055] : memref<1000000x32xf32, #tpu.memory_space<hbm>> -> memref<1000000x32xf32, #tpu.memory_space<hbm>>
      tpu.wait_indirect_dma semaphore(%arg14 : memref<!tpu.dma_semaphore, #tpu.memory_space<semaphore_mem>>) src(%dma_wait3A_1056 : memref<1000000x32xf32, #tpu.memory_space<hbm>>) dst(%dma_wait3A_1050 : memref<128x32xf32, #tpu.memory_space<vmem>>)
      %dma_wait3A_1057 = arith.constant 2 : i32
      %dma_wait3A_1058 = arith.constant 2 : i32
      %dma_wait3A_1059 = arith.constant 0 : i32
      %dma_wait3A_1060 = arith.constant 0 : i32
      %dma_wait3A_1061 = tpu.memref_slice %arg9[%dma_wait3A_1058, %dma_wait3A_1059, %dma_wait3A_1060] : memref<4x128x32xf32, #tpu.memory_space<vmem>> -> memref<1x128x32xf32, #tpu.memory_space<vmem>>
      %dma_wait3A_1062 = tpu.memref_squeeze %dma_wait3A_1061 : memref<1x128x32xf32, #tpu.memory_space<vmem>> -> memref<128x32xf32, #tpu.memory_space<vmem>>
      %dma_wait3A_1063 = arith.constant 0 : i32
      %dma_wait3A_1064 = tpu.memref_slice %arg7[%dma_wait3A_1057, %dma_wait3A_1063] : memref<4x128xi32, #tpu.memory_space<vmem>> -> memref<1x128xi32, #tpu.memory_space<vmem>>
      %dma_wait3A_1065 = tpu.memref_squeeze %dma_wait3A_1064 : memref<1x128xi32, #tpu.memory_space<vmem>> -> memref<128xi32, #tpu.memory_space<vmem>>
      %dma_wait3A_1066 = arith.constant 0 : i32
      %dma_wait3A_1067 = arith.constant 0 : i32
      %dma_wait3A_1068 = tpu.memref_slice %arg3[%dma_wait3A_1066, %dma_wait3A_1067] : memref<1000000x32xf32, #tpu.memory_space<hbm>> -> memref<1000000x32xf32, #tpu.memory_space<hbm>>
      tpu.wait_indirect_dma semaphore(%arg14 : memref<!tpu.dma_semaphore, #tpu.memory_space<semaphore_mem>>) src(%dma_wait3A_1068 : memref<1000000x32xf32, #tpu.memory_space<hbm>>) dst(%dma_wait3A_1062 : memref<128x32xf32, #tpu.memory_space<vmem>>)
      %dma_wait3A_1069 = arith.constant 3 : i32
      %dma_wait3A_1070 = arith.constant 3 : i32
      %dma_wait3A_1071 = arith.constant 0 : i32
      %dma_wait3A_1072 = arith.constant 0 : i32
      %dma_wait3A_1073 = tpu.memref_slice %arg9[%dma_wait3A_1070, %dma_wait3A_1071, %dma_wait3A_1072] : memref<4x128x32xf32, #tpu.memory_space<vmem>> -> memref<1x128x32xf32, #tpu.memory_space<vmem>>
      %dma_wait3A_1074 = tpu.memref_squeeze %dma_wait3A_1073 : memref<1x128x32xf32, #tpu.memory_space<vmem>> -> memref<128x32xf32, #tpu.memory_space<vmem>>
      %dma_wait3A_1075 = arith.constant 0 : i32
      %dma_wait3A_1076 = tpu.memref_slice %arg7[%dma_wait3A_1069, %dma_wait3A_1075] : memref<4x128xi32, #tpu.memory_space<vmem>> -> memref<1x128xi32, #tpu.memory_space<vmem>>
      %dma_wait3A_1077 = tpu.memref_squeeze %dma_wait3A_1076 : memref<1x128xi32, #tpu.memory_space<vmem>> -> memref<128xi32, #tpu.memory_space<vmem>>
      %dma_wait3A_1078 = arith.constant 0 : i32
      %dma_wait3A_1079 = arith.constant 0 : i32
      %dma_wait3A_1080 = tpu.memref_slice %arg3[%dma_wait3A_1078, %dma_wait3A_1079] : memref<1000000x32xf32, #tpu.memory_space<hbm>> -> memref<1000000x32xf32, #tpu.memory_space<hbm>>
      tpu.wait_indirect_dma semaphore(%arg14 : memref<!tpu.dma_semaphore, #tpu.memory_space<semaphore_mem>>) src(%dma_wait3A_1080 : memref<1000000x32xf32, #tpu.memory_space<hbm>>) dst(%dma_wait3A_1074 : memref<128x32xf32, #tpu.memory_space<vmem>>)
      %add3A_1081 = arith.constant 1 : i32
      %add3A_1082 = arith.addi %add3A_1032, %add3A_1081 : i32
      %lt3A_1083 = arith.constant 50 : i32
      %lt3A_1084 = arith.cmpi slt, %add3A_1082, %lt3A_1083 : i32
      %convert_element_type3A_1085 = arith.extui %lt3A_1084 : i1 to i32
      %cond3A_1086 = arith.constant 0 : i32
      %cond3A_1087 = arith.cmpi ne, %convert_element_type3A_1085, %cond3A_1086 : i32
      scf.if %cond3A_1087 {
        %add3A_1492 = arith.constant 1 : i32
        %add3A_1493 = arith.addi %add3A_1032, %add3A_1492 : i32
        %mul3A_1494 = arith.constant 4 : i32
        %mul3A_1495 = arith.muli %add3A_1493, %mul3A_1494 : i32
        %dma_wait3A_1496 = tpu.memref_slice %arg2[%mul3A_1495, %mul3A_2] : memref<200x4096xi32, #tpu.memory_space<hbm>> -> memref<4x128xi32, #tpu.memory_space<hbm>>
        %dma_wait3A_1497 = tpu.memref_slice %arg2[%mul3A_1495, %mul3A_2] : memref<200x4096xi32, #tpu.memory_space<hbm>> -> memref<4x128xi32, #tpu.memory_space<hbm>>
        tpu.wait_dma2 semaphore(%arg13 : memref<!tpu.dma_semaphore, #tpu.memory_space<semaphore_mem>>) src(%dma_wait3A_1497 : memref<4x128xi32, #tpu.memory_space<hbm>>) dst(%arg6 : memref<4x128xi32, #tpu.memory_space<vmem>>)
        %dma_start3A_1498 = arith.constant 0 : i32
        %dma_start3A_1499 = arith.constant 0 : i32
        %dma_start3A_1500 = arith.constant 0 : i32
        %dma_start3A_1501 = arith.constant 0 : i32
        %dma_start3A_1502 = tpu.memref_slice %arg8[%dma_start3A_1499, %dma_start3A_1500, %dma_start3A_1501] : memref<4x128x32xf32, #tpu.memory_space<vmem>> -> memref<1x128x32xf32, #tpu.memory_space<vmem>>
        %dma_start3A_1503 = tpu.memref_squeeze %dma_start3A_1502 : memref<1x128x32xf32, #tpu.memory_space<vmem>> -> memref<128x32xf32, #tpu.memory_space<vmem>>
        %dma_start3A_1504 = arith.constant 0 : i32
        %dma_start3A_1505 = tpu.memref_slice %arg6[%dma_start3A_1498, %dma_start3A_1504] : memref<4x128xi32, #tpu.memory_space<vmem>> -> memref<1x128xi32, #tpu.memory_space<vmem>>
        %dma_start3A_1506 = tpu.memref_squeeze %dma_start3A_1505 : memref<1x128xi32, #tpu.memory_space<vmem>> -> memref<128xi32, #tpu.memory_space<vmem>>
        %dma_start3A_1507 = arith.constant 0 : i32
        %dma_start3A_1508 = arith.constant 0 : i32
        %dma_start3A_1509 = tpu.memref_slice %arg3[%dma_start3A_1507, %dma_start3A_1508] : memref<1000000x32xf32, #tpu.memory_space<hbm>> -> memref<1000000x32xf32, #tpu.memory_space<hbm>>
        tpu.enqueue_indirect_dma source(%dma_start3A_1509 : memref<1000000x32xf32, #tpu.memory_space<hbm>>) target(%dma_start3A_1503 : memref<128x32xf32, #tpu.memory_space<vmem>>) offsets(%dma_start3A_1506 : memref<128xi32, #tpu.memory_space<vmem>>) semaphore(%arg14 : memref<!tpu.dma_semaphore, #tpu.memory_space<semaphore_mem>>)
        %dma_start3A_1510 = arith.constant 1 : i32
        %dma_start3A_1511 = arith.constant 1 : i32
        %dma_start3A_1512 = arith.constant 0 : i32
        %dma_start3A_1513 = arith.constant 0 : i32
        %dma_start3A_1514 = tpu.memref_slice %arg8[%dma_start3A_1511, %dma_start3A_1512, %dma_start3A_1513] : memref<4x128x32xf32, #tpu.memory_space<vmem>> -> memref<1x128x32xf32, #tpu.memory_space<vmem>>
        %dma_start3A_1515 = tpu.memref_squeeze %dma_start3A_1514 : memref<1x128x32xf32, #tpu.memory_space<vmem>> -> memref<128x32xf32, #tpu.memory_space<vmem>>
        %dma_start3A_1516 = arith.constant 0 : i32
        %dma_start3A_1517 = tpu.memref_slice %arg6[%dma_start3A_1510, %dma_start3A_1516] : memref<4x128xi32, #tpu.memory_space<vmem>> -> memref<1x128xi32, #tpu.memory_space<vmem>>
        %dma_start3A_1518 = tpu.memref_squeeze %dma_start3A_1517 : memref<1x128xi32, #tpu.memory_space<vmem>> -> memref<128xi32, #tpu.memory_space<vmem>>
        %dma_start3A_1519 = arith.constant 0 : i32
        %dma_start3A_1520 = arith.constant 0 : i32
        %dma_start3A_1521 = tpu.memref_slice %arg3[%dma_start3A_1519, %dma_start3A_1520] : memref<1000000x32xf32, #tpu.memory_space<hbm>> -> memref<1000000x32xf32, #tpu.memory_space<hbm>>
        tpu.enqueue_indirect_dma source(%dma_start3A_1521 : memref<1000000x32xf32, #tpu.memory_space<hbm>>) target(%dma_start3A_1515 : memref<128x32xf32, #tpu.memory_space<vmem>>) offsets(%dma_start3A_1518 : memref<128xi32, #tpu.memory_space<vmem>>) semaphore(%arg14 : memref<!tpu.dma_semaphore, #tpu.memory_space<semaphore_mem>>)
        %dma_start3A_1522 = arith.constant 2 : i32
        %dma_start3A_1523 = arith.constant 2 : i32
        %dma_start3A_1524 = arith.constant 0 : i32
        %dma_start3A_1525 = arith.constant 0 : i32
        %dma_start3A_1526 = tpu.memref_slice %arg8[%dma_start3A_1523, %dma_start3A_1524, %dma_start3A_1525] : memref<4x128x32xf32, #tpu.memory_space<vmem>> -> memref<1x128x32xf32, #tpu.memory_space<vmem>>
        %dma_start3A_1527 = tpu.memref_squeeze %dma_start3A_1526 : memref<1x128x32xf32, #tpu.memory_space<vmem>> -> memref<128x32xf32, #tpu.memory_space<vmem>>
        %dma_start3A_1528 = arith.constant 0 : i32
        %dma_start3A_1529 = tpu.memref_slice %arg6[%dma_start3A_1522, %dma_start3A_1528] : memref<4x128xi32, #tpu.memory_space<vmem>> -> memref<1x128xi32, #tpu.memory_space<vmem>>
        %dma_start3A_1530 = tpu.memref_squeeze %dma_start3A_1529 : memref<1x128xi32, #tpu.memory_space<vmem>> -> memref<128xi32, #tpu.memory_space<vmem>>
        %dma_start3A_1531 = arith.constant 0 : i32
        %dma_start3A_1532 = arith.constant 0 : i32
        %dma_start3A_1533 = tpu.memref_slice %arg3[%dma_start3A_1531, %dma_start3A_1532] : memref<1000000x32xf32, #tpu.memory_space<hbm>> -> memref<1000000x32xf32, #tpu.memory_space<hbm>>
        tpu.enqueue_indirect_dma source(%dma_start3A_1533 : memref<1000000x32xf32, #tpu.memory_space<hbm>>) target(%dma_start3A_1527 : memref<128x32xf32, #tpu.memory_space<vmem>>) offsets(%dma_start3A_1530 : memref<128xi32, #tpu.memory_space<vmem>>) semaphore(%arg14 : memref<!tpu.dma_semaphore, #tpu.memory_space<semaphore_mem>>)
        %dma_start3A_1534 = arith.constant 3 : i32
        %dma_start3A_1535 = arith.constant 3 : i32
        %dma_start3A_1536 = arith.constant 0 : i32
        %dma_start3A_1537 = arith.constant 0 : i32
        %dma_start3A_1538 = tpu.memref_slice %arg8[%dma_start3A_1535, %dma_start3A_1536, %dma_start3A_1537] : memref<4x128x32xf32, #tpu.memory_space<vmem>> -> memref<1x128x32xf32, #tpu.memory_space<vmem>>
        %dma_start3A_1539 = tpu.memref_squeeze %dma_start3A_1538 : memref<1x128x32xf32, #tpu.memory_space<vmem>> -> memref<128x32xf32, #tpu.memory_space<vmem>>
        %dma_start3A_1540 = arith.constant 0 : i32
        %dma_start3A_1541 = tpu.memref_slice %arg6[%dma_start3A_1534, %dma_start3A_1540] : memref<4x128xi32, #tpu.memory_space<vmem>> -> memref<1x128xi32, #tpu.memory_space<vmem>>
        %dma_start3A_1542 = tpu.memref_squeeze %dma_start3A_1541 : memref<1x128xi32, #tpu.memory_space<vmem>> -> memref<128xi32, #tpu.memory_space<vmem>>
        %dma_start3A_1543 = arith.constant 0 : i32
        %dma_start3A_1544 = arith.constant 0 : i32
        %dma_start3A_1545 = tpu.memref_slice %arg3[%dma_start3A_1543, %dma_start3A_1544] : memref<1000000x32xf32, #tpu.memory_space<hbm>> -> memref<1000000x32xf32, #tpu.memory_space<hbm>>
        tpu.enqueue_indirect_dma source(%dma_start3A_1545 : memref<1000000x32xf32, #tpu.memory_space<hbm>>) target(%dma_start3A_1539 : memref<128x32xf32, #tpu.memory_space<vmem>>) offsets(%dma_start3A_1542 : memref<128xi32, #tpu.memory_space<vmem>>) semaphore(%arg14 : memref<!tpu.dma_semaphore, #tpu.memory_space<semaphore_mem>>)
      } else {
      }
      %add3A_1088 = arith.constant 2 : i32
      %add3A_1089 = arith.addi %add3A_1032, %add3A_1088 : i32
      %lt3A_1090 = arith.constant 50 : i32
      %lt3A_1091 = arith.cmpi slt, %add3A_1089, %lt3A_1090 : i32
      %convert_element_type3A_1092 = arith.extui %lt3A_1091 : i1 to i32
      %cond3A_1093 = arith.constant 0 : i32
      %cond3A_1094 = arith.cmpi ne, %convert_element_type3A_1092, %cond3A_1093 : i32
      scf.if %cond3A_1094 {
        %add3A_1492 = arith.constant 2 : i32
        %add3A_1493 = arith.addi %add3A_1032, %add3A_1492 : i32
        %mul3A_1494 = arith.constant 4 : i32
        %mul3A_1495 = arith.muli %add3A_1493, %mul3A_1494 : i32
        %dma_start3A_1496 = tpu.memref_slice %arg2[%mul3A_1495, %mul3A_2] : memref<200x4096xi32, #tpu.memory_space<hbm>> -> memref<4x128xi32, #tpu.memory_space<hbm>>
        %dma_start3A_1497 = tpu.memref_slice %arg2[%mul3A_1495, %mul3A_2] : memref<200x4096xi32, #tpu.memory_space<hbm>> -> memref<4x128xi32, #tpu.memory_space<hbm>>
        tpu.enqueue_dma source(%dma_start3A_1497 : memref<4x128xi32, #tpu.memory_space<hbm>>) target(%arg7 : memref<4x128xi32, #tpu.memory_space<vmem>>) target_semaphore(%arg13 : memref<!tpu.dma_semaphore, #tpu.memory_space<semaphore_mem>>)
      } else {
      }
      %ge3A_1095 = arith.constant 2 : i32
      %ge3A_1096 = arith.cmpi sge, %add3A_1032, %ge3A_1095 : i32
      %convert_element_type3A_1097 = arith.extui %ge3A_1096 : i1 to i32
      %cond3A_1098 = arith.constant 0 : i32
      %cond3A_1099 = arith.cmpi ne, %convert_element_type3A_1097, %cond3A_1098 : i32
      scf.if %cond3A_1099 {
        %sub3A = arith.constant 2 : i32
        %sub3A_1492 = arith.subi %add3A_1032, %sub3A : i32
        %mul3A_1493 = arith.constant 4 : i32
        %mul3A_1494 = arith.muli %sub3A_1492, %mul3A_1493 : i32
        %add3A_1495 = arith.constant 0 : i32
        %add3A_1496 = arith.addi %mul3A_1494, %add3A_1495 : i32
        %dma_wait3A_1497 = arith.constant 0 : i32
        %dma_wait3A_1498 = arith.constant 0 : i32
        %dma_wait3A_1499 = arith.constant 0 : i32
        %dma_wait3A_1500 = tpu.memref_slice %arg11[%dma_wait3A_1498, %dma_wait3A_1499] : memref<128x129xf32, #tpu.memory_space<vmem>> -> memref<8x128xf32, #tpu.memory_space<vmem>>
        %dma_wait3A_1501 = arith.constant 0 : i32
        %dma_wait3A_1502 = arith.constant 0 : i32
        %dma_wait3A_1503 = tpu.memref_slice %arg5[%add3A_1496, %dma_wait3A_1497, %add3A, %dma_wait3A_1501, %dma_wait3A_1502] : memref<200x4x32x8x128xf32, #tpu.memory_space<hbm>> -> memref<1x1x1x8x128xf32, #tpu.memory_space<hbm>>
        %dma_wait3A_1504 = tpu.memref_squeeze %dma_wait3A_1503 : memref<1x1x1x8x128xf32, #tpu.memory_space<hbm>> -> memref<8x128xf32, #tpu.memory_space<hbm>>
        %dma_wait3A_1505 = arith.constant 0 : i32
        %dma_wait3A_1506 = arith.constant 0 : i32
        %dma_wait3A_1507 = tpu.memref_slice %arg5[%add3A_1496, %dma_wait3A_1497, %add3A, %dma_wait3A_1505, %dma_wait3A_1506] : memref<200x4x32x8x128xf32, #tpu.memory_space<hbm>> -> memref<1x1x1x8x128xf32, #tpu.memory_space<hbm>>
        %dma_wait3A_1508 = tpu.memref_squeeze %dma_wait3A_1507 : memref<1x1x1x8x128xf32, #tpu.memory_space<hbm>> -> memref<8x128xf32, #tpu.memory_space<hbm>>
        %dma_wait3A_1509 = arith.constant 0 : i32
        %dma_wait3A_1510 = arith.constant 0 : i32
        %dma_wait3A_1511 = tpu.memref_slice %arg11[%dma_wait3A_1509, %dma_wait3A_1510] : memref<128x129xf32, #tpu.memory_space<vmem>> -> memref<8x128xf32, #tpu.memory_space<vmem>>
        tpu.wait_dma2 semaphore(%arg16 : memref<!tpu.dma_semaphore, #tpu.memory_space<semaphore_mem>>) src(%dma_wait3A_1511 : memref<8x128xf32, #tpu.memory_space<vmem>>) dst(%dma_wait3A_1508 : memref<8x128xf32, #tpu.memory_space<hbm>>)
        %mul3A_1512 = arith.constant 4 : i32
        %mul3A_1513 = arith.muli %sub3A_1492, %mul3A_1512 : i32
        %add3A_1514 = arith.constant 0 : i32
        %add3A_1515 = arith.addi %mul3A_1513, %add3A_1514 : i32
        %dma_wait3A_1516 = arith.constant 1 : i32
        %dma_wait3A_1517 = arith.constant 8 : i32
        %dma_wait3A_1518 = arith.constant 0 : i32
        %dma_wait3A_1519 = tpu.memref_slice %arg11[%dma_wait3A_1517, %dma_wait3A_1518] : memref<128x129xf32, #tpu.memory_space<vmem>> -> memref<8x128xf32, #tpu.memory_space<vmem>>
        %dma_wait3A_1520 = arith.constant 0 : i32
        %dma_wait3A_1521 = arith.constant 0 : i32
        %dma_wait3A_1522 = tpu.memref_slice %arg5[%add3A_1515, %dma_wait3A_1516, %add3A, %dma_wait3A_1520, %dma_wait3A_1521] : memref<200x4x32x8x128xf32, #tpu.memory_space<hbm>> -> memref<1x1x1x8x128xf32, #tpu.memory_space<hbm>>
        %dma_wait3A_1523 = tpu.memref_squeeze %dma_wait3A_1522 : memref<1x1x1x8x128xf32, #tpu.memory_space<hbm>> -> memref<8x128xf32, #tpu.memory_space<hbm>>
        %dma_wait3A_1524 = arith.constant 0 : i32
        %dma_wait3A_1525 = arith.constant 0 : i32
        %dma_wait3A_1526 = tpu.memref_slice %arg5[%add3A_1515, %dma_wait3A_1516, %add3A, %dma_wait3A_1524, %dma_wait3A_1525] : memref<200x4x32x8x128xf32, #tpu.memory_space<hbm>> -> memref<1x1x1x8x128xf32, #tpu.memory_space<hbm>>
        %dma_wait3A_1527 = tpu.memref_squeeze %dma_wait3A_1526 : memref<1x1x1x8x128xf32, #tpu.memory_space<hbm>> -> memref<8x128xf32, #tpu.memory_space<hbm>>
        %dma_wait3A_1528 = arith.constant 8 : i32
        %dma_wait3A_1529 = arith.constant 0 : i32
        %dma_wait3A_1530 = tpu.memref_slice %arg11[%dma_wait3A_1528, %dma_wait3A_1529] : memref<128x129xf32, #tpu.memory_space<vmem>> -> memref<8x128xf32, #tpu.memory_space<vmem>>
        tpu.wait_dma2 semaphore(%arg16 : memref<!tpu.dma_semaphore, #tpu.memory_space<semaphore_mem>>) src(%dma_wait3A_1530 : memref<8x128xf32, #tpu.memory_space<vmem>>) dst(%dma_wait3A_1527 : memref<8x128xf32, #tpu.memory_space<hbm>>)
        %mul3A_1531 = arith.constant 4 : i32
        %mul3A_1532 = arith.muli %sub3A_1492, %mul3A_1531 : i32
        %add3A_1533 = arith.constant 0 : i32
        %add3A_1534 = arith.addi %mul3A_1532, %add3A_1533 : i32
        %dma_wait3A_1535 = arith.constant 2 : i32
        %dma_wait3A_1536 = arith.constant 16 : i32
        %dma_wait3A_1537 = arith.constant 0 : i32
        %dma_wait3A_1538 = tpu.memref_slice %arg11[%dma_wait3A_1536, %dma_wait3A_1537] : memref<128x129xf32, #tpu.memory_space<vmem>> -> memref<8x128xf32, #tpu.memory_space<vmem>>
        %dma_wait3A_1539 = arith.constant 0 : i32
        %dma_wait3A_1540 = arith.constant 0 : i32
        %dma_wait3A_1541 = tpu.memref_slice %arg5[%add3A_1534, %dma_wait3A_1535, %add3A, %dma_wait3A_1539, %dma_wait3A_1540] : memref<200x4x32x8x128xf32, #tpu.memory_space<hbm>> -> memref<1x1x1x8x128xf32, #tpu.memory_space<hbm>>
        %dma_wait3A_1542 = tpu.memref_squeeze %dma_wait3A_1541 : memref<1x1x1x8x128xf32, #tpu.memory_space<hbm>> -> memref<8x128xf32, #tpu.memory_space<hbm>>
        %dma_wait3A_1543 = arith.constant 0 : i32
        %dma_wait3A_1544 = arith.constant 0 : i32
        %dma_wait3A_1545 = tpu.memref_slice %arg5[%add3A_1534, %dma_wait3A_1535, %add3A, %dma_wait3A_1543, %dma_wait3A_1544] : memref<200x4x32x8x128xf32, #tpu.memory_space<hbm>> -> memref<1x1x1x8x128xf32, #tpu.memory_space<hbm>>
        %dma_wait3A_1546 = tpu.memref_squeeze %dma_wait3A_1545 : memref<1x1x1x8x128xf32, #tpu.memory_space<hbm>> -> memref<8x128xf32, #tpu.memory_space<hbm>>
        %dma_wait3A_1547 = arith.constant 16 : i32
        %dma_wait3A_1548 = arith.constant 0 : i32
        %dma_wait3A_1549 = tpu.memref_slice %arg11[%dma_wait3A_1547, %dma_wait3A_1548] : memref<128x129xf32, #tpu.memory_space<vmem>> -> memref<8x128xf32, #tpu.memory_space<vmem>>
        tpu.wait_dma2 semaphore(%arg16 : memref<!tpu.dma_semaphore, #tpu.memory_space<semaphore_mem>>) src(%dma_wait3A_1549 : memref<8x128xf32, #tpu.memory_space<vmem>>) dst(%dma_wait3A_1546 : memref<8x128xf32, #tpu.memory_space<hbm>>)
        %mul3A_1550 = arith.constant 4 : i32
        %mul3A_1551 = arith.muli %sub3A_1492, %mul3A_1550 : i32
        %add3A_1552 = arith.constant 0 : i32
        %add3A_1553 = arith.addi %mul3A_1551, %add3A_1552 : i32
        %dma_wait3A_1554 = arith.constant 3 : i32
        %dma_wait3A_1555 = arith.constant 24 : i32
        %dma_wait3A_1556 = arith.constant 0 : i32
        %dma_wait3A_1557 = tpu.memref_slice %arg11[%dma_wait3A_1555, %dma_wait3A_1556] : memref<128x129xf32, #tpu.memory_space<vmem>> -> memref<8x128xf32, #tpu.memory_space<vmem>>
        %dma_wait3A_1558 = arith.constant 0 : i32
        %dma_wait3A_1559 = arith.constant 0 : i32
        %dma_wait3A_1560 = tpu.memref_slice %arg5[%add3A_1553, %dma_wait3A_1554, %add3A, %dma_wait3A_1558, %dma_wait3A_1559] : memref<200x4x32x8x128xf32, #tpu.memory_space<hbm>> -> memref<1x1x1x8x128xf32, #tpu.memory_space<hbm>>
        %dma_wait3A_1561 = tpu.memref_squeeze %dma_wait3A_1560 : memref<1x1x1x8x128xf32, #tpu.memory_space<hbm>> -> memref<8x128xf32, #tpu.memory_space<hbm>>
        %dma_wait3A_1562 = arith.constant 0 : i32
        %dma_wait3A_1563 = arith.constant 0 : i32
        %dma_wait3A_1564 = tpu.memref_slice %arg5[%add3A_1553, %dma_wait3A_1554, %add3A, %dma_wait3A_1562, %dma_wait3A_1563] : memref<200x4x32x8x128xf32, #tpu.memory_space<hbm>> -> memref<1x1x1x8x128xf32, #tpu.memory_space<hbm>>
        %dma_wait3A_1565 = tpu.memref_squeeze %dma_wait3A_1564 : memref<1x1x1x8x128xf32, #tpu.memory_space<hbm>> -> memref<8x128xf32, #tpu.memory_space<hbm>>
        %dma_wait3A_1566 = arith.constant 24 : i32
        %dma_wait3A_1567 = arith.constant 0 : i32
        %dma_wait3A_1568 = tpu.memref_slice %arg11[%dma_wait3A_1566, %dma_wait3A_1567] : memref<128x129xf32, #tpu.memory_space<vmem>> -> memref<8x128xf32, #tpu.memory_space<vmem>>
        tpu.wait_dma2 semaphore(%arg16 : memref<!tpu.dma_semaphore, #tpu.memory_space<semaphore_mem>>) src(%dma_wait3A_1568 : memref<8x128xf32, #tpu.memory_space<vmem>>) dst(%dma_wait3A_1565 : memref<8x128xf32, #tpu.memory_space<hbm>>)
        %mul3A_1569 = arith.constant 4 : i32
        %mul3A_1570 = arith.muli %sub3A_1492, %mul3A_1569 : i32
        %add3A_1571 = arith.constant 1 : i32
        %add3A_1572 = arith.addi %mul3A_1570, %add3A_1571 : i32
        %dma_wait3A_1573 = arith.constant 0 : i32
        %dma_wait3A_1574 = arith.constant 32 : i32
        %dma_wait3A_1575 = arith.constant 0 : i32
        %dma_wait3A_1576 = tpu.memref_slice %arg11[%dma_wait3A_1574, %dma_wait3A_1575] : memref<128x129xf32, #tpu.memory_space<vmem>> -> memref<8x128xf32, #tpu.memory_space<vmem>>
        %dma_wait3A_1577 = arith.constant 0 : i32
        %dma_wait3A_1578 = arith.constant 0 : i32
        %dma_wait3A_1579 = tpu.memref_slice %arg5[%add3A_1572, %dma_wait3A_1573, %add3A, %dma_wait3A_1577, %dma_wait3A_1578] : memref<200x4x32x8x128xf32, #tpu.memory_space<hbm>> -> memref<1x1x1x8x128xf32, #tpu.memory_space<hbm>>
        %dma_wait3A_1580 = tpu.memref_squeeze %dma_wait3A_1579 : memref<1x1x1x8x128xf32, #tpu.memory_space<hbm>> -> memref<8x128xf32, #tpu.memory_space<hbm>>
        %dma_wait3A_1581 = arith.constant 0 : i32
        %dma_wait3A_1582 = arith.constant 0 : i32
        %dma_wait3A_1583 = tpu.memref_slice %arg5[%add3A_1572, %dma_wait3A_1573, %add3A, %dma_wait3A_1581, %dma_wait3A_1582] : memref<200x4x32x8x128xf32, #tpu.memory_space<hbm>> -> memref<1x1x1x8x128xf32, #tpu.memory_space<hbm>>
        %dma_wait3A_1584 = tpu.memref_squeeze %dma_wait3A_1583 : memref<1x1x1x8x128xf32, #tpu.memory_space<hbm>> -> memref<8x128xf32, #tpu.memory_space<hbm>>
        %dma_wait3A_1585 = arith.constant 32 : i32
        %dma_wait3A_1586 = arith.constant 0 : i32
        %dma_wait3A_1587 = tpu.memref_slice %arg11[%dma_wait3A_1585, %dma_wait3A_1586] : memref<128x129xf32, #tpu.memory_space<vmem>> -> memref<8x128xf32, #tpu.memory_space<vmem>>
        tpu.wait_dma2 semaphore(%arg16 : memref<!tpu.dma_semaphore, #tpu.memory_space<semaphore_mem>>) src(%dma_wait3A_1587 : memref<8x128xf32, #tpu.memory_space<vmem>>) dst(%dma_wait3A_1584 : memref<8x128xf32, #tpu.memory_space<hbm>>)
        %mul3A_1588 = arith.constant 4 : i32
        %mul3A_1589 = arith.muli %sub3A_1492, %mul3A_1588 : i32
        %add3A_1590 = arith.constant 1 : i32
        %add3A_1591 = arith.addi %mul3A_1589, %add3A_1590 : i32
        %dma_wait3A_1592 = arith.constant 1 : i32
        %dma_wait3A_1593 = arith.constant 40 : i32
        %dma_wait3A_1594 = arith.constant 0 : i32
        %dma_wait3A_1595 = tpu.memref_slice %arg11[%dma_wait3A_1593, %dma_wait3A_1594] : memref<128x129xf32, #tpu.memory_space<vmem>> -> memref<8x128xf32, #tpu.memory_space<vmem>>
        %dma_wait3A_1596 = arith.constant 0 : i32
        %dma_wait3A_1597 = arith.constant 0 : i32
        %dma_wait3A_1598 = tpu.memref_slice %arg5[%add3A_1591, %dma_wait3A_1592, %add3A, %dma_wait3A_1596, %dma_wait3A_1597] : memref<200x4x32x8x128xf32, #tpu.memory_space<hbm>> -> memref<1x1x1x8x128xf32, #tpu.memory_space<hbm>>
        %dma_wait3A_1599 = tpu.memref_squeeze %dma_wait3A_1598 : memref<1x1x1x8x128xf32, #tpu.memory_space<hbm>> -> memref<8x128xf32, #tpu.memory_space<hbm>>
        %dma_wait3A_1600 = arith.constant 0 : i32
        %dma_wait3A_1601 = arith.constant 0 : i32
        %dma_wait3A_1602 = tpu.memref_slice %arg5[%add3A_1591, %dma_wait3A_1592, %add3A, %dma_wait3A_1600, %dma_wait3A_1601] : memref<200x4x32x8x128xf32, #tpu.memory_space<hbm>> -> memref<1x1x1x8x128xf32, #tpu.memory_space<hbm>>
        %dma_wait3A_1603 = tpu.memref_squeeze %dma_wait3A_1602 : memref<1x1x1x8x128xf32, #tpu.memory_space<hbm>> -> memref<8x128xf32, #tpu.memory_space<hbm>>
        %dma_wait3A_1604 = arith.constant 40 : i32
        %dma_wait3A_1605 = arith.constant 0 : i32
        %dma_wait3A_1606 = tpu.memref_slice %arg11[%dma_wait3A_1604, %dma_wait3A_1605] : memref<128x129xf32, #tpu.memory_space<vmem>> -> memref<8x128xf32, #tpu.memory_space<vmem>>
        tpu.wait_dma2 semaphore(%arg16 : memref<!tpu.dma_semaphore, #tpu.memory_space<semaphore_mem>>) src(%dma_wait3A_1606 : memref<8x128xf32, #tpu.memory_space<vmem>>) dst(%dma_wait3A_1603 : memref<8x128xf32, #tpu.memory_space<hbm>>)
        %mul3A_1607 = arith.constant 4 : i32
        %mul3A_1608 = arith.muli %sub3A_1492, %mul3A_1607 : i32
        %add3A_1609 = arith.constant 1 : i32
        %add3A_1610 = arith.addi %mul3A_1608, %add3A_1609 : i32
        %dma_wait3A_1611 = arith.constant 2 : i32
        %dma_wait3A_1612 = arith.constant 48 : i32
        %dma_wait3A_1613 = arith.constant 0 : i32
        %dma_wait3A_1614 = tpu.memref_slice %arg11[%dma_wait3A_1612, %dma_wait3A_1613] : memref<128x129xf32, #tpu.memory_space<vmem>> -> memref<8x128xf32, #tpu.memory_space<vmem>>
        %dma_wait3A_1615 = arith.constant 0 : i32
        %dma_wait3A_1616 = arith.constant 0 : i32
        %dma_wait3A_1617 = tpu.memref_slice %arg5[%add3A_1610, %dma_wait3A_1611, %add3A, %dma_wait3A_1615, %dma_wait3A_1616] : memref<200x4x32x8x128xf32, #tpu.memory_space<hbm>> -> memref<1x1x1x8x128xf32, #tpu.memory_space<hbm>>
        %dma_wait3A_1618 = tpu.memref_squeeze %dma_wait3A_1617 : memref<1x1x1x8x128xf32, #tpu.memory_space<hbm>> -> memref<8x128xf32, #tpu.memory_space<hbm>>
        %dma_wait3A_1619 = arith.constant 0 : i32
        %dma_wait3A_1620 = arith.constant 0 : i32
        %dma_wait3A_1621 = tpu.memref_slice %arg5[%add3A_1610, %dma_wait3A_1611, %add3A, %dma_wait3A_1619, %dma_wait3A_1620] : memref<200x4x32x8x128xf32, #tpu.memory_space<hbm>> -> memref<1x1x1x8x128xf32, #tpu.memory_space<hbm>>
        %dma_wait3A_1622 = tpu.memref_squeeze %dma_wait3A_1621 : memref<1x1x1x8x128xf32, #tpu.memory_space<hbm>> -> memref<8x128xf32, #tpu.memory_space<hbm>>
        %dma_wait3A_1623 = arith.constant 48 : i32
        %dma_wait3A_1624 = arith.constant 0 : i32
        %dma_wait3A_1625 = tpu.memref_slice %arg11[%dma_wait3A_1623, %dma_wait3A_1624] : memref<128x129xf32, #tpu.memory_space<vmem>> -> memref<8x128xf32, #tpu.memory_space<vmem>>
        tpu.wait_dma2 semaphore(%arg16 : memref<!tpu.dma_semaphore, #tpu.memory_space<semaphore_mem>>) src(%dma_wait3A_1625 : memref<8x128xf32, #tpu.memory_space<vmem>>) dst(%dma_wait3A_1622 : memref<8x128xf32, #tpu.memory_space<hbm>>)
        %mul3A_1626 = arith.constant 4 : i32
        %mul3A_1627 = arith.muli %sub3A_1492, %mul3A_1626 : i32
        %add3A_1628 = arith.constant 1 : i32
        %add3A_1629 = arith.addi %mul3A_1627, %add3A_1628 : i32
        %dma_wait3A_1630 = arith.constant 3 : i32
        %dma_wait3A_1631 = arith.constant 56 : i32
        %dma_wait3A_1632 = arith.constant 0 : i32
        %dma_wait3A_1633 = tpu.memref_slice %arg11[%dma_wait3A_1631, %dma_wait3A_1632] : memref<128x129xf32, #tpu.memory_space<vmem>> -> memref<8x128xf32, #tpu.memory_space<vmem>>
        %dma_wait3A_1634 = arith.constant 0 : i32
        %dma_wait3A_1635 = arith.constant 0 : i32
        %dma_wait3A_1636 = tpu.memref_slice %arg5[%add3A_1629, %dma_wait3A_1630, %add3A, %dma_wait3A_1634, %dma_wait3A_1635] : memref<200x4x32x8x128xf32, #tpu.memory_space<hbm>> -> memref<1x1x1x8x128xf32, #tpu.memory_space<hbm>>
        %dma_wait3A_1637 = tpu.memref_squeeze %dma_wait3A_1636 : memref<1x1x1x8x128xf32, #tpu.memory_space<hbm>> -> memref<8x128xf32, #tpu.memory_space<hbm>>
        %dma_wait3A_1638 = arith.constant 0 : i32
        %dma_wait3A_1639 = arith.constant 0 : i32
        %dma_wait3A_1640 = tpu.memref_slice %arg5[%add3A_1629, %dma_wait3A_1630, %add3A, %dma_wait3A_1638, %dma_wait3A_1639] : memref<200x4x32x8x128xf32, #tpu.memory_space<hbm>> -> memref<1x1x1x8x128xf32, #tpu.memory_space<hbm>>
        %dma_wait3A_1641 = tpu.memref_squeeze %dma_wait3A_1640 : memref<1x1x1x8x128xf32, #tpu.memory_space<hbm>> -> memref<8x128xf32, #tpu.memory_space<hbm>>
        %dma_wait3A_1642 = arith.constant 56 : i32
        %dma_wait3A_1643 = arith.constant 0 : i32
        %dma_wait3A_1644 = tpu.memref_slice %arg11[%dma_wait3A_1642, %dma_wait3A_1643] : memref<128x129xf32, #tpu.memory_space<vmem>> -> memref<8x128xf32, #tpu.memory_space<vmem>>
        tpu.wait_dma2 semaphore(%arg16 : memref<!tpu.dma_semaphore, #tpu.memory_space<semaphore_mem>>) src(%dma_wait3A_1644 : memref<8x128xf32, #tpu.memory_space<vmem>>) dst(%dma_wait3A_1641 : memref<8x128xf32, #tpu.memory_space<hbm>>)
        %mul3A_1645 = arith.constant 4 : i32
        %mul3A_1646 = arith.muli %sub3A_1492, %mul3A_1645 : i32
        %add3A_1647 = arith.constant 2 : i32
        %add3A_1648 = arith.addi %mul3A_1646, %add3A_1647 : i32
        %dma_wait3A_1649 = arith.constant 0 : i32
        %dma_wait3A_1650 = arith.constant 64 : i32
        %dma_wait3A_1651 = arith.constant 0 : i32
        %dma_wait3A_1652 = tpu.memref_slice %arg11[%dma_wait3A_1650, %dma_wait3A_1651] : memref<128x129xf32, #tpu.memory_space<vmem>> -> memref<8x128xf32, #tpu.memory_space<vmem>>
        %dma_wait3A_1653 = arith.constant 0 : i32
        %dma_wait3A_1654 = arith.constant 0 : i32
        %dma_wait3A_1655 = tpu.memref_slice %arg5[%add3A_1648, %dma_wait3A_1649, %add3A, %dma_wait3A_1653, %dma_wait3A_1654] : memref<200x4x32x8x128xf32, #tpu.memory_space<hbm>> -> memref<1x1x1x8x128xf32, #tpu.memory_space<hbm>>
        %dma_wait3A_1656 = tpu.memref_squeeze %dma_wait3A_1655 : memref<1x1x1x8x128xf32, #tpu.memory_space<hbm>> -> memref<8x128xf32, #tpu.memory_space<hbm>>
        %dma_wait3A_1657 = arith.constant 0 : i32
        %dma_wait3A_1658 = arith.constant 0 : i32
        %dma_wait3A_1659 = tpu.memref_slice %arg5[%add3A_1648, %dma_wait3A_1649, %add3A, %dma_wait3A_1657, %dma_wait3A_1658] : memref<200x4x32x8x128xf32, #tpu.memory_space<hbm>> -> memref<1x1x1x8x128xf32, #tpu.memory_space<hbm>>
        %dma_wait3A_1660 = tpu.memref_squeeze %dma_wait3A_1659 : memref<1x1x1x8x128xf32, #tpu.memory_space<hbm>> -> memref<8x128xf32, #tpu.memory_space<hbm>>
        %dma_wait3A_1661 = arith.constant 64 : i32
        %dma_wait3A_1662 = arith.constant 0 : i32
        %dma_wait3A_1663 = tpu.memref_slice %arg11[%dma_wait3A_1661, %dma_wait3A_1662] : memref<128x129xf32, #tpu.memory_space<vmem>> -> memref<8x128xf32, #tpu.memory_space<vmem>>
        tpu.wait_dma2 semaphore(%arg16 : memref<!tpu.dma_semaphore, #tpu.memory_space<semaphore_mem>>) src(%dma_wait3A_1663 : memref<8x128xf32, #tpu.memory_space<vmem>>) dst(%dma_wait3A_1660 : memref<8x128xf32, #tpu.memory_space<hbm>>)
        %mul3A_1664 = arith.constant 4 : i32
        %mul3A_1665 = arith.muli %sub3A_1492, %mul3A_1664 : i32
        %add3A_1666 = arith.constant 2 : i32
        %add3A_1667 = arith.addi %mul3A_1665, %add3A_1666 : i32
        %dma_wait3A_1668 = arith.constant 1 : i32
        %dma_wait3A_1669 = arith.constant 72 : i32
        %dma_wait3A_1670 = arith.constant 0 : i32
        %dma_wait3A_1671 = tpu.memref_slice %arg11[%dma_wait3A_1669, %dma_wait3A_1670] : memref<128x129xf32, #tpu.memory_space<vmem>> -> memref<8x128xf32, #tpu.memory_space<vmem>>
        %dma_wait3A_1672 = arith.constant 0 : i32
        %dma_wait3A_1673 = arith.constant 0 : i32
        %dma_wait3A_1674 = tpu.memref_slice %arg5[%add3A_1667, %dma_wait3A_1668, %add3A, %dma_wait3A_1672, %dma_wait3A_1673] : memref<200x4x32x8x128xf32, #tpu.memory_space<hbm>> -> memref<1x1x1x8x128xf32, #tpu.memory_space<hbm>>
        %dma_wait3A_1675 = tpu.memref_squeeze %dma_wait3A_1674 : memref<1x1x1x8x128xf32, #tpu.memory_space<hbm>> -> memref<8x128xf32, #tpu.memory_space<hbm>>
        %dma_wait3A_1676 = arith.constant 0 : i32
        %dma_wait3A_1677 = arith.constant 0 : i32
        %dma_wait3A_1678 = tpu.memref_slice %arg5[%add3A_1667, %dma_wait3A_1668, %add3A, %dma_wait3A_1676, %dma_wait3A_1677] : memref<200x4x32x8x128xf32, #tpu.memory_space<hbm>> -> memref<1x1x1x8x128xf32, #tpu.memory_space<hbm>>
        %dma_wait3A_1679 = tpu.memref_squeeze %dma_wait3A_1678 : memref<1x1x1x8x128xf32, #tpu.memory_space<hbm>> -> memref<8x128xf32, #tpu.memory_space<hbm>>
        %dma_wait3A_1680 = arith.constant 72 : i32
        %dma_wait3A_1681 = arith.constant 0 : i32
        %dma_wait3A_1682 = tpu.memref_slice %arg11[%dma_wait3A_1680, %dma_wait3A_1681] : memref<128x129xf32, #tpu.memory_space<vmem>> -> memref<8x128xf32, #tpu.memory_space<vmem>>
        tpu.wait_dma2 semaphore(%arg16 : memref<!tpu.dma_semaphore, #tpu.memory_space<semaphore_mem>>) src(%dma_wait3A_1682 : memref<8x128xf32, #tpu.memory_space<vmem>>) dst(%dma_wait3A_1679 : memref<8x128xf32, #tpu.memory_space<hbm>>)
        %mul3A_1683 = arith.constant 4 : i32
        %mul3A_1684 = arith.muli %sub3A_1492, %mul3A_1683 : i32
        %add3A_1685 = arith.constant 2 : i32
        %add3A_1686 = arith.addi %mul3A_1684, %add3A_1685 : i32
        %dma_wait3A_1687 = arith.constant 2 : i32
        %dma_wait3A_1688 = arith.constant 80 : i32
        %dma_wait3A_1689 = arith.constant 0 : i32
        %dma_wait3A_1690 = tpu.memref_slice %arg11[%dma_wait3A_1688, %dma_wait3A_1689] : memref<128x129xf32, #tpu.memory_space<vmem>> -> memref<8x128xf32, #tpu.memory_space<vmem>>
        %dma_wait3A_1691 = arith.constant 0 : i32
        %dma_wait3A_1692 = arith.constant 0 : i32
        %dma_wait3A_1693 = tpu.memref_slice %arg5[%add3A_1686, %dma_wait3A_1687, %add3A, %dma_wait3A_1691, %dma_wait3A_1692] : memref<200x4x32x8x128xf32, #tpu.memory_space<hbm>> -> memref<1x1x1x8x128xf32, #tpu.memory_space<hbm>>
        %dma_wait3A_1694 = tpu.memref_squeeze %dma_wait3A_1693 : memref<1x1x1x8x128xf32, #tpu.memory_space<hbm>> -> memref<8x128xf32, #tpu.memory_space<hbm>>
        %dma_wait3A_1695 = arith.constant 0 : i32
        %dma_wait3A_1696 = arith.constant 0 : i32
        %dma_wait3A_1697 = tpu.memref_slice %arg5[%add3A_1686, %dma_wait3A_1687, %add3A, %dma_wait3A_1695, %dma_wait3A_1696] : memref<200x4x32x8x128xf32, #tpu.memory_space<hbm>> -> memref<1x1x1x8x128xf32, #tpu.memory_space<hbm>>
        %dma_wait3A_1698 = tpu.memref_squeeze %dma_wait3A_1697 : memref<1x1x1x8x128xf32, #tpu.memory_space<hbm>> -> memref<8x128xf32, #tpu.memory_space<hbm>>
        %dma_wait3A_1699 = arith.constant 80 : i32
        %dma_wait3A_1700 = arith.constant 0 : i32
        %dma_wait3A_1701 = tpu.memref_slice %arg11[%dma_wait3A_1699, %dma_wait3A_1700] : memref<128x129xf32, #tpu.memory_space<vmem>> -> memref<8x128xf32, #tpu.memory_space<vmem>>
        tpu.wait_dma2 semaphore(%arg16 : memref<!tpu.dma_semaphore, #tpu.memory_space<semaphore_mem>>) src(%dma_wait3A_1701 : memref<8x128xf32, #tpu.memory_space<vmem>>) dst(%dma_wait3A_1698 : memref<8x128xf32, #tpu.memory_space<hbm>>)
        %mul3A_1702 = arith.constant 4 : i32
        %mul3A_1703 = arith.muli %sub3A_1492, %mul3A_1702 : i32
        %add3A_1704 = arith.constant 2 : i32
        %add3A_1705 = arith.addi %mul3A_1703, %add3A_1704 : i32
        %dma_wait3A_1706 = arith.constant 3 : i32
        %dma_wait3A_1707 = arith.constant 88 : i32
        %dma_wait3A_1708 = arith.constant 0 : i32
        %dma_wait3A_1709 = tpu.memref_slice %arg11[%dma_wait3A_1707, %dma_wait3A_1708] : memref<128x129xf32, #tpu.memory_space<vmem>> -> memref<8x128xf32, #tpu.memory_space<vmem>>
        %dma_wait3A_1710 = arith.constant 0 : i32
        %dma_wait3A_1711 = arith.constant 0 : i32
        %dma_wait3A_1712 = tpu.memref_slice %arg5[%add3A_1705, %dma_wait3A_1706, %add3A, %dma_wait3A_1710, %dma_wait3A_1711] : memref<200x4x32x8x128xf32, #tpu.memory_space<hbm>> -> memref<1x1x1x8x128xf32, #tpu.memory_space<hbm>>
        %dma_wait3A_1713 = tpu.memref_squeeze %dma_wait3A_1712 : memref<1x1x1x8x128xf32, #tpu.memory_space<hbm>> -> memref<8x128xf32, #tpu.memory_space<hbm>>
        %dma_wait3A_1714 = arith.constant 0 : i32
        %dma_wait3A_1715 = arith.constant 0 : i32
        %dma_wait3A_1716 = tpu.memref_slice %arg5[%add3A_1705, %dma_wait3A_1706, %add3A, %dma_wait3A_1714, %dma_wait3A_1715] : memref<200x4x32x8x128xf32, #tpu.memory_space<hbm>> -> memref<1x1x1x8x128xf32, #tpu.memory_space<hbm>>
        %dma_wait3A_1717 = tpu.memref_squeeze %dma_wait3A_1716 : memref<1x1x1x8x128xf32, #tpu.memory_space<hbm>> -> memref<8x128xf32, #tpu.memory_space<hbm>>
        %dma_wait3A_1718 = arith.constant 88 : i32
        %dma_wait3A_1719 = arith.constant 0 : i32
        %dma_wait3A_1720 = tpu.memref_slice %arg11[%dma_wait3A_1718, %dma_wait3A_1719] : memref<128x129xf32, #tpu.memory_space<vmem>> -> memref<8x128xf32, #tpu.memory_space<vmem>>
        tpu.wait_dma2 semaphore(%arg16 : memref<!tpu.dma_semaphore, #tpu.memory_space<semaphore_mem>>) src(%dma_wait3A_1720 : memref<8x128xf32, #tpu.memory_space<vmem>>) dst(%dma_wait3A_1717 : memref<8x128xf32, #tpu.memory_space<hbm>>)
        %mul3A_1721 = arith.constant 4 : i32
        %mul3A_1722 = arith.muli %sub3A_1492, %mul3A_1721 : i32
        %add3A_1723 = arith.constant 3 : i32
        %add3A_1724 = arith.addi %mul3A_1722, %add3A_1723 : i32
        %dma_wait3A_1725 = arith.constant 0 : i32
        %dma_wait3A_1726 = arith.constant 96 : i32
        %dma_wait3A_1727 = arith.constant 0 : i32
        %dma_wait3A_1728 = tpu.memref_slice %arg11[%dma_wait3A_1726, %dma_wait3A_1727] : memref<128x129xf32, #tpu.memory_space<vmem>> -> memref<8x128xf32, #tpu.memory_space<vmem>>
        %dma_wait3A_1729 = arith.constant 0 : i32
        %dma_wait3A_1730 = arith.constant 0 : i32
        %dma_wait3A_1731 = tpu.memref_slice %arg5[%add3A_1724, %dma_wait3A_1725, %add3A, %dma_wait3A_1729, %dma_wait3A_1730] : memref<200x4x32x8x128xf32, #tpu.memory_space<hbm>> -> memref<1x1x1x8x128xf32, #tpu.memory_space<hbm>>
        %dma_wait3A_1732 = tpu.memref_squeeze %dma_wait3A_1731 : memref<1x1x1x8x128xf32, #tpu.memory_space<hbm>> -> memref<8x128xf32, #tpu.memory_space<hbm>>
        %dma_wait3A_1733 = arith.constant 0 : i32
        %dma_wait3A_1734 = arith.constant 0 : i32
        %dma_wait3A_1735 = tpu.memref_slice %arg5[%add3A_1724, %dma_wait3A_1725, %add3A, %dma_wait3A_1733, %dma_wait3A_1734] : memref<200x4x32x8x128xf32, #tpu.memory_space<hbm>> -> memref<1x1x1x8x128xf32, #tpu.memory_space<hbm>>
        %dma_wait3A_1736 = tpu.memref_squeeze %dma_wait3A_1735 : memref<1x1x1x8x128xf32, #tpu.memory_space<hbm>> -> memref<8x128xf32, #tpu.memory_space<hbm>>
        %dma_wait3A_1737 = arith.constant 96 : i32
        %dma_wait3A_1738 = arith.constant 0 : i32
        %dma_wait3A_1739 = tpu.memref_slice %arg11[%dma_wait3A_1737, %dma_wait3A_1738] : memref<128x129xf32, #tpu.memory_space<vmem>> -> memref<8x128xf32, #tpu.memory_space<vmem>>
        tpu.wait_dma2 semaphore(%arg16 : memref<!tpu.dma_semaphore, #tpu.memory_space<semaphore_mem>>) src(%dma_wait3A_1739 : memref<8x128xf32, #tpu.memory_space<vmem>>) dst(%dma_wait3A_1736 : memref<8x128xf32, #tpu.memory_space<hbm>>)
        %mul3A_1740 = arith.constant 4 : i32
        %mul3A_1741 = arith.muli %sub3A_1492, %mul3A_1740 : i32
        %add3A_1742 = arith.constant 3 : i32
        %add3A_1743 = arith.addi %mul3A_1741, %add3A_1742 : i32
        %dma_wait3A_1744 = arith.constant 1 : i32
        %dma_wait3A_1745 = arith.constant 104 : i32
        %dma_wait3A_1746 = arith.constant 0 : i32
        %dma_wait3A_1747 = tpu.memref_slice %arg11[%dma_wait3A_1745, %dma_wait3A_1746] : memref<128x129xf32, #tpu.memory_space<vmem>> -> memref<8x128xf32, #tpu.memory_space<vmem>>
        %dma_wait3A_1748 = arith.constant 0 : i32
        %dma_wait3A_1749 = arith.constant 0 : i32
        %dma_wait3A_1750 = tpu.memref_slice %arg5[%add3A_1743, %dma_wait3A_1744, %add3A, %dma_wait3A_1748, %dma_wait3A_1749] : memref<200x4x32x8x128xf32, #tpu.memory_space<hbm>> -> memref<1x1x1x8x128xf32, #tpu.memory_space<hbm>>
        %dma_wait3A_1751 = tpu.memref_squeeze %dma_wait3A_1750 : memref<1x1x1x8x128xf32, #tpu.memory_space<hbm>> -> memref<8x128xf32, #tpu.memory_space<hbm>>
        %dma_wait3A_1752 = arith.constant 0 : i32
        %dma_wait3A_1753 = arith.constant 0 : i32
        %dma_wait3A_1754 = tpu.memref_slice %arg5[%add3A_1743, %dma_wait3A_1744, %add3A, %dma_wait3A_1752, %dma_wait3A_1753] : memref<200x4x32x8x128xf32, #tpu.memory_space<hbm>> -> memref<1x1x1x8x128xf32, #tpu.memory_space<hbm>>
        %dma_wait3A_1755 = tpu.memref_squeeze %dma_wait3A_1754 : memref<1x1x1x8x128xf32, #tpu.memory_space<hbm>> -> memref<8x128xf32, #tpu.memory_space<hbm>>
        %dma_wait3A_1756 = arith.constant 104 : i32
        %dma_wait3A_1757 = arith.constant 0 : i32
        %dma_wait3A_1758 = tpu.memref_slice %arg11[%dma_wait3A_1756, %dma_wait3A_1757] : memref<128x129xf32, #tpu.memory_space<vmem>> -> memref<8x128xf32, #tpu.memory_space<vmem>>
        tpu.wait_dma2 semaphore(%arg16 : memref<!tpu.dma_semaphore, #tpu.memory_space<semaphore_mem>>) src(%dma_wait3A_1758 : memref<8x128xf32, #tpu.memory_space<vmem>>) dst(%dma_wait3A_1755 : memref<8x128xf32, #tpu.memory_space<hbm>>)
        %mul3A_1759 = arith.constant 4 : i32
        %mul3A_1760 = arith.muli %sub3A_1492, %mul3A_1759 : i32
        %add3A_1761 = arith.constant 3 : i32
        %add3A_1762 = arith.addi %mul3A_1760, %add3A_1761 : i32
        %dma_wait3A_1763 = arith.constant 2 : i32
        %dma_wait3A_1764 = arith.constant 112 : i32
        %dma_wait3A_1765 = arith.constant 0 : i32
        %dma_wait3A_1766 = tpu.memref_slice %arg11[%dma_wait3A_1764, %dma_wait3A_1765] : memref<128x129xf32, #tpu.memory_space<vmem>> -> memref<8x128xf32, #tpu.memory_space<vmem>>
        %dma_wait3A_1767 = arith.constant 0 : i32
        %dma_wait3A_1768 = arith.constant 0 : i32
        %dma_wait3A_1769 = tpu.memref_slice %arg5[%add3A_1762, %dma_wait3A_1763, %add3A, %dma_wait3A_1767, %dma_wait3A_1768] : memref<200x4x32x8x128xf32, #tpu.memory_space<hbm>> -> memref<1x1x1x8x128xf32, #tpu.memory_space<hbm>>
        %dma_wait3A_1770 = tpu.memref_squeeze %dma_wait3A_1769 : memref<1x1x1x8x128xf32, #tpu.memory_space<hbm>> -> memref<8x128xf32, #tpu.memory_space<hbm>>
        %dma_wait3A_1771 = arith.constant 0 : i32
        %dma_wait3A_1772 = arith.constant 0 : i32
        %dma_wait3A_1773 = tpu.memref_slice %arg5[%add3A_1762, %dma_wait3A_1763, %add3A, %dma_wait3A_1771, %dma_wait3A_1772] : memref<200x4x32x8x128xf32, #tpu.memory_space<hbm>> -> memref<1x1x1x8x128xf32, #tpu.memory_space<hbm>>
        %dma_wait3A_1774 = tpu.memref_squeeze %dma_wait3A_1773 : memref<1x1x1x8x128xf32, #tpu.memory_space<hbm>> -> memref<8x128xf32, #tpu.memory_space<hbm>>
        %dma_wait3A_1775 = arith.constant 112 : i32
        %dma_wait3A_1776 = arith.constant 0 : i32
        %dma_wait3A_1777 = tpu.memref_slice %arg11[%dma_wait3A_1775, %dma_wait3A_1776] : memref<128x129xf32, #tpu.memory_space<vmem>> -> memref<8x128xf32, #tpu.memory_space<vmem>>
        tpu.wait_dma2 semaphore(%arg16 : memref<!tpu.dma_semaphore, #tpu.memory_space<semaphore_mem>>) src(%dma_wait3A_1777 : memref<8x128xf32, #tpu.memory_space<vmem>>) dst(%dma_wait3A_1774 : memref<8x128xf32, #tpu.memory_space<hbm>>)
        %mul3A_1778 = arith.constant 4 : i32
        %mul3A_1779 = arith.muli %sub3A_1492, %mul3A_1778 : i32
        %add3A_1780 = arith.constant 3 : i32
        %add3A_1781 = arith.addi %mul3A_1779, %add3A_1780 : i32
        %dma_wait3A_1782 = arith.constant 3 : i32
        %dma_wait3A_1783 = arith.constant 120 : i32
        %dma_wait3A_1784 = arith.constant 0 : i32
        %dma_wait3A_1785 = tpu.memref_slice %arg11[%dma_wait3A_1783, %dma_wait3A_1784] : memref<128x129xf32, #tpu.memory_space<vmem>> -> memref<8x128xf32, #tpu.memory_space<vmem>>
        %dma_wait3A_1786 = arith.constant 0 : i32
        %dma_wait3A_1787 = arith.constant 0 : i32
        %dma_wait3A_1788 = tpu.memref_slice %arg5[%add3A_1781, %dma_wait3A_1782, %add3A, %dma_wait3A_1786, %dma_wait3A_1787] : memref<200x4x32x8x128xf32, #tpu.memory_space<hbm>> -> memref<1x1x1x8x128xf32, #tpu.memory_space<hbm>>
        %dma_wait3A_1789 = tpu.memref_squeeze %dma_wait3A_1788 : memref<1x1x1x8x128xf32, #tpu.memory_space<hbm>> -> memref<8x128xf32, #tpu.memory_space<hbm>>
        %dma_wait3A_1790 = arith.constant 0 : i32
        %dma_wait3A_1791 = arith.constant 0 : i32
        %dma_wait3A_1792 = tpu.memref_slice %arg5[%add3A_1781, %dma_wait3A_1782, %add3A, %dma_wait3A_1790, %dma_wait3A_1791] : memref<200x4x32x8x128xf32, #tpu.memory_space<hbm>> -> memref<1x1x1x8x128xf32, #tpu.memory_space<hbm>>
        %dma_wait3A_1793 = tpu.memref_squeeze %dma_wait3A_1792 : memref<1x1x1x8x128xf32, #tpu.memory_space<hbm>> -> memref<8x128xf32, #tpu.memory_space<hbm>>
        %dma_wait3A_1794 = arith.constant 120 : i32
        %dma_wait3A_1795 = arith.constant 0 : i32
        %dma_wait3A_1796 = tpu.memref_slice %arg11[%dma_wait3A_1794, %dma_wait3A_1795] : memref<128x129xf32, #tpu.memory_space<vmem>> -> memref<8x128xf32, #tpu.memory_space<vmem>>
        tpu.wait_dma2 semaphore(%arg16 : memref<!tpu.dma_semaphore, #tpu.memory_space<semaphore_mem>>) src(%dma_wait3A_1796 : memref<8x128xf32, #tpu.memory_space<vmem>>) dst(%dma_wait3A_1793 : memref<8x128xf32, #tpu.memory_space<hbm>>)
      } else {
      }
      %mul3A_1100 = arith.constant 4 : i32
      %mul3A_1101 = arith.muli %add3A_1032, %mul3A_1100 : i32
      %add3A_1102 = arith.constant 0 : i32
      %add3A_1103 = arith.addi %mul3A_1101, %add3A_1102 : i32
      %get3A_1104 = arith.index_cast %add3A_1103 : i32 to index
      %get3A_1105 = arith.constant 0 : index
      %get3A_1106 = tpu.vector_load %arg12[%get3A_1104, %get3A_1105] {strides = array<i32>} : memref<200x32xf32, #tpu.memory_space<vmem>>, vector<16xf32>,
      %get3A_1107 = arith.index_cast %add3A_1103 : i32 to index
      %get3A_1108 = arith.constant 16 : index
      %get3A_1109 = tpu.vector_load %arg12[%get3A_1107, %get3A_1108] {strides = array<i32>} : memref<200x32xf32, #tpu.memory_space<vmem>>, vector<16xf32>,
      %add3A_1110 = arith.constant 0 : i32
      %add3A_1111 = vector.broadcast %add3A_1110 : i32 to vector<16xi32>
      %add3A_1112 = arith.addi %iota3A, %add3A_1111 : vector<16xi32>
      %add3A_1113 = arith.constant 16 : i32
      %add3A_1114 = vector.broadcast %add3A_1113 : i32 to vector<16xi32>
      %add3A_1115 = arith.addi %add3A_1112, %add3A_1114 : vector<16xi32>
      %scan3A_1116 = arith.constant 0 : i32
      %scan3A_1117 = arith.constant 0 : i32
      %scan3A_1118 = arith.constant 32 : i32
      %scan3A_1119 = arith.addi %scan3A_1117, %scan3A_1118 : i32
      %scan3A_1120 = arith.constant 1 : i32
      scf.for %scan3A_1492 = %scan3A_1117 to %scan3A_1119 step %scan3A_1120  : i32 {
        %mul3A_1493 = arith.constant 4 : i32
        %mul3A_1494 = arith.muli %scan3A_1492, %mul3A_1493 : i32
        %add3A_1495 = arith.constant 0 : i32
        %add3A_1496 = arith.addi %mul3A_1494, %add3A_1495 : i32
        %broadcast_in_dim3A = vector.broadcast %add3A_1496 : i32 to vector<16xi32>
        %get3A_1497 = arith.constant 0 : i32
        %get3A_1498 = arith.index_cast %get3A_1497 : i32 to index
        %get3A_1499 = arith.index_cast %add3A_1496 : i32 to index
        %get3A_1500 = arith.constant 0 : index
        %get3A_1501 = tpu.vector_load %arg9[%get3A_1498, %get3A_1499, %get3A_1500] {strides = array<i32>} : memref<4x128x32xf32, #tpu.memory_space<vmem>>, vector<16xf32>,
        %add3A_1502 = arith.addf %get3A_1501, %get3A_1106 : vector<16xf32>
        %get3A_1503 = arith.constant 0 : i32
        %get3A_1504 = arith.index_cast %get3A_1503 : i32 to index
        %get3A_1505 = arith.index_cast %add3A_1496 : i32 to index
        %get3A_1506 = arith.constant 16 : index
        %get3A_1507 = tpu.vector_load %arg9[%get3A_1504, %get3A_1505, %get3A_1506] {strides = array<i32>} : memref<4x128x32xf32, #tpu.memory_space<vmem>>, vector<16xf32>,
        %add3A_1508 = arith.addf %get3A_1507, %get3A_1109 : vector<16xf32>
        tpu.vector_store_idx %arg11[%add3A_1112, %broadcast_in_dim3A], %add3A_1502 : memref<128x129xf32, #tpu.memory_space<vmem>>[vector<16xi32>, vector<16xi32>], vector<16xf32>,
        tpu.vector_store_idx %arg11[%add3A_1115, %broadcast_in_dim3A], %add3A_1508 : memref<128x129xf32, #tpu.memory_space<vmem>>[vector<16xi32>, vector<16xi32>], vector<16xf32>,
        %mul3A_1509 = arith.constant 4 : i32
        %mul3A_1510 = arith.muli %scan3A_1492, %mul3A_1509 : i32
        %add3A_1511 = arith.constant 1 : i32
        %add3A_1512 = arith.addi %mul3A_1510, %add3A_1511 : i32
        %broadcast_in_dim3A_1513 = vector.broadcast %add3A_1512 : i32 to vector<16xi32>
        %get3A_1514 = arith.constant 0 : i32
        %get3A_1515 = arith.index_cast %get3A_1514 : i32 to index
        %get3A_1516 = arith.index_cast %add3A_1512 : i32 to index
        %get3A_1517 = arith.constant 0 : index
        %get3A_1518 = tpu.vector_load %arg9[%get3A_1515, %get3A_1516, %get3A_1517] {strides = array<i32>} : memref<4x128x32xf32, #tpu.memory_space<vmem>>, vector<16xf32>,
        %add3A_1519 = arith.addf %get3A_1518, %get3A_1106 : vector<16xf32>
        %get3A_1520 = arith.constant 0 : i32
        %get3A_1521 = arith.index_cast %get3A_1520 : i32 to index
        %get3A_1522 = arith.index_cast %add3A_1512 : i32 to index
        %get3A_1523 = arith.constant 16 : index
        %get3A_1524 = tpu.vector_load %arg9[%get3A_1521, %get3A_1522, %get3A_1523] {strides = array<i32>} : memref<4x128x32xf32, #tpu.memory_space<vmem>>, vector<16xf32>,
        %add3A_1525 = arith.addf %get3A_1524, %get3A_1109 : vector<16xf32>
        tpu.vector_store_idx %arg11[%add3A_1112, %broadcast_in_dim3A_1513], %add3A_1519 : memref<128x129xf32, #tpu.memory_space<vmem>>[vector<16xi32>, vector<16xi32>], vector<16xf32>,
        tpu.vector_store_idx %arg11[%add3A_1115, %broadcast_in_dim3A_1513], %add3A_1525 : memref<128x129xf32, #tpu.memory_space<vmem>>[vector<16xi32>, vector<16xi32>], vector<16xf32>,
        %mul3A_1526 = arith.constant 4 : i32
        %mul3A_1527 = arith.muli %scan3A_1492, %mul3A_1526 : i32
        %add3A_1528 = arith.constant 2 : i32
        %add3A_1529 = arith.addi %mul3A_1527, %add3A_1528 : i32
        %broadcast_in_dim3A_1530 = vector.broadcast %add3A_1529 : i32 to vector<16xi32>
        %get3A_1531 = arith.constant 0 : i32
        %get3A_1532 = arith.index_cast %get3A_1531 : i32 to index
        %get3A_1533 = arith.index_cast %add3A_1529 : i32 to index
        %get3A_1534 = arith.constant 0 : index
        %get3A_1535 = tpu.vector_load %arg9[%get3A_1532, %get3A_1533, %get3A_1534] {strides = array<i32>} : memref<4x128x32xf32, #tpu.memory_space<vmem>>, vector<16xf32>,
        %add3A_1536 = arith.addf %get3A_1535, %get3A_1106 : vector<16xf32>
        %get3A_1537 = arith.constant 0 : i32
        %get3A_1538 = arith.index_cast %get3A_1537 : i32 to index
        %get3A_1539 = arith.index_cast %add3A_1529 : i32 to index
        %get3A_1540 = arith.constant 16 : index
        %get3A_1541 = tpu.vector_load %arg9[%get3A_1538, %get3A_1539, %get3A_1540] {strides = array<i32>} : memref<4x128x32xf32, #tpu.memory_space<vmem>>, vector<16xf32>,
        %add3A_1542 = arith.addf %get3A_1541, %get3A_1109 : vector<16xf32>
        tpu.vector_store_idx %arg11[%add3A_1112, %broadcast_in_dim3A_1530], %add3A_1536 : memref<128x129xf32, #tpu.memory_space<vmem>>[vector<16xi32>, vector<16xi32>], vector<16xf32>,
        tpu.vector_store_idx %arg11[%add3A_1115, %broadcast_in_dim3A_1530], %add3A_1542 : memref<128x129xf32, #tpu.memory_space<vmem>>[vector<16xi32>, vector<16xi32>], vector<16xf32>,
        %mul3A_1543 = arith.constant 4 : i32
        %mul3A_1544 = arith.muli %scan3A_1492, %mul3A_1543 : i32
        %add3A_1545 = arith.constant 3 : i32
        %add3A_1546 = arith.addi %mul3A_1544, %add3A_1545 : i32
        %broadcast_in_dim3A_1547 = vector.broadcast %add3A_1546 : i32 to vector<16xi32>
        %get3A_1548 = arith.constant 0 : i32
        %get3A_1549 = arith.index_cast %get3A_1548 : i32 to index
        %get3A_1550 = arith.index_cast %add3A_1546 : i32 to index
        %get3A_1551 = arith.constant 0 : index
        %get3A_1552 = tpu.vector_load %arg9[%get3A_1549, %get3A_1550, %get3A_1551] {strides = array<i32>} : memref<4x128x32xf32, #tpu.memory_space<vmem>>, vector<16xf32>,
        %add3A_1553 = arith.addf %get3A_1552, %get3A_1106 : vector<16xf32>
        %get3A_1554 = arith.constant 0 : i32
        %get3A_1555 = arith.index_cast %get3A_1554 : i32 to index
        %get3A_1556 = arith.index_cast %add3A_1546 : i32 to index
        %get3A_1557 = arith.constant 16 : index
        %get3A_1558 = tpu.vector_load %arg9[%get3A_1555, %get3A_1556, %get3A_1557] {strides = array<i32>} : memref<4x128x32xf32, #tpu.memory_space<vmem>>, vector<16xf32>,
        %add3A_1559 = arith.addf %get3A_1558, %get3A_1109 : vector<16xf32>
        tpu.vector_store_idx %arg11[%add3A_1112, %broadcast_in_dim3A_1547], %add3A_1553 : memref<128x129xf32, #tpu.memory_space<vmem>>[vector<16xi32>, vector<16xi32>], vector<16xf32>,
        tpu.vector_store_idx %arg11[%add3A_1115, %broadcast_in_dim3A_1547], %add3A_1559 : memref<128x129xf32, #tpu.memory_space<vmem>>[vector<16xi32>, vector<16xi32>], vector<16xf32>,
      }
      %scan3A_1121 = arith.constant 32 : i32
      %mul3A_1122 = arith.constant 4 : i32
      %mul3A_1123 = arith.muli %add3A_1032, %mul3A_1122 : i32
      %add3A_1124 = arith.constant 1 : i32
      %add3A_1125 = arith.addi %mul3A_1123, %add3A_1124 : i32
      %get3A_1126 = arith.index_cast %add3A_1125 : i32 to index
      %get3A_1127 = arith.constant 0 : index
      %get3A_1128 = tpu.vector_load %arg12[%get3A_1126, %get3A_1127] {strides = array<i32>} : memref<200x32xf32, #tpu.memory_space<vmem>>, vector<16xf32>,
      %get3A_1129 = arith.index_cast %add3A_1125 : i32 to index
      %get3A_1130 = arith.constant 16 : index
      %get3A_1131 = tpu.vector_load %arg12[%get3A_1129, %get3A_1130] {strides = array<i32>} : memref<200x32xf32, #tpu.memory_space<vmem>>, vector<16xf32>,
      %add3A_1132 = arith.constant 32 : i32
      %add3A_1133 = vector.broadcast %add3A_1132 : i32 to vector<16xi32>
      %add3A_1134 = arith.addi %iota3A, %add3A_1133 : vector<16xi32>
      %add3A_1135 = arith.constant 16 : i32
      %add3A_1136 = vector.broadcast %add3A_1135 : i32 to vector<16xi32>
      %add3A_1137 = arith.addi %add3A_1134, %add3A_1136 : vector<16xi32>
      %scan3A_1138 = arith.constant 0 : i32
      %scan3A_1139 = arith.constant 0 : i32
      %scan3A_1140 = arith.constant 32 : i32
      %scan3A_1141 = arith.addi %scan3A_1139, %scan3A_1140 : i32
      %scan3A_1142 = arith.constant 1 : i32
      scf.for %scan3A_1492 = %scan3A_1139 to %scan3A_1141 step %scan3A_1142  : i32 {
        %mul3A_1493 = arith.constant 4 : i32
        %mul3A_1494 = arith.muli %scan3A_1492, %mul3A_1493 : i32
        %add3A_1495 = arith.constant 0 : i32
        %add3A_1496 = arith.addi %mul3A_1494, %add3A_1495 : i32
        %broadcast_in_dim3A = vector.broadcast %add3A_1496 : i32 to vector<16xi32>
        %get3A_1497 = arith.constant 1 : i32
        %get3A_1498 = arith.index_cast %get3A_1497 : i32 to index
        %get3A_1499 = arith.index_cast %add3A_1496 : i32 to index
        %get3A_1500 = arith.constant 0 : index
        %get3A_1501 = tpu.vector_load %arg9[%get3A_1498, %get3A_1499, %get3A_1500] {strides = array<i32>} : memref<4x128x32xf32, #tpu.memory_space<vmem>>, vector<16xf32>,
        %add3A_1502 = arith.addf %get3A_1501, %get3A_1128 : vector<16xf32>
        %get3A_1503 = arith.constant 1 : i32
        %get3A_1504 = arith.index_cast %get3A_1503 : i32 to index
        %get3A_1505 = arith.index_cast %add3A_1496 : i32 to index
        %get3A_1506 = arith.constant 16 : index
        %get3A_1507 = tpu.vector_load %arg9[%get3A_1504, %get3A_1505, %get3A_1506] {strides = array<i32>} : memref<4x128x32xf32, #tpu.memory_space<vmem>>, vector<16xf32>,
        %add3A_1508 = arith.addf %get3A_1507, %get3A_1131 : vector<16xf32>
        tpu.vector_store_idx %arg11[%add3A_1134, %broadcast_in_dim3A], %add3A_1502 : memref<128x129xf32, #tpu.memory_space<vmem>>[vector<16xi32>, vector<16xi32>], vector<16xf32>,
        tpu.vector_store_idx %arg11[%add3A_1137, %broadcast_in_dim3A], %add3A_1508 : memref<128x129xf32, #tpu.memory_space<vmem>>[vector<16xi32>, vector<16xi32>], vector<16xf32>,
        %mul3A_1509 = arith.constant 4 : i32
        %mul3A_1510 = arith.muli %scan3A_1492, %mul3A_1509 : i32
        %add3A_1511 = arith.constant 1 : i32
        %add3A_1512 = arith.addi %mul3A_1510, %add3A_1511 : i32
        %broadcast_in_dim3A_1513 = vector.broadcast %add3A_1512 : i32 to vector<16xi32>
        %get3A_1514 = arith.constant 1 : i32
        %get3A_1515 = arith.index_cast %get3A_1514 : i32 to index
        %get3A_1516 = arith.index_cast %add3A_1512 : i32 to index
        %get3A_1517 = arith.constant 0 : index
        %get3A_1518 = tpu.vector_load %arg9[%get3A_1515, %get3A_1516, %get3A_1517] {strides = array<i32>} : memref<4x128x32xf32, #tpu.memory_space<vmem>>, vector<16xf32>,
        %add3A_1519 = arith.addf %get3A_1518, %get3A_1128 : vector<16xf32>
        %get3A_1520 = arith.constant 1 : i32
        %get3A_1521 = arith.index_cast %get3A_1520 : i32 to index
        %get3A_1522 = arith.index_cast %add3A_1512 : i32 to index
        %get3A_1523 = arith.constant 16 : index
        %get3A_1524 = tpu.vector_load %arg9[%get3A_1521, %get3A_1522, %get3A_1523] {strides = array<i32>} : memref<4x128x32xf32, #tpu.memory_space<vmem>>, vector<16xf32>,
        %add3A_1525 = arith.addf %get3A_1524, %get3A_1131 : vector<16xf32>
        tpu.vector_store_idx %arg11[%add3A_1134, %broadcast_in_dim3A_1513], %add3A_1519 : memref<128x129xf32, #tpu.memory_space<vmem>>[vector<16xi32>, vector<16xi32>], vector<16xf32>,
        tpu.vector_store_idx %arg11[%add3A_1137, %broadcast_in_dim3A_1513], %add3A_1525 : memref<128x129xf32, #tpu.memory_space<vmem>>[vector<16xi32>, vector<16xi32>], vector<16xf32>,
        %mul3A_1526 = arith.constant 4 : i32
        %mul3A_1527 = arith.muli %scan3A_1492, %mul3A_1526 : i32
        %add3A_1528 = arith.constant 2 : i32
        %add3A_1529 = arith.addi %mul3A_1527, %add3A_1528 : i32
        %broadcast_in_dim3A_1530 = vector.broadcast %add3A_1529 : i32 to vector<16xi32>
        %get3A_1531 = arith.constant 1 : i32
        %get3A_1532 = arith.index_cast %get3A_1531 : i32 to index
        %get3A_1533 = arith.index_cast %add3A_1529 : i32 to index
        %get3A_1534 = arith.constant 0 : index
        %get3A_1535 = tpu.vector_load %arg9[%get3A_1532, %get3A_1533, %get3A_1534] {strides = array<i32>} : memref<4x128x32xf32, #tpu.memory_space<vmem>>, vector<16xf32>,
        %add3A_1536 = arith.addf %get3A_1535, %get3A_1128 : vector<16xf32>
        %get3A_1537 = arith.constant 1 : i32
        %get3A_1538 = arith.index_cast %get3A_1537 : i32 to index
        %get3A_1539 = arith.index_cast %add3A_1529 : i32 to index
        %get3A_1540 = arith.constant 16 : index
        %get3A_1541 = tpu.vector_load %arg9[%get3A_1538, %get3A_1539, %get3A_1540] {strides = array<i32>} : memref<4x128x32xf32, #tpu.memory_space<vmem>>, vector<16xf32>,
        %add3A_1542 = arith.addf %get3A_1541, %get3A_1131 : vector<16xf32>
        tpu.vector_store_idx %arg11[%add3A_1134, %broadcast_in_dim3A_1530], %add3A_1536 : memref<128x129xf32, #tpu.memory_space<vmem>>[vector<16xi32>, vector<16xi32>], vector<16xf32>,
        tpu.vector_store_idx %arg11[%add3A_1137, %broadcast_in_dim3A_1530], %add3A_1542 : memref<128x129xf32, #tpu.memory_space<vmem>>[vector<16xi32>, vector<16xi32>], vector<16xf32>,
        %mul3A_1543 = arith.constant 4 : i32
        %mul3A_1544 = arith.muli %scan3A_1492, %mul3A_1543 : i32
        %add3A_1545 = arith.constant 3 : i32
        %add3A_1546 = arith.addi %mul3A_1544, %add3A_1545 : i32
        %broadcast_in_dim3A_1547 = vector.broadcast %add3A_1546 : i32 to vector<16xi32>
        %get3A_1548 = arith.constant 1 : i32
        %get3A_1549 = arith.index_cast %get3A_1548 : i32 to index
        %get3A_1550 = arith.index_cast %add3A_1546 : i32 to index
        %get3A_1551 = arith.constant 0 : index
        %get3A_1552 = tpu.vector_load %arg9[%get3A_1549, %get3A_1550, %get3A_1551] {strides = array<i32>} : memref<4x128x32xf32, #tpu.memory_space<vmem>>, vector<16xf32>,
        %add3A_1553 = arith.addf %get3A_1552, %get3A_1128 : vector<16xf32>
        %get3A_1554 = arith.constant 1 : i32
        %get3A_1555 = arith.index_cast %get3A_1554 : i32 to index
        %get3A_1556 = arith.index_cast %add3A_1546 : i32 to index
        %get3A_1557 = arith.constant 16 : index
        %get3A_1558 = tpu.vector_load %arg9[%get3A_1555, %get3A_1556, %get3A_1557] {strides = array<i32>} : memref<4x128x32xf32, #tpu.memory_space<vmem>>, vector<16xf32>,
        %add3A_1559 = arith.addf %get3A_1558, %get3A_1131 : vector<16xf32>
        tpu.vector_store_idx %arg11[%add3A_1134, %broadcast_in_dim3A_1547], %add3A_1553 : memref<128x129xf32, #tpu.memory_space<vmem>>[vector<16xi32>, vector<16xi32>], vector<16xf32>,
        tpu.vector_store_idx %arg11[%add3A_1137, %broadcast_in_dim3A_1547], %add3A_1559 : memref<128x129xf32, #tpu.memory_space<vmem>>[vector<16xi32>, vector<16xi32>], vector<16xf32>,
      }
      %scan3A_1143 = arith.constant 32 : i32
      %mul3A_1144 = arith.constant 4 : i32
      %mul3A_1145 = arith.muli %add3A_1032, %mul3A_1144 : i32
      %add3A_1146 = arith.constant 2 : i32
      %add3A_1147 = arith.addi %mul3A_1145, %add3A_1146 : i32
      %get3A_1148 = arith.index_cast %add3A_1147 : i32 to index
      %get3A_1149 = arith.constant 0 : index
      %get3A_1150 = tpu.vector_load %arg12[%get3A_1148, %get3A_1149] {strides = array<i32>} : memref<200x32xf32, #tpu.memory_space<vmem>>, vector<16xf32>,
      %get3A_1151 = arith.index_cast %add3A_1147 : i32 to index
      %get3A_1152 = arith.constant 16 : index
      %get3A_1153 = tpu.vector_load %arg12[%get3A_1151, %get3A_1152] {strides = array<i32>} : memref<200x32xf32, #tpu.memory_space<vmem>>, vector<16xf32>,
      %add3A_1154 = arith.constant 64 : i32
      %add3A_1155 = vector.broadcast %add3A_1154 : i32 to vector<16xi32>
      %add3A_1156 = arith.addi %iota3A, %add3A_1155 : vector<16xi32>
      %add3A_1157 = arith.constant 16 : i32
      %add3A_1158 = vector.broadcast %add3A_1157 : i32 to vector<16xi32>
      %add3A_1159 = arith.addi %add3A_1156, %add3A_1158 : vector<16xi32>
      %scan3A_1160 = arith.constant 0 : i32
      %scan3A_1161 = arith.constant 0 : i32
      %scan3A_1162 = arith.constant 32 : i32
      %scan3A_1163 = arith.addi %scan3A_1161, %scan3A_1162 : i32
      %scan3A_1164 = arith.constant 1 : i32
      scf.for %scan3A_1492 = %scan3A_1161 to %scan3A_1163 step %scan3A_1164  : i32 {
        %mul3A_1493 = arith.constant 4 : i32
        %mul3A_1494 = arith.muli %scan3A_1492, %mul3A_1493 : i32
        %add3A_1495 = arith.constant 0 : i32
        %add3A_1496 = arith.addi %mul3A_1494, %add3A_1495 : i32
        %broadcast_in_dim3A = vector.broadcast %add3A_1496 : i32 to vector<16xi32>
        %get3A_1497 = arith.constant 2 : i32
        %get3A_1498 = arith.index_cast %get3A_1497 : i32 to index
        %get3A_1499 = arith.index_cast %add3A_1496 : i32 to index
        %get3A_1500 = arith.constant 0 : index
        %get3A_1501 = tpu.vector_load %arg9[%get3A_1498, %get3A_1499, %get3A_1500] {strides = array<i32>} : memref<4x128x32xf32, #tpu.memory_space<vmem>>, vector<16xf32>,
        %add3A_1502 = arith.addf %get3A_1501, %get3A_1150 : vector<16xf32>
        %get3A_1503 = arith.constant 2 : i32
        %get3A_1504 = arith.index_cast %get3A_1503 : i32 to index
        %get3A_1505 = arith.index_cast %add3A_1496 : i32 to index
        %get3A_1506 = arith.constant 16 : index
        %get3A_1507 = tpu.vector_load %arg9[%get3A_1504, %get3A_1505, %get3A_1506] {strides = array<i32>} : memref<4x128x32xf32, #tpu.memory_space<vmem>>, vector<16xf32>,
        %add3A_1508 = arith.addf %get3A_1507, %get3A_1153 : vector<16xf32>
        tpu.vector_store_idx %arg11[%add3A_1156, %broadcast_in_dim3A], %add3A_1502 : memref<128x129xf32, #tpu.memory_space<vmem>>[vector<16xi32>, vector<16xi32>], vector<16xf32>,
        tpu.vector_store_idx %arg11[%add3A_1159, %broadcast_in_dim3A], %add3A_1508 : memref<128x129xf32, #tpu.memory_space<vmem>>[vector<16xi32>, vector<16xi32>], vector<16xf32>,
        %mul3A_1509 = arith.constant 4 : i32
        %mul3A_1510 = arith.muli %scan3A_1492, %mul3A_1509 : i32
        %add3A_1511 = arith.constant 1 : i32
        %add3A_1512 = arith.addi %mul3A_1510, %add3A_1511 : i32
        %broadcast_in_dim3A_1513 = vector.broadcast %add3A_1512 : i32 to vector<16xi32>
        %get3A_1514 = arith.constant 2 : i32
        %get3A_1515 = arith.index_cast %get3A_1514 : i32 to index
        %get3A_1516 = arith.index_cast %add3A_1512 : i32 to index
        %get3A_1517 = arith.constant 0 : index
        %get3A_1518 = tpu.vector_load %arg9[%get3A_1515, %get3A_1516, %get3A_1517] {strides = array<i32>} : memref<4x128x32xf32, #tpu.memory_space<vmem>>, vector<16xf32>,
        %add3A_1519 = arith.addf %get3A_1518, %get3A_1150 : vector<16xf32>
        %get3A_1520 = arith.constant 2 : i32
        %get3A_1521 = arith.index_cast %get3A_1520 : i32 to index
        %get3A_1522 = arith.index_cast %add3A_1512 : i32 to index
        %get3A_1523 = arith.constant 16 : index
        %get3A_1524 = tpu.vector_load %arg9[%get3A_1521, %get3A_1522, %get3A_1523] {strides = array<i32>} : memref<4x128x32xf32, #tpu.memory_space<vmem>>, vector<16xf32>,
        %add3A_1525 = arith.addf %get3A_1524, %get3A_1153 : vector<16xf32>
        tpu.vector_store_idx %arg11[%add3A_1156, %broadcast_in_dim3A_1513], %add3A_1519 : memref<128x129xf32, #tpu.memory_space<vmem>>[vector<16xi32>, vector<16xi32>], vector<16xf32>,
        tpu.vector_store_idx %arg11[%add3A_1159, %broadcast_in_dim3A_1513], %add3A_1525 : memref<128x129xf32, #tpu.memory_space<vmem>>[vector<16xi32>, vector<16xi32>], vector<16xf32>,
        %mul3A_1526 = arith.constant 4 : i32
        %mul3A_1527 = arith.muli %scan3A_1492, %mul3A_1526 : i32
        %add3A_1528 = arith.constant 2 : i32
        %add3A_1529 = arith.addi %mul3A_1527, %add3A_1528 : i32
        %broadcast_in_dim3A_1530 = vector.broadcast %add3A_1529 : i32 to vector<16xi32>
        %get3A_1531 = arith.constant 2 : i32
        %get3A_1532 = arith.index_cast %get3A_1531 : i32 to index
        %get3A_1533 = arith.index_cast %add3A_1529 : i32 to index
        %get3A_1534 = arith.constant 0 : index
        %get3A_1535 = tpu.vector_load %arg9[%get3A_1532, %get3A_1533, %get3A_1534] {strides = array<i32>} : memref<4x128x32xf32, #tpu.memory_space<vmem>>, vector<16xf32>,
        %add3A_1536 = arith.addf %get3A_1535, %get3A_1150 : vector<16xf32>
        %get3A_1537 = arith.constant 2 : i32
        %get3A_1538 = arith.index_cast %get3A_1537 : i32 to index
        %get3A_1539 = arith.index_cast %add3A_1529 : i32 to index
        %get3A_1540 = arith.constant 16 : index
        %get3A_1541 = tpu.vector_load %arg9[%get3A_1538, %get3A_1539, %get3A_1540] {strides = array<i32>} : memref<4x128x32xf32, #tpu.memory_space<vmem>>, vector<16xf32>,
        %add3A_1542 = arith.addf %get3A_1541, %get3A_1153 : vector<16xf32>
        tpu.vector_store_idx %arg11[%add3A_1156, %broadcast_in_dim3A_1530], %add3A_1536 : memref<128x129xf32, #tpu.memory_space<vmem>>[vector<16xi32>, vector<16xi32>], vector<16xf32>,
        tpu.vector_store_idx %arg11[%add3A_1159, %broadcast_in_dim3A_1530], %add3A_1542 : memref<128x129xf32, #tpu.memory_space<vmem>>[vector<16xi32>, vector<16xi32>], vector<16xf32>,
        %mul3A_1543 = arith.constant 4 : i32
        %mul3A_1544 = arith.muli %scan3A_1492, %mul3A_1543 : i32
        %add3A_1545 = arith.constant 3 : i32
        %add3A_1546 = arith.addi %mul3A_1544, %add3A_1545 : i32
        %broadcast_in_dim3A_1547 = vector.broadcast %add3A_1546 : i32 to vector<16xi32>
        %get3A_1548 = arith.constant 2 : i32
        %get3A_1549 = arith.index_cast %get3A_1548 : i32 to index
        %get3A_1550 = arith.index_cast %add3A_1546 : i32 to index
        %get3A_1551 = arith.constant 0 : index
        %get3A_1552 = tpu.vector_load %arg9[%get3A_1549, %get3A_1550, %get3A_1551] {strides = array<i32>} : memref<4x128x32xf32, #tpu.memory_space<vmem>>, vector<16xf32>,
        %add3A_1553 = arith.addf %get3A_1552, %get3A_1150 : vector<16xf32>
        %get3A_1554 = arith.constant 2 : i32
        %get3A_1555 = arith.index_cast %get3A_1554 : i32 to index
        %get3A_1556 = arith.index_cast %add3A_1546 : i32 to index
        %get3A_1557 = arith.constant 16 : index
        %get3A_1558 = tpu.vector_load %arg9[%get3A_1555, %get3A_1556, %get3A_1557] {strides = array<i32>} : memref<4x128x32xf32, #tpu.memory_space<vmem>>, vector<16xf32>,
        %add3A_1559 = arith.addf %get3A_1558, %get3A_1153 : vector<16xf32>
        tpu.vector_store_idx %arg11[%add3A_1156, %broadcast_in_dim3A_1547], %add3A_1553 : memref<128x129xf32, #tpu.memory_space<vmem>>[vector<16xi32>, vector<16xi32>], vector<16xf32>,
        tpu.vector_store_idx %arg11[%add3A_1159, %broadcast_in_dim3A_1547], %add3A_1559 : memref<128x129xf32, #tpu.memory_space<vmem>>[vector<16xi32>, vector<16xi32>], vector<16xf32>,
      }
      %scan3A_1165 = arith.constant 32 : i32
      %mul3A_1166 = arith.constant 4 : i32
      %mul3A_1167 = arith.muli %add3A_1032, %mul3A_1166 : i32
      %add3A_1168 = arith.constant 3 : i32
      %add3A_1169 = arith.addi %mul3A_1167, %add3A_1168 : i32
      %get3A_1170 = arith.index_cast %add3A_1169 : i32 to index
      %get3A_1171 = arith.constant 0 : index
      %get3A_1172 = tpu.vector_load %arg12[%get3A_1170, %get3A_1171] {strides = array<i32>} : memref<200x32xf32, #tpu.memory_space<vmem>>, vector<16xf32>,
      %get3A_1173 = arith.index_cast %add3A_1169 : i32 to index
      %get3A_1174 = arith.constant 16 : index
      %get3A_1175 = tpu.vector_load %arg12[%get3A_1173, %get3A_1174] {strides = array<i32>} : memref<200x32xf32, #tpu.memory_space<vmem>>, vector<16xf32>,
      %add3A_1176 = arith.constant 96 : i32
      %add3A_1177 = vector.broadcast %add3A_1176 : i32 to vector<16xi32>
      %add3A_1178 = arith.addi %iota3A, %add3A_1177 : vector<16xi32>
      %add3A_1179 = arith.constant 16 : i32
      %add3A_1180 = vector.broadcast %add3A_1179 : i32 to vector<16xi32>
      %add3A_1181 = arith.addi %add3A_1178, %add3A_1180 : vector<16xi32>
      %scan3A_1182 = arith.constant 0 : i32
      %scan3A_1183 = arith.constant 0 : i32
      %scan3A_1184 = arith.constant 32 : i32
      %scan3A_1185 = arith.addi %scan3A_1183, %scan3A_1184 : i32
      %scan3A_1186 = arith.constant 1 : i32
      scf.for %scan3A_1492 = %scan3A_1183 to %scan3A_1185 step %scan3A_1186  : i32 {
        %mul3A_1493 = arith.constant 4 : i32
        %mul3A_1494 = arith.muli %scan3A_1492, %mul3A_1493 : i32
        %add3A_1495 = arith.constant 0 : i32
        %add3A_1496 = arith.addi %mul3A_1494, %add3A_1495 : i32
        %broadcast_in_dim3A = vector.broadcast %add3A_1496 : i32 to vector<16xi32>
        %get3A_1497 = arith.constant 3 : i32
        %get3A_1498 = arith.index_cast %get3A_1497 : i32 to index
        %get3A_1499 = arith.index_cast %add3A_1496 : i32 to index
        %get3A_1500 = arith.constant 0 : index
        %get3A_1501 = tpu.vector_load %arg9[%get3A_1498, %get3A_1499, %get3A_1500] {strides = array<i32>} : memref<4x128x32xf32, #tpu.memory_space<vmem>>, vector<16xf32>,
        %add3A_1502 = arith.addf %get3A_1501, %get3A_1172 : vector<16xf32>
        %get3A_1503 = arith.constant 3 : i32
        %get3A_1504 = arith.index_cast %get3A_1503 : i32 to index
        %get3A_1505 = arith.index_cast %add3A_1496 : i32 to index
        %get3A_1506 = arith.constant 16 : index
        %get3A_1507 = tpu.vector_load %arg9[%get3A_1504, %get3A_1505, %get3A_1506] {strides = array<i32>} : memref<4x128x32xf32, #tpu.memory_space<vmem>>, vector<16xf32>,
        %add3A_1508 = arith.addf %get3A_1507, %get3A_1175 : vector<16xf32>
        tpu.vector_store_idx %arg11[%add3A_1178, %broadcast_in_dim3A], %add3A_1502 : memref<128x129xf32, #tpu.memory_space<vmem>>[vector<16xi32>, vector<16xi32>], vector<16xf32>,
        tpu.vector_store_idx %arg11[%add3A_1181, %broadcast_in_dim3A], %add3A_1508 : memref<128x129xf32, #tpu.memory_space<vmem>>[vector<16xi32>, vector<16xi32>], vector<16xf32>,
        %mul3A_1509 = arith.constant 4 : i32
        %mul3A_1510 = arith.muli %scan3A_1492, %mul3A_1509 : i32
        %add3A_1511 = arith.constant 1 : i32
        %add3A_1512 = arith.addi %mul3A_1510, %add3A_1511 : i32
        %broadcast_in_dim3A_1513 = vector.broadcast %add3A_1512 : i32 to vector<16xi32>
        %get3A_1514 = arith.constant 3 : i32
        %get3A_1515 = arith.index_cast %get3A_1514 : i32 to index
        %get3A_1516 = arith.index_cast %add3A_1512 : i32 to index
        %get3A_1517 = arith.constant 0 : index
        %get3A_1518 = tpu.vector_load %arg9[%get3A_1515, %get3A_1516, %get3A_1517] {strides = array<i32>} : memref<4x128x32xf32, #tpu.memory_space<vmem>>, vector<16xf32>,
        %add3A_1519 = arith.addf %get3A_1518, %get3A_1172 : vector<16xf32>
        %get3A_1520 = arith.constant 3 : i32
        %get3A_1521 = arith.index_cast %get3A_1520 : i32 to index
        %get3A_1522 = arith.index_cast %add3A_1512 : i32 to index
        %get3A_1523 = arith.constant 16 : index
        %get3A_1524 = tpu.vector_load %arg9[%get3A_1521, %get3A_1522, %get3A_1523] {strides = array<i32>} : memref<4x128x32xf32, #tpu.memory_space<vmem>>, vector<16xf32>,
        %add3A_1525 = arith.addf %get3A_1524, %get3A_1175 : vector<16xf32>
        tpu.vector_store_idx %arg11[%add3A_1178, %broadcast_in_dim3A_1513], %add3A_1519 : memref<128x129xf32, #tpu.memory_space<vmem>>[vector<16xi32>, vector<16xi32>], vector<16xf32>,
        tpu.vector_store_idx %arg11[%add3A_1181, %broadcast_in_dim3A_1513], %add3A_1525 : memref<128x129xf32, #tpu.memory_space<vmem>>[vector<16xi32>, vector<16xi32>], vector<16xf32>,
        %mul3A_1526 = arith.constant 4 : i32
        %mul3A_1527 = arith.muli %scan3A_1492, %mul3A_1526 : i32
        %add3A_1528 = arith.constant 2 : i32
        %add3A_1529 = arith.addi %mul3A_1527, %add3A_1528 : i32
        %broadcast_in_dim3A_1530 = vector.broadcast %add3A_1529 : i32 to vector<16xi32>
        %get3A_1531 = arith.constant 3 : i32
        %get3A_1532 = arith.index_cast %get3A_1531 : i32 to index
        %get3A_1533 = arith.index_cast %add3A_1529 : i32 to index
        %get3A_1534 = arith.constant 0 : index
        %get3A_1535 = tpu.vector_load %arg9[%get3A_1532, %get3A_1533, %get3A_1534] {strides = array<i32>} : memref<4x128x32xf32, #tpu.memory_space<vmem>>, vector<16xf32>,
        %add3A_1536 = arith.addf %get3A_1535, %get3A_1172 : vector<16xf32>
        %get3A_1537 = arith.constant 3 : i32
        %get3A_1538 = arith.index_cast %get3A_1537 : i32 to index
        %get3A_1539 = arith.index_cast %add3A_1529 : i32 to index
        %get3A_1540 = arith.constant 16 : index
        %get3A_1541 = tpu.vector_load %arg9[%get3A_1538, %get3A_1539, %get3A_1540] {strides = array<i32>} : memref<4x128x32xf32, #tpu.memory_space<vmem>>, vector<16xf32>,
        %add3A_1542 = arith.addf %get3A_1541, %get3A_1175 : vector<16xf32>
        tpu.vector_store_idx %arg11[%add3A_1178, %broadcast_in_dim3A_1530], %add3A_1536 : memref<128x129xf32, #tpu.memory_space<vmem>>[vector<16xi32>, vector<16xi32>], vector<16xf32>,
        tpu.vector_store_idx %arg11[%add3A_1181, %broadcast_in_dim3A_1530], %add3A_1542 : memref<128x129xf32, #tpu.memory_space<vmem>>[vector<16xi32>, vector<16xi32>], vector<16xf32>,
        %mul3A_1543 = arith.constant 4 : i32
        %mul3A_1544 = arith.muli %scan3A_1492, %mul3A_1543 : i32
        %add3A_1545 = arith.constant 3 : i32
        %add3A_1546 = arith.addi %mul3A_1544, %add3A_1545 : i32
        %broadcast_in_dim3A_1547 = vector.broadcast %add3A_1546 : i32 to vector<16xi32>
        %get3A_1548 = arith.constant 3 : i32
        %get3A_1549 = arith.index_cast %get3A_1548 : i32 to index
        %get3A_1550 = arith.index_cast %add3A_1546 : i32 to index
        %get3A_1551 = arith.constant 0 : index
        %get3A_1552 = tpu.vector_load %arg9[%get3A_1549, %get3A_1550, %get3A_1551] {strides = array<i32>} : memref<4x128x32xf32, #tpu.memory_space<vmem>>, vector<16xf32>,
        %add3A_1553 = arith.addf %get3A_1552, %get3A_1172 : vector<16xf32>
        %get3A_1554 = arith.constant 3 : i32
        %get3A_1555 = arith.index_cast %get3A_1554 : i32 to index
        %get3A_1556 = arith.index_cast %add3A_1546 : i32 to index
        %get3A_1557 = arith.constant 16 : index
        %get3A_1558 = tpu.vector_load %arg9[%get3A_1555, %get3A_1556, %get3A_1557] {strides = array<i32>} : memref<4x128x32xf32, #tpu.memory_space<vmem>>, vector<16xf32>,
        %add3A_1559 = arith.addf %get3A_1558, %get3A_1175 : vector<16xf32>
        tpu.vector_store_idx %arg11[%add3A_1178, %broadcast_in_dim3A_1547], %add3A_1553 : memref<128x129xf32, #tpu.memory_space<vmem>>[vector<16xi32>, vector<16xi32>], vector<16xf32>,
        tpu.vector_store_idx %arg11[%add3A_1181, %broadcast_in_dim3A_1547], %add3A_1559 : memref<128x129xf32, #tpu.memory_space<vmem>>[vector<16xi32>, vector<16xi32>], vector<16xf32>,
      }
      %scan3A_1187 = arith.constant 32 : i32
      %mul3A_1188 = arith.constant 4 : i32
      %mul3A_1189 = arith.muli %add3A_1032, %mul3A_1188 : i32
      %add3A_1190 = arith.constant 0 : i32
      %add3A_1191 = arith.addi %mul3A_1189, %add3A_1190 : i32
      %dma_start3A_1192 = arith.constant 0 : i32
      %dma_start3A_1193 = arith.constant 0 : i32
      %dma_start3A_1194 = arith.constant 0 : i32
      %dma_start3A_1195 = tpu.memref_slice %arg11[%dma_start3A_1193, %dma_start3A_1194] : memref<128x129xf32, #tpu.memory_space<vmem>> -> memref<8x128xf32, #tpu.memory_space<vmem>>
      %dma_start3A_1196 = arith.constant 0 : i32
      %dma_start3A_1197 = arith.constant 0 : i32
      %dma_start3A_1198 = tpu.memref_slice %arg5[%add3A_1191, %dma_start3A_1192, %add3A, %dma_start3A_1196, %dma_start3A_1197] : memref<200x4x32x8x128xf32, #tpu.memory_space<hbm>> -> memref<1x1x1x8x128xf32, #tpu.memory_space<hbm>>
      %dma_start3A_1199 = tpu.memref_squeeze %dma_start3A_1198 : memref<1x1x1x8x128xf32, #tpu.memory_space<hbm>> -> memref<8x128xf32, #tpu.memory_space<hbm>>
      %dma_start3A_1200 = arith.constant 0 : i32
      %dma_start3A_1201 = arith.constant 0 : i32
      %dma_start3A_1202 = tpu.memref_slice %arg5[%add3A_1191, %dma_start3A_1192, %add3A, %dma_start3A_1200, %dma_start3A_1201] : memref<200x4x32x8x128xf32, #tpu.memory_space<hbm>> -> memref<1x1x1x8x128xf32, #tpu.memory_space<hbm>>
      %dma_start3A_1203 = tpu.memref_squeeze %dma_start3A_1202 : memref<1x1x1x8x128xf32, #tpu.memory_space<hbm>> -> memref<8x128xf32, #tpu.memory_space<hbm>>
      %dma_start3A_1204 = arith.constant 0 : i32
      %dma_start3A_1205 = arith.constant 0 : i32
      %dma_start3A_1206 = tpu.memref_slice %arg11[%dma_start3A_1204, %dma_start3A_1205] : memref<128x129xf32, #tpu.memory_space<vmem>> -> memref<8x128xf32, #tpu.memory_space<vmem>>
      tpu.enqueue_dma source(%dma_start3A_1206 : memref<8x128xf32, #tpu.memory_space<vmem>>) target(%dma_start3A_1203 : memref<8x128xf32, #tpu.memory_space<hbm>>) target_semaphore(%arg16 : memref<!tpu.dma_semaphore, #tpu.memory_space<semaphore_mem>>)
      %mul3A_1207 = arith.constant 4 : i32
      %mul3A_1208 = arith.muli %add3A_1032, %mul3A_1207 : i32
      %add3A_1209 = arith.constant 0 : i32
      %add3A_1210 = arith.addi %mul3A_1208, %add3A_1209 : i32
      %dma_start3A_1211 = arith.constant 1 : i32
      %dma_start3A_1212 = arith.constant 8 : i32
      %dma_start3A_1213 = arith.constant 0 : i32
      %dma_start3A_1214 = tpu.memref_slice %arg11[%dma_start3A_1212, %dma_start3A_1213] : memref<128x129xf32, #tpu.memory_space<vmem>> -> memref<8x128xf32, #tpu.memory_space<vmem>>
      %dma_start3A_1215 = arith.constant 0 : i32
      %dma_start3A_1216 = arith.constant 0 : i32
      %dma_start3A_1217 = tpu.memref_slice %arg5[%add3A_1210, %dma_start3A_1211, %add3A, %dma_start3A_1215, %dma_start3A_1216] : memref<200x4x32x8x128xf32, #tpu.memory_space<hbm>> -> memref<1x1x1x8x128xf32, #tpu.memory_space<hbm>>
      %dma_start3A_1218 = tpu.memref_squeeze %dma_start3A_1217 : memref<1x1x1x8x128xf32, #tpu.memory_space<hbm>> -> memref<8x128xf32, #tpu.memory_space<hbm>>
      %dma_start3A_1219 = arith.constant 0 : i32
      %dma_start3A_1220 = arith.constant 0 : i32
      %dma_start3A_1221 = tpu.memref_slice %arg5[%add3A_1210, %dma_start3A_1211, %add3A, %dma_start3A_1219, %dma_start3A_1220] : memref<200x4x32x8x128xf32, #tpu.memory_space<hbm>> -> memref<1x1x1x8x128xf32, #tpu.memory_space<hbm>>
      %dma_start3A_1222 = tpu.memref_squeeze %dma_start3A_1221 : memref<1x1x1x8x128xf32, #tpu.memory_space<hbm>> -> memref<8x128xf32, #tpu.memory_space<hbm>>
      %dma_start3A_1223 = arith.constant 8 : i32
      %dma_start3A_1224 = arith.constant 0 : i32
      %dma_start3A_1225 = tpu.memref_slice %arg11[%dma_start3A_1223, %dma_start3A_1224] : memref<128x129xf32, #tpu.memory_space<vmem>> -> memref<8x128xf32, #tpu.memory_space<vmem>>
      tpu.enqueue_dma source(%dma_start3A_1225 : memref<8x128xf32, #tpu.memory_space<vmem>>) target(%dma_start3A_1222 : memref<8x128xf32, #tpu.memory_space<hbm>>) target_semaphore(%arg16 : memref<!tpu.dma_semaphore, #tpu.memory_space<semaphore_mem>>)
      %mul3A_1226 = arith.constant 4 : i32
      %mul3A_1227 = arith.muli %add3A_1032, %mul3A_1226 : i32
      %add3A_1228 = arith.constant 0 : i32
      %add3A_1229 = arith.addi %mul3A_1227, %add3A_1228 : i32
      %dma_start3A_1230 = arith.constant 2 : i32
      %dma_start3A_1231 = arith.constant 16 : i32
      %dma_start3A_1232 = arith.constant 0 : i32
      %dma_start3A_1233 = tpu.memref_slice %arg11[%dma_start3A_1231, %dma_start3A_1232] : memref<128x129xf32, #tpu.memory_space<vmem>> -> memref<8x128xf32, #tpu.memory_space<vmem>>
      %dma_start3A_1234 = arith.constant 0 : i32
      %dma_start3A_1235 = arith.constant 0 : i32
      %dma_start3A_1236 = tpu.memref_slice %arg5[%add3A_1229, %dma_start3A_1230, %add3A, %dma_start3A_1234, %dma_start3A_1235] : memref<200x4x32x8x128xf32, #tpu.memory_space<hbm>> -> memref<1x1x1x8x128xf32, #tpu.memory_space<hbm>>
      %dma_start3A_1237 = tpu.memref_squeeze %dma_start3A_1236 : memref<1x1x1x8x128xf32, #tpu.memory_space<hbm>> -> memref<8x128xf32, #tpu.memory_space<hbm>>
      %dma_start3A_1238 = arith.constant 0 : i32
      %dma_start3A_1239 = arith.constant 0 : i32
      %dma_start3A_1240 = tpu.memref_slice %arg5[%add3A_1229, %dma_start3A_1230, %add3A, %dma_start3A_1238, %dma_start3A_1239] : memref<200x4x32x8x128xf32, #tpu.memory_space<hbm>> -> memref<1x1x1x8x128xf32, #tpu.memory_space<hbm>>
      %dma_start3A_1241 = tpu.memref_squeeze %dma_start3A_1240 : memref<1x1x1x8x128xf32, #tpu.memory_space<hbm>> -> memref<8x128xf32, #tpu.memory_space<hbm>>
      %dma_start3A_1242 = arith.constant 16 : i32
      %dma_start3A_1243 = arith.constant 0 : i32
      %dma_start3A_1244 = tpu.memref_slice %arg11[%dma_start3A_1242, %dma_start3A_1243] : memref<128x129xf32, #tpu.memory_space<vmem>> -> memref<8x128xf32, #tpu.memory_space<vmem>>
      tpu.enqueue_dma source(%dma_start3A_1244 : memref<8x128xf32, #tpu.memory_space<vmem>>) target(%dma_start3A_1241 : memref<8x128xf32, #tpu.memory_space<hbm>>) target_semaphore(%arg16 : memref<!tpu.dma_semaphore, #tpu.memory_space<semaphore_mem>>)
      %mul3A_1245 = arith.constant 4 : i32
      %mul3A_1246 = arith.muli %add3A_1032, %mul3A_1245 : i32
      %add3A_1247 = arith.constant 0 : i32
      %add3A_1248 = arith.addi %mul3A_1246, %add3A_1247 : i32
      %dma_start3A_1249 = arith.constant 3 : i32
      %dma_start3A_1250 = arith.constant 24 : i32
      %dma_start3A_1251 = arith.constant 0 : i32
      %dma_start3A_1252 = tpu.memref_slice %arg11[%dma_start3A_1250, %dma_start3A_1251] : memref<128x129xf32, #tpu.memory_space<vmem>> -> memref<8x128xf32, #tpu.memory_space<vmem>>
      %dma_start3A_1253 = arith.constant 0 : i32
      %dma_start3A_1254 = arith.constant 0 : i32
      %dma_start3A_1255 = tpu.memref_slice %arg5[%add3A_1248, %dma_start3A_1249, %add3A, %dma_start3A_1253, %dma_start3A_1254] : memref<200x4x32x8x128xf32, #tpu.memory_space<hbm>> -> memref<1x1x1x8x128xf32, #tpu.memory_space<hbm>>
      %dma_start3A_1256 = tpu.memref_squeeze %dma_start3A_1255 : memref<1x1x1x8x128xf32, #tpu.memory_space<hbm>> -> memref<8x128xf32, #tpu.memory_space<hbm>>
      %dma_start3A_1257 = arith.constant 0 : i32
      %dma_start3A_1258 = arith.constant 0 : i32
      %dma_start3A_1259 = tpu.memref_slice %arg5[%add3A_1248, %dma_start3A_1249, %add3A, %dma_start3A_1257, %dma_start3A_1258] : memref<200x4x32x8x128xf32, #tpu.memory_space<hbm>> -> memref<1x1x1x8x128xf32, #tpu.memory_space<hbm>>
      %dma_start3A_1260 = tpu.memref_squeeze %dma_start3A_1259 : memref<1x1x1x8x128xf32, #tpu.memory_space<hbm>> -> memref<8x128xf32, #tpu.memory_space<hbm>>
      %dma_start3A_1261 = arith.constant 24 : i32
      %dma_start3A_1262 = arith.constant 0 : i32
      %dma_start3A_1263 = tpu.memref_slice %arg11[%dma_start3A_1261, %dma_start3A_1262] : memref<128x129xf32, #tpu.memory_space<vmem>> -> memref<8x128xf32, #tpu.memory_space<vmem>>
      tpu.enqueue_dma source(%dma_start3A_1263 : memref<8x128xf32, #tpu.memory_space<vmem>>) target(%dma_start3A_1260 : memref<8x128xf32, #tpu.memory_space<hbm>>) target_semaphore(%arg16 : memref<!tpu.dma_semaphore, #tpu.memory_space<semaphore_mem>>)
      %mul3A_1264 = arith.constant 4 : i32
      %mul3A_1265 = arith.muli %add3A_1032, %mul3A_1264 : i32
      %add3A_1266 = arith.constant 1 : i32
      %add3A_1267 = arith.addi %mul3A_1265, %add3A_1266 : i32
      %dma_start3A_1268 = arith.constant 0 : i32
      %dma_start3A_1269 = arith.constant 32 : i32
      %dma_start3A_1270 = arith.constant 0 : i32
      %dma_start3A_1271 = tpu.memref_slice %arg11[%dma_start3A_1269, %dma_start3A_1270] : memref<128x129xf32, #tpu.memory_space<vmem>> -> memref<8x128xf32, #tpu.memory_space<vmem>>
      %dma_start3A_1272 = arith.constant 0 : i32
      %dma_start3A_1273 = arith.constant 0 : i32
      %dma_start3A_1274 = tpu.memref_slice %arg5[%add3A_1267, %dma_start3A_1268, %add3A, %dma_start3A_1272, %dma_start3A_1273] : memref<200x4x32x8x128xf32, #tpu.memory_space<hbm>> -> memref<1x1x1x8x128xf32, #tpu.memory_space<hbm>>
      %dma_start3A_1275 = tpu.memref_squeeze %dma_start3A_1274 : memref<1x1x1x8x128xf32, #tpu.memory_space<hbm>> -> memref<8x128xf32, #tpu.memory_space<hbm>>
      %dma_start3A_1276 = arith.constant 0 : i32
      %dma_start3A_1277 = arith.constant 0 : i32
      %dma_start3A_1278 = tpu.memref_slice %arg5[%add3A_1267, %dma_start3A_1268, %add3A, %dma_start3A_1276, %dma_start3A_1277] : memref<200x4x32x8x128xf32, #tpu.memory_space<hbm>> -> memref<1x1x1x8x128xf32, #tpu.memory_space<hbm>>
      %dma_start3A_1279 = tpu.memref_squeeze %dma_start3A_1278 : memref<1x1x1x8x128xf32, #tpu.memory_space<hbm>> -> memref<8x128xf32, #tpu.memory_space<hbm>>
      %dma_start3A_1280 = arith.constant 32 : i32
      %dma_start3A_1281 = arith.constant 0 : i32
      %dma_start3A_1282 = tpu.memref_slice %arg11[%dma_start3A_1280, %dma_start3A_1281] : memref<128x129xf32, #tpu.memory_space<vmem>> -> memref<8x128xf32, #tpu.memory_space<vmem>>
      tpu.enqueue_dma source(%dma_start3A_1282 : memref<8x128xf32, #tpu.memory_space<vmem>>) target(%dma_start3A_1279 : memref<8x128xf32, #tpu.memory_space<hbm>>) target_semaphore(%arg16 : memref<!tpu.dma_semaphore, #tpu.memory_space<semaphore_mem>>)
      %mul3A_1283 = arith.constant 4 : i32
      %mul3A_1284 = arith.muli %add3A_1032, %mul3A_1283 : i32
      %add3A_1285 = arith.constant 1 : i32
      %add3A_1286 = arith.addi %mul3A_1284, %add3A_1285 : i32
      %dma_start3A_1287 = arith.constant 1 : i32
      %dma_start3A_1288 = arith.constant 40 : i32
      %dma_start3A_1289 = arith.constant 0 : i32
      %dma_start3A_1290 = tpu.memref_slice %arg11[%dma_start3A_1288, %dma_start3A_1289] : memref<128x129xf32, #tpu.memory_space<vmem>> -> memref<8x128xf32, #tpu.memory_space<vmem>>
      %dma_start3A_1291 = arith.constant 0 : i32
      %dma_start3A_1292 = arith.constant 0 : i32
      %dma_start3A_1293 = tpu.memref_slice %arg5[%add3A_1286, %dma_start3A_1287, %add3A, %dma_start3A_1291, %dma_start3A_1292] : memref<200x4x32x8x128xf32, #tpu.memory_space<hbm>> -> memref<1x1x1x8x128xf32, #tpu.memory_space<hbm>>
      %dma_start3A_1294 = tpu.memref_squeeze %dma_start3A_1293 : memref<1x1x1x8x128xf32, #tpu.memory_space<hbm>> -> memref<8x128xf32, #tpu.memory_space<hbm>>
      %dma_start3A_1295 = arith.constant 0 : i32
      %dma_start3A_1296 = arith.constant 0 : i32
      %dma_start3A_1297 = tpu.memref_slice %arg5[%add3A_1286, %dma_start3A_1287, %add3A, %dma_start3A_1295, %dma_start3A_1296] : memref<200x4x32x8x128xf32, #tpu.memory_space<hbm>> -> memref<1x1x1x8x128xf32, #tpu.memory_space<hbm>>
      %dma_start3A_1298 = tpu.memref_squeeze %dma_start3A_1297 : memref<1x1x1x8x128xf32, #tpu.memory_space<hbm>> -> memref<8x128xf32, #tpu.memory_space<hbm>>
      %dma_start3A_1299 = arith.constant 40 : i32
      %dma_start3A_1300 = arith.constant 0 : i32
      %dma_start3A_1301 = tpu.memref_slice %arg11[%dma_start3A_1299, %dma_start3A_1300] : memref<128x129xf32, #tpu.memory_space<vmem>> -> memref<8x128xf32, #tpu.memory_space<vmem>>
      tpu.enqueue_dma source(%dma_start3A_1301 : memref<8x128xf32, #tpu.memory_space<vmem>>) target(%dma_start3A_1298 : memref<8x128xf32, #tpu.memory_space<hbm>>) target_semaphore(%arg16 : memref<!tpu.dma_semaphore, #tpu.memory_space<semaphore_mem>>)
      %mul3A_1302 = arith.constant 4 : i32
      %mul3A_1303 = arith.muli %add3A_1032, %mul3A_1302 : i32
      %add3A_1304 = arith.constant 1 : i32
      %add3A_1305 = arith.addi %mul3A_1303, %add3A_1304 : i32
      %dma_start3A_1306 = arith.constant 2 : i32
      %dma_start3A_1307 = arith.constant 48 : i32
      %dma_start3A_1308 = arith.constant 0 : i32
      %dma_start3A_1309 = tpu.memref_slice %arg11[%dma_start3A_1307, %dma_start3A_1308] : memref<128x129xf32, #tpu.memory_space<vmem>> -> memref<8x128xf32, #tpu.memory_space<vmem>>
      %dma_start3A_1310 = arith.constant 0 : i32
      %dma_start3A_1311 = arith.constant 0 : i32
      %dma_start3A_1312 = tpu.memref_slice %arg5[%add3A_1305, %dma_start3A_1306, %add3A, %dma_start3A_1310, %dma_start3A_1311] : memref<200x4x32x8x128xf32, #tpu.memory_space<hbm>> -> memref<1x1x1x8x128xf32, #tpu.memory_space<hbm>>
      %dma_start3A_1313 = tpu.memref_squeeze %dma_start3A_1312 : memref<1x1x1x8x128xf32, #tpu.memory_space<hbm>> -> memref<8x128xf32, #tpu.memory_space<hbm>>
      %dma_start3A_1314 = arith.constant 0 : i32
      %dma_start3A_1315 = arith.constant 0 : i32
      %dma_start3A_1316 = tpu.memref_slice %arg5[%add3A_1305, %dma_start3A_1306, %add3A, %dma_start3A_1314, %dma_start3A_1315] : memref<200x4x32x8x128xf32, #tpu.memory_space<hbm>> -> memref<1x1x1x8x128xf32, #tpu.memory_space<hbm>>
      %dma_start3A_1317 = tpu.memref_squeeze %dma_start3A_1316 : memref<1x1x1x8x128xf32, #tpu.memory_space<hbm>> -> memref<8x128xf32, #tpu.memory_space<hbm>>
      %dma_start3A_1318 = arith.constant 48 : i32
      %dma_start3A_1319 = arith.constant 0 : i32
      %dma_start3A_1320 = tpu.memref_slice %arg11[%dma_start3A_1318, %dma_start3A_1319] : memref<128x129xf32, #tpu.memory_space<vmem>> -> memref<8x128xf32, #tpu.memory_space<vmem>>
      tpu.enqueue_dma source(%dma_start3A_1320 : memref<8x128xf32, #tpu.memory_space<vmem>>) target(%dma_start3A_1317 : memref<8x128xf32, #tpu.memory_space<hbm>>) target_semaphore(%arg16 : memref<!tpu.dma_semaphore, #tpu.memory_space<semaphore_mem>>)
      %mul3A_1321 = arith.constant 4 : i32
      %mul3A_1322 = arith.muli %add3A_1032, %mul3A_1321 : i32
      %add3A_1323 = arith.constant 1 : i32
      %add3A_1324 = arith.addi %mul3A_1322, %add3A_1323 : i32
      %dma_start3A_1325 = arith.constant 3 : i32
      %dma_start3A_1326 = arith.constant 56 : i32
      %dma_start3A_1327 = arith.constant 0 : i32
      %dma_start3A_1328 = tpu.memref_slice %arg11[%dma_start3A_1326, %dma_start3A_1327] : memref<128x129xf32, #tpu.memory_space<vmem>> -> memref<8x128xf32, #tpu.memory_space<vmem>>
      %dma_start3A_1329 = arith.constant 0 : i32
      %dma_start3A_1330 = arith.constant 0 : i32
      %dma_start3A_1331 = tpu.memref_slice %arg5[%add3A_1324, %dma_start3A_1325, %add3A, %dma_start3A_1329, %dma_start3A_1330] : memref<200x4x32x8x128xf32, #tpu.memory_space<hbm>> -> memref<1x1x1x8x128xf32, #tpu.memory_space<hbm>>
      %dma_start3A_1332 = tpu.memref_squeeze %dma_start3A_1331 : memref<1x1x1x8x128xf32, #tpu.memory_space<hbm>> -> memref<8x128xf32, #tpu.memory_space<hbm>>
      %dma_start3A_1333 = arith.constant 0 : i32
      %dma_start3A_1334 = arith.constant 0 : i32
      %dma_start3A_1335 = tpu.memref_slice %arg5[%add3A_1324, %dma_start3A_1325, %add3A, %dma_start3A_1333, %dma_start3A_1334] : memref<200x4x32x8x128xf32, #tpu.memory_space<hbm>> -> memref<1x1x1x8x128xf32, #tpu.memory_space<hbm>>
      %dma_start3A_1336 = tpu.memref_squeeze %dma_start3A_1335 : memref<1x1x1x8x128xf32, #tpu.memory_space<hbm>> -> memref<8x128xf32, #tpu.memory_space<hbm>>
      %dma_start3A_1337 = arith.constant 56 : i32
      %dma_start3A_1338 = arith.constant 0 : i32
      %dma_start3A_1339 = tpu.memref_slice %arg11[%dma_start3A_1337, %dma_start3A_1338] : memref<128x129xf32, #tpu.memory_space<vmem>> -> memref<8x128xf32, #tpu.memory_space<vmem>>
      tpu.enqueue_dma source(%dma_start3A_1339 : memref<8x128xf32, #tpu.memory_space<vmem>>) target(%dma_start3A_1336 : memref<8x128xf32, #tpu.memory_space<hbm>>) target_semaphore(%arg16 : memref<!tpu.dma_semaphore, #tpu.memory_space<semaphore_mem>>)
      %mul3A_1340 = arith.constant 4 : i32
      %mul3A_1341 = arith.muli %add3A_1032, %mul3A_1340 : i32
      %add3A_1342 = arith.constant 2 : i32
      %add3A_1343 = arith.addi %mul3A_1341, %add3A_1342 : i32
      %dma_start3A_1344 = arith.constant 0 : i32
      %dma_start3A_1345 = arith.constant 64 : i32
      %dma_start3A_1346 = arith.constant 0 : i32
      %dma_start3A_1347 = tpu.memref_slice %arg11[%dma_start3A_1345, %dma_start3A_1346] : memref<128x129xf32, #tpu.memory_space<vmem>> -> memref<8x128xf32, #tpu.memory_space<vmem>>
      %dma_start3A_1348 = arith.constant 0 : i32
      %dma_start3A_1349 = arith.constant 0 : i32
      %dma_start3A_1350 = tpu.memref_slice %arg5[%add3A_1343, %dma_start3A_1344, %add3A, %dma_start3A_1348, %dma_start3A_1349] : memref<200x4x32x8x128xf32, #tpu.memory_space<hbm>> -> memref<1x1x1x8x128xf32, #tpu.memory_space<hbm>>
      %dma_start3A_1351 = tpu.memref_squeeze %dma_start3A_1350 : memref<1x1x1x8x128xf32, #tpu.memory_space<hbm>> -> memref<8x128xf32, #tpu.memory_space<hbm>>
      %dma_start3A_1352 = arith.constant 0 : i32
      %dma_start3A_1353 = arith.constant 0 : i32
      %dma_start3A_1354 = tpu.memref_slice %arg5[%add3A_1343, %dma_start3A_1344, %add3A, %dma_start3A_1352, %dma_start3A_1353] : memref<200x4x32x8x128xf32, #tpu.memory_space<hbm>> -> memref<1x1x1x8x128xf32, #tpu.memory_space<hbm>>
      %dma_start3A_1355 = tpu.memref_squeeze %dma_start3A_1354 : memref<1x1x1x8x128xf32, #tpu.memory_space<hbm>> -> memref<8x128xf32, #tpu.memory_space<hbm>>
      %dma_start3A_1356 = arith.constant 64 : i32
      %dma_start3A_1357 = arith.constant 0 : i32
      %dma_start3A_1358 = tpu.memref_slice %arg11[%dma_start3A_1356, %dma_start3A_1357] : memref<128x129xf32, #tpu.memory_space<vmem>> -> memref<8x128xf32, #tpu.memory_space<vmem>>
      tpu.enqueue_dma source(%dma_start3A_1358 : memref<8x128xf32, #tpu.memory_space<vmem>>) target(%dma_start3A_1355 : memref<8x128xf32, #tpu.memory_space<hbm>>) target_semaphore(%arg16 : memref<!tpu.dma_semaphore, #tpu.memory_space<semaphore_mem>>)
      %mul3A_1359 = arith.constant 4 : i32
      %mul3A_1360 = arith.muli %add3A_1032, %mul3A_1359 : i32
      %add3A_1361 = arith.constant 2 : i32
      %add3A_1362 = arith.addi %mul3A_1360, %add3A_1361 : i32
      %dma_start3A_1363 = arith.constant 1 : i32
      %dma_start3A_1364 = arith.constant 72 : i32
      %dma_start3A_1365 = arith.constant 0 : i32
      %dma_start3A_1366 = tpu.memref_slice %arg11[%dma_start3A_1364, %dma_start3A_1365] : memref<128x129xf32, #tpu.memory_space<vmem>> -> memref<8x128xf32, #tpu.memory_space<vmem>>
      %dma_start3A_1367 = arith.constant 0 : i32
      %dma_start3A_1368 = arith.constant 0 : i32
      %dma_start3A_1369 = tpu.memref_slice %arg5[%add3A_1362, %dma_start3A_1363, %add3A, %dma_start3A_1367, %dma_start3A_1368] : memref<200x4x32x8x128xf32, #tpu.memory_space<hbm>> -> memref<1x1x1x8x128xf32, #tpu.memory_space<hbm>>
      %dma_start3A_1370 = tpu.memref_squeeze %dma_start3A_1369 : memref<1x1x1x8x128xf32, #tpu.memory_space<hbm>> -> memref<8x128xf32, #tpu.memory_space<hbm>>
      %dma_start3A_1371 = arith.constant 0 : i32
      %dma_start3A_1372 = arith.constant 0 : i32
      %dma_start3A_1373 = tpu.memref_slice %arg5[%add3A_1362, %dma_start3A_1363, %add3A, %dma_start3A_1371, %dma_start3A_1372] : memref<200x4x32x8x128xf32, #tpu.memory_space<hbm>> -> memref<1x1x1x8x128xf32, #tpu.memory_space<hbm>>
      %dma_start3A_1374 = tpu.memref_squeeze %dma_start3A_1373 : memref<1x1x1x8x128xf32, #tpu.memory_space<hbm>> -> memref<8x128xf32, #tpu.memory_space<hbm>>
      %dma_start3A_1375 = arith.constant 72 : i32
      %dma_start3A_1376 = arith.constant 0 : i32
      %dma_start3A_1377 = tpu.memref_slice %arg11[%dma_start3A_1375, %dma_start3A_1376] : memref<128x129xf32, #tpu.memory_space<vmem>> -> memref<8x128xf32, #tpu.memory_space<vmem>>
      tpu.enqueue_dma source(%dma_start3A_1377 : memref<8x128xf32, #tpu.memory_space<vmem>>) target(%dma_start3A_1374 : memref<8x128xf32, #tpu.memory_space<hbm>>) target_semaphore(%arg16 : memref<!tpu.dma_semaphore, #tpu.memory_space<semaphore_mem>>)
      %mul3A_1378 = arith.constant 4 : i32
      %mul3A_1379 = arith.muli %add3A_1032, %mul3A_1378 : i32
      %add3A_1380 = arith.constant 2 : i32
      %add3A_1381 = arith.addi %mul3A_1379, %add3A_1380 : i32
      %dma_start3A_1382 = arith.constant 2 : i32
      %dma_start3A_1383 = arith.constant 80 : i32
      %dma_start3A_1384 = arith.constant 0 : i32
      %dma_start3A_1385 = tpu.memref_slice %arg11[%dma_start3A_1383, %dma_start3A_1384] : memref<128x129xf32, #tpu.memory_space<vmem>> -> memref<8x128xf32, #tpu.memory_space<vmem>>
      %dma_start3A_1386 = arith.constant 0 : i32
      %dma_start3A_1387 = arith.constant 0 : i32
      %dma_start3A_1388 = tpu.memref_slice %arg5[%add3A_1381, %dma_start3A_1382, %add3A, %dma_start3A_1386, %dma_start3A_1387] : memref<200x4x32x8x128xf32, #tpu.memory_space<hbm>> -> memref<1x1x1x8x128xf32, #tpu.memory_space<hbm>>
      %dma_start3A_1389 = tpu.memref_squeeze %dma_start3A_1388 : memref<1x1x1x8x128xf32, #tpu.memory_space<hbm>> -> memref<8x128xf32, #tpu.memory_space<hbm>>
      %dma_start3A_1390 = arith.constant 0 : i32
      %dma_start3A_1391 = arith.constant 0 : i32
      %dma_start3A_1392 = tpu.memref_slice %arg5[%add3A_1381, %dma_start3A_1382, %add3A, %dma_start3A_1390, %dma_start3A_1391] : memref<200x4x32x8x128xf32, #tpu.memory_space<hbm>> -> memref<1x1x1x8x128xf32, #tpu.memory_space<hbm>>
      %dma_start3A_1393 = tpu.memref_squeeze %dma_start3A_1392 : memref<1x1x1x8x128xf32, #tpu.memory_space<hbm>> -> memref<8x128xf32, #tpu.memory_space<hbm>>
      %dma_start3A_1394 = arith.constant 80 : i32
      %dma_start3A_1395 = arith.constant 0 : i32
      %dma_start3A_1396 = tpu.memref_slice %arg11[%dma_start3A_1394, %dma_start3A_1395] : memref<128x129xf32, #tpu.memory_space<vmem>> -> memref<8x128xf32, #tpu.memory_space<vmem>>
      tpu.enqueue_dma source(%dma_start3A_1396 : memref<8x128xf32, #tpu.memory_space<vmem>>) target(%dma_start3A_1393 : memref<8x128xf32, #tpu.memory_space<hbm>>) target_semaphore(%arg16 : memref<!tpu.dma_semaphore, #tpu.memory_space<semaphore_mem>>)
      %mul3A_1397 = arith.constant 4 : i32
      %mul3A_1398 = arith.muli %add3A_1032, %mul3A_1397 : i32
      %add3A_1399 = arith.constant 2 : i32
      %add3A_1400 = arith.addi %mul3A_1398, %add3A_1399 : i32
      %dma_start3A_1401 = arith.constant 3 : i32
      %dma_start3A_1402 = arith.constant 88 : i32
      %dma_start3A_1403 = arith.constant 0 : i32
      %dma_start3A_1404 = tpu.memref_slice %arg11[%dma_start3A_1402, %dma_start3A_1403] : memref<128x129xf32, #tpu.memory_space<vmem>> -> memref<8x128xf32, #tpu.memory_space<vmem>>
      %dma_start3A_1405 = arith.constant 0 : i32
      %dma_start3A_1406 = arith.constant 0 : i32
      %dma_start3A_1407 = tpu.memref_slice %arg5[%add3A_1400, %dma_start3A_1401, %add3A, %dma_start3A_1405, %dma_start3A_1406] : memref<200x4x32x8x128xf32, #tpu.memory_space<hbm>> -> memref<1x1x1x8x128xf32, #tpu.memory_space<hbm>>
      %dma_start3A_1408 = tpu.memref_squeeze %dma_start3A_1407 : memref<1x1x1x8x128xf32, #tpu.memory_space<hbm>> -> memref<8x128xf32, #tpu.memory_space<hbm>>
      %dma_start3A_1409 = arith.constant 0 : i32
      %dma_start3A_1410 = arith.constant 0 : i32
      %dma_start3A_1411 = tpu.memref_slice %arg5[%add3A_1400, %dma_start3A_1401, %add3A, %dma_start3A_1409, %dma_start3A_1410] : memref<200x4x32x8x128xf32, #tpu.memory_space<hbm>> -> memref<1x1x1x8x128xf32, #tpu.memory_space<hbm>>
      %dma_start3A_1412 = tpu.memref_squeeze %dma_start3A_1411 : memref<1x1x1x8x128xf32, #tpu.memory_space<hbm>> -> memref<8x128xf32, #tpu.memory_space<hbm>>
      %dma_start3A_1413 = arith.constant 88 : i32
      %dma_start3A_1414 = arith.constant 0 : i32
      %dma_start3A_1415 = tpu.memref_slice %arg11[%dma_start3A_1413, %dma_start3A_1414] : memref<128x129xf32, #tpu.memory_space<vmem>> -> memref<8x128xf32, #tpu.memory_space<vmem>>
      tpu.enqueue_dma source(%dma_start3A_1415 : memref<8x128xf32, #tpu.memory_space<vmem>>) target(%dma_start3A_1412 : memref<8x128xf32, #tpu.memory_space<hbm>>) target_semaphore(%arg16 : memref<!tpu.dma_semaphore, #tpu.memory_space<semaphore_mem>>)
      %mul3A_1416 = arith.constant 4 : i32
      %mul3A_1417 = arith.muli %add3A_1032, %mul3A_1416 : i32
      %add3A_1418 = arith.constant 3 : i32
      %add3A_1419 = arith.addi %mul3A_1417, %add3A_1418 : i32
      %dma_start3A_1420 = arith.constant 0 : i32
      %dma_start3A_1421 = arith.constant 96 : i32
      %dma_start3A_1422 = arith.constant 0 : i32
      %dma_start3A_1423 = tpu.memref_slice %arg11[%dma_start3A_1421, %dma_start3A_1422] : memref<128x129xf32, #tpu.memory_space<vmem>> -> memref<8x128xf32, #tpu.memory_space<vmem>>
      %dma_start3A_1424 = arith.constant 0 : i32
      %dma_start3A_1425 = arith.constant 0 : i32
      %dma_start3A_1426 = tpu.memref_slice %arg5[%add3A_1419, %dma_start3A_1420, %add3A, %dma_start3A_1424, %dma_start3A_1425] : memref<200x4x32x8x128xf32, #tpu.memory_space<hbm>> -> memref<1x1x1x8x128xf32, #tpu.memory_space<hbm>>
      %dma_start3A_1427 = tpu.memref_squeeze %dma_start3A_1426 : memref<1x1x1x8x128xf32, #tpu.memory_space<hbm>> -> memref<8x128xf32, #tpu.memory_space<hbm>>
      %dma_start3A_1428 = arith.constant 0 : i32
      %dma_start3A_1429 = arith.constant 0 : i32
      %dma_start3A_1430 = tpu.memref_slice %arg5[%add3A_1419, %dma_start3A_1420, %add3A, %dma_start3A_1428, %dma_start3A_1429] : memref<200x4x32x8x128xf32, #tpu.memory_space<hbm>> -> memref<1x1x1x8x128xf32, #tpu.memory_space<hbm>>
      %dma_start3A_1431 = tpu.memref_squeeze %dma_start3A_1430 : memref<1x1x1x8x128xf32, #tpu.memory_space<hbm>> -> memref<8x128xf32, #tpu.memory_space<hbm>>
      %dma_start3A_1432 = arith.constant 96 : i32
      %dma_start3A_1433 = arith.constant 0 : i32
      %dma_start3A_1434 = tpu.memref_slice %arg11[%dma_start3A_1432, %dma_start3A_1433] : memref<128x129xf32, #tpu.memory_space<vmem>> -> memref<8x128xf32, #tpu.memory_space<vmem>>
      tpu.enqueue_dma source(%dma_start3A_1434 : memref<8x128xf32, #tpu.memory_space<vmem>>) target(%dma_start3A_1431 : memref<8x128xf32, #tpu.memory_space<hbm>>) target_semaphore(%arg16 : memref<!tpu.dma_semaphore, #tpu.memory_space<semaphore_mem>>)
      %mul3A_1435 = arith.constant 4 : i32
      %mul3A_1436 = arith.muli %add3A_1032, %mul3A_1435 : i32
      %add3A_1437 = arith.constant 3 : i32
      %add3A_1438 = arith.addi %mul3A_1436, %add3A_1437 : i32
      %dma_start3A_1439 = arith.constant 1 : i32
      %dma_start3A_1440 = arith.constant 104 : i32
      %dma_start3A_1441 = arith.constant 0 : i32
      %dma_start3A_1442 = tpu.memref_slice %arg11[%dma_start3A_1440, %dma_start3A_1441] : memref<128x129xf32, #tpu.memory_space<vmem>> -> memref<8x128xf32, #tpu.memory_space<vmem>>
      %dma_start3A_1443 = arith.constant 0 : i32
      %dma_start3A_1444 = arith.constant 0 : i32
      %dma_start3A_1445 = tpu.memref_slice %arg5[%add3A_1438, %dma_start3A_1439, %add3A, %dma_start3A_1443, %dma_start3A_1444] : memref<200x4x32x8x128xf32, #tpu.memory_space<hbm>> -> memref<1x1x1x8x128xf32, #tpu.memory_space<hbm>>
      %dma_start3A_1446 = tpu.memref_squeeze %dma_start3A_1445 : memref<1x1x1x8x128xf32, #tpu.memory_space<hbm>> -> memref<8x128xf32, #tpu.memory_space<hbm>>
      %dma_start3A_1447 = arith.constant 0 : i32
      %dma_start3A_1448 = arith.constant 0 : i32
      %dma_start3A_1449 = tpu.memref_slice %arg5[%add3A_1438, %dma_start3A_1439, %add3A, %dma_start3A_1447, %dma_start3A_1448] : memref<200x4x32x8x128xf32, #tpu.memory_space<hbm>> -> memref<1x1x1x8x128xf32, #tpu.memory_space<hbm>>
      %dma_start3A_1450 = tpu.memref_squeeze %dma_start3A_1449 : memref<1x1x1x8x128xf32, #tpu.memory_space<hbm>> -> memref<8x128xf32, #tpu.memory_space<hbm>>
      %dma_start3A_1451 = arith.constant 104 : i32
      %dma_start3A_1452 = arith.constant 0 : i32
      %dma_start3A_1453 = tpu.memref_slice %arg11[%dma_start3A_1451, %dma_start3A_1452] : memref<128x129xf32, #tpu.memory_space<vmem>> -> memref<8x128xf32, #tpu.memory_space<vmem>>
      tpu.enqueue_dma source(%dma_start3A_1453 : memref<8x128xf32, #tpu.memory_space<vmem>>) target(%dma_start3A_1450 : memref<8x128xf32, #tpu.memory_space<hbm>>) target_semaphore(%arg16 : memref<!tpu.dma_semaphore, #tpu.memory_space<semaphore_mem>>)
      %mul3A_1454 = arith.constant 4 : i32
      %mul3A_1455 = arith.muli %add3A_1032, %mul3A_1454 : i32
      %add3A_1456 = arith.constant 3 : i32
      %add3A_1457 = arith.addi %mul3A_1455, %add3A_1456 : i32
      %dma_start3A_1458 = arith.constant 2 : i32
      %dma_start3A_1459 = arith.constant 112 : i32
      %dma_start3A_1460 = arith.constant 0 : i32
      %dma_start3A_1461 = tpu.memref_slice %arg11[%dma_start3A_1459, %dma_start3A_1460] : memref<128x129xf32, #tpu.memory_space<vmem>> -> memref<8x128xf32, #tpu.memory_space<vmem>>
      %dma_start3A_1462 = arith.constant 0 : i32
      %dma_start3A_1463 = arith.constant 0 : i32
      %dma_start3A_1464 = tpu.memref_slice %arg5[%add3A_1457, %dma_start3A_1458, %add3A, %dma_start3A_1462, %dma_start3A_1463] : memref<200x4x32x8x128xf32, #tpu.memory_space<hbm>> -> memref<1x1x1x8x128xf32, #tpu.memory_space<hbm>>
      %dma_start3A_1465 = tpu.memref_squeeze %dma_start3A_1464 : memref<1x1x1x8x128xf32, #tpu.memory_space<hbm>> -> memref<8x128xf32, #tpu.memory_space<hbm>>
      %dma_start3A_1466 = arith.constant 0 : i32
      %dma_start3A_1467 = arith.constant 0 : i32
      %dma_start3A_1468 = tpu.memref_slice %arg5[%add3A_1457, %dma_start3A_1458, %add3A, %dma_start3A_1466, %dma_start3A_1467] : memref<200x4x32x8x128xf32, #tpu.memory_space<hbm>> -> memref<1x1x1x8x128xf32, #tpu.memory_space<hbm>>
      %dma_start3A_1469 = tpu.memref_squeeze %dma_start3A_1468 : memref<1x1x1x8x128xf32, #tpu.memory_space<hbm>> -> memref<8x128xf32, #tpu.memory_space<hbm>>
      %dma_start3A_1470 = arith.constant 112 : i32
      %dma_start3A_1471 = arith.constant 0 : i32
      %dma_start3A_1472 = tpu.memref_slice %arg11[%dma_start3A_1470, %dma_start3A_1471] : memref<128x129xf32, #tpu.memory_space<vmem>> -> memref<8x128xf32, #tpu.memory_space<vmem>>
      tpu.enqueue_dma source(%dma_start3A_1472 : memref<8x128xf32, #tpu.memory_space<vmem>>) target(%dma_start3A_1469 : memref<8x128xf32, #tpu.memory_space<hbm>>) target_semaphore(%arg16 : memref<!tpu.dma_semaphore, #tpu.memory_space<semaphore_mem>>)
      %mul3A_1473 = arith.constant 4 : i32
      %mul3A_1474 = arith.muli %add3A_1032, %mul3A_1473 : i32
      %add3A_1475 = arith.constant 3 : i32
      %add3A_1476 = arith.addi %mul3A_1474, %add3A_1475 : i32
      %dma_start3A_1477 = arith.constant 3 : i32
      %dma_start3A_1478 = arith.constant 120 : i32
      %dma_start3A_1479 = arith.constant 0 : i32
      %dma_start3A_1480 = tpu.memref_slice %arg11[%dma_start3A_1478, %dma_start3A_1479] : memref<128x129xf32, #tpu.memory_space<vmem>> -> memref<8x128xf32, #tpu.memory_space<vmem>>
      %dma_start3A_1481 = arith.constant 0 : i32
      %dma_start3A_1482 = arith.constant 0 : i32
      %dma_start3A_1483 = tpu.memref_slice %arg5[%add3A_1476, %dma_start3A_1477, %add3A, %dma_start3A_1481, %dma_start3A_1482] : memref<200x4x32x8x128xf32, #tpu.memory_space<hbm>> -> memref<1x1x1x8x128xf32, #tpu.memory_space<hbm>>
      %dma_start3A_1484 = tpu.memref_squeeze %dma_start3A_1483 : memref<1x1x1x8x128xf32, #tpu.memory_space<hbm>> -> memref<8x128xf32, #tpu.memory_space<hbm>>
      %dma_start3A_1485 = arith.constant 0 : i32
      %dma_start3A_1486 = arith.constant 0 : i32
      %dma_start3A_1487 = tpu.memref_slice %arg5[%add3A_1476, %dma_start3A_1477, %add3A, %dma_start3A_1485, %dma_start3A_1486] : memref<200x4x32x8x128xf32, #tpu.memory_space<hbm>> -> memref<1x1x1x8x128xf32, #tpu.memory_space<hbm>>
      %dma_start3A_1488 = tpu.memref_squeeze %dma_start3A_1487 : memref<1x1x1x8x128xf32, #tpu.memory_space<hbm>> -> memref<8x128xf32, #tpu.memory_space<hbm>>
      %dma_start3A_1489 = arith.constant 120 : i32
      %dma_start3A_1490 = arith.constant 0 : i32
      %dma_start3A_1491 = tpu.memref_slice %arg11[%dma_start3A_1489, %dma_start3A_1490] : memref<128x129xf32, #tpu.memory_space<vmem>> -> memref<8x128xf32, #tpu.memory_space<vmem>>
      tpu.enqueue_dma source(%dma_start3A_1491 : memref<8x128xf32, #tpu.memory_space<vmem>>) target(%dma_start3A_1488 : memref<8x128xf32, #tpu.memory_space<hbm>>) target_semaphore(%arg16 : memref<!tpu.dma_semaphore, #tpu.memory_space<semaphore_mem>>)
    }
    %scan3A_58 = arith.constant 25 : i32
    %dma_wait3A = arith.constant 192 : i32
    %dma_wait3A_59 = arith.constant 0 : i32
    %dma_wait3A_60 = arith.constant 0 : i32
    %dma_wait3A_61 = arith.constant 0 : i32
    %dma_wait3A_62 = tpu.memref_slice %arg10[%dma_wait3A_60, %dma_wait3A_61] : memref<128x129xf32, #tpu.memory_space<vmem>> -> memref<8x128xf32, #tpu.memory_space<vmem>>
    %dma_wait3A_63 = arith.constant 0 : i32
    %dma_wait3A_64 = arith.constant 0 : i32
    %dma_wait3A_65 = tpu.memref_slice %arg5[%dma_wait3A, %dma_wait3A_59, %add3A, %dma_wait3A_63, %dma_wait3A_64] : memref<200x4x32x8x128xf32, #tpu.memory_space<hbm>> -> memref<1x1x1x8x128xf32, #tpu.memory_space<hbm>>
    %dma_wait3A_66 = tpu.memref_squeeze %dma_wait3A_65 : memref<1x1x1x8x128xf32, #tpu.memory_space<hbm>> -> memref<8x128xf32, #tpu.memory_space<hbm>>
    %dma_wait3A_67 = arith.constant 0 : i32
    %dma_wait3A_68 = arith.constant 0 : i32
    %dma_wait3A_69 = tpu.memref_slice %arg5[%dma_wait3A, %dma_wait3A_59, %add3A, %dma_wait3A_67, %dma_wait3A_68] : memref<200x4x32x8x128xf32, #tpu.memory_space<hbm>> -> memref<1x1x1x8x128xf32, #tpu.memory_space<hbm>>
    %dma_wait3A_70 = tpu.memref_squeeze %dma_wait3A_69 : memref<1x1x1x8x128xf32, #tpu.memory_space<hbm>> -> memref<8x128xf32, #tpu.memory_space<hbm>>
    %dma_wait3A_71 = arith.constant 0 : i32
    %dma_wait3A_72 = arith.constant 0 : i32
    %dma_wait3A_73 = tpu.memref_slice %arg10[%dma_wait3A_71, %dma_wait3A_72] : memref<128x129xf32, #tpu.memory_space<vmem>> -> memref<8x128xf32, #tpu.memory_space<vmem>>
    tpu.wait_dma2 semaphore(%arg15 : memref<!tpu.dma_semaphore, #tpu.memory_space<semaphore_mem>>) src(%dma_wait3A_73 : memref<8x128xf32, #tpu.memory_space<vmem>>) dst(%dma_wait3A_70 : memref<8x128xf32, #tpu.memory_space<hbm>>)
    %dma_wait3A_74 = arith.constant 192 : i32
    %dma_wait3A_75 = arith.constant 1 : i32
    %dma_wait3A_76 = arith.constant 8 : i32
    %dma_wait3A_77 = arith.constant 0 : i32
    %dma_wait3A_78 = tpu.memref_slice %arg10[%dma_wait3A_76, %dma_wait3A_77] : memref<128x129xf32, #tpu.memory_space<vmem>> -> memref<8x128xf32, #tpu.memory_space<vmem>>
    %dma_wait3A_79 = arith.constant 0 : i32
    %dma_wait3A_80 = arith.constant 0 : i32
    %dma_wait3A_81 = tpu.memref_slice %arg5[%dma_wait3A_74, %dma_wait3A_75, %add3A, %dma_wait3A_79, %dma_wait3A_80] : memref<200x4x32x8x128xf32, #tpu.memory_space<hbm>> -> memref<1x1x1x8x128xf32, #tpu.memory_space<hbm>>
    %dma_wait3A_82 = tpu.memref_squeeze %dma_wait3A_81 : memref<1x1x1x8x128xf32, #tpu.memory_space<hbm>> -> memref<8x128xf32, #tpu.memory_space<hbm>>
    %dma_wait3A_83 = arith.constant 0 : i32
    %dma_wait3A_84 = arith.constant 0 : i32
    %dma_wait3A_85 = tpu.memref_slice %arg5[%dma_wait3A_74, %dma_wait3A_75, %add3A, %dma_wait3A_83, %dma_wait3A_84] : memref<200x4x32x8x128xf32, #tpu.memory_space<hbm>> -> memref<1x1x1x8x128xf32, #tpu.memory_space<hbm>>
    %dma_wait3A_86 = tpu.memref_squeeze %dma_wait3A_85 : memref<1x1x1x8x128xf32, #tpu.memory_space<hbm>> -> memref<8x128xf32, #tpu.memory_space<hbm>>
    %dma_wait3A_87 = arith.constant 8 : i32
    %dma_wait3A_88 = arith.constant 0 : i32
    %dma_wait3A_89 = tpu.memref_slice %arg10[%dma_wait3A_87, %dma_wait3A_88] : memref<128x129xf32, #tpu.memory_space<vmem>> -> memref<8x128xf32, #tpu.memory_space<vmem>>
    tpu.wait_dma2 semaphore(%arg15 : memref<!tpu.dma_semaphore, #tpu.memory_space<semaphore_mem>>) src(%dma_wait3A_89 : memref<8x128xf32, #tpu.memory_space<vmem>>) dst(%dma_wait3A_86 : memref<8x128xf32, #tpu.memory_space<hbm>>)
    %dma_wait3A_90 = arith.constant 192 : i32
    %dma_wait3A_91 = arith.constant 2 : i32
    %dma_wait3A_92 = arith.constant 16 : i32
    %dma_wait3A_93 = arith.constant 0 : i32
    %dma_wait3A_94 = tpu.memref_slice %arg10[%dma_wait3A_92, %dma_wait3A_93] : memref<128x129xf32, #tpu.memory_space<vmem>> -> memref<8x128xf32, #tpu.memory_space<vmem>>
    %dma_wait3A_95 = arith.constant 0 : i32
    %dma_wait3A_96 = arith.constant 0 : i32
    %dma_wait3A_97 = tpu.memref_slice %arg5[%dma_wait3A_90, %dma_wait3A_91, %add3A, %dma_wait3A_95, %dma_wait3A_96] : memref<200x4x32x8x128xf32, #tpu.memory_space<hbm>> -> memref<1x1x1x8x128xf32, #tpu.memory_space<hbm>>
    %dma_wait3A_98 = tpu.memref_squeeze %dma_wait3A_97 : memref<1x1x1x8x128xf32, #tpu.memory_space<hbm>> -> memref<8x128xf32, #tpu.memory_space<hbm>>
    %dma_wait3A_99 = arith.constant 0 : i32
    %dma_wait3A_100 = arith.constant 0 : i32
    %dma_wait3A_101 = tpu.memref_slice %arg5[%dma_wait3A_90, %dma_wait3A_91, %add3A, %dma_wait3A_99, %dma_wait3A_100] : memref<200x4x32x8x128xf32, #tpu.memory_space<hbm>> -> memref<1x1x1x8x128xf32, #tpu.memory_space<hbm>>
    %dma_wait3A_102 = tpu.memref_squeeze %dma_wait3A_101 : memref<1x1x1x8x128xf32, #tpu.memory_space<hbm>> -> memref<8x128xf32, #tpu.memory_space<hbm>>
    %dma_wait3A_103 = arith.constant 16 : i32
    %dma_wait3A_104 = arith.constant 0 : i32
    %dma_wait3A_105 = tpu.memref_slice %arg10[%dma_wait3A_103, %dma_wait3A_104] : memref<128x129xf32, #tpu.memory_space<vmem>> -> memref<8x128xf32, #tpu.memory_space<vmem>>
    tpu.wait_dma2 semaphore(%arg15 : memref<!tpu.dma_semaphore, #tpu.memory_space<semaphore_mem>>) src(%dma_wait3A_105 : memref<8x128xf32, #tpu.memory_space<vmem>>) dst(%dma_wait3A_102 : memref<8x128xf32, #tpu.memory_space<hbm>>)
    %dma_wait3A_106 = arith.constant 192 : i32
    %dma_wait3A_107 = arith.constant 3 : i32
    %dma_wait3A_108 = arith.constant 24 : i32
    %dma_wait3A_109 = arith.constant 0 : i32
    %dma_wait3A_110 = tpu.memref_slice %arg10[%dma_wait3A_108, %dma_wait3A_109] : memref<128x129xf32, #tpu.memory_space<vmem>> -> memref<8x128xf32, #tpu.memory_space<vmem>>
    %dma_wait3A_111 = arith.constant 0 : i32
    %dma_wait3A_112 = arith.constant 0 : i32
    %dma_wait3A_113 = tpu.memref_slice %arg5[%dma_wait3A_106, %dma_wait3A_107, %add3A, %dma_wait3A_111, %dma_wait3A_112] : memref<200x4x32x8x128xf32, #tpu.memory_space<hbm>> -> memref<1x1x1x8x128xf32, #tpu.memory_space<hbm>>
    %dma_wait3A_114 = tpu.memref_squeeze %dma_wait3A_113 : memref<1x1x1x8x128xf32, #tpu.memory_space<hbm>> -> memref<8x128xf32, #tpu.memory_space<hbm>>
    %dma_wait3A_115 = arith.constant 0 : i32
    %dma_wait3A_116 = arith.constant 0 : i32
    %dma_wait3A_117 = tpu.memref_slice %arg5[%dma_wait3A_106, %dma_wait3A_107, %add3A, %dma_wait3A_115, %dma_wait3A_116] : memref<200x4x32x8x128xf32, #tpu.memory_space<hbm>> -> memref<1x1x1x8x128xf32, #tpu.memory_space<hbm>>
    %dma_wait3A_118 = tpu.memref_squeeze %dma_wait3A_117 : memref<1x1x1x8x128xf32, #tpu.memory_space<hbm>> -> memref<8x128xf32, #tpu.memory_space<hbm>>
    %dma_wait3A_119 = arith.constant 24 : i32
    %dma_wait3A_120 = arith.constant 0 : i32
    %dma_wait3A_121 = tpu.memref_slice %arg10[%dma_wait3A_119, %dma_wait3A_120] : memref<128x129xf32, #tpu.memory_space<vmem>> -> memref<8x128xf32, #tpu.memory_space<vmem>>
    tpu.wait_dma2 semaphore(%arg15 : memref<!tpu.dma_semaphore, #tpu.memory_space<semaphore_mem>>) src(%dma_wait3A_121 : memref<8x128xf32, #tpu.memory_space<vmem>>) dst(%dma_wait3A_118 : memref<8x128xf32, #tpu.memory_space<hbm>>)
    %dma_wait3A_122 = arith.constant 193 : i32
    %dma_wait3A_123 = arith.constant 0 : i32
    %dma_wait3A_124 = arith.constant 32 : i32
    %dma_wait3A_125 = arith.constant 0 : i32
    %dma_wait3A_126 = tpu.memref_slice %arg10[%dma_wait3A_124, %dma_wait3A_125] : memref<128x129xf32, #tpu.memory_space<vmem>> -> memref<8x128xf32, #tpu.memory_space<vmem>>
    %dma_wait3A_127 = arith.constant 0 : i32
    %dma_wait3A_128 = arith.constant 0 : i32
    %dma_wait3A_129 = tpu.memref_slice %arg5[%dma_wait3A_122, %dma_wait3A_123, %add3A, %dma_wait3A_127, %dma_wait3A_128] : memref<200x4x32x8x128xf32, #tpu.memory_space<hbm>> -> memref<1x1x1x8x128xf32, #tpu.memory_space<hbm>>
    %dma_wait3A_130 = tpu.memref_squeeze %dma_wait3A_129 : memref<1x1x1x8x128xf32, #tpu.memory_space<hbm>> -> memref<8x128xf32, #tpu.memory_space<hbm>>
    %dma_wait3A_131 = arith.constant 0 : i32
    %dma_wait3A_132 = arith.constant 0 : i32
    %dma_wait3A_133 = tpu.memref_slice %arg5[%dma_wait3A_122, %dma_wait3A_123, %add3A, %dma_wait3A_131, %dma_wait3A_132] : memref<200x4x32x8x128xf32, #tpu.memory_space<hbm>> -> memref<1x1x1x8x128xf32, #tpu.memory_space<hbm>>
    %dma_wait3A_134 = tpu.memref_squeeze %dma_wait3A_133 : memref<1x1x1x8x128xf32, #tpu.memory_space<hbm>> -> memref<8x128xf32, #tpu.memory_space<hbm>>
    %dma_wait3A_135 = arith.constant 32 : i32
    %dma_wait3A_136 = arith.constant 0 : i32
    %dma_wait3A_137 = tpu.memref_slice %arg10[%dma_wait3A_135, %dma_wait3A_136] : memref<128x129xf32, #tpu.memory_space<vmem>> -> memref<8x128xf32, #tpu.memory_space<vmem>>
    tpu.wait_dma2 semaphore(%arg15 : memref<!tpu.dma_semaphore, #tpu.memory_space<semaphore_mem>>) src(%dma_wait3A_137 : memref<8x128xf32, #tpu.memory_space<vmem>>) dst(%dma_wait3A_134 : memref<8x128xf32, #tpu.memory_space<hbm>>)
    %dma_wait3A_138 = arith.constant 193 : i32
    %dma_wait3A_139 = arith.constant 1 : i32
    %dma_wait3A_140 = arith.constant 40 : i32
    %dma_wait3A_141 = arith.constant 0 : i32
    %dma_wait3A_142 = tpu.memref_slice %arg10[%dma_wait3A_140, %dma_wait3A_141] : memref<128x129xf32, #tpu.memory_space<vmem>> -> memref<8x128xf32, #tpu.memory_space<vmem>>
    %dma_wait3A_143 = arith.constant 0 : i32
    %dma_wait3A_144 = arith.constant 0 : i32
    %dma_wait3A_145 = tpu.memref_slice %arg5[%dma_wait3A_138, %dma_wait3A_139, %add3A, %dma_wait3A_143, %dma_wait3A_144] : memref<200x4x32x8x128xf32, #tpu.memory_space<hbm>> -> memref<1x1x1x8x128xf32, #tpu.memory_space<hbm>>
    %dma_wait3A_146 = tpu.memref_squeeze %dma_wait3A_145 : memref<1x1x1x8x128xf32, #tpu.memory_space<hbm>> -> memref<8x128xf32, #tpu.memory_space<hbm>>
    %dma_wait3A_147 = arith.constant 0 : i32
    %dma_wait3A_148 = arith.constant 0 : i32
    %dma_wait3A_149 = tpu.memref_slice %arg5[%dma_wait3A_138, %dma_wait3A_139, %add3A, %dma_wait3A_147, %dma_wait3A_148] : memref<200x4x32x8x128xf32, #tpu.memory_space<hbm>> -> memref<1x1x1x8x128xf32, #tpu.memory_space<hbm>>
    %dma_wait3A_150 = tpu.memref_squeeze %dma_wait3A_149 : memref<1x1x1x8x128xf32, #tpu.memory_space<hbm>> -> memref<8x128xf32, #tpu.memory_space<hbm>>
    %dma_wait3A_151 = arith.constant 40 : i32
    %dma_wait3A_152 = arith.constant 0 : i32
    %dma_wait3A_153 = tpu.memref_slice %arg10[%dma_wait3A_151, %dma_wait3A_152] : memref<128x129xf32, #tpu.memory_space<vmem>> -> memref<8x128xf32, #tpu.memory_space<vmem>>
    tpu.wait_dma2 semaphore(%arg15 : memref<!tpu.dma_semaphore, #tpu.memory_space<semaphore_mem>>) src(%dma_wait3A_153 : memref<8x128xf32, #tpu.memory_space<vmem>>) dst(%dma_wait3A_150 : memref<8x128xf32, #tpu.memory_space<hbm>>)
    %dma_wait3A_154 = arith.constant 193 : i32
    %dma_wait3A_155 = arith.constant 2 : i32
    %dma_wait3A_156 = arith.constant 48 : i32
    %dma_wait3A_157 = arith.constant 0 : i32
    %dma_wait3A_158 = tpu.memref_slice %arg10[%dma_wait3A_156, %dma_wait3A_157] : memref<128x129xf32, #tpu.memory_space<vmem>> -> memref<8x128xf32, #tpu.memory_space<vmem>>
    %dma_wait3A_159 = arith.constant 0 : i32
    %dma_wait3A_160 = arith.constant 0 : i32
    %dma_wait3A_161 = tpu.memref_slice %arg5[%dma_wait3A_154, %dma_wait3A_155, %add3A, %dma_wait3A_159, %dma_wait3A_160] : memref<200x4x32x8x128xf32, #tpu.memory_space<hbm>> -> memref<1x1x1x8x128xf32, #tpu.memory_space<hbm>>
    %dma_wait3A_162 = tpu.memref_squeeze %dma_wait3A_161 : memref<1x1x1x8x128xf32, #tpu.memory_space<hbm>> -> memref<8x128xf32, #tpu.memory_space<hbm>>
    %dma_wait3A_163 = arith.constant 0 : i32
    %dma_wait3A_164 = arith.constant 0 : i32
    %dma_wait3A_165 = tpu.memref_slice %arg5[%dma_wait3A_154, %dma_wait3A_155, %add3A, %dma_wait3A_163, %dma_wait3A_164] : memref<200x4x32x8x128xf32, #tpu.memory_space<hbm>> -> memref<1x1x1x8x128xf32, #tpu.memory_space<hbm>>
    %dma_wait3A_166 = tpu.memref_squeeze %dma_wait3A_165 : memref<1x1x1x8x128xf32, #tpu.memory_space<hbm>> -> memref<8x128xf32, #tpu.memory_space<hbm>>
    %dma_wait3A_167 = arith.constant 48 : i32
    %dma_wait3A_168 = arith.constant 0 : i32
    %dma_wait3A_169 = tpu.memref_slice %arg10[%dma_wait3A_167, %dma_wait3A_168] : memref<128x129xf32, #tpu.memory_space<vmem>> -> memref<8x128xf32, #tpu.memory_space<vmem>>
    tpu.wait_dma2 semaphore(%arg15 : memref<!tpu.dma_semaphore, #tpu.memory_space<semaphore_mem>>) src(%dma_wait3A_169 : memref<8x128xf32, #tpu.memory_space<vmem>>) dst(%dma_wait3A_166 : memref<8x128xf32, #tpu.memory_space<hbm>>)
    %dma_wait3A_170 = arith.constant 193 : i32
    %dma_wait3A_171 = arith.constant 3 : i32
    %dma_wait3A_172 = arith.constant 56 : i32
    %dma_wait3A_173 = arith.constant 0 : i32
    %dma_wait3A_174 = tpu.memref_slice %arg10[%dma_wait3A_172, %dma_wait3A_173] : memref<128x129xf32, #tpu.memory_space<vmem>> -> memref<8x128xf32, #tpu.memory_space<vmem>>
    %dma_wait3A_175 = arith.constant 0 : i32
    %dma_wait3A_176 = arith.constant 0 : i32
    %dma_wait3A_177 = tpu.memref_slice %arg5[%dma_wait3A_170, %dma_wait3A_171, %add3A, %dma_wait3A_175, %dma_wait3A_176] : memref<200x4x32x8x128xf32, #tpu.memory_space<hbm>> -> memref<1x1x1x8x128xf32, #tpu.memory_space<hbm>>
    %dma_wait3A_178 = tpu.memref_squeeze %dma_wait3A_177 : memref<1x1x1x8x128xf32, #tpu.memory_space<hbm>> -> memref<8x128xf32, #tpu.memory_space<hbm>>
    %dma_wait3A_179 = arith.constant 0 : i32
    %dma_wait3A_180 = arith.constant 0 : i32
    %dma_wait3A_181 = tpu.memref_slice %arg5[%dma_wait3A_170, %dma_wait3A_171, %add3A, %dma_wait3A_179, %dma_wait3A_180] : memref<200x4x32x8x128xf32, #tpu.memory_space<hbm>> -> memref<1x1x1x8x128xf32, #tpu.memory_space<hbm>>
    %dma_wait3A_182 = tpu.memref_squeeze %dma_wait3A_181 : memref<1x1x1x8x128xf32, #tpu.memory_space<hbm>> -> memref<8x128xf32, #tpu.memory_space<hbm>>
    %dma_wait3A_183 = arith.constant 56 : i32
    %dma_wait3A_184 = arith.constant 0 : i32
    %dma_wait3A_185 = tpu.memref_slice %arg10[%dma_wait3A_183, %dma_wait3A_184] : memref<128x129xf32, #tpu.memory_space<vmem>> -> memref<8x128xf32, #tpu.memory_space<vmem>>
    tpu.wait_dma2 semaphore(%arg15 : memref<!tpu.dma_semaphore, #tpu.memory_space<semaphore_mem>>) src(%dma_wait3A_185 : memref<8x128xf32, #tpu.memory_space<vmem>>) dst(%dma_wait3A_182 : memref<8x128xf32, #tpu.memory_space<hbm>>)
    %dma_wait3A_186 = arith.constant 194 : i32
    %dma_wait3A_187 = arith.constant 0 : i32
    %dma_wait3A_188 = arith.constant 64 : i32
    %dma_wait3A_189 = arith.constant 0 : i32
    %dma_wait3A_190 = tpu.memref_slice %arg10[%dma_wait3A_188, %dma_wait3A_189] : memref<128x129xf32, #tpu.memory_space<vmem>> -> memref<8x128xf32, #tpu.memory_space<vmem>>
    %dma_wait3A_191 = arith.constant 0 : i32
    %dma_wait3A_192 = arith.constant 0 : i32
    %dma_wait3A_193 = tpu.memref_slice %arg5[%dma_wait3A_186, %dma_wait3A_187, %add3A, %dma_wait3A_191, %dma_wait3A_192] : memref<200x4x32x8x128xf32, #tpu.memory_space<hbm>> -> memref<1x1x1x8x128xf32, #tpu.memory_space<hbm>>
    %dma_wait3A_194 = tpu.memref_squeeze %dma_wait3A_193 : memref<1x1x1x8x128xf32, #tpu.memory_space<hbm>> -> memref<8x128xf32, #tpu.memory_space<hbm>>
    %dma_wait3A_195 = arith.constant 0 : i32
    %dma_wait3A_196 = arith.constant 0 : i32
    %dma_wait3A_197 = tpu.memref_slice %arg5[%dma_wait3A_186, %dma_wait3A_187, %add3A, %dma_wait3A_195, %dma_wait3A_196] : memref<200x4x32x8x128xf32, #tpu.memory_space<hbm>> -> memref<1x1x1x8x128xf32, #tpu.memory_space<hbm>>
    %dma_wait3A_198 = tpu.memref_squeeze %dma_wait3A_197 : memref<1x1x1x8x128xf32, #tpu.memory_space<hbm>> -> memref<8x128xf32, #tpu.memory_space<hbm>>
    %dma_wait3A_199 = arith.constant 64 : i32
    %dma_wait3A_200 = arith.constant 0 : i32
    %dma_wait3A_201 = tpu.memref_slice %arg10[%dma_wait3A_199, %dma_wait3A_200] : memref<128x129xf32, #tpu.memory_space<vmem>> -> memref<8x128xf32, #tpu.memory_space<vmem>>
    tpu.wait_dma2 semaphore(%arg15 : memref<!tpu.dma_semaphore, #tpu.memory_space<semaphore_mem>>) src(%dma_wait3A_201 : memref<8x128xf32, #tpu.memory_space<vmem>>) dst(%dma_wait3A_198 : memref<8x128xf32, #tpu.memory_space<hbm>>)
    %dma_wait3A_202 = arith.constant 194 : i32
    %dma_wait3A_203 = arith.constant 1 : i32
    %dma_wait3A_204 = arith.constant 72 : i32
    %dma_wait3A_205 = arith.constant 0 : i32
    %dma_wait3A_206 = tpu.memref_slice %arg10[%dma_wait3A_204, %dma_wait3A_205] : memref<128x129xf32, #tpu.memory_space<vmem>> -> memref<8x128xf32, #tpu.memory_space<vmem>>
    %dma_wait3A_207 = arith.constant 0 : i32
    %dma_wait3A_208 = arith.constant 0 : i32
    %dma_wait3A_209 = tpu.memref_slice %arg5[%dma_wait3A_202, %dma_wait3A_203, %add3A, %dma_wait3A_207, %dma_wait3A_208] : memref<200x4x32x8x128xf32, #tpu.memory_space<hbm>> -> memref<1x1x1x8x128xf32, #tpu.memory_space<hbm>>
    %dma_wait3A_210 = tpu.memref_squeeze %dma_wait3A_209 : memref<1x1x1x8x128xf32, #tpu.memory_space<hbm>> -> memref<8x128xf32, #tpu.memory_space<hbm>>
    %dma_wait3A_211 = arith.constant 0 : i32
    %dma_wait3A_212 = arith.constant 0 : i32
    %dma_wait3A_213 = tpu.memref_slice %arg5[%dma_wait3A_202, %dma_wait3A_203, %add3A, %dma_wait3A_211, %dma_wait3A_212] : memref<200x4x32x8x128xf32, #tpu.memory_space<hbm>> -> memref<1x1x1x8x128xf32, #tpu.memory_space<hbm>>
    %dma_wait3A_214 = tpu.memref_squeeze %dma_wait3A_213 : memref<1x1x1x8x128xf32, #tpu.memory_space<hbm>> -> memref<8x128xf32, #tpu.memory_space<hbm>>
    %dma_wait3A_215 = arith.constant 72 : i32
    %dma_wait3A_216 = arith.constant 0 : i32
    %dma_wait3A_217 = tpu.memref_slice %arg10[%dma_wait3A_215, %dma_wait3A_216] : memref<128x129xf32, #tpu.memory_space<vmem>> -> memref<8x128xf32, #tpu.memory_space<vmem>>
    tpu.wait_dma2 semaphore(%arg15 : memref<!tpu.dma_semaphore, #tpu.memory_space<semaphore_mem>>) src(%dma_wait3A_217 : memref<8x128xf32, #tpu.memory_space<vmem>>) dst(%dma_wait3A_214 : memref<8x128xf32, #tpu.memory_space<hbm>>)
    %dma_wait3A_218 = arith.constant 194 : i32
    %dma_wait3A_219 = arith.constant 2 : i32
    %dma_wait3A_220 = arith.constant 80 : i32
    %dma_wait3A_221 = arith.constant 0 : i32
    %dma_wait3A_222 = tpu.memref_slice %arg10[%dma_wait3A_220, %dma_wait3A_221] : memref<128x129xf32, #tpu.memory_space<vmem>> -> memref<8x128xf32, #tpu.memory_space<vmem>>
    %dma_wait3A_223 = arith.constant 0 : i32
    %dma_wait3A_224 = arith.constant 0 : i32
    %dma_wait3A_225 = tpu.memref_slice %arg5[%dma_wait3A_218, %dma_wait3A_219, %add3A, %dma_wait3A_223, %dma_wait3A_224] : memref<200x4x32x8x128xf32, #tpu.memory_space<hbm>> -> memref<1x1x1x8x128xf32, #tpu.memory_space<hbm>>
    %dma_wait3A_226 = tpu.memref_squeeze %dma_wait3A_225 : memref<1x1x1x8x128xf32, #tpu.memory_space<hbm>> -> memref<8x128xf32, #tpu.memory_space<hbm>>
    %dma_wait3A_227 = arith.constant 0 : i32
    %dma_wait3A_228 = arith.constant 0 : i32
    %dma_wait3A_229 = tpu.memref_slice %arg5[%dma_wait3A_218, %dma_wait3A_219, %add3A, %dma_wait3A_227, %dma_wait3A_228] : memref<200x4x32x8x128xf32, #tpu.memory_space<hbm>> -> memref<1x1x1x8x128xf32, #tpu.memory_space<hbm>>
    %dma_wait3A_230 = tpu.memref_squeeze %dma_wait3A_229 : memref<1x1x1x8x128xf32, #tpu.memory_space<hbm>> -> memref<8x128xf32, #tpu.memory_space<hbm>>
    %dma_wait3A_231 = arith.constant 80 : i32
    %dma_wait3A_232 = arith.constant 0 : i32
    %dma_wait3A_233 = tpu.memref_slice %arg10[%dma_wait3A_231, %dma_wait3A_232] : memref<128x129xf32, #tpu.memory_space<vmem>> -> memref<8x128xf32, #tpu.memory_space<vmem>>
    tpu.wait_dma2 semaphore(%arg15 : memref<!tpu.dma_semaphore, #tpu.memory_space<semaphore_mem>>) src(%dma_wait3A_233 : memref<8x128xf32, #tpu.memory_space<vmem>>) dst(%dma_wait3A_230 : memref<8x128xf32, #tpu.memory_space<hbm>>)
    %dma_wait3A_234 = arith.constant 194 : i32
    %dma_wait3A_235 = arith.constant 3 : i32
    %dma_wait3A_236 = arith.constant 88 : i32
    %dma_wait3A_237 = arith.constant 0 : i32
    %dma_wait3A_238 = tpu.memref_slice %arg10[%dma_wait3A_236, %dma_wait3A_237] : memref<128x129xf32, #tpu.memory_space<vmem>> -> memref<8x128xf32, #tpu.memory_space<vmem>>
    %dma_wait3A_239 = arith.constant 0 : i32
    %dma_wait3A_240 = arith.constant 0 : i32
    %dma_wait3A_241 = tpu.memref_slice %arg5[%dma_wait3A_234, %dma_wait3A_235, %add3A, %dma_wait3A_239, %dma_wait3A_240] : memref<200x4x32x8x128xf32, #tpu.memory_space<hbm>> -> memref<1x1x1x8x128xf32, #tpu.memory_space<hbm>>
    %dma_wait3A_242 = tpu.memref_squeeze %dma_wait3A_241 : memref<1x1x1x8x128xf32, #tpu.memory_space<hbm>> -> memref<8x128xf32, #tpu.memory_space<hbm>>
    %dma_wait3A_243 = arith.constant 0 : i32
    %dma_wait3A_244 = arith.constant 0 : i32
    %dma_wait3A_245 = tpu.memref_slice %arg5[%dma_wait3A_234, %dma_wait3A_235, %add3A, %dma_wait3A_243, %dma_wait3A_244] : memref<200x4x32x8x128xf32, #tpu.memory_space<hbm>> -> memref<1x1x1x8x128xf32, #tpu.memory_space<hbm>>
    %dma_wait3A_246 = tpu.memref_squeeze %dma_wait3A_245 : memref<1x1x1x8x128xf32, #tpu.memory_space<hbm>> -> memref<8x128xf32, #tpu.memory_space<hbm>>
    %dma_wait3A_247 = arith.constant 88 : i32
    %dma_wait3A_248 = arith.constant 0 : i32
    %dma_wait3A_249 = tpu.memref_slice %arg10[%dma_wait3A_247, %dma_wait3A_248] : memref<128x129xf32, #tpu.memory_space<vmem>> -> memref<8x128xf32, #tpu.memory_space<vmem>>
    tpu.wait_dma2 semaphore(%arg15 : memref<!tpu.dma_semaphore, #tpu.memory_space<semaphore_mem>>) src(%dma_wait3A_249 : memref<8x128xf32, #tpu.memory_space<vmem>>) dst(%dma_wait3A_246 : memref<8x128xf32, #tpu.memory_space<hbm>>)
    %dma_wait3A_250 = arith.constant 195 : i32
    %dma_wait3A_251 = arith.constant 0 : i32
    %dma_wait3A_252 = arith.constant 96 : i32
    %dma_wait3A_253 = arith.constant 0 : i32
    %dma_wait3A_254 = tpu.memref_slice %arg10[%dma_wait3A_252, %dma_wait3A_253] : memref<128x129xf32, #tpu.memory_space<vmem>> -> memref<8x128xf32, #tpu.memory_space<vmem>>
    %dma_wait3A_255 = arith.constant 0 : i32
    %dma_wait3A_256 = arith.constant 0 : i32
    %dma_wait3A_257 = tpu.memref_slice %arg5[%dma_wait3A_250, %dma_wait3A_251, %add3A, %dma_wait3A_255, %dma_wait3A_256] : memref<200x4x32x8x128xf32, #tpu.memory_space<hbm>> -> memref<1x1x1x8x128xf32, #tpu.memory_space<hbm>>
    %dma_wait3A_258 = tpu.memref_squeeze %dma_wait3A_257 : memref<1x1x1x8x128xf32, #tpu.memory_space<hbm>> -> memref<8x128xf32, #tpu.memory_space<hbm>>
    %dma_wait3A_259 = arith.constant 0 : i32
    %dma_wait3A_260 = arith.constant 0 : i32
    %dma_wait3A_261 = tpu.memref_slice %arg5[%dma_wait3A_250, %dma_wait3A_251, %add3A, %dma_wait3A_259, %dma_wait3A_260] : memref<200x4x32x8x128xf32, #tpu.memory_space<hbm>> -> memref<1x1x1x8x128xf32, #tpu.memory_space<hbm>>
    %dma_wait3A_262 = tpu.memref_squeeze %dma_wait3A_261 : memref<1x1x1x8x128xf32, #tpu.memory_space<hbm>> -> memref<8x128xf32, #tpu.memory_space<hbm>>
    %dma_wait3A_263 = arith.constant 96 : i32
    %dma_wait3A_264 = arith.constant 0 : i32
    %dma_wait3A_265 = tpu.memref_slice %arg10[%dma_wait3A_263, %dma_wait3A_264] : memref<128x129xf32, #tpu.memory_space<vmem>> -> memref<8x128xf32, #tpu.memory_space<vmem>>
    tpu.wait_dma2 semaphore(%arg15 : memref<!tpu.dma_semaphore, #tpu.memory_space<semaphore_mem>>) src(%dma_wait3A_265 : memref<8x128xf32, #tpu.memory_space<vmem>>) dst(%dma_wait3A_262 : memref<8x128xf32, #tpu.memory_space<hbm>>)
    %dma_wait3A_266 = arith.constant 195 : i32
    %dma_wait3A_267 = arith.constant 1 : i32
    %dma_wait3A_268 = arith.constant 104 : i32
    %dma_wait3A_269 = arith.constant 0 : i32
    %dma_wait3A_270 = tpu.memref_slice %arg10[%dma_wait3A_268, %dma_wait3A_269] : memref<128x129xf32, #tpu.memory_space<vmem>> -> memref<8x128xf32, #tpu.memory_space<vmem>>
    %dma_wait3A_271 = arith.constant 0 : i32
    %dma_wait3A_272 = arith.constant 0 : i32
    %dma_wait3A_273 = tpu.memref_slice %arg5[%dma_wait3A_266, %dma_wait3A_267, %add3A, %dma_wait3A_271, %dma_wait3A_272] : memref<200x4x32x8x128xf32, #tpu.memory_space<hbm>> -> memref<1x1x1x8x128xf32, #tpu.memory_space<hbm>>
    %dma_wait3A_274 = tpu.memref_squeeze %dma_wait3A_273 : memref<1x1x1x8x128xf32, #tpu.memory_space<hbm>> -> memref<8x128xf32, #tpu.memory_space<hbm>>
    %dma_wait3A_275 = arith.constant 0 : i32
    %dma_wait3A_276 = arith.constant 0 : i32
    %dma_wait3A_277 = tpu.memref_slice %arg5[%dma_wait3A_266, %dma_wait3A_267, %add3A, %dma_wait3A_275, %dma_wait3A_276] : memref<200x4x32x8x128xf32, #tpu.memory_space<hbm>> -> memref<1x1x1x8x128xf32, #tpu.memory_space<hbm>>
    %dma_wait3A_278 = tpu.memref_squeeze %dma_wait3A_277 : memref<1x1x1x8x128xf32, #tpu.memory_space<hbm>> -> memref<8x128xf32, #tpu.memory_space<hbm>>
    %dma_wait3A_279 = arith.constant 104 : i32
    %dma_wait3A_280 = arith.constant 0 : i32
    %dma_wait3A_281 = tpu.memref_slice %arg10[%dma_wait3A_279, %dma_wait3A_280] : memref<128x129xf32, #tpu.memory_space<vmem>> -> memref<8x128xf32, #tpu.memory_space<vmem>>
    tpu.wait_dma2 semaphore(%arg15 : memref<!tpu.dma_semaphore, #tpu.memory_space<semaphore_mem>>) src(%dma_wait3A_281 : memref<8x128xf32, #tpu.memory_space<vmem>>) dst(%dma_wait3A_278 : memref<8x128xf32, #tpu.memory_space<hbm>>)
    %dma_wait3A_282 = arith.constant 195 : i32
    %dma_wait3A_283 = arith.constant 2 : i32
    %dma_wait3A_284 = arith.constant 112 : i32
    %dma_wait3A_285 = arith.constant 0 : i32
    %dma_wait3A_286 = tpu.memref_slice %arg10[%dma_wait3A_284, %dma_wait3A_285] : memref<128x129xf32, #tpu.memory_space<vmem>> -> memref<8x128xf32, #tpu.memory_space<vmem>>
    %dma_wait3A_287 = arith.constant 0 : i32
    %dma_wait3A_288 = arith.constant 0 : i32
    %dma_wait3A_289 = tpu.memref_slice %arg5[%dma_wait3A_282, %dma_wait3A_283, %add3A, %dma_wait3A_287, %dma_wait3A_288] : memref<200x4x32x8x128xf32, #tpu.memory_space<hbm>> -> memref<1x1x1x8x128xf32, #tpu.memory_space<hbm>>
    %dma_wait3A_290 = tpu.memref_squeeze %dma_wait3A_289 : memref<1x1x1x8x128xf32, #tpu.memory_space<hbm>> -> memref<8x128xf32, #tpu.memory_space<hbm>>
    %dma_wait3A_291 = arith.constant 0 : i32
    %dma_wait3A_292 = arith.constant 0 : i32
    %dma_wait3A_293 = tpu.memref_slice %arg5[%dma_wait3A_282, %dma_wait3A_283, %add3A, %dma_wait3A_291, %dma_wait3A_292] : memref<200x4x32x8x128xf32, #tpu.memory_space<hbm>> -> memref<1x1x1x8x128xf32, #tpu.memory_space<hbm>>
    %dma_wait3A_294 = tpu.memref_squeeze %dma_wait3A_293 : memref<1x1x1x8x128xf32, #tpu.memory_space<hbm>> -> memref<8x128xf32, #tpu.memory_space<hbm>>
    %dma_wait3A_295 = arith.constant 112 : i32
    %dma_wait3A_296 = arith.constant 0 : i32
    %dma_wait3A_297 = tpu.memref_slice %arg10[%dma_wait3A_295, %dma_wait3A_296] : memref<128x129xf32, #tpu.memory_space<vmem>> -> memref<8x128xf32, #tpu.memory_space<vmem>>
    tpu.wait_dma2 semaphore(%arg15 : memref<!tpu.dma_semaphore, #tpu.memory_space<semaphore_mem>>) src(%dma_wait3A_297 : memref<8x128xf32, #tpu.memory_space<vmem>>) dst(%dma_wait3A_294 : memref<8x128xf32, #tpu.memory_space<hbm>>)
    %dma_wait3A_298 = arith.constant 195 : i32
    %dma_wait3A_299 = arith.constant 3 : i32
    %dma_wait3A_300 = arith.constant 120 : i32
    %dma_wait3A_301 = arith.constant 0 : i32
    %dma_wait3A_302 = tpu.memref_slice %arg10[%dma_wait3A_300, %dma_wait3A_301] : memref<128x129xf32, #tpu.memory_space<vmem>> -> memref<8x128xf32, #tpu.memory_space<vmem>>
    %dma_wait3A_303 = arith.constant 0 : i32
    %dma_wait3A_304 = arith.constant 0 : i32
    %dma_wait3A_305 = tpu.memref_slice %arg5[%dma_wait3A_298, %dma_wait3A_299, %add3A, %dma_wait3A_303, %dma_wait3A_304] : memref<200x4x32x8x128xf32, #tpu.memory_space<hbm>> -> memref<1x1x1x8x128xf32, #tpu.memory_space<hbm>>
    %dma_wait3A_306 = tpu.memref_squeeze %dma_wait3A_305 : memref<1x1x1x8x128xf32, #tpu.memory_space<hbm>> -> memref<8x128xf32, #tpu.memory_space<hbm>>
    %dma_wait3A_307 = arith.constant 0 : i32
    %dma_wait3A_308 = arith.constant 0 : i32
    %dma_wait3A_309 = tpu.memref_slice %arg5[%dma_wait3A_298, %dma_wait3A_299, %add3A, %dma_wait3A_307, %dma_wait3A_308] : memref<200x4x32x8x128xf32, #tpu.memory_space<hbm>> -> memref<1x1x1x8x128xf32, #tpu.memory_space<hbm>>
    %dma_wait3A_310 = tpu.memref_squeeze %dma_wait3A_309 : memref<1x1x1x8x128xf32, #tpu.memory_space<hbm>> -> memref<8x128xf32, #tpu.memory_space<hbm>>
    %dma_wait3A_311 = arith.constant 120 : i32
    %dma_wait3A_312 = arith.constant 0 : i32
    %dma_wait3A_313 = tpu.memref_slice %arg10[%dma_wait3A_311, %dma_wait3A_312] : memref<128x129xf32, #tpu.memory_space<vmem>> -> memref<8x128xf32, #tpu.memory_space<vmem>>
    tpu.wait_dma2 semaphore(%arg15 : memref<!tpu.dma_semaphore, #tpu.memory_space<semaphore_mem>>) src(%dma_wait3A_313 : memref<8x128xf32, #tpu.memory_space<vmem>>) dst(%dma_wait3A_310 : memref<8x128xf32, #tpu.memory_space<hbm>>)
    %dma_wait3A_314 = arith.constant 196 : i32
    %dma_wait3A_315 = arith.constant 0 : i32
    %dma_wait3A_316 = arith.constant 0 : i32
    %dma_wait3A_317 = arith.constant 0 : i32
    %dma_wait3A_318 = tpu.memref_slice %arg11[%dma_wait3A_316, %dma_wait3A_317] : memref<128x129xf32, #tpu.memory_space<vmem>> -> memref<8x128xf32, #tpu.memory_space<vmem>>
    %dma_wait3A_319 = arith.constant 0 : i32
    %dma_wait3A_320 = arith.constant 0 : i32
    %dma_wait3A_321 = tpu.memref_slice %arg5[%dma_wait3A_314, %dma_wait3A_315, %add3A, %dma_wait3A_319, %dma_wait3A_320] : memref<200x4x32x8x128xf32, #tpu.memory_space<hbm>> -> memref<1x1x1x8x128xf32, #tpu.memory_space<hbm>>
    %dma_wait3A_322 = tpu.memref_squeeze %dma_wait3A_321 : memref<1x1x1x8x128xf32, #tpu.memory_space<hbm>> -> memref<8x128xf32, #tpu.memory_space<hbm>>
    %dma_wait3A_323 = arith.constant 0 : i32
    %dma_wait3A_324 = arith.constant 0 : i32
    %dma_wait3A_325 = tpu.memref_slice %arg5[%dma_wait3A_314, %dma_wait3A_315, %add3A, %dma_wait3A_323, %dma_wait3A_324] : memref<200x4x32x8x128xf32, #tpu.memory_space<hbm>> -> memref<1x1x1x8x128xf32, #tpu.memory_space<hbm>>
    %dma_wait3A_326 = tpu.memref_squeeze %dma_wait3A_325 : memref<1x1x1x8x128xf32, #tpu.memory_space<hbm>> -> memref<8x128xf32, #tpu.memory_space<hbm>>
    %dma_wait3A_327 = arith.constant 0 : i32
    %dma_wait3A_328 = arith.constant 0 : i32
    %dma_wait3A_329 = tpu.memref_slice %arg11[%dma_wait3A_327, %dma_wait3A_328] : memref<128x129xf32, #tpu.memory_space<vmem>> -> memref<8x128xf32, #tpu.memory_space<vmem>>
    tpu.wait_dma2 semaphore(%arg16 : memref<!tpu.dma_semaphore, #tpu.memory_space<semaphore_mem>>) src(%dma_wait3A_329 : memref<8x128xf32, #tpu.memory_space<vmem>>) dst(%dma_wait3A_326 : memref<8x128xf32, #tpu.memory_space<hbm>>)
    %dma_wait3A_330 = arith.constant 196 : i32
    %dma_wait3A_331 = arith.constant 1 : i32
    %dma_wait3A_332 = arith.constant 8 : i32
    %dma_wait3A_333 = arith.constant 0 : i32
    %dma_wait3A_334 = tpu.memref_slice %arg11[%dma_wait3A_332, %dma_wait3A_333] : memref<128x129xf32, #tpu.memory_space<vmem>> -> memref<8x128xf32, #tpu.memory_space<vmem>>
    %dma_wait3A_335 = arith.constant 0 : i32
    %dma_wait3A_336 = arith.constant 0 : i32
    %dma_wait3A_337 = tpu.memref_slice %arg5[%dma_wait3A_330, %dma_wait3A_331, %add3A, %dma_wait3A_335, %dma_wait3A_336] : memref<200x4x32x8x128xf32, #tpu.memory_space<hbm>> -> memref<1x1x1x8x128xf32, #tpu.memory_space<hbm>>
    %dma_wait3A_338 = tpu.memref_squeeze %dma_wait3A_337 : memref<1x1x1x8x128xf32, #tpu.memory_space<hbm>> -> memref<8x128xf32, #tpu.memory_space<hbm>>
    %dma_wait3A_339 = arith.constant 0 : i32
    %dma_wait3A_340 = arith.constant 0 : i32
    %dma_wait3A_341 = tpu.memref_slice %arg5[%dma_wait3A_330, %dma_wait3A_331, %add3A, %dma_wait3A_339, %dma_wait3A_340] : memref<200x4x32x8x128xf32, #tpu.memory_space<hbm>> -> memref<1x1x1x8x128xf32, #tpu.memory_space<hbm>>
    %dma_wait3A_342 = tpu.memref_squeeze %dma_wait3A_341 : memref<1x1x1x8x128xf32, #tpu.memory_space<hbm>> -> memref<8x128xf32, #tpu.memory_space<hbm>>
    %dma_wait3A_343 = arith.constant 8 : i32
    %dma_wait3A_344 = arith.constant 0 : i32
    %dma_wait3A_345 = tpu.memref_slice %arg11[%dma_wait3A_343, %dma_wait3A_344] : memref<128x129xf32, #tpu.memory_space<vmem>> -> memref<8x128xf32, #tpu.memory_space<vmem>>
    tpu.wait_dma2 semaphore(%arg16 : memref<!tpu.dma_semaphore, #tpu.memory_space<semaphore_mem>>) src(%dma_wait3A_345 : memref<8x128xf32, #tpu.memory_space<vmem>>) dst(%dma_wait3A_342 : memref<8x128xf32, #tpu.memory_space<hbm>>)
    %dma_wait3A_346 = arith.constant 196 : i32
    %dma_wait3A_347 = arith.constant 2 : i32
    %dma_wait3A_348 = arith.constant 16 : i32
    %dma_wait3A_349 = arith.constant 0 : i32
    %dma_wait3A_350 = tpu.memref_slice %arg11[%dma_wait3A_348, %dma_wait3A_349] : memref<128x129xf32, #tpu.memory_space<vmem>> -> memref<8x128xf32, #tpu.memory_space<vmem>>
    %dma_wait3A_351 = arith.constant 0 : i32
    %dma_wait3A_352 = arith.constant 0 : i32
    %dma_wait3A_353 = tpu.memref_slice %arg5[%dma_wait3A_346, %dma_wait3A_347, %add3A, %dma_wait3A_351, %dma_wait3A_352] : memref<200x4x32x8x128xf32, #tpu.memory_space<hbm>> -> memref<1x1x1x8x128xf32, #tpu.memory_space<hbm>>
    %dma_wait3A_354 = tpu.memref_squeeze %dma_wait3A_353 : memref<1x1x1x8x128xf32, #tpu.memory_space<hbm>> -> memref<8x128xf32, #tpu.memory_space<hbm>>
    %dma_wait3A_355 = arith.constant 0 : i32
    %dma_wait3A_356 = arith.constant 0 : i32
    %dma_wait3A_357 = tpu.memref_slice %arg5[%dma_wait3A_346, %dma_wait3A_347, %add3A, %dma_wait3A_355, %dma_wait3A_356] : memref<200x4x32x8x128xf32, #tpu.memory_space<hbm>> -> memref<1x1x1x8x128xf32, #tpu.memory_space<hbm>>
    %dma_wait3A_358 = tpu.memref_squeeze %dma_wait3A_357 : memref<1x1x1x8x128xf32, #tpu.memory_space<hbm>> -> memref<8x128xf32, #tpu.memory_space<hbm>>
    %dma_wait3A_359 = arith.constant 16 : i32
    %dma_wait3A_360 = arith.constant 0 : i32
    %dma_wait3A_361 = tpu.memref_slice %arg11[%dma_wait3A_359, %dma_wait3A_360] : memref<128x129xf32, #tpu.memory_space<vmem>> -> memref<8x128xf32, #tpu.memory_space<vmem>>
    tpu.wait_dma2 semaphore(%arg16 : memref<!tpu.dma_semaphore, #tpu.memory_space<semaphore_mem>>) src(%dma_wait3A_361 : memref<8x128xf32, #tpu.memory_space<vmem>>) dst(%dma_wait3A_358 : memref<8x128xf32, #tpu.memory_space<hbm>>)
    %dma_wait3A_362 = arith.constant 196 : i32
    %dma_wait3A_363 = arith.constant 3 : i32
    %dma_wait3A_364 = arith.constant 24 : i32
    %dma_wait3A_365 = arith.constant 0 : i32
    %dma_wait3A_366 = tpu.memref_slice %arg11[%dma_wait3A_364, %dma_wait3A_365] : memref<128x129xf32, #tpu.memory_space<vmem>> -> memref<8x128xf32, #tpu.memory_space<vmem>>
    %dma_wait3A_367 = arith.constant 0 : i32
    %dma_wait3A_368 = arith.constant 0 : i32
    %dma_wait3A_369 = tpu.memref_slice %arg5[%dma_wait3A_362, %dma_wait3A_363, %add3A, %dma_wait3A_367, %dma_wait3A_368] : memref<200x4x32x8x128xf32, #tpu.memory_space<hbm>> -> memref<1x1x1x8x128xf32, #tpu.memory_space<hbm>>
    %dma_wait3A_370 = tpu.memref_squeeze %dma_wait3A_369 : memref<1x1x1x8x128xf32, #tpu.memory_space<hbm>> -> memref<8x128xf32, #tpu.memory_space<hbm>>
    %dma_wait3A_371 = arith.constant 0 : i32
    %dma_wait3A_372 = arith.constant 0 : i32
    %dma_wait3A_373 = tpu.memref_slice %arg5[%dma_wait3A_362, %dma_wait3A_363, %add3A, %dma_wait3A_371, %dma_wait3A_372] : memref<200x4x32x8x128xf32, #tpu.memory_space<hbm>> -> memref<1x1x1x8x128xf32, #tpu.memory_space<hbm>>
    %dma_wait3A_374 = tpu.memref_squeeze %dma_wait3A_373 : memref<1x1x1x8x128xf32, #tpu.memory_space<hbm>> -> memref<8x128xf32, #tpu.memory_space<hbm>>
    %dma_wait3A_375 = arith.constant 24 : i32
    %dma_wait3A_376 = arith.constant 0 : i32
    %dma_wait3A_377 = tpu.memref_slice %arg11[%dma_wait3A_375, %dma_wait3A_376] : memref<128x129xf32, #tpu.memory_space<vmem>> -> memref<8x128xf32, #tpu.memory_space<vmem>>
    tpu.wait_dma2 semaphore(%arg16 : memref<!tpu.dma_semaphore, #tpu.memory_space<semaphore_mem>>) src(%dma_wait3A_377 : memref<8x128xf32, #tpu.memory_space<vmem>>) dst(%dma_wait3A_374 : memref<8x128xf32, #tpu.memory_space<hbm>>)
    %dma_wait3A_378 = arith.constant 197 : i32
    %dma_wait3A_379 = arith.constant 0 : i32
    %dma_wait3A_380 = arith.constant 32 : i32
    %dma_wait3A_381 = arith.constant 0 : i32
    %dma_wait3A_382 = tpu.memref_slice %arg11[%dma_wait3A_380, %dma_wait3A_381] : memref<128x129xf32, #tpu.memory_space<vmem>> -> memref<8x128xf32, #tpu.memory_space<vmem>>
    %dma_wait3A_383 = arith.constant 0 : i32
    %dma_wait3A_384 = arith.constant 0 : i32
    %dma_wait3A_385 = tpu.memref_slice %arg5[%dma_wait3A_378, %dma_wait3A_379, %add3A, %dma_wait3A_383, %dma_wait3A_384] : memref<200x4x32x8x128xf32, #tpu.memory_space<hbm>> -> memref<1x1x1x8x128xf32, #tpu.memory_space<hbm>>
    %dma_wait3A_386 = tpu.memref_squeeze %dma_wait3A_385 : memref<1x1x1x8x128xf32, #tpu.memory_space<hbm>> -> memref<8x128xf32, #tpu.memory_space<hbm>>
    %dma_wait3A_387 = arith.constant 0 : i32
    %dma_wait3A_388 = arith.constant 0 : i32
    %dma_wait3A_389 = tpu.memref_slice %arg5[%dma_wait3A_378, %dma_wait3A_379, %add3A, %dma_wait3A_387, %dma_wait3A_388] : memref<200x4x32x8x128xf32, #tpu.memory_space<hbm>> -> memref<1x1x1x8x128xf32, #tpu.memory_space<hbm>>
    %dma_wait3A_390 = tpu.memref_squeeze %dma_wait3A_389 : memref<1x1x1x8x128xf32, #tpu.memory_space<hbm>> -> memref<8x128xf32, #tpu.memory_space<hbm>>
    %dma_wait3A_391 = arith.constant 32 : i32
    %dma_wait3A_392 = arith.constant 0 : i32
    %dma_wait3A_393 = tpu.memref_slice %arg11[%dma_wait3A_391, %dma_wait3A_392] : memref<128x129xf32, #tpu.memory_space<vmem>> -> memref<8x128xf32, #tpu.memory_space<vmem>>
    tpu.wait_dma2 semaphore(%arg16 : memref<!tpu.dma_semaphore, #tpu.memory_space<semaphore_mem>>) src(%dma_wait3A_393 : memref<8x128xf32, #tpu.memory_space<vmem>>) dst(%dma_wait3A_390 : memref<8x128xf32, #tpu.memory_space<hbm>>)
    %dma_wait3A_394 = arith.constant 197 : i32
    %dma_wait3A_395 = arith.constant 1 : i32
    %dma_wait3A_396 = arith.constant 40 : i32
    %dma_wait3A_397 = arith.constant 0 : i32
    %dma_wait3A_398 = tpu.memref_slice %arg11[%dma_wait3A_396, %dma_wait3A_397] : memref<128x129xf32, #tpu.memory_space<vmem>> -> memref<8x128xf32, #tpu.memory_space<vmem>>
    %dma_wait3A_399 = arith.constant 0 : i32
    %dma_wait3A_400 = arith.constant 0 : i32
    %dma_wait3A_401 = tpu.memref_slice %arg5[%dma_wait3A_394, %dma_wait3A_395, %add3A, %dma_wait3A_399, %dma_wait3A_400] : memref<200x4x32x8x128xf32, #tpu.memory_space<hbm>> -> memref<1x1x1x8x128xf32, #tpu.memory_space<hbm>>
    %dma_wait3A_402 = tpu.memref_squeeze %dma_wait3A_401 : memref<1x1x1x8x128xf32, #tpu.memory_space<hbm>> -> memref<8x128xf32, #tpu.memory_space<hbm>>
    %dma_wait3A_403 = arith.constant 0 : i32
    %dma_wait3A_404 = arith.constant 0 : i32
    %dma_wait3A_405 = tpu.memref_slice %arg5[%dma_wait3A_394, %dma_wait3A_395, %add3A, %dma_wait3A_403, %dma_wait3A_404] : memref<200x4x32x8x128xf32, #tpu.memory_space<hbm>> -> memref<1x1x1x8x128xf32, #tpu.memory_space<hbm>>
    %dma_wait3A_406 = tpu.memref_squeeze %dma_wait3A_405 : memref<1x1x1x8x128xf32, #tpu.memory_space<hbm>> -> memref<8x128xf32, #tpu.memory_space<hbm>>
    %dma_wait3A_407 = arith.constant 40 : i32
    %dma_wait3A_408 = arith.constant 0 : i32
    %dma_wait3A_409 = tpu.memref_slice %arg11[%dma_wait3A_407, %dma_wait3A_408] : memref<128x129xf32, #tpu.memory_space<vmem>> -> memref<8x128xf32, #tpu.memory_space<vmem>>
    tpu.wait_dma2 semaphore(%arg16 : memref<!tpu.dma_semaphore, #tpu.memory_space<semaphore_mem>>) src(%dma_wait3A_409 : memref<8x128xf32, #tpu.memory_space<vmem>>) dst(%dma_wait3A_406 : memref<8x128xf32, #tpu.memory_space<hbm>>)
    %dma_wait3A_410 = arith.constant 197 : i32
    %dma_wait3A_411 = arith.constant 2 : i32
    %dma_wait3A_412 = arith.constant 48 : i32
    %dma_wait3A_413 = arith.constant 0 : i32
    %dma_wait3A_414 = tpu.memref_slice %arg11[%dma_wait3A_412, %dma_wait3A_413] : memref<128x129xf32, #tpu.memory_space<vmem>> -> memref<8x128xf32, #tpu.memory_space<vmem>>
    %dma_wait3A_415 = arith.constant 0 : i32
    %dma_wait3A_416 = arith.constant 0 : i32
    %dma_wait3A_417 = tpu.memref_slice %arg5[%dma_wait3A_410, %dma_wait3A_411, %add3A, %dma_wait3A_415, %dma_wait3A_416] : memref<200x4x32x8x128xf32, #tpu.memory_space<hbm>> -> memref<1x1x1x8x128xf32, #tpu.memory_space<hbm>>
    %dma_wait3A_418 = tpu.memref_squeeze %dma_wait3A_417 : memref<1x1x1x8x128xf32, #tpu.memory_space<hbm>> -> memref<8x128xf32, #tpu.memory_space<hbm>>
    %dma_wait3A_419 = arith.constant 0 : i32
    %dma_wait3A_420 = arith.constant 0 : i32
    %dma_wait3A_421 = tpu.memref_slice %arg5[%dma_wait3A_410, %dma_wait3A_411, %add3A, %dma_wait3A_419, %dma_wait3A_420] : memref<200x4x32x8x128xf32, #tpu.memory_space<hbm>> -> memref<1x1x1x8x128xf32, #tpu.memory_space<hbm>>
    %dma_wait3A_422 = tpu.memref_squeeze %dma_wait3A_421 : memref<1x1x1x8x128xf32, #tpu.memory_space<hbm>> -> memref<8x128xf32, #tpu.memory_space<hbm>>
    %dma_wait3A_423 = arith.constant 48 : i32
    %dma_wait3A_424 = arith.constant 0 : i32
    %dma_wait3A_425 = tpu.memref_slice %arg11[%dma_wait3A_423, %dma_wait3A_424] : memref<128x129xf32, #tpu.memory_space<vmem>> -> memref<8x128xf32, #tpu.memory_space<vmem>>
    tpu.wait_dma2 semaphore(%arg16 : memref<!tpu.dma_semaphore, #tpu.memory_space<semaphore_mem>>) src(%dma_wait3A_425 : memref<8x128xf32, #tpu.memory_space<vmem>>) dst(%dma_wait3A_422 : memref<8x128xf32, #tpu.memory_space<hbm>>)
    %dma_wait3A_426 = arith.constant 197 : i32
    %dma_wait3A_427 = arith.constant 3 : i32
    %dma_wait3A_428 = arith.constant 56 : i32
    %dma_wait3A_429 = arith.constant 0 : i32
    %dma_wait3A_430 = tpu.memref_slice %arg11[%dma_wait3A_428, %dma_wait3A_429] : memref<128x129xf32, #tpu.memory_space<vmem>> -> memref<8x128xf32, #tpu.memory_space<vmem>>
    %dma_wait3A_431 = arith.constant 0 : i32
    %dma_wait3A_432 = arith.constant 0 : i32
    %dma_wait3A_433 = tpu.memref_slice %arg5[%dma_wait3A_426, %dma_wait3A_427, %add3A, %dma_wait3A_431, %dma_wait3A_432] : memref<200x4x32x8x128xf32, #tpu.memory_space<hbm>> -> memref<1x1x1x8x128xf32, #tpu.memory_space<hbm>>
    %dma_wait3A_434 = tpu.memref_squeeze %dma_wait3A_433 : memref<1x1x1x8x128xf32, #tpu.memory_space<hbm>> -> memref<8x128xf32, #tpu.memory_space<hbm>>
    %dma_wait3A_435 = arith.constant 0 : i32
    %dma_wait3A_436 = arith.constant 0 : i32
    %dma_wait3A_437 = tpu.memref_slice %arg5[%dma_wait3A_426, %dma_wait3A_427, %add3A, %dma_wait3A_435, %dma_wait3A_436] : memref<200x4x32x8x128xf32, #tpu.memory_space<hbm>> -> memref<1x1x1x8x128xf32, #tpu.memory_space<hbm>>
    %dma_wait3A_438 = tpu.memref_squeeze %dma_wait3A_437 : memref<1x1x1x8x128xf32, #tpu.memory_space<hbm>> -> memref<8x128xf32, #tpu.memory_space<hbm>>
    %dma_wait3A_439 = arith.constant 56 : i32
    %dma_wait3A_440 = arith.constant 0 : i32
    %dma_wait3A_441 = tpu.memref_slice %arg11[%dma_wait3A_439, %dma_wait3A_440] : memref<128x129xf32, #tpu.memory_space<vmem>> -> memref<8x128xf32, #tpu.memory_space<vmem>>
    tpu.wait_dma2 semaphore(%arg16 : memref<!tpu.dma_semaphore, #tpu.memory_space<semaphore_mem>>) src(%dma_wait3A_441 : memref<8x128xf32, #tpu.memory_space<vmem>>) dst(%dma_wait3A_438 : memref<8x128xf32, #tpu.memory_space<hbm>>)
    %dma_wait3A_442 = arith.constant 198 : i32
    %dma_wait3A_443 = arith.constant 0 : i32
    %dma_wait3A_444 = arith.constant 64 : i32
    %dma_wait3A_445 = arith.constant 0 : i32
    %dma_wait3A_446 = tpu.memref_slice %arg11[%dma_wait3A_444, %dma_wait3A_445] : memref<128x129xf32, #tpu.memory_space<vmem>> -> memref<8x128xf32, #tpu.memory_space<vmem>>
    %dma_wait3A_447 = arith.constant 0 : i32
    %dma_wait3A_448 = arith.constant 0 : i32
    %dma_wait3A_449 = tpu.memref_slice %arg5[%dma_wait3A_442, %dma_wait3A_443, %add3A, %dma_wait3A_447, %dma_wait3A_448] : memref<200x4x32x8x128xf32, #tpu.memory_space<hbm>> -> memref<1x1x1x8x128xf32, #tpu.memory_space<hbm>>
    %dma_wait3A_450 = tpu.memref_squeeze %dma_wait3A_449 : memref<1x1x1x8x128xf32, #tpu.memory_space<hbm>> -> memref<8x128xf32, #tpu.memory_space<hbm>>
    %dma_wait3A_451 = arith.constant 0 : i32
    %dma_wait3A_452 = arith.constant 0 : i32
    %dma_wait3A_453 = tpu.memref_slice %arg5[%dma_wait3A_442, %dma_wait3A_443, %add3A, %dma_wait3A_451, %dma_wait3A_452] : memref<200x4x32x8x128xf32, #tpu.memory_space<hbm>> -> memref<1x1x1x8x128xf32, #tpu.memory_space<hbm>>
    %dma_wait3A_454 = tpu.memref_squeeze %dma_wait3A_453 : memref<1x1x1x8x128xf32, #tpu.memory_space<hbm>> -> memref<8x128xf32, #tpu.memory_space<hbm>>
    %dma_wait3A_455 = arith.constant 64 : i32
    %dma_wait3A_456 = arith.constant 0 : i32
    %dma_wait3A_457 = tpu.memref_slice %arg11[%dma_wait3A_455, %dma_wait3A_456] : memref<128x129xf32, #tpu.memory_space<vmem>> -> memref<8x128xf32, #tpu.memory_space<vmem>>
    tpu.wait_dma2 semaphore(%arg16 : memref<!tpu.dma_semaphore, #tpu.memory_space<semaphore_mem>>) src(%dma_wait3A_457 : memref<8x128xf32, #tpu.memory_space<vmem>>) dst(%dma_wait3A_454 : memref<8x128xf32, #tpu.memory_space<hbm>>)
    %dma_wait3A_458 = arith.constant 198 : i32
    %dma_wait3A_459 = arith.constant 1 : i32
    %dma_wait3A_460 = arith.constant 72 : i32
    %dma_wait3A_461 = arith.constant 0 : i32
    %dma_wait3A_462 = tpu.memref_slice %arg11[%dma_wait3A_460, %dma_wait3A_461] : memref<128x129xf32, #tpu.memory_space<vmem>> -> memref<8x128xf32, #tpu.memory_space<vmem>>
    %dma_wait3A_463 = arith.constant 0 : i32
    %dma_wait3A_464 = arith.constant 0 : i32
    %dma_wait3A_465 = tpu.memref_slice %arg5[%dma_wait3A_458, %dma_wait3A_459, %add3A, %dma_wait3A_463, %dma_wait3A_464] : memref<200x4x32x8x128xf32, #tpu.memory_space<hbm>> -> memref<1x1x1x8x128xf32, #tpu.memory_space<hbm>>
    %dma_wait3A_466 = tpu.memref_squeeze %dma_wait3A_465 : memref<1x1x1x8x128xf32, #tpu.memory_space<hbm>> -> memref<8x128xf32, #tpu.memory_space<hbm>>
    %dma_wait3A_467 = arith.constant 0 : i32
    %dma_wait3A_468 = arith.constant 0 : i32
    %dma_wait3A_469 = tpu.memref_slice %arg5[%dma_wait3A_458, %dma_wait3A_459, %add3A, %dma_wait3A_467, %dma_wait3A_468] : memref<200x4x32x8x128xf32, #tpu.memory_space<hbm>> -> memref<1x1x1x8x128xf32, #tpu.memory_space<hbm>>
    %dma_wait3A_470 = tpu.memref_squeeze %dma_wait3A_469 : memref<1x1x1x8x128xf32, #tpu.memory_space<hbm>> -> memref<8x128xf32, #tpu.memory_space<hbm>>
    %dma_wait3A_471 = arith.constant 72 : i32
    %dma_wait3A_472 = arith.constant 0 : i32
    %dma_wait3A_473 = tpu.memref_slice %arg11[%dma_wait3A_471, %dma_wait3A_472] : memref<128x129xf32, #tpu.memory_space<vmem>> -> memref<8x128xf32, #tpu.memory_space<vmem>>
    tpu.wait_dma2 semaphore(%arg16 : memref<!tpu.dma_semaphore, #tpu.memory_space<semaphore_mem>>) src(%dma_wait3A_473 : memref<8x128xf32, #tpu.memory_space<vmem>>) dst(%dma_wait3A_470 : memref<8x128xf32, #tpu.memory_space<hbm>>)
    %dma_wait3A_474 = arith.constant 198 : i32
    %dma_wait3A_475 = arith.constant 2 : i32
    %dma_wait3A_476 = arith.constant 80 : i32
    %dma_wait3A_477 = arith.constant 0 : i32
    %dma_wait3A_478 = tpu.memref_slice %arg11[%dma_wait3A_476, %dma_wait3A_477] : memref<128x129xf32, #tpu.memory_space<vmem>> -> memref<8x128xf32, #tpu.memory_space<vmem>>
    %dma_wait3A_479 = arith.constant 0 : i32
    %dma_wait3A_480 = arith.constant 0 : i32
    %dma_wait3A_481 = tpu.memref_slice %arg5[%dma_wait3A_474, %dma_wait3A_475, %add3A, %dma_wait3A_479, %dma_wait3A_480] : memref<200x4x32x8x128xf32, #tpu.memory_space<hbm>> -> memref<1x1x1x8x128xf32, #tpu.memory_space<hbm>>
    %dma_wait3A_482 = tpu.memref_squeeze %dma_wait3A_481 : memref<1x1x1x8x128xf32, #tpu.memory_space<hbm>> -> memref<8x128xf32, #tpu.memory_space<hbm>>
    %dma_wait3A_483 = arith.constant 0 : i32
    %dma_wait3A_484 = arith.constant 0 : i32
    %dma_wait3A_485 = tpu.memref_slice %arg5[%dma_wait3A_474, %dma_wait3A_475, %add3A, %dma_wait3A_483, %dma_wait3A_484] : memref<200x4x32x8x128xf32, #tpu.memory_space<hbm>> -> memref<1x1x1x8x128xf32, #tpu.memory_space<hbm>>
    %dma_wait3A_486 = tpu.memref_squeeze %dma_wait3A_485 : memref<1x1x1x8x128xf32, #tpu.memory_space<hbm>> -> memref<8x128xf32, #tpu.memory_space<hbm>>
    %dma_wait3A_487 = arith.constant 80 : i32
    %dma_wait3A_488 = arith.constant 0 : i32
    %dma_wait3A_489 = tpu.memref_slice %arg11[%dma_wait3A_487, %dma_wait3A_488] : memref<128x129xf32, #tpu.memory_space<vmem>> -> memref<8x128xf32, #tpu.memory_space<vmem>>
    tpu.wait_dma2 semaphore(%arg16 : memref<!tpu.dma_semaphore, #tpu.memory_space<semaphore_mem>>) src(%dma_wait3A_489 : memref<8x128xf32, #tpu.memory_space<vmem>>) dst(%dma_wait3A_486 : memref<8x128xf32, #tpu.memory_space<hbm>>)
    %dma_wait3A_490 = arith.constant 198 : i32
    %dma_wait3A_491 = arith.constant 3 : i32
    %dma_wait3A_492 = arith.constant 88 : i32
    %dma_wait3A_493 = arith.constant 0 : i32
    %dma_wait3A_494 = tpu.memref_slice %arg11[%dma_wait3A_492, %dma_wait3A_493] : memref<128x129xf32, #tpu.memory_space<vmem>> -> memref<8x128xf32, #tpu.memory_space<vmem>>
    %dma_wait3A_495 = arith.constant 0 : i32
    %dma_wait3A_496 = arith.constant 0 : i32
    %dma_wait3A_497 = tpu.memref_slice %arg5[%dma_wait3A_490, %dma_wait3A_491, %add3A, %dma_wait3A_495, %dma_wait3A_496] : memref<200x4x32x8x128xf32, #tpu.memory_space<hbm>> -> memref<1x1x1x8x128xf32, #tpu.memory_space<hbm>>
    %dma_wait3A_498 = tpu.memref_squeeze %dma_wait3A_497 : memref<1x1x1x8x128xf32, #tpu.memory_space<hbm>> -> memref<8x128xf32, #tpu.memory_space<hbm>>
    %dma_wait3A_499 = arith.constant 0 : i32
    %dma_wait3A_500 = arith.constant 0 : i32
    %dma_wait3A_501 = tpu.memref_slice %arg5[%dma_wait3A_490, %dma_wait3A_491, %add3A, %dma_wait3A_499, %dma_wait3A_500] : memref<200x4x32x8x128xf32, #tpu.memory_space<hbm>> -> memref<1x1x1x8x128xf32, #tpu.memory_space<hbm>>
    %dma_wait3A_502 = tpu.memref_squeeze %dma_wait3A_501 : memref<1x1x1x8x128xf32, #tpu.memory_space<hbm>> -> memref<8x128xf32, #tpu.memory_space<hbm>>
    %dma_wait3A_503 = arith.constant 88 : i32
    %dma_wait3A_504 = arith.constant 0 : i32
    %dma_wait3A_505 = tpu.memref_slice %arg11[%dma_wait3A_503, %dma_wait3A_504] : memref<128x129xf32, #tpu.memory_space<vmem>> -> memref<8x128xf32, #tpu.memory_space<vmem>>
    tpu.wait_dma2 semaphore(%arg16 : memref<!tpu.dma_semaphore, #tpu.memory_space<semaphore_mem>>) src(%dma_wait3A_505 : memref<8x128xf32, #tpu.memory_space<vmem>>) dst(%dma_wait3A_502 : memref<8x128xf32, #tpu.memory_space<hbm>>)
    %dma_wait3A_506 = arith.constant 199 : i32
    %dma_wait3A_507 = arith.constant 0 : i32
    %dma_wait3A_508 = arith.constant 96 : i32
    %dma_wait3A_509 = arith.constant 0 : i32
    %dma_wait3A_510 = tpu.memref_slice %arg11[%dma_wait3A_508, %dma_wait3A_509] : memref<128x129xf32, #tpu.memory_space<vmem>> -> memref<8x128xf32, #tpu.memory_space<vmem>>
    %dma_wait3A_511 = arith.constant 0 : i32
    %dma_wait3A_512 = arith.constant 0 : i32
    %dma_wait3A_513 = tpu.memref_slice %arg5[%dma_wait3A_506, %dma_wait3A_507, %add3A, %dma_wait3A_511, %dma_wait3A_512] : memref<200x4x32x8x128xf32, #tpu.memory_space<hbm>> -> memref<1x1x1x8x128xf32, #tpu.memory_space<hbm>>
    %dma_wait3A_514 = tpu.memref_squeeze %dma_wait3A_513 : memref<1x1x1x8x128xf32, #tpu.memory_space<hbm>> -> memref<8x128xf32, #tpu.memory_space<hbm>>
    %dma_wait3A_515 = arith.constant 0 : i32
    %dma_wait3A_516 = arith.constant 0 : i32
    %dma_wait3A_517 = tpu.memref_slice %arg5[%dma_wait3A_506, %dma_wait3A_507, %add3A, %dma_wait3A_515, %dma_wait3A_516] : memref<200x4x32x8x128xf32, #tpu.memory_space<hbm>> -> memref<1x1x1x8x128xf32, #tpu.memory_space<hbm>>
    %dma_wait3A_518 = tpu.memref_squeeze %dma_wait3A_517 : memref<1x1x1x8x128xf32, #tpu.memory_space<hbm>> -> memref<8x128xf32, #tpu.memory_space<hbm>>
    %dma_wait3A_519 = arith.constant 96 : i32
    %dma_wait3A_520 = arith.constant 0 : i32
    %dma_wait3A_521 = tpu.memref_slice %arg11[%dma_wait3A_519, %dma_wait3A_520] : memref<128x129xf32, #tpu.memory_space<vmem>> -> memref<8x128xf32, #tpu.memory_space<vmem>>
    tpu.wait_dma2 semaphore(%arg16 : memref<!tpu.dma_semaphore, #tpu.memory_space<semaphore_mem>>) src(%dma_wait3A_521 : memref<8x128xf32, #tpu.memory_space<vmem>>) dst(%dma_wait3A_518 : memref<8x128xf32, #tpu.memory_space<hbm>>)
    %dma_wait3A_522 = arith.constant 199 : i32
    %dma_wait3A_523 = arith.constant 1 : i32
    %dma_wait3A_524 = arith.constant 104 : i32
    %dma_wait3A_525 = arith.constant 0 : i32
    %dma_wait3A_526 = tpu.memref_slice %arg11[%dma_wait3A_524, %dma_wait3A_525] : memref<128x129xf32, #tpu.memory_space<vmem>> -> memref<8x128xf32, #tpu.memory_space<vmem>>
    %dma_wait3A_527 = arith.constant 0 : i32
    %dma_wait3A_528 = arith.constant 0 : i32
    %dma_wait3A_529 = tpu.memref_slice %arg5[%dma_wait3A_522, %dma_wait3A_523, %add3A, %dma_wait3A_527, %dma_wait3A_528] : memref<200x4x32x8x128xf32, #tpu.memory_space<hbm>> -> memref<1x1x1x8x128xf32, #tpu.memory_space<hbm>>
    %dma_wait3A_530 = tpu.memref_squeeze %dma_wait3A_529 : memref<1x1x1x8x128xf32, #tpu.memory_space<hbm>> -> memref<8x128xf32, #tpu.memory_space<hbm>>
    %dma_wait3A_531 = arith.constant 0 : i32
    %dma_wait3A_532 = arith.constant 0 : i32
    %dma_wait3A_533 = tpu.memref_slice %arg5[%dma_wait3A_522, %dma_wait3A_523, %add3A, %dma_wait3A_531, %dma_wait3A_532] : memref<200x4x32x8x128xf32, #tpu.memory_space<hbm>> -> memref<1x1x1x8x128xf32, #tpu.memory_space<hbm>>
    %dma_wait3A_534 = tpu.memref_squeeze %dma_wait3A_533 : memref<1x1x1x8x128xf32, #tpu.memory_space<hbm>> -> memref<8x128xf32, #tpu.memory_space<hbm>>
    %dma_wait3A_535 = arith.constant 104 : i32
    %dma_wait3A_536 = arith.constant 0 : i32
    %dma_wait3A_537 = tpu.memref_slice %arg11[%dma_wait3A_535, %dma_wait3A_536] : memref<128x129xf32, #tpu.memory_space<vmem>> -> memref<8x128xf32, #tpu.memory_space<vmem>>
    tpu.wait_dma2 semaphore(%arg16 : memref<!tpu.dma_semaphore, #tpu.memory_space<semaphore_mem>>) src(%dma_wait3A_537 : memref<8x128xf32, #tpu.memory_space<vmem>>) dst(%dma_wait3A_534 : memref<8x128xf32, #tpu.memory_space<hbm>>)
    %dma_wait3A_538 = arith.constant 199 : i32
    %dma_wait3A_539 = arith.constant 2 : i32
    %dma_wait3A_540 = arith.constant 112 : i32
    %dma_wait3A_541 = arith.constant 0 : i32
    %dma_wait3A_542 = tpu.memref_slice %arg11[%dma_wait3A_540, %dma_wait3A_541] : memref<128x129xf32, #tpu.memory_space<vmem>> -> memref<8x128xf32, #tpu.memory_space<vmem>>
    %dma_wait3A_543 = arith.constant 0 : i32
    %dma_wait3A_544 = arith.constant 0 : i32
    %dma_wait3A_545 = tpu.memref_slice %arg5[%dma_wait3A_538, %dma_wait3A_539, %add3A, %dma_wait3A_543, %dma_wait3A_544] : memref<200x4x32x8x128xf32, #tpu.memory_space<hbm>> -> memref<1x1x1x8x128xf32, #tpu.memory_space<hbm>>
    %dma_wait3A_546 = tpu.memref_squeeze %dma_wait3A_545 : memref<1x1x1x8x128xf32, #tpu.memory_space<hbm>> -> memref<8x128xf32, #tpu.memory_space<hbm>>
    %dma_wait3A_547 = arith.constant 0 : i32
    %dma_wait3A_548 = arith.constant 0 : i32
    %dma_wait3A_549 = tpu.memref_slice %arg5[%dma_wait3A_538, %dma_wait3A_539, %add3A, %dma_wait3A_547, %dma_wait3A_548] : memref<200x4x32x8x128xf32, #tpu.memory_space<hbm>> -> memref<1x1x1x8x128xf32, #tpu.memory_space<hbm>>
    %dma_wait3A_550 = tpu.memref_squeeze %dma_wait3A_549 : memref<1x1x1x8x128xf32, #tpu.memory_space<hbm>> -> memref<8x128xf32, #tpu.memory_space<hbm>>
    %dma_wait3A_551 = arith.constant 112 : i32
    %dma_wait3A_552 = arith.constant 0 : i32
    %dma_wait3A_553 = tpu.memref_slice %arg11[%dma_wait3A_551, %dma_wait3A_552] : memref<128x129xf32, #tpu.memory_space<vmem>> -> memref<8x128xf32, #tpu.memory_space<vmem>>
    tpu.wait_dma2 semaphore(%arg16 : memref<!tpu.dma_semaphore, #tpu.memory_space<semaphore_mem>>) src(%dma_wait3A_553 : memref<8x128xf32, #tpu.memory_space<vmem>>) dst(%dma_wait3A_550 : memref<8x128xf32, #tpu.memory_space<hbm>>)
    %dma_wait3A_554 = arith.constant 199 : i32
    %dma_wait3A_555 = arith.constant 3 : i32
    %dma_wait3A_556 = arith.constant 120 : i32
    %dma_wait3A_557 = arith.constant 0 : i32
    %dma_wait3A_558 = tpu.memref_slice %arg11[%dma_wait3A_556, %dma_wait3A_557] : memref<128x129xf32, #tpu.memory_space<vmem>> -> memref<8x128xf32, #tpu.memory_space<vmem>>
    %dma_wait3A_559 = arith.constant 0 : i32
    %dma_wait3A_560 = arith.constant 0 : i32
    %dma_wait3A_561 = tpu.memref_slice %arg5[%dma_wait3A_554, %dma_wait3A_555, %add3A, %dma_wait3A_559, %dma_wait3A_560] : memref<200x4x32x8x128xf32, #tpu.memory_space<hbm>> -> memref<1x1x1x8x128xf32, #tpu.memory_space<hbm>>
    %dma_wait3A_562 = tpu.memref_squeeze %dma_wait3A_561 : memref<1x1x1x8x128xf32, #tpu.memory_space<hbm>> -> memref<8x128xf32, #tpu.memory_space<hbm>>
    %dma_wait3A_563 = arith.constant 0 : i32
    %dma_wait3A_564 = arith.constant 0 : i32
    %dma_wait3A_565 = tpu.memref_slice %arg5[%dma_wait3A_554, %dma_wait3A_555, %add3A, %dma_wait3A_563, %dma_wait3A_564] : memref<200x4x32x8x128xf32, #tpu.memory_space<hbm>> -> memref<1x1x1x8x128xf32, #tpu.memory_space<hbm>>
    %dma_wait3A_566 = tpu.memref_squeeze %dma_wait3A_565 : memref<1x1x1x8x128xf32, #tpu.memory_space<hbm>> -> memref<8x128xf32, #tpu.memory_space<hbm>>
    %dma_wait3A_567 = arith.constant 120 : i32
    %dma_wait3A_568 = arith.constant 0 : i32
    %dma_wait3A_569 = tpu.memref_slice %arg11[%dma_wait3A_567, %dma_wait3A_568] : memref<128x129xf32, #tpu.memory_space<vmem>> -> memref<8x128xf32, #tpu.memory_space<vmem>>
    tpu.wait_dma2 semaphore(%arg16 : memref<!tpu.dma_semaphore, #tpu.memory_space<semaphore_mem>>) src(%dma_wait3A_569 : memref<8x128xf32, #tpu.memory_space<vmem>>) dst(%dma_wait3A_566 : memref<8x128xf32, #tpu.memory_space<hbm>>)
    return
  }
}

</mosaic_0001>

<sc_bundles>
// kernel: kernel.3.cloned.1.call-start
scs
__scs_entry_jumppad:
0x0: {  	(pc) =	sbr.rel $0x88, $3  }
0x1: {  	(tag) =	ssettag $0x0;
	lr =	simm.s32 $0x1  }
0x2: {  	[smem:$0x3F9E] =	sst lr;
	_ =	strace $0xD0000000  }
0x3: {  	_ = 	snop  }
0x4: {  	_ = 	snop  }
0x5: {  	_ = 	snop  }
0x6: {  	_ = 	snop  }
0x7: {  	_ = 	snop  }
__scs_overlays_trampoline_lowered:
0x8: {  	[smem:$0x3FAD] =	sst s0  }
0x9: {  	[smem:$0x3FAE] =	sst s1  }
0xa: {  	[smem:$0x3FAF] =	sst s2  }
0xb: {  	[smem:$0x3FB0] =	sst s3  }
0xc: {  	[smem:$0x3FB1] =	sst s4  }
0xd: {  	[smem:$0x3FB2] =	sst s5  }
0xe: {  	[smem:$0x3FB3] =	sst s6  }
0xf: {  	[smem:$0x3FB4] =	sst s7  }
0x10: {  	[smem:$0x3FB5] =	sst s8  }
0x11: {  	[smem:$0x3FB6] =	sst s9;
	s0 =	simm.s32 @!p0 $0x0  }
0x12: {  	s1 =	sld [smem:$0x3F9C];
	s0 =	simm.s32 @p0 $0x1  }
0x13: {  	[smem:$0x3FB7] =	sst s0;
	s0 =	simm.s32 @!p1 $0x0  }
0x14: {  	s2 =	sld [smem:$0x3F9B];
	s0 =	simm.s32 @p1 $0x1  }
0x15: {  	[smem:$0x3FB8] =	sst s0;
	s0 =	simm.s32 @!p2 $0x0  }
0x16: {  	s3 =	sld [smem:$0x3FDB];
	s0 =	simm.s32 @p2 $0x1  }
0x17: {  	s4 =	simm.s32 $0x1BF5;
	[smem:$0x3FBA] =	sst s0  }
0x18: {  	s0 =	sld [smem:$0x3F9D];
	_ =	swait.ge [sflag:s4], $0x0  }
0x19: {  	s7 =	sld [smem:$0x3F9E]  }
0x1a: {  	s8 =	sadd.s32 $0xFFFFE003, lr  }
0x1b: {  	s9 =	sadd.s32 $0xFFFFFEF7, lr;
	s5 =	simm.s32 $0xFFFFFFFF;
	p2 =	slt.u32 s8, $0xFFFFF086  }
0x1c: {  	p1 =	slt.u32 s9, $0xF7A;
	s5 =	simm.s32 @!p2 $0x0  }
0x1d: {  	s5 =	simm.s32 @p1 $0x1;
	p0 =	seq.s32 s7, s2  }
0x1e: {  	s7 =	smul.u32 @!p0 $0xF7A, s2;
	p2 =	seq.s32 @!p0 s5, $0x0  }
0x1f: {  	s9 =	smul.u32 $0xF7A, s1;
	s8 =	simm.s32 @!p0 $0x1BF5;
	p2 =	por !p2, p0  }
0x20: {  	[sflag:s8] =	ssyncset.s32 @!p0 $0xFFFFF086;
	s6 =	sadd.s32 @!p0 s3, s7;
	s7 =	simm.s32 @!p0 $0x108  }
0x21: {  	s3 =	sadd.s32 s3, s9;
	s6 =	sadd.s32 @!p0 $0x88, s6;
	s7 =	simm.s32 @p2 $0x1082  }
0x22: {  	[simem:s7], [sflag:s8] =	dma.local @!p0 [hbm:s6], $0xF7A  }
0x23: {  	s9 =	sor.u32 $0xD0000000, s2;
	s6 =	simm.s32 $0x108;
	_ =	swait.ge @!p0 [sflag:s8], $0x0  }
0x24: {  	s3 =	sadd.s32 $0x88, s3;
	s6 =	simm.s32 @!p1 $0x1082;
	[sflag:s4] =	ssyncset.s32 $0xFFFFF086  }
0x25: {  	[simem:s6], [sflag:s4] =	dma.local [hbm:s3], $0xF7A  }
0x26: {  	[smem:$0x3F9E] =	sst s1;
	(tag) =	ssettag s2;
	_ =	strace s9  }
0x27: {  	s1 =	sld [smem:$0x3FAE]  }
0x28: {  	s2 =	sld [smem:$0x3FAF]  }
0x29: {  	s4 =	sld [smem:$0x3FB1]  }
0x2a: {  	p0 =	seq.s32 s5, $0x0;
	s5 =	sld [smem:$0x3FB2]  }
0x2b: {  	s6 =	sld [smem:$0x3FB3]  }
0x2c: {  	s7 =	sld [smem:$0x3FB4]  }
0x2d: {  	s3 =	simm.s32 $0x108;
	s8 =	sld [smem:$0x3FB5]  }
0x2e: {  	s3 =	simm.s32 @!p0 $0x1082;
	s9 =	sld [smem:$0x3FB6]  }
0x2f: {  	lr =	sadd.s32 s0, s3;
	s0 =	sld [smem:$0x3FAD]  }
0x30: {  	s3 =	sld [smem:$0x3FB0]  }
0x31: {  	[smem:$0x3FB9] =	sst s10  }
0x32: {  	s10 =	sld [smem:$0x3FB7];
	_ =	sdelay $0x3  }
0x33: {  	p0 =	seq.s32 s10, $0x1;
	s10 =	sld [smem:$0x3FB9];
	_ =	sdelay $0x3  }
0x34: {  	[smem:$0x3FB9] =	sst s10  }
0x35: {  	s10 =	sld [smem:$0x3FB8];
	_ =	sdelay $0x3  }
0x36: {  	p1 =	seq.s32 s10, $0x1;
	s10 =	sld [smem:$0x3FB9];
	_ =	sdelay $0x3  }
0x37: {  	[smem:$0x3FB9] =	sst s10  }
0x38: {  	s10 =	sld [smem:$0x3FBA]  }
0x39: {  	_ = 	snop;
	(pc) =	sbr.ind lr, $3  }
0x3a: {  	_ = 	snop  }
0x3b: {  	_ = 	snop  }
0x3c: {  	p2 =	seq.s32 s10, $0x1;
	s10 =	sld [smem:$0x3FB9]  }
0x3d: {  	_ =	shalt  }
0x3e: {  	_ =	shalt  }
0x3f: {  	_ =	shalt  }
0x40: {  	_ =	shalt  }
0x41: {  	_ =	shalt  }
0x42: {  	_ =	shalt  }
0x43: {  	_ =	shalt  }
0x44: {  	_ =	shalt  }
0x45: {  	_ =	shalt  }
0x46: {  	_ =	shalt  }
0x47: {  	_ =	shalt  }
0x48: {  	_ =	shalt  }
0x49: {  	_ =	shalt  }
0x4a: {  	_ =	shalt  }
0x4b: {  	_ =	shalt  }
0x4c: {  	_ =	shalt  }
0x4d: {  	_ =	shalt  }
0x4e: {  	_ =	shalt  }
0x4f: {  	_ =	shalt  }
0x50: {  	_ =	shalt  }
0x51: {  	_ =	shalt  }
0x52: {  	_ =	shalt  }
0x53: {  	_ =	shalt  }
0x54: {  	_ =	shalt  }
0x55: {  	_ =	shalt  }
0x56: {  	_ =	shalt  }
0x57: {  	_ =	shalt  }
0x58: {  	_ =	shalt  }
0x59: {  	_ =	shalt  }
0x5a: {  	_ =	shalt  }
0x5b: {  	_ =	shalt  }
0x5c: {  	_ =	shalt  }
0x5d: {  	_ =	shalt  }
0x5e: {  	_ =	shalt  }
0x5f: {  	_ =	shalt  }
0x60: {  	_ =	shalt  }
0x61: {  	_ =	shalt  }
0x62: {  	_ =	shalt  }
0x63: {  	_ =	shalt  }
0x64: {  	_ =	shalt  }
0x65: {  	_ =	shalt  }
0x66: {  	_ =	shalt  }
0x67: {  	_ =	shalt  }
0x68: {  	_ =	shalt  }
0x69: {  	_ =	shalt  }
0x6a: {  	_ =	shalt  }
0x6b: {  	_ =	shalt  }
0x6c: {  	_ =	shalt  }
0x6d: {  	_ =	shalt  }
0x6e: {  	_ =	shalt  }
0x6f: {  	_ =	shalt  }
0x70: {  	_ =	shalt  }
0x71: {  	_ =	shalt  }
0x72: {  	_ =	shalt  }
0x73: {  	_ =	shalt  }
0x74: {  	_ =	shalt  }
0x75: {  	_ =	shalt  }
0x76: {  	_ =	shalt  }
0x77: {  	_ =	shalt  }
0x78: {  	_ =	shalt  }
0x79: {  	_ =	shalt  }
0x7a: {  	_ =	shalt  }
0x7b: {  	_ =	shalt  }
0x7c: {  	_ =	shalt  }
0x7d: {  	_ =	shalt  }
0x7e: {  	_ =	shalt  }
0x7f: {  	_ =	shalt  }
0x80: {  	_ =	shalt  }
0x81: {  	_ =	shalt  }
0x82: {  	_ =	shalt  }
0x83: {  	_ =	shalt  }
0x84: {  	_ =	shalt  }
0x85: {  	_ =	shalt  }
0x86: {  	_ =	shalt  }
0x87: {  	_ =	shalt  }
.Lfunc_end0:
.L_simem_size_0:
called_computation_lowered:
.L_overlay_start_0:
0x88: {  	s2 =	sld [smem:$0x3FD9]  }
0x89: {  	s3 =	sld [smem:$0x3FFE];
	_ =	sdelay $0x1  }
0x8a: {  	s1 =	srdreg.scid  }
0x8b: {  	s0 =	sand.u32 $0x1, s1  }
0x8c: {  	s17 =	sshll.u32 s0, $0xA;
	s2 =	sadd.s32 s3, s2  }
0x8d: {  	s2 =	sadd.s32 s2, s17  }
0x8e: {  	[smem:$0x3FC5] =	sst s2  }
0x8f: {  	_ = 	snop  }
0x90: {  	s2 =	sld [smem:$0x3FD0];
	(tm) =	ssettm $0x1  }
0x91: {  	s18 =	sld [smem:$0x3FFB];
	_ =	sdelay $0x3  }
0x92: {  	_ =	strace s18  }
0x93: {  	s3 =	sld [smem:$0x3FFC];
	_ =	sdelay $0x3  }
0x94: {  	_ =	strace s3  }
0x95: {  	s3 =	sld [smem:$0x3FFD];
	_ =	sdelay $0x3  }
0x96: {  	_ =	strace s3  }
0x97: {  	_ =	strace $0x8FFFFFFF  }
0x98: {  	s19 =	sld [smem:$0x3FDB];
	_ =	sdelay $0x1  }
0x99: {  	s4 =	simm.s32 $_scs_section_size  }
0x9a: {  	s5 =	simm.s32 $_size__tile_overlayer_lowered;
	s6 =	simm.s32 $_tile_overlayer_lowered  }
0x9b: {  	s22 =	simm.s32 $0x1BFF;
	s21 =	sshll.u32 s6, $0x1;
	s3 =	sadd.s32 s4, s19  }
0x9c: {  	s7 =	simm.s32 $0x0;
	s20 =	sshll.u32 s5, $0x1;
	s5 =	sadd.s32 s21, s3  }
0x9d: {  	[timem:s7], [sflag:s22] =	dma.local [hbm:s5], s20  }
0x9e: {  	_ =	swait.ge [sflag:s22], s20  }
0x9f: {  	s4 =	ssub.s32 $0x0, s20;
	[sflag:s22] =	ssyncset.done $0x0  }
0xa0: {  	[sflag:s22] =	ssyncadd.s32 s4;
	_ =	sdelay $0x1  }
0xa1: {  	s23 =	simm.s32 $0x1B8B  }
0xa2: {  	_ =	swait.ge [sflag:s23], $0x1  }
0xa3: {  	[sflag:s23] =	ssyncset.done $0x0  }
0xa4: {  	s25 =	simm.s32 $0x1B8E;
	s24 =	sld [smem:$0x3FFE];
	[sflag:s23] =	ssyncadd.s32 $0xFFFFFFFF  }
0xa5: {  	s26 =	simm.s32 $execute0_lowered;
	[smem:$0x3FD2] =	sst s25  }
0xa6: {  	s5 =	sshll.u32 s26, $0x1;
	_ =	strace $0x80000046;
	[dreg:$0x1] =	wrdreg $0xFFFFFFFF  }
0xa7: {  	s28 =	simm.s32 $_size_execute0_lowered;
	s3 =	sadd.s32 s3, s5;
	[dreg:$0x0] =	wrdreg $0x0  }
0xa8: {  	s5 =	sshll.u32 s28, $0x1;
	[dreg:$0x2] =	wrdreg s3  }
0xa9: {  	[dreg:$0x3] =	wrdreg s5  }
0xaa: {  	[dreg:$0x4] =	wrdreg $0xC0  }
0xab: {  	_ =	task [dreg:s7], $0x5FFFF  }
0xac: {  	[dreg:$0x1] =	wrdreg $0xFFFFFFFF  }
0xad: {  	[dreg:$0x0] =	wrdreg $0x60  }
0xae: {  	[dreg:$0x2] =	wrdreg s24  }
0xaf: {  	[dreg:$0x3] =	wrdreg s2  }
0xb0: {  	[dreg:$0x4] =	wrdreg $0x9  }
0xb1: {  	_ =	task.clear_ibuf [dreg:s7], $0x5FFFF;
	_ =	strace $0x90000046  }
0xb2: {  	s29 =	simm.s32 $0x9;
	_ =	strace $0x80000048  }
0xb3: {  	_ =	swait.ge [sflag:s29], $0x1  }
0xb4: {  	[sflag:s29] =	ssyncadd.s32 $0xFFFFFFFF  }
0xb5: {  	_ =	strace $0x90000048  }
0xb6: {  	_ =	sfence  }
0xb7: {  	s30 =	sld [smem:$0x0];
	_ =	sdelay $0x2  }
0xb8: {  	s31 =	sshll.u32 s1, $0xD;
	s1 =	sshrl.u32 s1, $0x2  }
0xb9: {  	s3 =	sand.u32 $0x4000, s31;
	s1 =	sadd.s32 s1, s30  }
0xba: {  	s0 =	sor.u32 s3, s0;
	s1 =	sshll.u32 s1, $0x11  }
0xbb: {  	s0 =	sor.u32 s1, s0  }
0xbc: {  	s0 =	sadd.s32 $0x8F2B, s0  }
0xbd: {  	[sflag:s0] =	ssyncadd.remote.s32 $0x1  }
0xbe: {  	_ =	sfence.sel $0xFFFF  }
0xbf: {  	[dreg:$0x0] =	wrdreg $0xFFFFFFFF;
	(pc) =	sbr.abs _section_cstart, $3  }
0xc0: {  	[dreg:$0x1] =	wrdreg $0xFFFFFFFF  }
0xc1: {  	_ =	task.clear_ibuf [dreg:s7], $0x2FFFF;
	_ =	strace $0x9FFFFFFF  }
0xc2: {  	(tm) =	ssettm $0x7FFFFFFF  }
0xc3: {  	_ =	shalt  }
tec
execute0_lowered:
.L_overlay_start_1:
0x0: {  	(tag) =	ssettag $0x1  }
0x1: {  	s0 =	rddreg [dreg:$0x0]  }
0x2: {  	s1 =	rddreg [dreg:$0x1];
	s3 =	simm.s32 $0x0;
	s2 =	srdreg.scid  }
0x3: {  	s4 =	stileid.u32;
	s18 =	simm.s32 $0x80;
	s28 =	simm.s32 $0x2  }
0x4: {  	s29 =	simm.s32 $0x1;
	s22 =	simm.s32 $0x8400;
	s17 =	simm.s32 $0x107C0  }
0x5: {  	s30 =	simm.s32 $0x108D0;
	s31 =	simm.s32 $0x3;
	[smem:$0x7FF] =	sst s3  }
0x6: {  	s2 =	sand.u32 $0x1, s2;
	s6 =	sshll.u32 s4, $0x1;
	s4 =	sadd.s32 $0x800, s0  }
0x7: {  	s5 =	sadd.s32 $0xF42C00, s0;
	s0 =	sadd.s32 $0x19800, s0;
	s12 =	sadd.s32 $0x1000, s1  }
0x8: {  	s13 =	sadd.s32 $0x2000, s1;
	s14 =	sadd.s32 $0x3000, s1;
	_ =	strace $0x80000047  }
0x9: {  	s6 =	sor.u32 s2, s6;
	[dreg:$0x3] =	wrdreg s0;
	s25 =	ssub.s32 $0x2, s2  }
0xa: {  	v0 =	vlaneseq.u32;
	s26 =	sshll.u32 s6, $0x4;
	s7 =	sshrl.u32 s25, $0x1;
	s8 =	sshll.u32 s6, $0x7  }
0xb: {  	v0 =	vmul.u32 $0x88, v0;
	s11 =	sshll.u32 s6, $0xA;
	s2 =	sadd.s32 s4, s26;
	s0 =	ssub.s32 s25, s7  }
0xc: {  	s9 =	sor.u32 $0x8000, s8;
	s10 =	sor.u32 $0xC000, s8;
	s7 =	simm.s32 $0x10738  }
0xd: {  	v1 =	vadd.s32 $0x880, v0;
	s26 =	simm.s32 $0x10848;
	[dreg:$0x4] =	wrdreg s2;
	s2 =	sadd.s32 $0x800, s2  }
0xe: {  	v2 =	vadd.s32 $0x1100, v0;
	v3 =	vadd.s32 $0x1980, v0;
	v4 =	vadd.s32 $0x2200, v0;
	s8 =	simm.s32 $0x0;
	s0 =	smax.u32 s0, $0x1;
	[dreg:$0x5] =	wrdreg s2  }
0xf: {  	v5 =	vadd.s32 $0x2A80, v0;
	v6 =	vadd.s32 $0x3300, v0;
	v7 =	vadd.s32 $0x3B80, v0;
	[dreg:$0x6] =	wrdreg s0;
	s0 =	simm.s32 $0xC800;
	s2 =	simm.s32 $0x4  }
.LBB2_1:
0x10: {  	[dreg:$0x7] =	wrdreg s8  }
0x11: {  	s6 =	rddreg [dreg:$0x3];
	s23 =	simm.s32 $0x10C00;
	s24 =	simm.s32 $0x5  }
0x12: {  	[tilespmem:s23], [sflag:$0x5] =	stream.linear.gather [hbm4b:s6+s3], $0x1900, $0x38;
	[tilespmem:$0x12500] =	vst v63  }
0x13: {  	_ =	swait.ge [sflag:s24], $0x1900  }
0x14: {  	[sflag:s24] =	ssyncset.done $0x0  }
0x15: {  	s15 =	simm.s32 $0x1000;
	s25 =	rddreg [dreg:$0x4];
	[sflag:s24] =	ssyncadd.s32 $0xFFFFE700  }
0x16: {  	[tilespmem:s3], [sflag:$0x5] =	stream.strided.gather [hbm4b:s25+s18], $0x200, s15, s18, $0x38;
	[tilespmem:$0x12500] =	vst v63  }
0x17: {  	_ =	swait.ge [sflag:s24], $0x200  }
0x18: {  	[sflag:s24] =	ssyncset.done $0x0  }
0x19: {  	s8 =	simm.s32 $0x400;
	[sflag:s24] =	ssyncadd.s32 $0xFFFFFE00  }
0x1a: {  	[tilespmem:s8], [sflag:$0x2] =	stream.indirect.gather [hbm4b:s5+s18], $0x20, s3, s18, $0xb8;
	[tilespmem:$0x12500] =	vst v63  }
0x1b: {  	s16 =	simm.s32 $0x1400  }
0x1c: {  	[tilespmem:s16], [sflag:$0x2] =	stream.indirect.gather [hbm4b:s5+s18], $0x20, s18, s18, $0xb8;
	[tilespmem:$0x12500] =	vst v63  }
0x1d: {  	s19 =	simm.s32 $0x100;
	s20 =	simm.s32 $0x2400  }
0x1e: {  	[tilespmem:s20], [sflag:$0x2] =	stream.indirect.gather [hbm4b:s5+s18], $0x20, s19, s18, $0xb8;
	[tilespmem:$0x12500] =	vst v63  }
0x1f: {  	s21 =	simm.s32 $0x180;
	s23 =	simm.s32 $0x3400  }
0x20: {  	[tilespmem:s23], [sflag:$0x2] =	stream.indirect.gather [hbm4b:s5+s18], $0x20, s21, s18, $0xb8;
	[tilespmem:$0x12500] =	vst v63  }
0x21: {  	s25 =	simm.s32 $0x200;
	s24 =	rddreg [dreg:$0x5];
	s16 =	simm.s32 $0x0  }
0x22: {  	[tilespmem:s25], [sflag:$0x1] =	stream.strided.gather [hbm4b:s24+s18], $0x200, s15, s18, $0x38;
	[tilespmem:$0x12500] =	vst v63  }
.LBB2_2:
0x23: {  	_ =	swait.ge [sflag:s28], $0x1000  }
0x24: {  	[sflag:s28] =	ssyncset.done $0x0  }
0x25: {  	[sflag:s28] =	ssyncadd.s32 $0xFFFFF000  }
0x26: {  	_ =	swait.ge [sflag:s28], $0x1000  }
0x27: {  	[sflag:s28] =	ssyncset.done $0x0  }
0x28: {  	[sflag:s28] =	ssyncadd.s32 $0xFFFFF000  }
0x29: {  	_ =	swait.ge [sflag:s28], $0x1000  }
0x2a: {  	[sflag:s28] =	ssyncset.done $0x0  }
0x2b: {  	[sflag:s28] =	ssyncadd.s32 $0xFFFFF000  }
0x2c: {  	_ =	swait.ge [sflag:s28], $0x1000  }
0x2d: {  	[sflag:s28] =	ssyncset.done $0x0  }
0x2e: {  	[sflag:s28] =	ssyncadd.s32 $0xFFFFF000  }
0x2f: {  	_ =	swait.ge [sflag:s29], $0x200  }
0x30: {  	[sflag:s29] =	ssyncset.done $0x0  }
0x31: {  	s6 =	simm.s32 $0x200;
	s8 =	simm.s32 $0x4400;
	[sflag:s29] =	ssyncadd.s32 $0xFFFFFE00  }
0x32: {  	[tilespmem:s8], [sflag:$0x2] =	stream.indirect.gather [hbm4b:s5+s18], $0x20, s6, s18, $0xb8;
	[tilespmem:$0x12500] =	vst v63  }
0x33: {  	s19 =	simm.s32 $0x280;
	s20 =	simm.s32 $0x5400;
	p0 =	seq.s32 s16, $0x18  }
0x34: {  	[tilespmem:s20], [sflag:$0x2] =	stream.indirect.gather [hbm4b:s5+s18], $0x20, s19, s18, $0xb8;
	[tilespmem:$0x12500] =	vst v63  }
0x35: {  	s21 =	simm.s32 $0x300;
	s23 =	simm.s32 $0x6400;
	p1 =	seq.s32 @!p0 s16, $0x0  }
0x36: {  	[tilespmem:s23], [sflag:$0x2] =	stream.indirect.gather [hbm4b:s5+s18], $0x20, s21, s18, $0xb8;
	[tilespmem:$0x12500] =	vst v63  }
0x37: {  	s24 =	simm.s32 $0x380;
	p1 =	por p0, !p1;
	s21 =	sshll.u32 @!p0 s16, $0xF  }
.Ltmp0:
0x38: {  	s25 =	simm.s32 $0x7400;
	s6 =	sadd.s32 @!p0 s9, s21;
	(pc) =	sbr.rel @!p1 .LBB2_3-.Ltmp0, $4  }
0x39: {  	[tilespmem:s25], [sflag:$0x2] =	stream.indirect.gather [hbm4b:s5+s18], $0x20, s24, s18, $0xb8;
	[tilespmem:$0x12500] =	vst v63  }
0x3a: {  	s19 =	simm.s32 @!p0 $0x80;
	s6 =	sshrl.u32 @!p0 s6, $0x3  }
0x3b: {  	s20 =	simm.s32 @!p0 $0x1000;
	s23 =	simm.s32 @!p0 $0x0;
	s6 =	sadd.s32 @!p0 s4, s6  }
0x3c: {  	[tilespmem:s23], [sflag:$0x1] =	stream.strided.gather @!p0 [hbm4b:s6+s19], $0x200, s20, s19, $0x38;
	[tilespmem:$0x12500] =	vst v63  }
0x3d: {  	_ =	swait.ge [sflag:s31], $0x400  }
0x3e: {  	[sflag:s31] =	ssyncset.done $0x0  }
0x3f: {  	[sflag:s31] =	ssyncadd.s32 $0xFFFFFC00  }
0x40: {  	_ =	swait.ge [sflag:s31], $0x400  }
0x41: {  	[sflag:s31] =	ssyncset.done $0x0  }
0x42: {  	[sflag:s31] =	ssyncadd.s32 $0xFFFFFC00  }
0x43: {  	_ =	swait.ge [sflag:s31], $0x400  }
0x44: {  	[sflag:s31] =	ssyncset.done $0x0  }
0x45: {  	[sflag:s31] =	ssyncadd.s32 $0xFFFFFC00  }
0x46: {  	_ =	swait.ge [sflag:s31], $0x400  }
0x47: {  	[sflag:s31] =	ssyncset.done $0x0  }
0x48: {  	[sflag:s31] =	ssyncadd.s32 $0xFFFFFC00  }
0x49: {  	_ =	swait.ge [sflag:s31], $0x400  }
0x4a: {  	[sflag:s31] =	ssyncset.done $0x0  }
0x4b: {  	[sflag:s31] =	ssyncadd.s32 $0xFFFFFC00  }
0x4c: {  	_ =	swait.ge [sflag:s31], $0x400  }
0x4d: {  	[sflag:s31] =	ssyncset.done $0x0  }
0x4e: {  	[sflag:s31] =	ssyncadd.s32 $0xFFFFFC00  }
0x4f: {  	_ =	swait.ge [sflag:s31], $0x400  }
0x50: {  	[sflag:s31] =	ssyncset.done $0x0  }
0x51: {  	[sflag:s31] =	ssyncadd.s32 $0xFFFFFC00  }
0x52: {  	_ =	swait.ge [sflag:s31], $0x400  }
0x53: {  	[sflag:s31] =	ssyncset.done $0x0  }
0x54: {  	[sflag:s31] =	ssyncadd.s32 $0xFFFFFC00  }
0x55: {  	_ =	swait.ge [sflag:s31], $0x400  }
0x56: {  	[sflag:s31] =	ssyncset.done $0x0  }
0x57: {  	[sflag:s31] =	ssyncadd.s32 $0xFFFFFC00  }
0x58: {  	_ =	swait.ge [sflag:s31], $0x400  }
0x59: {  	[sflag:s31] =	ssyncset.done $0x0  }
0x5a: {  	[sflag:s31] =	ssyncadd.s32 $0xFFFFFC00  }
0x5b: {  	_ =	swait.ge [sflag:s31], $0x400  }
0x5c: {  	[sflag:s31] =	ssyncset.done $0x0  }
0x5d: {  	[sflag:s31] =	ssyncadd.s32 $0xFFFFFC00  }
0x5e: {  	_ =	swait.ge [sflag:s31], $0x400  }
0x5f: {  	[sflag:s31] =	ssyncset.done $0x0  }
0x60: {  	[sflag:s31] =	ssyncadd.s32 $0xFFFFFC00  }
0x61: {  	_ =	swait.ge [sflag:s31], $0x400  }
0x62: {  	[sflag:s31] =	ssyncset.done $0x0  }
0x63: {  	[sflag:s31] =	ssyncadd.s32 $0xFFFFFC00  }
0x64: {  	_ =	swait.ge [sflag:s31], $0x400  }
0x65: {  	[sflag:s31] =	ssyncset.done $0x0  }
0x66: {  	[sflag:s31] =	ssyncadd.s32 $0xFFFFFC00  }
0x67: {  	_ =	swait.ge [sflag:s31], $0x400  }
.Ltmp1:
0x68: {  	[sflag:s31] =	ssyncset.done $0x0;
	(pc) =	sbr.rel .LBB2_5-.Ltmp1, $4  }
0x69: {  	[sflag:s31] =	ssyncadd.s32 $0xFFFFFC00  }
0x6a: {  	_ =	swait.ge [sflag:s31], $0x400  }
0x6b: {  	[sflag:s31] =	ssyncset.done $0x0  }
0x6c: {  	p1 =	por $0x0, $0x0;
	[sflag:s31] =	ssyncadd.s32 $0xFFFFFC00  }
.LBB2_3:
0x6d: {  	p1 =	por @!p0 $0x1, $0x1  }
.LBB2_5:
0x6e: {  	s23 =	simm.s32 $0x440  }
0x6f: {  	s6 =	sshll.u32 s16, $0x8;
	v11 =	vld [tilespmem:s23+$0xFFFFFFC0]  }
0x70: {  	s19 =	simm.s32 $0x0;
	s6 =	sand.u32 $0x3FFFFF00, s6;
	v12 =	vld [tilespmem:s23+$0xFFFFFFD0]  }
0x71: {  	v10 =	vmov s19;
	v8 =	vld [tilespmem:s6+$0x10C00]  }
0x72: {  	v9 =	vld [tilespmem:s6+$0x10C10];
	v10 =	vand.u32 $0x7C, v10  }
0x73: {  	v13 =	vadd.s32 v0, v10  }
0x74: {  	v10 =	vadd.s32 v1, v10;
	_ =	sdelay $0x1  }
0x75: {  	v11 =	vadd.f32 v11, v8  }
0x76: {  	v12 =	vadd.f32 v12, v9  }
0x77: {  	[tilespmem:v13+s22+$0x0] =	vst.idx.msk $0xffff, v11  }
0x78: {  	s20 =	simm.s32 $0x1;
	[tilespmem:v10+s22+$0x0] =	vst.idx.msk $0xffff, v12  }
0x79: {  	v10 =	vmov s20;
	v11 =	vld [tilespmem:s23+$0xFFFFFFE0]  }
0x7a: {  	v12 =	vld [tilespmem:s23+$0xFFFFFFF0];
	v10 =	vand.u32 $0x7D, v10  }
0x7b: {  	v61 =	vadd.s32 v0, v10  }
0x7c: {  	v10 =	vadd.s32 v1, v10;
	_ =	sdelay $0x1  }
0x7d: {  	v11 =	vadd.f32 v11, v8  }
0x7e: {  	v12 =	vadd.f32 v12, v9  }
0x7f: {  	[tilespmem:v61+s22+$0x0] =	vst.idx.msk $0xffff, v11  }
0x80: {  	s24 =	simm.s32 $0x2;
	[tilespmem:v10+s22+$0x0] =	vst.idx.msk $0xffff, v12  }
0x81: {  	v10 =	vmov s24;
	v11 =	vld [tilespmem:s23+$0x0]  }
0x82: {  	v12 =	vld [tilespmem:s23+$0x10];
	v10 =	vand.u32 $0x7E, v10  }
0x83: {  	v62 =	vadd.s32 v0, v10  }
0x84: {  	v10 =	vadd.s32 v1, v10;
	_ =	sdelay $0x1  }
0x85: {  	v11 =	vadd.f32 v11, v8  }
0x86: {  	v12 =	vadd.f32 v12, v9  }
0x87: {  	[tilespmem:v62+s22+$0x0] =	vst.idx.msk $0xffff, v11  }
0x88: {  	s25 =	simm.s32 $0x3;
	[tilespmem:v10+s22+$0x0] =	vst.idx.msk $0xffff, v12  }
0x89: {  	v10 =	vmov s25;
	v11 =	vld [tilespmem:s23+$0x20]  }
0x8a: {  	v10 =	vand.u32 $0x7F, v10  }
0x8b: {  	v12 =	vld [tilespmem:s23+$0x30];
	v63 =	vadd.s32 v0, v10;
	_ =	sdelay $0x1  }
0x8c: {  	v10 =	vadd.s32 v1, v10  }
0x8d: {  	v14 =	vadd.f32 v11, v8;
	_ =	sdelay $0x1  }
0x8e: {  	s19 =	simm.s32 $0x4;
	s20 =	sshllo.u32 s16, $0x1;
	v11 =	vadd.f32 v12, v9;
	[tilespmem:v63+s22+$0x0] =	vst.idx.msk $0xffff, v14  }
.LBB2_6:
0x8f: {  	p2 =	sne.s32 s19, $0x7C  }
0x90: {  	[tilespmem:v10+s22+$0x0] =	vst.idx.msk $0xffff, v11;
	s23 =	sadd.s32 $0x80, s23;
	s6 =	smov.u32 s19;
	s19 =	sadd.s32 $0x4, s19  }
0x91: {  	v10 =	vmov s6;
	v11 =	vld [tilespmem:s23+$0xFFFFFFC0]  }
0x92: {  	v12 =	vld [tilespmem:s23+$0xFFFFFFD0];
	v10 =	vand.u32 $0x7C, v10  }
0x93: {  	v13 =	vadd.s32 v0, v10  }
0x94: {  	v10 =	vadd.s32 v1, v10;
	_ =	sdelay $0x1  }
0x95: {  	v11 =	vadd.f32 v11, v8  }
0x96: {  	v12 =	vadd.f32 v12, v9  }
0x97: {  	[tilespmem:v13+s22+$0x0] =	vst.idx.msk $0xffff, v11  }
0x98: {  	s24 =	sadd.s32 $0x1, s6;
	[tilespmem:v10+s22+$0x0] =	vst.idx.msk $0xffff, v12  }
0x99: {  	v10 =	vmov s24;
	v11 =	vld [tilespmem:s23+$0xFFFFFFE0]  }
0x9a: {  	v10 =	vand.u32 $0x7D, v10;
	v12 =	vld [tilespmem:s23+$0xFFFFFFF0]  }
0x9b: {  	v13 =	vadd.s32 v0, v10  }
0x9c: {  	v10 =	vadd.s32 v1, v10;
	_ =	sdelay $0x1  }
0x9d: {  	v11 =	vadd.f32 v11, v8  }
0x9e: {  	v12 =	vadd.f32 v12, v9  }
0x9f: {  	[tilespmem:v13+s22+$0x0] =	vst.idx.msk $0xffff, v11  }
0xa0: {  	s24 =	sadd.s32 $0x2, s6;
	[tilespmem:v10+s22+$0x0] =	vst.idx.msk $0xffff, v12  }
0xa1: {  	v10 =	vmov s24;
	v11 =	vld [tilespmem:s23+$0x0]  }
0xa2: {  	v10 =	vand.u32 $0x7E, v10;
	v12 =	vld [tilespmem:s23+$0x10]  }
0xa3: {  	v13 =	vadd.s32 v0, v10  }
0xa4: {  	v10 =	vadd.s32 v1, v10;
	_ =	sdelay $0x1  }
0xa5: {  	v11 =	vadd.f32 v11, v8  }
0xa6: {  	v12 =	vadd.f32 v12, v9  }
0xa7: {  	[tilespmem:v13+s22+$0x0] =	vst.idx.msk $0xffff, v11  }
0xa8: {  	s6 =	sadd.s32 $0x3, s6;
	[tilespmem:v10+s22+$0x0] =	vst.idx.msk $0xffff, v12  }
0xa9: {  	v10 =	vmov s6;
	v11 =	vld [tilespmem:s23+$0x20]  }
0xaa: {  	v10 =	vand.u32 $0x7F, v10;
	v12 =	vld [tilespmem:s23+$0x30]  }
0xab: {  	v13 =	vadd.s32 v0, v10  }
.Ltmp2:
0xac: {  	v10 =	vadd.s32 v1, v10;
	(pc) =	sbr.rel @p2 .LBB2_6-.Ltmp2, $4  }
0xad: {  	_ = 	snop  }
0xae: {  	v14 =	vadd.f32 v11, v8  }
0xaf: {  	v11 =	vadd.f32 v12, v9  }
0xb0: {  	[tilespmem:v13+s22+$0x0] =	vst.idx.msk $0xffff, v14  }
0xb1: {  	_ =	sdelay $0x2  }
0xb2: {  	s25 =	sshll.u32 s16, $0x3  }
0xb3: {  	[tilespmem:v10+s22+$0x0] =	vst.idx.msk $0xffff, v11;
	s24 =	simm.s32 $0x1470;
	s23 =	sor.u32 $0x1, s25  }
0xb4: {  	v11 =	vld [tilespmem:s24+$0xFFFFFF90];
	s6 =	sshll.u32 s23, $0x5  }
0xb5: {  	s19 =	simm.s32 $0x0;
	v12 =	vld [tilespmem:s24+$0xFFFFFFA0];
	s6 =	sand.u32 $0x3FFFFF20, s6  }
0xb6: {  	v10 =	vmov s19;
	v8 =	vld [tilespmem:s6+$0x10C00]  }
0xb7: {  	v10 =	vand.u32 $0x7C, v10;
	v9 =	vld [tilespmem:s6+$0x10C10]  }
0xb8: {  	v13 =	vadd.s32 v2, v10  }
0xb9: {  	v10 =	vadd.s32 v3, v10;
	_ =	sdelay $0x1  }
0xba: {  	v11 =	vadd.f32 v11, v8  }
0xbb: {  	v12 =	vadd.f32 v12, v9  }
0xbc: {  	[tilespmem:v13+s22+$0x0] =	vst.idx.msk $0xffff, v11  }
0xbd: {  	s8 =	simm.s32 $0x1;
	[tilespmem:v10+s22+$0x0] =	vst.idx.msk $0xffff, v12  }
0xbe: {  	v10 =	vmov s8;
	v11 =	vld [tilespmem:s24+$0xFFFFFFB0]  }
0xbf: {  	v12 =	vld [tilespmem:s24+$0xFFFFFFC0];
	v10 =	vand.u32 $0x7D, v10  }
0xc0: {  	v61 =	vadd.s32 v2, v10  }
0xc1: {  	v10 =	vadd.s32 v3, v10;
	_ =	sdelay $0x1  }
0xc2: {  	v11 =	vadd.f32 v11, v8  }
0xc3: {  	v12 =	vadd.f32 v12, v9  }
0xc4: {  	[tilespmem:v61+s22+$0x0] =	vst.idx.msk $0xffff, v11  }
0xc5: {  	s15 =	simm.s32 $0x2;
	[tilespmem:v10+s22+$0x0] =	vst.idx.msk $0xffff, v12  }
0xc6: {  	v10 =	vmov s15;
	v11 =	vld [tilespmem:s24+$0xFFFFFFD0]  }
0xc7: {  	v12 =	vld [tilespmem:s24+$0xFFFFFFE0];
	v10 =	vand.u32 $0x7E, v10  }
0xc8: {  	v62 =	vadd.s32 v2, v10  }
0xc9: {  	v10 =	vadd.s32 v3, v10;
	_ =	sdelay $0x1  }
0xca: {  	v11 =	vadd.f32 v11, v8  }
0xcb: {  	v12 =	vadd.f32 v12, v9  }
0xcc: {  	[tilespmem:v62+s22+$0x0] =	vst.idx.msk $0xffff, v11  }
0xcd: {  	s19 =	simm.s32 $0x3;
	[tilespmem:v10+s22+$0x0] =	vst.idx.msk $0xffff, v12  }
0xce: {  	v10 =	vmov s19;
	v11 =	vld [tilespmem:s24+$0xFFFFFFF0]  }
0xcf: {  	v10 =	vand.u32 $0x7F, v10  }
0xd0: {  	v12 =	vld [tilespmem:s24+$0x0];
	v63 =	vadd.s32 v2, v10;
	_ =	sdelay $0x1  }
0xd1: {  	v10 =	vadd.s32 v3, v10  }
0xd2: {  	v14 =	vadd.f32 v11, v8;
	_ =	sdelay $0x1  }
0xd3: {  	s19 =	simm.s32 $0x4;
	v11 =	vadd.f32 v12, v9;
	[tilespmem:v63+s22+$0x0] =	vst.idx.msk $0xffff, v14  }
.LBB2_8:
0xd4: {  	p2 =	sne.s32 s19, $0x7C  }
0xd5: {  	[tilespmem:v10+s22+$0x0] =	vst.idx.msk $0xffff, v11;
	s24 =	sadd.s32 $0x80, s24;
	s6 =	smov.u32 s19;
	s19 =	sadd.s32 $0x4, s19  }
0xd6: {  	v10 =	vmov s6;
	v11 =	vld [tilespmem:s24+$0xFFFFFF90]  }
0xd7: {  	v12 =	vld [tilespmem:s24+$0xFFFFFFA0];
	v10 =	vand.u32 $0x7C, v10  }
0xd8: {  	v13 =	vadd.s32 v2, v10  }
0xd9: {  	v10 =	vadd.s32 v3, v10;
	_ =	sdelay $0x1  }
0xda: {  	v11 =	vadd.f32 v11, v8  }
0xdb: {  	v12 =	vadd.f32 v12, v9  }
0xdc: {  	[tilespmem:v13+s22+$0x0] =	vst.idx.msk $0xffff, v11  }
0xdd: {  	s8 =	sadd.s32 $0x1, s6;
	[tilespmem:v10+s22+$0x0] =	vst.idx.msk $0xffff, v12  }
0xde: {  	v10 =	vmov s8;
	v11 =	vld [tilespmem:s24+$0xFFFFFFB0]  }
0xdf: {  	v10 =	vand.u32 $0x7D, v10;
	v12 =	vld [tilespmem:s24+$0xFFFFFFC0]  }
0xe0: {  	v13 =	vadd.s32 v2, v10  }
0xe1: {  	v10 =	vadd.s32 v3, v10;
	_ =	sdelay $0x1  }
0xe2: {  	v11 =	vadd.f32 v11, v8  }
0xe3: {  	v12 =	vadd.f32 v12, v9  }
0xe4: {  	[tilespmem:v13+s22+$0x0] =	vst.idx.msk $0xffff, v11  }
0xe5: {  	s8 =	sadd.s32 $0x2, s6;
	[tilespmem:v10+s22+$0x0] =	vst.idx.msk $0xffff, v12  }
0xe6: {  	v10 =	vmov s8;
	v11 =	vld [tilespmem:s24+$0xFFFFFFD0]  }
0xe7: {  	v10 =	vand.u32 $0x7E, v10;
	v12 =	vld [tilespmem:s24+$0xFFFFFFE0]  }
0xe8: {  	v13 =	vadd.s32 v2, v10  }
0xe9: {  	v10 =	vadd.s32 v3, v10;
	_ =	sdelay $0x1  }
0xea: {  	v11 =	vadd.f32 v11, v8  }
0xeb: {  	v12 =	vadd.f32 v12, v9  }
0xec: {  	[tilespmem:v13+s22+$0x0] =	vst.idx.msk $0xffff, v11  }
0xed: {  	s6 =	sadd.s32 $0x3, s6;
	[tilespmem:v10+s22+$0x0] =	vst.idx.msk $0xffff, v12  }
0xee: {  	v10 =	vmov s6;
	v11 =	vld [tilespmem:s24+$0xFFFFFFF0]  }
0xef: {  	v10 =	vand.u32 $0x7F, v10;
	v12 =	vld [tilespmem:s24+$0x0]  }
0xf0: {  	v13 =	vadd.s32 v2, v10  }
.Ltmp3:
0xf1: {  	v10 =	vadd.s32 v3, v10;
	(pc) =	sbr.rel @p2 .LBB2_8-.Ltmp3, $4  }
0xf2: {  	_ = 	snop  }
0xf3: {  	v14 =	vadd.f32 v11, v8  }
0xf4: {  	v11 =	vadd.f32 v12, v9  }
0xf5: {  	[tilespmem:v13+s22+$0x0] =	vst.idx.msk $0xffff, v14  }
0xf6: {  	_ =	sdelay $0x3  }
0xf7: {  	s24 =	sor.u32 $0x2, s25;
	[tilespmem:v10+s22+$0x0] =	vst.idx.msk $0xffff, v11;
	s19 =	simm.s32 $0x2470  }
0xf8: {  	s6 =	sshll.u32 s24, $0x5;
	v11 =	vld [tilespmem:s19+$0xFFFFFF90]  }
0xf9: {  	s8 =	simm.s32 $0x0;
	v12 =	vld [tilespmem:s19+$0xFFFFFFA0];
	s6 =	sand.u32 $0x3FFFFFE0, s6  }
0xfa: {  	v10 =	vmov s8;
	v8 =	vld [tilespmem:s6+$0x10C00]  }
0xfb: {  	v10 =	vand.u32 $0x7C, v10;
	v9 =	vld [tilespmem:s6+$0x10C10]  }
0xfc: {  	v13 =	vadd.s32 v4, v10  }
0xfd: {  	v10 =	vadd.s32 v5, v10;
	_ =	sdelay $0x1  }
0xfe: {  	v11 =	vadd.f32 v11, v8  }
0xff: {  	v12 =	vadd.f32 v12, v9  }
0x100: {  	[tilespmem:v13+s22+$0x0] =	vst.idx.msk $0xffff, v11  }
0x101: {  	s15 =	simm.s32 $0x1;
	[tilespmem:v10+s22+$0x0] =	vst.idx.msk $0xffff, v12  }
0x102: {  	v10 =	vmov s15;
	v11 =	vld [tilespmem:s19+$0xFFFFFFB0]  }
0x103: {  	v12 =	vld [tilespmem:s19+$0xFFFFFFC0];
	v10 =	vand.u32 $0x7D, v10  }
0x104: {  	v61 =	vadd.s32 v4, v10  }
0x105: {  	v10 =	vadd.s32 v5, v10;
	_ =	sdelay $0x1  }
0x106: {  	v11 =	vadd.f32 v11, v8  }
0x107: {  	v12 =	vadd.f32 v12, v9  }
0x108: {  	[tilespmem:v61+s22+$0x0] =	vst.idx.msk $0xffff, v11  }
0x109: {  	s8 =	simm.s32 $0x2;
	[tilespmem:v10+s22+$0x0] =	vst.idx.msk $0xffff, v12  }
0x10a: {  	v10 =	vmov s8;
	v11 =	vld [tilespmem:s19+$0xFFFFFFD0]  }
0x10b: {  	v12 =	vld [tilespmem:s19+$0xFFFFFFE0];
	v10 =	vand.u32 $0x7E, v10  }
0x10c: {  	v62 =	vadd.s32 v4, v10  }
0x10d: {  	v10 =	vadd.s32 v5, v10;
	_ =	sdelay $0x1  }
0x10e: {  	v11 =	vadd.f32 v11, v8  }
0x10f: {  	v12 =	vadd.f32 v12, v9  }
0x110: {  	[tilespmem:v62+s22+$0x0] =	vst.idx.msk $0xffff, v11  }
0x111: {  	s15 =	simm.s32 $0x3;
	[tilespmem:v10+s22+$0x0] =	vst.idx.msk $0xffff, v12  }
0x112: {  	v10 =	vmov s15;
	v11 =	vld [tilespmem:s19+$0xFFFFFFF0]  }
0x113: {  	v10 =	vand.u32 $0x7F, v10  }
0x114: {  	v12 =	vld [tilespmem:s19+$0x0];
	v63 =	vadd.s32 v4, v10;
	_ =	sdelay $0x1  }
0x115: {  	v10 =	vadd.s32 v5, v10  }
0x116: {  	v14 =	vadd.f32 v11, v8;
	_ =	sdelay $0x1  }
0x117: {  	s6 =	simm.s32 $0x4;
	v11 =	vadd.f32 v12, v9;
	[tilespmem:v63+s22+$0x0] =	vst.idx.msk $0xffff, v14  }
.LBB2_10:
0x118: {  	p2 =	sne.s32 s6, $0x7C  }
0x119: {  	[tilespmem:v10+s22+$0x0] =	vst.idx.msk $0xffff, v11;
	s19 =	sadd.s32 $0x80, s19;
	s8 =	smov.u32 s6;
	s6 =	sadd.s32 $0x4, s6  }
0x11a: {  	v10 =	vmov s8;
	v11 =	vld [tilespmem:s19+$0xFFFFFF90]  }
0x11b: {  	v12 =	vld [tilespmem:s19+$0xFFFFFFA0];
	v10 =	vand.u32 $0x7C, v10  }
0x11c: {  	v13 =	vadd.s32 v4, v10  }
0x11d: {  	v10 =	vadd.s32 v5, v10;
	_ =	sdelay $0x1  }
0x11e: {  	v11 =	vadd.f32 v11, v8  }
0x11f: {  	v12 =	vadd.f32 v12, v9  }
0x120: {  	[tilespmem:v13+s22+$0x0] =	vst.idx.msk $0xffff, v11  }
0x121: {  	s15 =	sadd.s32 $0x1, s8;
	[tilespmem:v10+s22+$0x0] =	vst.idx.msk $0xffff, v12  }
0x122: {  	v10 =	vmov s15;
	v11 =	vld [tilespmem:s19+$0xFFFFFFB0]  }
0x123: {  	v10 =	vand.u32 $0x7D, v10;
	v12 =	vld [tilespmem:s19+$0xFFFFFFC0]  }
0x124: {  	v13 =	vadd.s32 v4, v10  }
0x125: {  	v10 =	vadd.s32 v5, v10;
	_ =	sdelay $0x1  }
0x126: {  	v11 =	vadd.f32 v11, v8  }
0x127: {  	v12 =	vadd.f32 v12, v9  }
0x128: {  	[tilespmem:v13+s22+$0x0] =	vst.idx.msk $0xffff, v11  }
0x129: {  	s15 =	sadd.s32 $0x2, s8;
	[tilespmem:v10+s22+$0x0] =	vst.idx.msk $0xffff, v12  }
0x12a: {  	v10 =	vmov s15;
	v11 =	vld [tilespmem:s19+$0xFFFFFFD0]  }
0x12b: {  	v10 =	vand.u32 $0x7E, v10;
	v12 =	vld [tilespmem:s19+$0xFFFFFFE0]  }
0x12c: {  	v13 =	vadd.s32 v4, v10  }
0x12d: {  	v10 =	vadd.s32 v5, v10;
	_ =	sdelay $0x1  }
0x12e: {  	v11 =	vadd.f32 v11, v8  }
0x12f: {  	v12 =	vadd.f32 v12, v9  }
0x130: {  	[tilespmem:v13+s22+$0x0] =	vst.idx.msk $0xffff, v11  }
0x131: {  	s8 =	sadd.s32 $0x3, s8;
	[tilespmem:v10+s22+$0x0] =	vst.idx.msk $0xffff, v12  }
0x132: {  	v10 =	vmov s8;
	v11 =	vld [tilespmem:s19+$0xFFFFFFF0]  }
0x133: {  	v10 =	vand.u32 $0x7F, v10;
	v12 =	vld [tilespmem:s19+$0x0]  }
0x134: {  	v13 =	vadd.s32 v4, v10  }
.Ltmp4:
0x135: {  	v10 =	vadd.s32 v5, v10;
	(pc) =	sbr.rel @p2 .LBB2_10-.Ltmp4, $4  }
0x136: {  	_ = 	snop  }
0x137: {  	v14 =	vadd.f32 v11, v8  }
0x138: {  	v11 =	vadd.f32 v12, v9  }
0x139: {  	[tilespmem:v13+s22+$0x0] =	vst.idx.msk $0xffff, v14  }
0x13a: {  	_ =	sdelay $0x3  }
0x13b: {  	s25 =	sor.u32 $0x3, s25;
	[tilespmem:v10+s22+$0x0] =	vst.idx.msk $0xffff, v11;
	s19 =	simm.s32 $0x3470  }
0x13c: {  	s6 =	sshll.u32 s25, $0x5;
	v11 =	vld [tilespmem:s19+$0xFFFFFF90]  }
0x13d: {  	s8 =	simm.s32 $0x0;
	v12 =	vld [tilespmem:s19+$0xFFFFFFA0];
	s6 =	sand.u32 $0x3FFFFFE0, s6  }
0x13e: {  	v10 =	vmov s8;
	v8 =	vld [tilespmem:s6+$0x10C00]  }
0x13f: {  	v10 =	vand.u32 $0x7C, v10;
	v9 =	vld [tilespmem:s6+$0x10C10]  }
0x140: {  	v13 =	vadd.s32 v6, v10  }
0x141: {  	v10 =	vadd.s32 v7, v10;
	_ =	sdelay $0x1  }
0x142: {  	v11 =	vadd.f32 v11, v8  }
0x143: {  	v12 =	vadd.f32 v12, v9  }
0x144: {  	[tilespmem:v13+s22+$0x0] =	vst.idx.msk $0xffff, v11  }
0x145: {  	s15 =	simm.s32 $0x1;
	[tilespmem:v10+s22+$0x0] =	vst.idx.msk $0xffff, v12  }
0x146: {  	v10 =	vmov s15;
	v11 =	vld [tilespmem:s19+$0xFFFFFFB0]  }
0x147: {  	v12 =	vld [tilespmem:s19+$0xFFFFFFC0];
	v10 =	vand.u32 $0x7D, v10  }
0x148: {  	v61 =	vadd.s32 v6, v10  }
0x149: {  	v10 =	vadd.s32 v7, v10;
	_ =	sdelay $0x1  }
0x14a: {  	v11 =	vadd.f32 v11, v8  }
0x14b: {  	v12 =	vadd.f32 v12, v9  }
0x14c: {  	[tilespmem:v61+s22+$0x0] =	vst.idx.msk $0xffff, v11  }
0x14d: {  	s8 =	simm.s32 $0x2;
	[tilespmem:v10+s22+$0x0] =	vst.idx.msk $0xffff, v12  }
0x14e: {  	v10 =	vmov s8;
	v11 =	vld [tilespmem:s19+$0xFFFFFFD0]  }
0x14f: {  	v12 =	vld [tilespmem:s19+$0xFFFFFFE0];
	v10 =	vand.u32 $0x7E, v10  }
0x150: {  	v62 =	vadd.s32 v6, v10  }
0x151: {  	v10 =	vadd.s32 v7, v10;
	_ =	sdelay $0x1  }
0x152: {  	v11 =	vadd.f32 v11, v8  }
0x153: {  	v12 =	vadd.f32 v12, v9  }
0x154: {  	[tilespmem:v62+s22+$0x0] =	vst.idx.msk $0xffff, v11  }
0x155: {  	s15 =	simm.s32 $0x3;
	[tilespmem:v10+s22+$0x0] =	vst.idx.msk $0xffff, v12  }
0x156: {  	v10 =	vmov s15;
	v11 =	vld [tilespmem:s19+$0xFFFFFFF0]  }
0x157: {  	v10 =	vand.u32 $0x7F, v10  }
0x158: {  	v12 =	vld [tilespmem:s19+$0x0];
	v63 =	vadd.s32 v6, v10;
	_ =	sdelay $0x1  }
0x159: {  	v10 =	vadd.s32 v7, v10  }
0x15a: {  	v14 =	vadd.f32 v11, v8;
	_ =	sdelay $0x1  }
0x15b: {  	s6 =	simm.s32 $0x4;
	v11 =	vadd.f32 v12, v9;
	[tilespmem:v63+s22+$0x0] =	vst.idx.msk $0xffff, v14  }
.LBB2_12:
0x15c: {  	p2 =	sne.s32 s6, $0x7C  }
0x15d: {  	[tilespmem:v10+s22+$0x0] =	vst.idx.msk $0xffff, v11;
	s19 =	sadd.s32 $0x80, s19;
	s8 =	smov.u32 s6;
	s6 =	sadd.s32 $0x4, s6  }
0x15e: {  	v10 =	vmov s8;
	v11 =	vld [tilespmem:s19+$0xFFFFFF90]  }
0x15f: {  	v12 =	vld [tilespmem:s19+$0xFFFFFFA0];
	v10 =	vand.u32 $0x7C, v10  }
0x160: {  	v13 =	vadd.s32 v6, v10  }
0x161: {  	v10 =	vadd.s32 v7, v10;
	_ =	sdelay $0x1  }
0x162: {  	v11 =	vadd.f32 v11, v8  }
0x163: {  	v12 =	vadd.f32 v12, v9  }
0x164: {  	[tilespmem:v13+s22+$0x0] =	vst.idx.msk $0xffff, v11  }
0x165: {  	s15 =	sadd.s32 $0x1, s8;
	[tilespmem:v10+s22+$0x0] =	vst.idx.msk $0xffff, v12  }
0x166: {  	v10 =	vmov s15;
	v11 =	vld [tilespmem:s19+$0xFFFFFFB0]  }
0x167: {  	v10 =	vand.u32 $0x7D, v10;
	v12 =	vld [tilespmem:s19+$0xFFFFFFC0]  }
0x168: {  	v13 =	vadd.s32 v6, v10  }
0x169: {  	v10 =	vadd.s32 v7, v10;
	_ =	sdelay $0x1  }
0x16a: {  	v11 =	vadd.f32 v11, v8  }
0x16b: {  	v12 =	vadd.f32 v12, v9  }
0x16c: {  	[tilespmem:v13+s22+$0x0] =	vst.idx.msk $0xffff, v11  }
0x16d: {  	s15 =	sadd.s32 $0x2, s8;
	[tilespmem:v10+s22+$0x0] =	vst.idx.msk $0xffff, v12  }
0x16e: {  	v10 =	vmov s15;
	v11 =	vld [tilespmem:s19+$0xFFFFFFD0]  }
0x16f: {  	v10 =	vand.u32 $0x7E, v10;
	v12 =	vld [tilespmem:s19+$0xFFFFFFE0]  }
0x170: {  	v13 =	vadd.s32 v6, v10  }
0x171: {  	v10 =	vadd.s32 v7, v10;
	_ =	sdelay $0x1  }
0x172: {  	v11 =	vadd.f32 v11, v8  }
0x173: {  	v12 =	vadd.f32 v12, v9  }
0x174: {  	[tilespmem:v13+s22+$0x0] =	vst.idx.msk $0xffff, v11  }
0x175: {  	s8 =	sadd.s32 $0x3, s8;
	[tilespmem:v10+s22+$0x0] =	vst.idx.msk $0xffff, v12  }
0x176: {  	v10 =	vmov s8;
	v11 =	vld [tilespmem:s19+$0xFFFFFFF0]  }
0x177: {  	v10 =	vand.u32 $0x7F, v10;
	v12 =	vld [tilespmem:s19+$0x0]  }
0x178: {  	v13 =	vadd.s32 v6, v10  }
.Ltmp5:
0x179: {  	v10 =	vadd.s32 v7, v10;
	(pc) =	sbr.rel @p2 .LBB2_12-.Ltmp5, $4  }
0x17a: {  	_ = 	snop  }
0x17b: {  	v14 =	vadd.f32 v11, v8  }
0x17c: {  	v11 =	vadd.f32 v12, v9  }
0x17d: {  	[tilespmem:v13+s22+$0x0] =	vst.idx.msk $0xffff, v14  }
0x17e: {  	_ = 	snop  }
0x17f: {  	s6 =	sshll.u32 s16, $0x14  }
0x180: {  	s6 =	sor.u32 s11, s6  }
0x181: {  	s6 =	sshrl.u32 s6, $0x3  }
0x182: {  	[tilespmem:v10+s22+$0x0] =	vst.idx.msk $0xffff, v11;
	s8 =	sadd.s32 s1, s6  }
0x183: {  	[hbm4b:s8+s3] =	stream.linear.scatter [tilespmem:s22], [sflag:$0x3], $0x80, $0x38;
	[tilespmem:$0x12500] =	vst v63  }
0x184: {  	s19 =	simm.s32 $0x8488;
	s15 =	sadd.s32 $0x10, s8  }
0x185: {  	[hbm4b:s15+s3] =	stream.linear.scatter [tilespmem:s19], [sflag:$0x3], $0x80, $0x38;
	[tilespmem:$0x12500] =	vst v63  }
0x186: {  	s15 =	sadd.s32 $0x20, s8;
	s19 =	simm.s32 $0x8510  }
0x187: {  	[hbm4b:s15+s3] =	stream.linear.scatter [tilespmem:s19], [sflag:$0x3], $0x80, $0x38;
	[tilespmem:$0x12500] =	vst v63  }
0x188: {  	s15 =	sadd.s32 $0x30, s8;
	s19 =	simm.s32 $0x8598  }
0x189: {  	[hbm4b:s15+s3] =	stream.linear.scatter [tilespmem:s19], [sflag:$0x3], $0x80, $0x38;
	[tilespmem:$0x12500] =	vst v63  }
0x18a: {  	s15 =	sadd.s32 $0x40, s8;
	s19 =	simm.s32 $0x8620  }
0x18b: {  	[hbm4b:s15+s3] =	stream.linear.scatter [tilespmem:s19], [sflag:$0x3], $0x80, $0x38;
	[tilespmem:$0x12500] =	vst v63  }
0x18c: {  	s15 =	sadd.s32 $0x50, s8;
	s19 =	simm.s32 $0x86A8  }
0x18d: {  	[hbm4b:s15+s3] =	stream.linear.scatter [tilespmem:s19], [sflag:$0x3], $0x80, $0x38;
	[tilespmem:$0x12500] =	vst v63  }
0x18e: {  	s15 =	sadd.s32 $0x60, s8;
	s19 =	simm.s32 $0x8730  }
0x18f: {  	[hbm4b:s15+s3] =	stream.linear.scatter [tilespmem:s19], [sflag:$0x3], $0x80, $0x38;
	[tilespmem:$0x12500] =	vst v63  }
0x190: {  	s8 =	sadd.s32 $0x70, s8;
	s19 =	simm.s32 $0x87B8  }
0x191: {  	[hbm4b:s8+s3] =	stream.linear.scatter [tilespmem:s19], [sflag:$0x3], $0x80, $0x38;
	[tilespmem:$0x12500] =	vst v63  }
0x192: {  	s8 =	sadd.s32 s6, s12;
	s19 =	simm.s32 $0x8840  }
0x193: {  	[hbm4b:s8+s3] =	stream.linear.scatter [tilespmem:s19], [sflag:$0x3], $0x80, $0x38;
	[tilespmem:$0x12500] =	vst v63  }
0x194: {  	s15 =	sadd.s32 $0x10, s8;
	s19 =	simm.s32 $0x88C8  }
0x195: {  	[hbm4b:s15+s3] =	stream.linear.scatter [tilespmem:s19], [sflag:$0x3], $0x80, $0x38;
	[tilespmem:$0x12500] =	vst v63  }
0x196: {  	s15 =	sadd.s32 $0x20, s8;
	s19 =	simm.s32 $0x8950  }
0x197: {  	[hbm4b:s15+s3] =	stream.linear.scatter [tilespmem:s19], [sflag:$0x3], $0x80, $0x38;
	[tilespmem:$0x12500] =	vst v63  }
0x198: {  	s15 =	sadd.s32 $0x30, s8;
	s19 =	simm.s32 $0x89D8  }
0x199: {  	[hbm4b:s15+s3] =	stream.linear.scatter [tilespmem:s19], [sflag:$0x3], $0x80, $0x38;
	[tilespmem:$0x12500] =	vst v63  }
0x19a: {  	s15 =	sadd.s32 $0x40, s8;
	s19 =	simm.s32 $0x8A60  }
0x19b: {  	[hbm4b:s15+s3] =	stream.linear.scatter [tilespmem:s19], [sflag:$0x3], $0x80, $0x38;
	[tilespmem:$0x12500] =	vst v63  }
0x19c: {  	s15 =	sadd.s32 $0x50, s8;
	s19 =	simm.s32 $0x8AE8  }
0x19d: {  	[hbm4b:s15+s3] =	stream.linear.scatter [tilespmem:s19], [sflag:$0x3], $0x80, $0x38;
	[tilespmem:$0x12500] =	vst v63  }
0x19e: {  	s15 =	sadd.s32 $0x60, s8;
	s19 =	simm.s32 $0x8B70  }
0x19f: {  	[hbm4b:s15+s3] =	stream.linear.scatter [tilespmem:s19], [sflag:$0x3], $0x80, $0x38;
	[tilespmem:$0x12500] =	vst v63  }
0x1a0: {  	s8 =	sadd.s32 $0x70, s8;
	s19 =	simm.s32 $0x8BF8  }
0x1a1: {  	[hbm4b:s8+s3] =	stream.linear.scatter [tilespmem:s19], [sflag:$0x3], $0x80, $0x38;
	[tilespmem:$0x12500] =	vst v63  }
0x1a2: {  	s8 =	sadd.s32 s6, s13;
	s19 =	simm.s32 $0x8C80  }
0x1a3: {  	[hbm4b:s8+s3] =	stream.linear.scatter [tilespmem:s19], [sflag:$0x3], $0x80, $0x38;
	[tilespmem:$0x12500] =	vst v63  }
0x1a4: {  	s15 =	sadd.s32 $0x10, s8;
	s19 =	simm.s32 $0x8D08  }
0x1a5: {  	[hbm4b:s15+s3] =	stream.linear.scatter [tilespmem:s19], [sflag:$0x3], $0x80, $0x38;
	[tilespmem:$0x12500] =	vst v63  }
0x1a6: {  	s15 =	sadd.s32 $0x20, s8;
	s19 =	simm.s32 $0x8D90  }
0x1a7: {  	[hbm4b:s15+s3] =	stream.linear.scatter [tilespmem:s19], [sflag:$0x3], $0x80, $0x38;
	[tilespmem:$0x12500] =	vst v63  }
0x1a8: {  	s15 =	sadd.s32 $0x30, s8;
	s19 =	simm.s32 $0x8E18  }
0x1a9: {  	[hbm4b:s15+s3] =	stream.linear.scatter [tilespmem:s19], [sflag:$0x3], $0x80, $0x38;
	[tilespmem:$0x12500] =	vst v63  }
0x1aa: {  	s15 =	sadd.s32 $0x40, s8;
	s19 =	simm.s32 $0x8EA0  }
0x1ab: {  	[hbm4b:s15+s3] =	stream.linear.scatter [tilespmem:s19], [sflag:$0x3], $0x80, $0x38;
	[tilespmem:$0x12500] =	vst v63  }
0x1ac: {  	s15 =	sadd.s32 $0x50, s8;
	s19 =	simm.s32 $0x8F28  }
0x1ad: {  	[hbm4b:s15+s3] =	stream.linear.scatter [tilespmem:s19], [sflag:$0x3], $0x80, $0x38;
	[tilespmem:$0x12500] =	vst v63  }
0x1ae: {  	s15 =	sadd.s32 $0x60, s8;
	s19 =	simm.s32 $0x8FB0  }
0x1af: {  	[hbm4b:s15+s3] =	stream.linear.scatter [tilespmem:s19], [sflag:$0x3], $0x80, $0x38;
	[tilespmem:$0x12500] =	vst v63  }
0x1b0: {  	s8 =	sadd.s32 $0x70, s8;
	s19 =	simm.s32 $0x9038  }
0x1b1: {  	[hbm4b:s8+s3] =	stream.linear.scatter [tilespmem:s19], [sflag:$0x3], $0x80, $0x38;
	[tilespmem:$0x12500] =	vst v63  }
0x1b2: {  	s6 =	sadd.s32 s6, s14;
	s19 =	simm.s32 $0x90C0  }
0x1b3: {  	[hbm4b:s6+s3] =	stream.linear.scatter [tilespmem:s19], [sflag:$0x3], $0x80, $0x38;
	[tilespmem:$0x12500] =	vst v63  }
0x1b4: {  	s15 =	sadd.s32 $0x10, s6;
	s19 =	simm.s32 $0x9148  }
0x1b5: {  	[hbm4b:s15+s3] =	stream.linear.scatter [tilespmem:s19], [sflag:$0x3], $0x80, $0x38;
	[tilespmem:$0x12500] =	vst v63  }
0x1b6: {  	s15 =	sadd.s32 $0x20, s6;
	s19 =	simm.s32 $0x91D0  }
0x1b7: {  	[hbm4b:s15+s3] =	stream.linear.scatter [tilespmem:s19], [sflag:$0x3], $0x80, $0x38;
	[tilespmem:$0x12500] =	vst v63  }
0x1b8: {  	s15 =	sadd.s32 $0x30, s6;
	s19 =	simm.s32 $0x9258  }
0x1b9: {  	[hbm4b:s15+s3] =	stream.linear.scatter [tilespmem:s19], [sflag:$0x3], $0x80, $0x38;
	[tilespmem:$0x12500] =	vst v63  }
0x1ba: {  	s15 =	sadd.s32 $0x40, s6;
	s19 =	simm.s32 $0x92E0  }
0x1bb: {  	[hbm4b:s15+s3] =	stream.linear.scatter [tilespmem:s19], [sflag:$0x3], $0x80, $0x38;
	[tilespmem:$0x12500] =	vst v63  }
0x1bc: {  	s15 =	sadd.s32 $0x50, s6;
	s19 =	simm.s32 $0x9368  }
0x1bd: {  	[hbm4b:s15+s3] =	stream.linear.scatter [tilespmem:s19], [sflag:$0x3], $0x80, $0x38;
	[tilespmem:$0x12500] =	vst v63  }
0x1be: {  	s15 =	sadd.s32 $0x60, s6;
	s19 =	simm.s32 $0x93F0  }
0x1bf: {  	[hbm4b:s15+s3] =	stream.linear.scatter [tilespmem:s19], [sflag:$0x3], $0x80, $0x38;
	[tilespmem:$0x12500] =	vst v63  }
0x1c0: {  	s6 =	sadd.s32 $0x70, s6;
	s15 =	simm.s32 $0x9478;
	s19 =	sshll.u32 s23, $0x11  }
0x1c1: {  	[hbm4b:s6+s3] =	stream.linear.scatter [tilespmem:s15], [sflag:$0x3], $0x80, $0x38;
	[tilespmem:$0x12500] =	vst v63  }
0x1c2: {  	s6 =	sor.u32 s11, s19  }
0x1c3: {  	s6 =	sshrl.u32 s6, $0x3  }
0x1c4: {  	s23 =	simm.s32 $0x9500;
	s8 =	sadd.s32 s1, s6  }
0x1c5: {  	[hbm4b:s8+s3] =	stream.linear.scatter [tilespmem:s23], [sflag:$0x3], $0x80, $0x38;
	[tilespmem:$0x12500] =	vst v63  }
0x1c6: {  	s19 =	sadd.s32 $0x10, s8;
	s23 =	simm.s32 $0x9588  }
0x1c7: {  	[hbm4b:s19+s3] =	stream.linear.scatter [tilespmem:s23], [sflag:$0x3], $0x80, $0x38;
	[tilespmem:$0x12500] =	vst v63  }
0x1c8: {  	s19 =	sadd.s32 $0x20, s8;
	s23 =	simm.s32 $0x9610  }
0x1c9: {  	[hbm4b:s19+s3] =	stream.linear.scatter [tilespmem:s23], [sflag:$0x3], $0x80, $0x38;
	[tilespmem:$0x12500] =	vst v63  }
0x1ca: {  	s19 =	sadd.s32 $0x30, s8;
	s23 =	simm.s32 $0x9698  }
0x1cb: {  	[hbm4b:s19+s3] =	stream.linear.scatter [tilespmem:s23], [sflag:$0x3], $0x80, $0x38;
	[tilespmem:$0x12500] =	vst v63  }
0x1cc: {  	s19 =	sadd.s32 $0x40, s8;
	s23 =	simm.s32 $0x9720  }
0x1cd: {  	[hbm4b:s19+s3] =	stream.linear.scatter [tilespmem:s23], [sflag:$0x3], $0x80, $0x38;
	[tilespmem:$0x12500] =	vst v63  }
0x1ce: {  	s19 =	sadd.s32 $0x50, s8;
	s23 =	simm.s32 $0x97A8  }
0x1cf: {  	[hbm4b:s19+s3] =	stream.linear.scatter [tilespmem:s23], [sflag:$0x3], $0x80, $0x38;
	[tilespmem:$0x12500] =	vst v63  }
0x1d0: {  	s19 =	sadd.s32 $0x60, s8;
	s23 =	simm.s32 $0x9830  }
0x1d1: {  	[hbm4b:s19+s3] =	stream.linear.scatter [tilespmem:s23], [sflag:$0x3], $0x80, $0x38;
	[tilespmem:$0x12500] =	vst v63  }
0x1d2: {  	s8 =	sadd.s32 $0x70, s8;
	s19 =	simm.s32 $0x98B8  }
0x1d3: {  	[hbm4b:s8+s3] =	stream.linear.scatter [tilespmem:s19], [sflag:$0x3], $0x80, $0x38;
	[tilespmem:$0x12500] =	vst v63  }
0x1d4: {  	s23 =	simm.s32 $0x9940;
	s8 =	sadd.s32 s6, s12  }
0x1d5: {  	[hbm4b:s8+s3] =	stream.linear.scatter [tilespmem:s23], [sflag:$0x3], $0x80, $0x38;
	[tilespmem:$0x12500] =	vst v63  }
0x1d6: {  	s19 =	sadd.s32 $0x10, s8;
	s23 =	simm.s32 $0x99C8  }
0x1d7: {  	[hbm4b:s19+s3] =	stream.linear.scatter [tilespmem:s23], [sflag:$0x3], $0x80, $0x38;
	[tilespmem:$0x12500] =	vst v63  }
0x1d8: {  	s19 =	sadd.s32 $0x20, s8;
	s23 =	simm.s32 $0x9A50  }
0x1d9: {  	[hbm4b:s19+s3] =	stream.linear.scatter [tilespmem:s23], [sflag:$0x3], $0x80, $0x38;
	[tilespmem:$0x12500] =	vst v63  }
0x1da: {  	s19 =	sadd.s32 $0x30, s8;
	s23 =	simm.s32 $0x9AD8  }
0x1db: {  	[hbm4b:s19+s3] =	stream.linear.scatter [tilespmem:s23], [sflag:$0x3], $0x80, $0x38;
	[tilespmem:$0x12500] =	vst v63  }
0x1dc: {  	s19 =	sadd.s32 $0x40, s8;
	s23 =	simm.s32 $0x9B60  }
0x1dd: {  	[hbm4b:s19+s3] =	stream.linear.scatter [tilespmem:s23], [sflag:$0x3], $0x80, $0x38;
	[tilespmem:$0x12500] =	vst v63  }
0x1de: {  	s19 =	sadd.s32 $0x50, s8;
	s23 =	simm.s32 $0x9BE8  }
0x1df: {  	[hbm4b:s19+s3] =	stream.linear.scatter [tilespmem:s23], [sflag:$0x3], $0x80, $0x38;
	[tilespmem:$0x12500] =	vst v63  }
0x1e0: {  	s19 =	sadd.s32 $0x60, s8;
	s23 =	simm.s32 $0x9C70  }
0x1e1: {  	[hbm4b:s19+s3] =	stream.linear.scatter [tilespmem:s23], [sflag:$0x3], $0x80, $0x38;
	[tilespmem:$0x12500] =	vst v63  }
0x1e2: {  	s8 =	sadd.s32 $0x70, s8;
	s19 =	simm.s32 $0x9CF8  }
0x1e3: {  	[hbm4b:s8+s3] =	stream.linear.scatter [tilespmem:s19], [sflag:$0x3], $0x80, $0x38;
	[tilespmem:$0x12500] =	vst v63  }
0x1e4: {  	s23 =	simm.s32 $0x9D80;
	s8 =	sadd.s32 s6, s13  }
0x1e5: {  	[hbm4b:s8+s3] =	stream.linear.scatter [tilespmem:s23], [sflag:$0x3], $0x80, $0x38;
	[tilespmem:$0x12500] =	vst v63  }
0x1e6: {  	s19 =	sadd.s32 $0x10, s8;
	s23 =	simm.s32 $0x9E08  }
0x1e7: {  	[hbm4b:s19+s3] =	stream.linear.scatter [tilespmem:s23], [sflag:$0x3], $0x80, $0x38;
	[tilespmem:$0x12500] =	vst v63  }
0x1e8: {  	s19 =	sadd.s32 $0x20, s8;
	s23 =	simm.s32 $0x9E90  }
0x1e9: {  	[hbm4b:s19+s3] =	stream.linear.scatter [tilespmem:s23], [sflag:$0x3], $0x80, $0x38;
	[tilespmem:$0x12500] =	vst v63  }
0x1ea: {  	s19 =	sadd.s32 $0x30, s8;
	s23 =	simm.s32 $0x9F18  }
0x1eb: {  	[hbm4b:s19+s3] =	stream.linear.scatter [tilespmem:s23], [sflag:$0x3], $0x80, $0x38;
	[tilespmem:$0x12500] =	vst v63  }
0x1ec: {  	s19 =	sadd.s32 $0x40, s8;
	s23 =	simm.s32 $0x9FA0  }
0x1ed: {  	[hbm4b:s19+s3] =	stream.linear.scatter [tilespmem:s23], [sflag:$0x3], $0x80, $0x38;
	[tilespmem:$0x12500] =	vst v63  }
0x1ee: {  	s19 =	sadd.s32 $0x50, s8;
	s23 =	simm.s32 $0xA028  }
0x1ef: {  	[hbm4b:s19+s3] =	stream.linear.scatter [tilespmem:s23], [sflag:$0x3], $0x80, $0x38;
	[tilespmem:$0x12500] =	vst v63  }
0x1f0: {  	s19 =	sadd.s32 $0x60, s8;
	s23 =	simm.s32 $0xA0B0  }
0x1f1: {  	[hbm4b:s19+s3] =	stream.linear.scatter [tilespmem:s23], [sflag:$0x3], $0x80, $0x38;
	[tilespmem:$0x12500] =	vst v63  }
0x1f2: {  	s8 =	sadd.s32 $0x70, s8;
	s23 =	simm.s32 $0xA138  }
0x1f3: {  	[hbm4b:s8+s3] =	stream.linear.scatter [tilespmem:s23], [sflag:$0x3], $0x80, $0x38;
	[tilespmem:$0x12500] =	vst v63  }
0x1f4: {  	s15 =	simm.s32 $0xA1C0;
	s6 =	sadd.s32 s6, s14  }
0x1f5: {  	[hbm4b:s6+s3] =	stream.linear.scatter [tilespmem:s15], [sflag:$0x3], $0x80, $0x38;
	[tilespmem:$0x12500] =	vst v63  }
0x1f6: {  	s19 =	sadd.s32 $0x10, s6;
	s23 =	simm.s32 $0xA248  }
0x1f7: {  	[hbm4b:s19+s3] =	stream.linear.scatter [tilespmem:s23], [sflag:$0x3], $0x80, $0x38;
	[tilespmem:$0x12500] =	vst v63  }
0x1f8: {  	s19 =	sadd.s32 $0x20, s6;
	s23 =	simm.s32 $0xA2D0  }
0x1f9: {  	[hbm4b:s19+s3] =	stream.linear.scatter [tilespmem:s23], [sflag:$0x3], $0x80, $0x38;
	[tilespmem:$0x12500] =	vst v63  }
0x1fa: {  	s19 =	sadd.s32 $0x30, s6;
	s23 =	simm.s32 $0xA358  }
0x1fb: {  	[hbm4b:s19+s3] =	stream.linear.scatter [tilespmem:s23], [sflag:$0x3], $0x80, $0x38;
	[tilespmem:$0x12500] =	vst v63  }
0x1fc: {  	s19 =	sadd.s32 $0x40, s6;
	s23 =	simm.s32 $0xA3E0  }
0x1fd: {  	[hbm4b:s19+s3] =	stream.linear.scatter [tilespmem:s23], [sflag:$0x3], $0x80, $0x38;
	[tilespmem:$0x12500] =	vst v63  }
0x1fe: {  	s19 =	sadd.s32 $0x50, s6;
	s23 =	simm.s32 $0xA468  }
0x1ff: {  	[hbm4b:s19+s3] =	stream.linear.scatter [tilespmem:s23], [sflag:$0x3], $0x80, $0x38;
	[tilespmem:$0x12500] =	vst v63  }
0x200: {  	s15 =	sadd.s32 $0x60, s6;
	s19 =	simm.s32 $0xA4F0  }
0x201: {  	[hbm4b:s15+s3] =	stream.linear.scatter [tilespmem:s19], [sflag:$0x3], $0x80, $0x38;
	[tilespmem:$0x12500] =	vst v63  }
0x202: {  	s6 =	sadd.s32 $0x70, s6;
	s23 =	simm.s32 $0xA578;
	s15 =	sshll.u32 s24, $0x11  }
0x203: {  	[hbm4b:s6+s3] =	stream.linear.scatter [tilespmem:s23], [sflag:$0x3], $0x80, $0x38;
	[tilespmem:$0x12500] =	vst v63  }
0x204: {  	s6 =	sor.u32 s11, s15  }
0x205: {  	s6 =	sshrl.u32 s6, $0x3  }
0x206: {  	s19 =	simm.s32 $0xA600;
	s8 =	sadd.s32 s1, s6  }
0x207: {  	[hbm4b:s8+s3] =	stream.linear.scatter [tilespmem:s19], [sflag:$0x3], $0x80, $0x38;
	[tilespmem:$0x12500] =	vst v63  }
0x208: {  	s24 =	simm.s32 $0xA688;
	s23 =	sadd.s32 $0x10, s8  }
0x209: {  	[hbm4b:s23+s3] =	stream.linear.scatter [tilespmem:s24], [sflag:$0x3], $0x80, $0x38;
	[tilespmem:$0x12500] =	vst v63  }
0x20a: {  	s23 =	sadd.s32 $0x20, s8;
	s24 =	simm.s32 $0xA710  }
0x20b: {  	[hbm4b:s23+s3] =	stream.linear.scatter [tilespmem:s24], [sflag:$0x3], $0x80, $0x38;
	[tilespmem:$0x12500] =	vst v63  }
0x20c: {  	s23 =	sadd.s32 $0x30, s8;
	s24 =	simm.s32 $0xA798  }
0x20d: {  	[hbm4b:s23+s3] =	stream.linear.scatter [tilespmem:s24], [sflag:$0x3], $0x80, $0x38;
	[tilespmem:$0x12500] =	vst v63  }
0x20e: {  	s23 =	sadd.s32 $0x40, s8;
	s24 =	simm.s32 $0xA820  }
0x20f: {  	[hbm4b:s23+s3] =	stream.linear.scatter [tilespmem:s24], [sflag:$0x3], $0x80, $0x38;
	[tilespmem:$0x12500] =	vst v63  }
0x210: {  	s23 =	sadd.s32 $0x50, s8;
	s24 =	simm.s32 $0xA8A8  }
0x211: {  	[hbm4b:s23+s3] =	stream.linear.scatter [tilespmem:s24], [sflag:$0x3], $0x80, $0x38;
	[tilespmem:$0x12500] =	vst v63  }
0x212: {  	s19 =	sadd.s32 $0x60, s8;
	s23 =	simm.s32 $0xA930  }
0x213: {  	[hbm4b:s19+s3] =	stream.linear.scatter [tilespmem:s23], [sflag:$0x3], $0x80, $0x38;
	[tilespmem:$0x12500] =	vst v63  }
0x214: {  	s8 =	sadd.s32 $0x70, s8;
	s24 =	simm.s32 $0xA9B8  }
0x215: {  	[hbm4b:s8+s3] =	stream.linear.scatter [tilespmem:s24], [sflag:$0x3], $0x80, $0x38;
	[tilespmem:$0x12500] =	vst v63  }
0x216: {  	s19 =	simm.s32 $0xAA40;
	s8 =	sadd.s32 s6, s12  }
0x217: {  	[hbm4b:s8+s3] =	stream.linear.scatter [tilespmem:s19], [sflag:$0x3], $0x80, $0x38;
	[tilespmem:$0x12500] =	vst v63  }
0x218: {  	s24 =	simm.s32 $0xAAC8;
	s23 =	sadd.s32 $0x10, s8  }
0x219: {  	[hbm4b:s23+s3] =	stream.linear.scatter [tilespmem:s24], [sflag:$0x3], $0x80, $0x38;
	[tilespmem:$0x12500] =	vst v63  }
0x21a: {  	s23 =	sadd.s32 $0x20, s8;
	s24 =	simm.s32 $0xAB50  }
0x21b: {  	[hbm4b:s23+s3] =	stream.linear.scatter [tilespmem:s24], [sflag:$0x3], $0x80, $0x38;
	[tilespmem:$0x12500] =	vst v63  }
0x21c: {  	s23 =	sadd.s32 $0x30, s8;
	s24 =	simm.s32 $0xABD8  }
0x21d: {  	[hbm4b:s23+s3] =	stream.linear.scatter [tilespmem:s24], [sflag:$0x3], $0x80, $0x38;
	[tilespmem:$0x12500] =	vst v63  }
0x21e: {  	s23 =	sadd.s32 $0x40, s8;
	s24 =	simm.s32 $0xAC60  }
0x21f: {  	[hbm4b:s23+s3] =	stream.linear.scatter [tilespmem:s24], [sflag:$0x3], $0x80, $0x38;
	[tilespmem:$0x12500] =	vst v63  }
0x220: {  	s23 =	sadd.s32 $0x50, s8;
	s24 =	simm.s32 $0xACE8  }
0x221: {  	[hbm4b:s23+s3] =	stream.linear.scatter [tilespmem:s24], [sflag:$0x3], $0x80, $0x38;
	[tilespmem:$0x12500] =	vst v63  }
0x222: {  	s19 =	sadd.s32 $0x60, s8;
	s23 =	simm.s32 $0xAD70  }
0x223: {  	[hbm4b:s19+s3] =	stream.linear.scatter [tilespmem:s23], [sflag:$0x3], $0x80, $0x38;
	[tilespmem:$0x12500] =	vst v63  }
0x224: {  	s8 =	sadd.s32 $0x70, s8;
	s24 =	simm.s32 $0xADF8  }
0x225: {  	[hbm4b:s8+s3] =	stream.linear.scatter [tilespmem:s24], [sflag:$0x3], $0x80, $0x38;
	[tilespmem:$0x12500] =	vst v63  }
0x226: {  	s19 =	simm.s32 $0xAE80;
	s8 =	sadd.s32 s6, s13  }
0x227: {  	[hbm4b:s8+s3] =	stream.linear.scatter [tilespmem:s19], [sflag:$0x3], $0x80, $0x38;
	[tilespmem:$0x12500] =	vst v63  }
0x228: {  	s24 =	simm.s32 $0xAF08;
	s23 =	sadd.s32 $0x10, s8  }
0x229: {  	[hbm4b:s23+s3] =	stream.linear.scatter [tilespmem:s24], [sflag:$0x3], $0x80, $0x38;
	[tilespmem:$0x12500] =	vst v63  }
0x22a: {  	s23 =	sadd.s32 $0x20, s8;
	s24 =	simm.s32 $0xAF90  }
0x22b: {  	[hbm4b:s23+s3] =	stream.linear.scatter [tilespmem:s24], [sflag:$0x3], $0x80, $0x38;
	[tilespmem:$0x12500] =	vst v63  }
0x22c: {  	s23 =	sadd.s32 $0x30, s8;
	s24 =	simm.s32 $0xB018  }
0x22d: {  	[hbm4b:s23+s3] =	stream.linear.scatter [tilespmem:s24], [sflag:$0x3], $0x80, $0x38;
	[tilespmem:$0x12500] =	vst v63  }
0x22e: {  	s23 =	sadd.s32 $0x40, s8;
	s24 =	simm.s32 $0xB0A0  }
0x22f: {  	[hbm4b:s23+s3] =	stream.linear.scatter [tilespmem:s24], [sflag:$0x3], $0x80, $0x38;
	[tilespmem:$0x12500] =	vst v63  }
0x230: {  	s23 =	sadd.s32 $0x50, s8;
	s24 =	simm.s32 $0xB128  }
0x231: {  	[hbm4b:s23+s3] =	stream.linear.scatter [tilespmem:s24], [sflag:$0x3], $0x80, $0x38;
	[tilespmem:$0x12500] =	vst v63  }
0x232: {  	s23 =	sadd.s32 $0x60, s8;
	s24 =	simm.s32 $0xB1B0  }
0x233: {  	[hbm4b:s23+s3] =	stream.linear.scatter [tilespmem:s24], [sflag:$0x3], $0x80, $0x38;
	[tilespmem:$0x12500] =	vst v63  }
0x234: {  	s8 =	sadd.s32 $0x70, s8;
	s23 =	simm.s32 $0xB238  }
0x235: {  	[hbm4b:s8+s3] =	stream.linear.scatter [tilespmem:s23], [sflag:$0x3], $0x80, $0x38;
	[tilespmem:$0x12500] =	vst v63  }
0x236: {  	s6 =	sadd.s32 s6, s14;
	s24 =	simm.s32 $0xB2C0  }
0x237: {  	[hbm4b:s6+s3] =	stream.linear.scatter [tilespmem:s24], [sflag:$0x3], $0x80, $0x38;
	[tilespmem:$0x12500] =	vst v63  }
0x238: {  	s15 =	sadd.s32 $0x10, s6;
	s19 =	simm.s32 $0xB348  }
0x239: {  	[hbm4b:s15+s3] =	stream.linear.scatter [tilespmem:s19], [sflag:$0x3], $0x80, $0x38;
	[tilespmem:$0x12500] =	vst v63  }
0x23a: {  	s23 =	sadd.s32 $0x20, s6;
	s24 =	simm.s32 $0xB3D0  }
0x23b: {  	[hbm4b:s23+s3] =	stream.linear.scatter [tilespmem:s24], [sflag:$0x3], $0x80, $0x38;
	[tilespmem:$0x12500] =	vst v63  }
0x23c: {  	s15 =	sadd.s32 $0x30, s6;
	s19 =	simm.s32 $0xB458  }
0x23d: {  	[hbm4b:s15+s3] =	stream.linear.scatter [tilespmem:s19], [sflag:$0x3], $0x80, $0x38;
	[tilespmem:$0x12500] =	vst v63  }
0x23e: {  	s23 =	sadd.s32 $0x40, s6;
	s24 =	simm.s32 $0xB4E0  }
0x23f: {  	[hbm4b:s23+s3] =	stream.linear.scatter [tilespmem:s24], [sflag:$0x3], $0x80, $0x38;
	[tilespmem:$0x12500] =	vst v63  }
0x240: {  	s15 =	sadd.s32 $0x50, s6;
	s19 =	simm.s32 $0xB568  }
0x241: {  	[hbm4b:s15+s3] =	stream.linear.scatter [tilespmem:s19], [sflag:$0x3], $0x80, $0x38;
	[tilespmem:$0x12500] =	vst v63  }
0x242: {  	s23 =	sadd.s32 $0x60, s6;
	s24 =	simm.s32 $0xB5F0  }
0x243: {  	[hbm4b:s23+s3] =	stream.linear.scatter [tilespmem:s24], [sflag:$0x3], $0x80, $0x38;
	[tilespmem:$0x12500] =	vst v63  }
0x244: {  	s6 =	sadd.s32 $0x70, s6;
	s15 =	simm.s32 $0xB678;
	s19 =	sshll.u32 s25, $0x11  }
0x245: {  	[hbm4b:s6+s3] =	stream.linear.scatter [tilespmem:s15], [sflag:$0x3], $0x80, $0x38;
	[tilespmem:$0x12500] =	vst v63  }
0x246: {  	s6 =	sor.u32 s11, s19  }
0x247: {  	s6 =	sshrl.u32 s6, $0x3  }
0x248: {  	s23 =	simm.s32 $0xB700;
	s8 =	sadd.s32 s1, s6  }
0x249: {  	[hbm4b:s8+s3] =	stream.linear.scatter [tilespmem:s23], [sflag:$0x3], $0x80, $0x38;
	[tilespmem:$0x12500] =	vst v63  }
0x24a: {  	s25 =	simm.s32 $0xB788;
	s24 =	sadd.s32 $0x10, s8  }
0x24b: {  	[hbm4b:s24+s3] =	stream.linear.scatter [tilespmem:s25], [sflag:$0x3], $0x80, $0x38;
	[tilespmem:$0x12500] =	vst v63  }
0x24c: {  	s19 =	sadd.s32 $0x20, s8;
	s23 =	simm.s32 $0xB810  }
0x24d: {  	[hbm4b:s19+s3] =	stream.linear.scatter [tilespmem:s23], [sflag:$0x3], $0x80, $0x38;
	[tilespmem:$0x12500] =	vst v63  }
0x24e: {  	s24 =	sadd.s32 $0x30, s8;
	s25 =	simm.s32 $0xB898  }
0x24f: {  	[hbm4b:s24+s3] =	stream.linear.scatter [tilespmem:s25], [sflag:$0x3], $0x80, $0x38;
	[tilespmem:$0x12500] =	vst v63  }
0x250: {  	s19 =	sadd.s32 $0x40, s8;
	s23 =	simm.s32 $0xB920  }
0x251: {  	[hbm4b:s19+s3] =	stream.linear.scatter [tilespmem:s23], [sflag:$0x3], $0x80, $0x38;
	[tilespmem:$0x12500] =	vst v63  }
0x252: {  	s24 =	sadd.s32 $0x50, s8;
	s25 =	simm.s32 $0xB9A8  }
0x253: {  	[hbm4b:s24+s3] =	stream.linear.scatter [tilespmem:s25], [sflag:$0x3], $0x80, $0x38;
	[tilespmem:$0x12500] =	vst v63  }
0x254: {  	s19 =	sadd.s32 $0x60, s8;
	s23 =	simm.s32 $0xBA30  }
0x255: {  	[hbm4b:s19+s3] =	stream.linear.scatter [tilespmem:s23], [sflag:$0x3], $0x80, $0x38;
	[tilespmem:$0x12500] =	vst v63  }
0x256: {  	s8 =	sadd.s32 $0x70, s8;
	s24 =	simm.s32 $0xBAB8  }
0x257: {  	[hbm4b:s8+s3] =	stream.linear.scatter [tilespmem:s24], [sflag:$0x3], $0x80, $0x38;
	[tilespmem:$0x12500] =	vst v63  }
0x258: {  	s25 =	simm.s32 $0xBB40;
	s8 =	sadd.s32 s6, s12  }
0x259: {  	[hbm4b:s8+s3] =	stream.linear.scatter [tilespmem:s25], [sflag:$0x3], $0x80, $0x38;
	[tilespmem:$0x12500] =	vst v63  }
0x25a: {  	s23 =	simm.s32 $0xBBC8;
	s19 =	sadd.s32 $0x10, s8  }
0x25b: {  	[hbm4b:s19+s3] =	stream.linear.scatter [tilespmem:s23], [sflag:$0x3], $0x80, $0x38;
	[tilespmem:$0x12500] =	vst v63  }
0x25c: {  	s24 =	sadd.s32 $0x20, s8;
	s25 =	simm.s32 $0xBC50  }
0x25d: {  	[hbm4b:s24+s3] =	stream.linear.scatter [tilespmem:s25], [sflag:$0x3], $0x80, $0x38;
	[tilespmem:$0x12500] =	vst v63  }
0x25e: {  	s19 =	sadd.s32 $0x30, s8;
	s23 =	simm.s32 $0xBCD8  }
0x25f: {  	[hbm4b:s19+s3] =	stream.linear.scatter [tilespmem:s23], [sflag:$0x3], $0x80, $0x38;
	[tilespmem:$0x12500] =	vst v63  }
0x260: {  	s24 =	sadd.s32 $0x40, s8;
	s25 =	simm.s32 $0xBD60  }
0x261: {  	[hbm4b:s24+s3] =	stream.linear.scatter [tilespmem:s25], [sflag:$0x3], $0x80, $0x38;
	[tilespmem:$0x12500] =	vst v63  }
0x262: {  	s19 =	sadd.s32 $0x50, s8;
	s23 =	simm.s32 $0xBDE8  }
0x263: {  	[hbm4b:s19+s3] =	stream.linear.scatter [tilespmem:s23], [sflag:$0x3], $0x80, $0x38;
	[tilespmem:$0x12500] =	vst v63  }
0x264: {  	s24 =	sadd.s32 $0x60, s8;
	s25 =	simm.s32 $0xBE70  }
0x265: {  	[hbm4b:s24+s3] =	stream.linear.scatter [tilespmem:s25], [sflag:$0x3], $0x80, $0x38;
	[tilespmem:$0x12500] =	vst v63  }
0x266: {  	s8 =	sadd.s32 $0x70, s8;
	s19 =	simm.s32 $0xBEF8  }
0x267: {  	[hbm4b:s8+s3] =	stream.linear.scatter [tilespmem:s19], [sflag:$0x3], $0x80, $0x38;
	[tilespmem:$0x12500] =	vst v63  }
0x268: {  	s23 =	simm.s32 $0xBF80;
	s8 =	sadd.s32 s6, s13  }
0x269: {  	[hbm4b:s8+s3] =	stream.linear.scatter [tilespmem:s23], [sflag:$0x3], $0x80, $0x38;
	[tilespmem:$0x12500] =	vst v63  }
0x26a: {  	s25 =	simm.s32 $0xC008;
	s24 =	sadd.s32 $0x10, s8  }
0x26b: {  	[hbm4b:s24+s3] =	stream.linear.scatter [tilespmem:s25], [sflag:$0x3], $0x80, $0x38;
	[tilespmem:$0x12500] =	vst v63  }
0x26c: {  	s19 =	sadd.s32 $0x20, s8;
	s23 =	simm.s32 $0xC090  }
0x26d: {  	[hbm4b:s19+s3] =	stream.linear.scatter [tilespmem:s23], [sflag:$0x3], $0x80, $0x38;
	[tilespmem:$0x12500] =	vst v63  }
0x26e: {  	s24 =	sadd.s32 $0x30, s8;
	s25 =	simm.s32 $0xC118  }
0x26f: {  	[hbm4b:s24+s3] =	stream.linear.scatter [tilespmem:s25], [sflag:$0x3], $0x80, $0x38;
	[tilespmem:$0x12500] =	vst v63  }
0x270: {  	s19 =	sadd.s32 $0x40, s8;
	s23 =	simm.s32 $0xC1A0  }
0x271: {  	[hbm4b:s19+s3] =	stream.linear.scatter [tilespmem:s23], [sflag:$0x3], $0x80, $0x38;
	[tilespmem:$0x12500] =	vst v63  }
0x272: {  	s24 =	sadd.s32 $0x50, s8;
	s25 =	simm.s32 $0xC228  }
0x273: {  	[hbm4b:s24+s3] =	stream.linear.scatter [tilespmem:s25], [sflag:$0x3], $0x80, $0x38;
	[tilespmem:$0x12500] =	vst v63  }
0x274: {  	s23 =	sadd.s32 $0x60, s8;
	s24 =	simm.s32 $0xC2B0  }
0x275: {  	[hbm4b:s23+s3] =	stream.linear.scatter [tilespmem:s24], [sflag:$0x3], $0x80, $0x38;
	[tilespmem:$0x12500] =	vst v63  }
0x276: {  	s8 =	sadd.s32 $0x70, s8;
	s25 =	simm.s32 $0xC338  }
0x277: {  	[hbm4b:s8+s3] =	stream.linear.scatter [tilespmem:s25], [sflag:$0x3], $0x80, $0x38;
	[tilespmem:$0x12500] =	vst v63  }
0x278: {  	s15 =	simm.s32 $0xC3C0;
	s6 =	sadd.s32 s6, s14  }
0x279: {  	[hbm4b:s6+s3] =	stream.linear.scatter [tilespmem:s15], [sflag:$0x3], $0x80, $0x38;
	[tilespmem:$0x12500] =	vst v63  }
0x27a: {  	s19 =	sadd.s32 $0x10, s6;
	s23 =	simm.s32 $0xC448  }
0x27b: {  	[hbm4b:s19+s3] =	stream.linear.scatter [tilespmem:s23], [sflag:$0x3], $0x80, $0x38;
	[tilespmem:$0x12500] =	vst v63  }
0x27c: {  	s24 =	sadd.s32 $0x20, s6;
	s25 =	simm.s32 $0xC4D0  }
0x27d: {  	[hbm4b:s24+s3] =	stream.linear.scatter [tilespmem:s25], [sflag:$0x3], $0x80, $0x38;
	[tilespmem:$0x12500] =	vst v63  }
0x27e: {  	s19 =	sadd.s32 $0x30, s6;
	s23 =	simm.s32 $0xC558  }
0x27f: {  	[hbm4b:s19+s3] =	stream.linear.scatter [tilespmem:s23], [sflag:$0x3], $0x80, $0x38;
	[tilespmem:$0x12500] =	vst v63  }
0x280: {  	s24 =	sadd.s32 $0x40, s6;
	s25 =	simm.s32 $0xC5E0  }
0x281: {  	[hbm4b:s24+s3] =	stream.linear.scatter [tilespmem:s25], [sflag:$0x3], $0x80, $0x38;
	[tilespmem:$0x12500] =	vst v63  }
0x282: {  	s19 =	sadd.s32 $0x50, s6;
	s23 =	simm.s32 $0xC668  }
0x283: {  	[hbm4b:s19+s3] =	stream.linear.scatter [tilespmem:s23], [sflag:$0x3], $0x80, $0x38;
	[tilespmem:$0x12500] =	vst v63  }
0x284: {  	s24 =	sadd.s32 $0x60, s6;
	s25 =	simm.s32 $0xC6F0  }
0x285: {  	[hbm4b:s24+s3] =	stream.linear.scatter [tilespmem:s25], [sflag:$0x3], $0x80, $0x38;
	[tilespmem:$0x12500] =	vst v63  }
0x286: {  	s15 =	simm.s32 $0xC778;
	s6 =	sadd.s32 $0x70, s6  }
0x287: {  	[hbm4b:s6+s3] =	stream.linear.scatter [tilespmem:s15], [sflag:$0x3], $0x80, $0x38;
	[tilespmem:$0x12500] =	vst v63  }
0x288: {  	_ =	swait.ge [sflag:s28], $0x1000  }
0x289: {  	[sflag:s28] =	ssyncset.done $0x0  }
0x28a: {  	[sflag:s28] =	ssyncadd.s32 $0xFFFFF000  }
0x28b: {  	_ =	swait.ge [sflag:s28], $0x1000  }
0x28c: {  	[sflag:s28] =	ssyncset.done $0x0  }
0x28d: {  	[sflag:s28] =	ssyncadd.s32 $0xFFFFF000  }
0x28e: {  	_ =	swait.ge [sflag:s28], $0x1000  }
0x28f: {  	[sflag:s28] =	ssyncset.done $0x0  }
0x290: {  	[sflag:s28] =	ssyncadd.s32 $0xFFFFF000  }
0x291: {  	_ =	swait.ge [sflag:s28], $0x1000  }
0x292: {  	[sflag:s28] =	ssyncset.done $0x0  }
0x293: {  	s6 =	simm.s32 @!p0 $0x1;
	[sflag:s28] =	ssyncadd.s32 $0xFFFFF000  }
0x294: {  	_ =	swait.ge @!p0 [sflag:s6], $0x200  }
0x295: {  	s8 =	simm.s32 @!p0 $0x0;
	[sflag:s6] =	ssyncset.done @!p0 $0x0  }
0x296: {  	s15 =	simm.s32 @!p0 $0x400;
	[sflag:s6] =	ssyncadd.s32 @!p0 $0xFFFFFE00;
	s6 =	simm.s32 @!p0 $0x80  }
0x297: {  	[tilespmem:s15], [sflag:$0x2] =	stream.indirect.gather @!p0 [hbm4b:s5+s6], $0x20, s8, s6, $0xb8;
	[tilespmem:$0x12500] =	vst v63  }
0x298: {  	s8 =	simm.s32 @!p0 $0x1400  }
0x299: {  	[tilespmem:s8], [sflag:$0x2] =	stream.indirect.gather @!p0 [hbm4b:s5+s6], $0x20, s6, s6, $0xb8;
	[tilespmem:$0x12500] =	vst v63  }
0x29a: {  	s15 =	simm.s32 @!p0 $0x2400;
	s8 =	simm.s32 @!p0 $0x100  }
0x29b: {  	[tilespmem:s15], [sflag:$0x2] =	stream.indirect.gather @!p0 [hbm4b:s5+s6], $0x20, s8, s6, $0xb8;
	[tilespmem:$0x12500] =	vst v63  }
0x29c: {  	s8 =	simm.s32 @!p0 $0x180;
	s15 =	simm.s32 @!p0 $0x3400  }
0x29d: {  	[tilespmem:s15], [sflag:$0x2] =	stream.indirect.gather @!p0 [hbm4b:s5+s6], $0x20, s8, s6, $0xb8;
	[tilespmem:$0x12500] =	vst v63  }
0x29e: {  	s8 =	sadd.s32 @!p0 s10, s21  }
0x29f: {  	s8 =	sshrl.u32 @!p0 s8, $0x3  }
0x2a0: {  	s19 =	simm.s32 @!p0 $0x200;
	s15 =	simm.s32 @!p0 $0x1000;
	s8 =	sadd.s32 @!p0 s4, s8  }
0x2a1: {  	[tilespmem:s19], [sflag:$0x1] =	stream.strided.gather @!p0 [hbm4b:s8+s6], $0x200, s15, s6, $0x38;
	[tilespmem:$0x12500] =	vst v63  }
0x2a2: {  	p0 =	por p0, !p1  }
0x2a3: {  	_ =	swait.ge @p0 [sflag:s2], $0x400  }
0x2a4: {  	[sflag:s2] =	ssyncset.done @p0 $0x0  }
0x2a5: {  	[sflag:s2] =	ssyncadd.s32 @p0 $0xFFFFFC00  }
0x2a6: {  	_ =	swait.ge @p0 [sflag:s2], $0x400  }
0x2a7: {  	[sflag:s2] =	ssyncset.done @p0 $0x0  }
0x2a8: {  	[sflag:s2] =	ssyncadd.s32 @p0 $0xFFFFFC00  }
0x2a9: {  	_ =	swait.ge @p0 [sflag:s2], $0x400  }
0x2aa: {  	[sflag:s2] =	ssyncset.done @p0 $0x0  }
0x2ab: {  	[sflag:s2] =	ssyncadd.s32 @p0 $0xFFFFFC00  }
0x2ac: {  	_ =	swait.ge @p0 [sflag:s2], $0x400  }
0x2ad: {  	[sflag:s2] =	ssyncset.done @p0 $0x0  }
0x2ae: {  	[sflag:s2] =	ssyncadd.s32 @p0 $0xFFFFFC00  }
0x2af: {  	_ =	swait.ge @p0 [sflag:s2], $0x400  }
0x2b0: {  	[sflag:s2] =	ssyncset.done @p0 $0x0  }
0x2b1: {  	[sflag:s2] =	ssyncadd.s32 @p0 $0xFFFFFC00  }
0x2b2: {  	_ =	swait.ge @p0 [sflag:s2], $0x400  }
0x2b3: {  	[sflag:s2] =	ssyncset.done @p0 $0x0  }
0x2b4: {  	[sflag:s2] =	ssyncadd.s32 @p0 $0xFFFFFC00  }
0x2b5: {  	_ =	swait.ge @p0 [sflag:s2], $0x400  }
0x2b6: {  	[sflag:s2] =	ssyncset.done @p0 $0x0  }
0x2b7: {  	[sflag:s2] =	ssyncadd.s32 @p0 $0xFFFFFC00  }
0x2b8: {  	_ =	swait.ge @p0 [sflag:s2], $0x400  }
0x2b9: {  	[sflag:s2] =	ssyncset.done @p0 $0x0  }
0x2ba: {  	[sflag:s2] =	ssyncadd.s32 @p0 $0xFFFFFC00  }
0x2bb: {  	_ =	swait.ge @p0 [sflag:s2], $0x400  }
0x2bc: {  	[sflag:s2] =	ssyncset.done @p0 $0x0  }
0x2bd: {  	[sflag:s2] =	ssyncadd.s32 @p0 $0xFFFFFC00  }
0x2be: {  	_ =	swait.ge @p0 [sflag:s2], $0x400  }
0x2bf: {  	[sflag:s2] =	ssyncset.done @p0 $0x0  }
0x2c0: {  	[sflag:s2] =	ssyncadd.s32 @p0 $0xFFFFFC00  }
0x2c1: {  	_ =	swait.ge @p0 [sflag:s2], $0x400  }
0x2c2: {  	[sflag:s2] =	ssyncset.done @p0 $0x0  }
0x2c3: {  	[sflag:s2] =	ssyncadd.s32 @p0 $0xFFFFFC00  }
0x2c4: {  	_ =	swait.ge @p0 [sflag:s2], $0x400  }
0x2c5: {  	[sflag:s2] =	ssyncset.done @p0 $0x0  }
0x2c6: {  	[sflag:s2] =	ssyncadd.s32 @p0 $0xFFFFFC00  }
0x2c7: {  	_ =	swait.ge @p0 [sflag:s2], $0x400  }
0x2c8: {  	[sflag:s2] =	ssyncset.done @p0 $0x0  }
0x2c9: {  	[sflag:s2] =	ssyncadd.s32 @p0 $0xFFFFFC00  }
0x2ca: {  	_ =	swait.ge @p0 [sflag:s2], $0x400  }
0x2cb: {  	[sflag:s2] =	ssyncset.done @p0 $0x0  }
0x2cc: {  	[sflag:s2] =	ssyncadd.s32 @p0 $0xFFFFFC00  }
0x2cd: {  	_ =	swait.ge @p0 [sflag:s2], $0x400  }
0x2ce: {  	[sflag:s2] =	ssyncset.done @p0 $0x0  }
0x2cf: {  	[sflag:s2] =	ssyncadd.s32 @p0 $0xFFFFFC00  }
0x2d0: {  	_ =	swait.ge @p0 [sflag:s2], $0x400  }
0x2d1: {  	s19 =	sshll.u32 s20, $0x7;
	[sflag:s2] =	ssyncset.done @p0 $0x0  }
0x2d2: {  	s6 =	sand.u32 $0x3FFFFF80, s19;
	[sflag:s2] =	ssyncadd.s32 @p0 $0xFFFFFC00  }
0x2d3: {  	v8 =	vld [tilespmem:s6+$0x10C00]  }
0x2d4: {  	s21 =	simm.s32 $0x0;
	s19 =	simm.s32 $0x4440;
	v9 =	vld [tilespmem:s6+$0x10C10]  }
0x2d5: {  	v10 =	vmov s21;
	v11 =	vld [tilespmem:s19+$0xFFFFFFC0]  }
0x2d6: {  	v10 =	vand.u32 $0x7C, v10;
	v12 =	vld [tilespmem:s19+$0xFFFFFFD0]  }
0x2d7: {  	v13 =	vadd.s32 v0, v10  }
0x2d8: {  	v10 =	vadd.s32 v1, v10;
	_ =	sdelay $0x1  }
0x2d9: {  	v11 =	vadd.f32 v11, v8  }
0x2da: {  	v12 =	vadd.f32 v12, v9  }
0x2db: {  	[tilespmem:v13+s0+$0x0] =	vst.idx.msk $0xffff, v11  }
0x2dc: {  	s23 =	simm.s32 $0x1;
	[tilespmem:v10+s0+$0x0] =	vst.idx.msk $0xffff, v12  }
0x2dd: {  	v10 =	vmov s23;
	v11 =	vld [tilespmem:s19+$0xFFFFFFE0]  }
0x2de: {  	v12 =	vld [tilespmem:s19+$0xFFFFFFF0];
	v10 =	vand.u32 $0x7D, v10  }
0x2df: {  	v61 =	vadd.s32 v0, v10  }
0x2e0: {  	v10 =	vadd.s32 v1, v10;
	_ =	sdelay $0x1  }
0x2e1: {  	v11 =	vadd.f32 v11, v8  }
0x2e2: {  	v12 =	vadd.f32 v12, v9  }
0x2e3: {  	[tilespmem:v61+s0+$0x0] =	vst.idx.msk $0xffff, v11  }
0x2e4: {  	s24 =	simm.s32 $0x2;
	[tilespmem:v10+s0+$0x0] =	vst.idx.msk $0xffff, v12  }
0x2e5: {  	v10 =	vmov s24;
	v11 =	vld [tilespmem:s19+$0x0]  }
0x2e6: {  	v12 =	vld [tilespmem:s19+$0x10];
	v10 =	vand.u32 $0x7E, v10  }
0x2e7: {  	v62 =	vadd.s32 v0, v10  }
0x2e8: {  	v10 =	vadd.s32 v1, v10;
	_ =	sdelay $0x1  }
0x2e9: {  	v11 =	vadd.f32 v11, v8  }
0x2ea: {  	v12 =	vadd.f32 v12, v9  }
0x2eb: {  	[tilespmem:v62+s0+$0x0] =	vst.idx.msk $0xffff, v11  }
0x2ec: {  	s25 =	simm.s32 $0x3;
	[tilespmem:v10+s0+$0x0] =	vst.idx.msk $0xffff, v12  }
0x2ed: {  	v10 =	vmov s25;
	v11 =	vld [tilespmem:s19+$0x20]  }
0x2ee: {  	v10 =	vand.u32 $0x7F, v10  }
0x2ef: {  	v12 =	vld [tilespmem:s19+$0x30];
	v63 =	vadd.s32 v0, v10;
	_ =	sdelay $0x1  }
0x2f0: {  	v10 =	vadd.s32 v1, v10  }
0x2f1: {  	v14 =	vadd.f32 v11, v8;
	_ =	sdelay $0x1  }
0x2f2: {  	s6 =	simm.s32 $0x4;
	v11 =	vadd.f32 v12, v9;
	[tilespmem:v63+s0+$0x0] =	vst.idx.msk $0xffff, v14  }
.LBB2_14:
0x2f3: {  	p0 =	sne.s32 s6, $0x7C  }
0x2f4: {  	[tilespmem:v10+s0+$0x0] =	vst.idx.msk $0xffff, v11;
	s19 =	sadd.s32 $0x80, s19;
	s8 =	smov.u32 s6;
	s6 =	sadd.s32 $0x4, s6  }
0x2f5: {  	v10 =	vmov s8;
	v11 =	vld [tilespmem:s19+$0xFFFFFFC0]  }
0x2f6: {  	v12 =	vld [tilespmem:s19+$0xFFFFFFD0];
	v10 =	vand.u32 $0x7C, v10  }
0x2f7: {  	v13 =	vadd.s32 v0, v10  }
0x2f8: {  	v10 =	vadd.s32 v1, v10;
	_ =	sdelay $0x1  }
0x2f9: {  	v11 =	vadd.f32 v11, v8  }
0x2fa: {  	v12 =	vadd.f32 v12, v9  }
0x2fb: {  	[tilespmem:v13+s0+$0x0] =	vst.idx.msk $0xffff, v11  }
0x2fc: {  	s15 =	sadd.s32 $0x1, s8;
	[tilespmem:v10+s0+$0x0] =	vst.idx.msk $0xffff, v12  }
0x2fd: {  	v10 =	vmov s15;
	v11 =	vld [tilespmem:s19+$0xFFFFFFE0]  }
0x2fe: {  	v10 =	vand.u32 $0x7D, v10;
	v12 =	vld [tilespmem:s19+$0xFFFFFFF0]  }
0x2ff: {  	v13 =	vadd.s32 v0, v10  }
0x300: {  	v10 =	vadd.s32 v1, v10;
	_ =	sdelay $0x1  }
0x301: {  	v11 =	vadd.f32 v11, v8  }
0x302: {  	v12 =	vadd.f32 v12, v9  }
0x303: {  	[tilespmem:v13+s0+$0x0] =	vst.idx.msk $0xffff, v11  }
0x304: {  	s15 =	sadd.s32 $0x2, s8;
	[tilespmem:v10+s0+$0x0] =	vst.idx.msk $0xffff, v12  }
0x305: {  	v10 =	vmov s15;
	v11 =	vld [tilespmem:s19+$0x0]  }
0x306: {  	v10 =	vand.u32 $0x7E, v10;
	v12 =	vld [tilespmem:s19+$0x10]  }
0x307: {  	v13 =	vadd.s32 v0, v10  }
0x308: {  	v10 =	vadd.s32 v1, v10;
	_ =	sdelay $0x1  }
0x309: {  	v11 =	vadd.f32 v11, v8  }
0x30a: {  	v12 =	vadd.f32 v12, v9  }
0x30b: {  	[tilespmem:v13+s0+$0x0] =	vst.idx.msk $0xffff, v11  }
0x30c: {  	s8 =	sadd.s32 $0x3, s8;
	[tilespmem:v10+s0+$0x0] =	vst.idx.msk $0xffff, v12  }
0x30d: {  	v10 =	vmov s8;
	v11 =	vld [tilespmem:s19+$0x20]  }
0x30e: {  	v10 =	vand.u32 $0x7F, v10;
	v12 =	vld [tilespmem:s19+$0x30]  }
0x30f: {  	v13 =	vadd.s32 v0, v10  }
.Ltmp6:
0x310: {  	v10 =	vadd.s32 v1, v10;
	(pc) =	sbr.rel @p0 .LBB2_14-.Ltmp6, $4  }
0x311: {  	_ = 	snop  }
0x312: {  	v14 =	vadd.f32 v11, v8  }
0x313: {  	v11 =	vadd.f32 v12, v9  }
0x314: {  	[tilespmem:v13+s0+$0x0] =	vst.idx.msk $0xffff, v14  }
0x315: {  	_ =	sdelay $0x2  }
0x316: {  	s24 =	sshll.u32 s20, $0x2  }
0x317: {  	[tilespmem:v10+s0+$0x0] =	vst.idx.msk $0xffff, v11;
	s19 =	simm.s32 $0x5470;
	s21 =	sor.u32 $0x1, s24  }
0x318: {  	v11 =	vld [tilespmem:s19+$0xFFFFFF90];
	s6 =	sshll.u32 s21, $0x5  }
0x319: {  	s8 =	simm.s32 $0x0;
	v12 =	vld [tilespmem:s19+$0xFFFFFFA0];
	s6 =	sand.u32 $0x3FFFFFA0, s6  }
0x31a: {  	v10 =	vmov s8;
	v8 =	vld [tilespmem:s6+$0x10C00]  }
0x31b: {  	v10 =	vand.u32 $0x7C, v10;
	v9 =	vld [tilespmem:s6+$0x10C10]  }
0x31c: {  	v13 =	vadd.s32 v2, v10  }
0x31d: {  	v10 =	vadd.s32 v3, v10;
	_ =	sdelay $0x1  }
0x31e: {  	v11 =	vadd.f32 v11, v8  }
0x31f: {  	v12 =	vadd.f32 v12, v9  }
0x320: {  	[tilespmem:v13+s0+$0x0] =	vst.idx.msk $0xffff, v11  }
0x321: {  	s15 =	simm.s32 $0x1;
	[tilespmem:v10+s0+$0x0] =	vst.idx.msk $0xffff, v12  }
0x322: {  	v10 =	vmov s15;
	v11 =	vld [tilespmem:s19+$0xFFFFFFB0]  }
0x323: {  	v12 =	vld [tilespmem:s19+$0xFFFFFFC0];
	v10 =	vand.u32 $0x7D, v10  }
0x324: {  	v61 =	vadd.s32 v2, v10  }
0x325: {  	v10 =	vadd.s32 v3, v10;
	_ =	sdelay $0x1  }
0x326: {  	v11 =	vadd.f32 v11, v8  }
0x327: {  	v12 =	vadd.f32 v12, v9  }
0x328: {  	[tilespmem:v61+s0+$0x0] =	vst.idx.msk $0xffff, v11  }
0x329: {  	s23 =	simm.s32 $0x2;
	[tilespmem:v10+s0+$0x0] =	vst.idx.msk $0xffff, v12  }
0x32a: {  	v10 =	vmov s23;
	v11 =	vld [tilespmem:s19+$0xFFFFFFD0]  }
0x32b: {  	v12 =	vld [tilespmem:s19+$0xFFFFFFE0];
	v10 =	vand.u32 $0x7E, v10  }
0x32c: {  	v62 =	vadd.s32 v2, v10  }
0x32d: {  	v10 =	vadd.s32 v3, v10;
	_ =	sdelay $0x1  }
0x32e: {  	v11 =	vadd.f32 v11, v8  }
0x32f: {  	v12 =	vadd.f32 v12, v9  }
0x330: {  	[tilespmem:v62+s0+$0x0] =	vst.idx.msk $0xffff, v11  }
0x331: {  	s25 =	simm.s32 $0x3;
	[tilespmem:v10+s0+$0x0] =	vst.idx.msk $0xffff, v12  }
0x332: {  	v10 =	vmov s25;
	v11 =	vld [tilespmem:s19+$0xFFFFFFF0]  }
0x333: {  	v10 =	vand.u32 $0x7F, v10  }
0x334: {  	v12 =	vld [tilespmem:s19+$0x0];
	v63 =	vadd.s32 v2, v10;
	_ =	sdelay $0x1  }
0x335: {  	v10 =	vadd.s32 v3, v10  }
0x336: {  	v14 =	vadd.f32 v11, v8;
	_ =	sdelay $0x1  }
0x337: {  	s6 =	simm.s32 $0x4;
	v11 =	vadd.f32 v12, v9;
	[tilespmem:v63+s0+$0x0] =	vst.idx.msk $0xffff, v14  }
.LBB2_16:
0x338: {  	p0 =	sne.s32 s6, $0x7C  }
0x339: {  	[tilespmem:v10+s0+$0x0] =	vst.idx.msk $0xffff, v11;
	s19 =	sadd.s32 $0x80, s19;
	s8 =	smov.u32 s6;
	s6 =	sadd.s32 $0x4, s6  }
0x33a: {  	v10 =	vmov s8;
	v11 =	vld [tilespmem:s19+$0xFFFFFF90]  }
0x33b: {  	v12 =	vld [tilespmem:s19+$0xFFFFFFA0];
	v10 =	vand.u32 $0x7C, v10  }
0x33c: {  	v13 =	vadd.s32 v2, v10  }
0x33d: {  	v10 =	vadd.s32 v3, v10;
	_ =	sdelay $0x1  }
0x33e: {  	v11 =	vadd.f32 v11, v8  }
0x33f: {  	v12 =	vadd.f32 v12, v9  }
0x340: {  	[tilespmem:v13+s0+$0x0] =	vst.idx.msk $0xffff, v11  }
0x341: {  	s15 =	sadd.s32 $0x1, s8;
	[tilespmem:v10+s0+$0x0] =	vst.idx.msk $0xffff, v12  }
0x342: {  	v10 =	vmov s15;
	v11 =	vld [tilespmem:s19+$0xFFFFFFB0]  }
0x343: {  	v10 =	vand.u32 $0x7D, v10;
	v12 =	vld [tilespmem:s19+$0xFFFFFFC0]  }
0x344: {  	v13 =	vadd.s32 v2, v10  }
0x345: {  	v10 =	vadd.s32 v3, v10;
	_ =	sdelay $0x1  }
0x346: {  	v11 =	vadd.f32 v11, v8  }
0x347: {  	v12 =	vadd.f32 v12, v9  }
0x348: {  	[tilespmem:v13+s0+$0x0] =	vst.idx.msk $0xffff, v11  }
0x349: {  	s15 =	sadd.s32 $0x2, s8;
	[tilespmem:v10+s0+$0x0] =	vst.idx.msk $0xffff, v12  }
0x34a: {  	v10 =	vmov s15;
	v11 =	vld [tilespmem:s19+$0xFFFFFFD0]  }
0x34b: {  	v10 =	vand.u32 $0x7E, v10;
	v12 =	vld [tilespmem:s19+$0xFFFFFFE0]  }
0x34c: {  	v13 =	vadd.s32 v2, v10  }
0x34d: {  	v10 =	vadd.s32 v3, v10;
	_ =	sdelay $0x1  }
0x34e: {  	v11 =	vadd.f32 v11, v8  }
0x34f: {  	v12 =	vadd.f32 v12, v9  }
0x350: {  	[tilespmem:v13+s0+$0x0] =	vst.idx.msk $0xffff, v11  }
0x351: {  	s8 =	sadd.s32 $0x3, s8;
	[tilespmem:v10+s0+$0x0] =	vst.idx.msk $0xffff, v12  }
0x352: {  	v10 =	vmov s8;
	v11 =	vld [tilespmem:s19+$0xFFFFFFF0]  }
0x353: {  	v10 =	vand.u32 $0x7F, v10;
	v12 =	vld [tilespmem:s19+$0x0]  }
0x354: {  	v13 =	vadd.s32 v2, v10  }
.Ltmp7:
0x355: {  	v10 =	vadd.s32 v3, v10;
	(pc) =	sbr.rel @p0 .LBB2_16-.Ltmp7, $4  }
0x356: {  	_ = 	snop  }
0x357: {  	v14 =	vadd.f32 v11, v8  }
0x358: {  	v11 =	vadd.f32 v12, v9  }
0x359: {  	[tilespmem:v13+s0+$0x0] =	vst.idx.msk $0xffff, v14  }
0x35a: {  	_ =	sdelay $0x3  }
0x35b: {  	s23 =	sor.u32 $0x2, s24;
	[tilespmem:v10+s0+$0x0] =	vst.idx.msk $0xffff, v11;
	s19 =	simm.s32 $0x6470  }
0x35c: {  	s6 =	sshll.u32 s23, $0x5;
	v11 =	vld [tilespmem:s19+$0xFFFFFF90]  }
0x35d: {  	s25 =	simm.s32 $0x0;
	v12 =	vld [tilespmem:s19+$0xFFFFFFA0];
	s6 =	sand.u32 $0x3FFFFFE0, s6  }
0x35e: {  	v10 =	vmov s25;
	v8 =	vld [tilespmem:s6+$0x10C00]  }
0x35f: {  	v10 =	vand.u32 $0x7C, v10;
	v9 =	vld [tilespmem:s6+$0x10C10]  }
0x360: {  	v13 =	vadd.s32 v4, v10  }
0x361: {  	v10 =	vadd.s32 v5, v10;
	_ =	sdelay $0x1  }
0x362: {  	v11 =	vadd.f32 v11, v8  }
0x363: {  	v12 =	vadd.f32 v12, v9  }
0x364: {  	[tilespmem:v13+s0+$0x0] =	vst.idx.msk $0xffff, v11  }
0x365: {  	s8 =	simm.s32 $0x1;
	[tilespmem:v10+s0+$0x0] =	vst.idx.msk $0xffff, v12  }
0x366: {  	v10 =	vmov s8;
	v11 =	vld [tilespmem:s19+$0xFFFFFFB0]  }
0x367: {  	v12 =	vld [tilespmem:s19+$0xFFFFFFC0];
	v10 =	vand.u32 $0x7D, v10  }
0x368: {  	v61 =	vadd.s32 v4, v10  }
0x369: {  	v10 =	vadd.s32 v5, v10;
	_ =	sdelay $0x1  }
0x36a: {  	v11 =	vadd.f32 v11, v8  }
0x36b: {  	v12 =	vadd.f32 v12, v9  }
0x36c: {  	[tilespmem:v61+s0+$0x0] =	vst.idx.msk $0xffff, v11  }
0x36d: {  	s15 =	simm.s32 $0x2;
	[tilespmem:v10+s0+$0x0] =	vst.idx.msk $0xffff, v12  }
0x36e: {  	v10 =	vmov s15;
	v11 =	vld [tilespmem:s19+$0xFFFFFFD0]  }
0x36f: {  	v12 =	vld [tilespmem:s19+$0xFFFFFFE0];
	v10 =	vand.u32 $0x7E, v10  }
0x370: {  	v62 =	vadd.s32 v4, v10  }
0x371: {  	v10 =	vadd.s32 v5, v10;
	_ =	sdelay $0x1  }
0x372: {  	v11 =	vadd.f32 v11, v8  }
0x373: {  	v12 =	vadd.f32 v12, v9  }
0x374: {  	[tilespmem:v62+s0+$0x0] =	vst.idx.msk $0xffff, v11  }
0x375: {  	s25 =	simm.s32 $0x3;
	[tilespmem:v10+s0+$0x0] =	vst.idx.msk $0xffff, v12  }
0x376: {  	v10 =	vmov s25;
	v11 =	vld [tilespmem:s19+$0xFFFFFFF0]  }
0x377: {  	v10 =	vand.u32 $0x7F, v10  }
0x378: {  	v12 =	vld [tilespmem:s19+$0x0];
	v63 =	vadd.s32 v4, v10;
	_ =	sdelay $0x1  }
0x379: {  	v10 =	vadd.s32 v5, v10  }
0x37a: {  	v14 =	vadd.f32 v11, v8;
	_ =	sdelay $0x1  }
0x37b: {  	s6 =	simm.s32 $0x4;
	v11 =	vadd.f32 v12, v9;
	[tilespmem:v63+s0+$0x0] =	vst.idx.msk $0xffff, v14  }
.LBB2_18:
0x37c: {  	p0 =	sne.s32 s6, $0x7C  }
0x37d: {  	[tilespmem:v10+s0+$0x0] =	vst.idx.msk $0xffff, v11;
	s19 =	sadd.s32 $0x80, s19;
	s8 =	smov.u32 s6;
	s6 =	sadd.s32 $0x4, s6  }
0x37e: {  	v10 =	vmov s8;
	v11 =	vld [tilespmem:s19+$0xFFFFFF90]  }
0x37f: {  	v12 =	vld [tilespmem:s19+$0xFFFFFFA0];
	v10 =	vand.u32 $0x7C, v10  }
0x380: {  	v13 =	vadd.s32 v4, v10  }
0x381: {  	v10 =	vadd.s32 v5, v10;
	_ =	sdelay $0x1  }
0x382: {  	v11 =	vadd.f32 v11, v8  }
0x383: {  	v12 =	vadd.f32 v12, v9  }
0x384: {  	[tilespmem:v13+s0+$0x0] =	vst.idx.msk $0xffff, v11  }
0x385: {  	s15 =	sadd.s32 $0x1, s8;
	[tilespmem:v10+s0+$0x0] =	vst.idx.msk $0xffff, v12  }
0x386: {  	v10 =	vmov s15;
	v11 =	vld [tilespmem:s19+$0xFFFFFFB0]  }
0x387: {  	v10 =	vand.u32 $0x7D, v10;
	v12 =	vld [tilespmem:s19+$0xFFFFFFC0]  }
0x388: {  	v13 =	vadd.s32 v4, v10  }
0x389: {  	v10 =	vadd.s32 v5, v10;
	_ =	sdelay $0x1  }
0x38a: {  	v11 =	vadd.f32 v11, v8  }
0x38b: {  	v12 =	vadd.f32 v12, v9  }
0x38c: {  	[tilespmem:v13+s0+$0x0] =	vst.idx.msk $0xffff, v11  }
0x38d: {  	s15 =	sadd.s32 $0x2, s8;
	[tilespmem:v10+s0+$0x0] =	vst.idx.msk $0xffff, v12  }
0x38e: {  	v10 =	vmov s15;
	v11 =	vld [tilespmem:s19+$0xFFFFFFD0]  }
0x38f: {  	v10 =	vand.u32 $0x7E, v10;
	v12 =	vld [tilespmem:s19+$0xFFFFFFE0]  }
0x390: {  	v13 =	vadd.s32 v4, v10  }
0x391: {  	v10 =	vadd.s32 v5, v10;
	_ =	sdelay $0x1  }
0x392: {  	v11 =	vadd.f32 v11, v8  }
0x393: {  	v12 =	vadd.f32 v12, v9  }
0x394: {  	[tilespmem:v13+s0+$0x0] =	vst.idx.msk $0xffff, v11  }
0x395: {  	s8 =	sadd.s32 $0x3, s8;
	[tilespmem:v10+s0+$0x0] =	vst.idx.msk $0xffff, v12  }
0x396: {  	v10 =	vmov s8;
	v11 =	vld [tilespmem:s19+$0xFFFFFFF0]  }
0x397: {  	v10 =	vand.u32 $0x7F, v10;
	v12 =	vld [tilespmem:s19+$0x0]  }
0x398: {  	v13 =	vadd.s32 v4, v10  }
.Ltmp8:
0x399: {  	v10 =	vadd.s32 v5, v10;
	(pc) =	sbr.rel @p0 .LBB2_18-.Ltmp8, $4  }
0x39a: {  	_ = 	snop  }
0x39b: {  	v14 =	vadd.f32 v11, v8  }
0x39c: {  	v11 =	vadd.f32 v12, v9  }
0x39d: {  	[tilespmem:v13+s0+$0x0] =	vst.idx.msk $0xffff, v14  }
0x39e: {  	_ =	sdelay $0x3  }
0x39f: {  	s24 =	sor.u32 $0x3, s24;
	[tilespmem:v10+s0+$0x0] =	vst.idx.msk $0xffff, v11;
	s19 =	simm.s32 $0x7470  }
0x3a0: {  	s6 =	sshll.u32 s24, $0x5;
	v11 =	vld [tilespmem:s19+$0xFFFFFF90]  }
0x3a1: {  	s25 =	simm.s32 $0x0;
	v12 =	vld [tilespmem:s19+$0xFFFFFFA0];
	s6 =	sand.u32 $0x3FFFFFE0, s6  }
0x3a2: {  	v10 =	vmov s25;
	v8 =	vld [tilespmem:s6+$0x10C00]  }
0x3a3: {  	v10 =	vand.u32 $0x7C, v10;
	v9 =	vld [tilespmem:s6+$0x10C10]  }
0x3a4: {  	v13 =	vadd.s32 v6, v10  }
0x3a5: {  	v10 =	vadd.s32 v7, v10;
	_ =	sdelay $0x1  }
0x3a6: {  	v11 =	vadd.f32 v11, v8  }
0x3a7: {  	v12 =	vadd.f32 v12, v9  }
0x3a8: {  	[tilespmem:v13+s0+$0x0] =	vst.idx.msk $0xffff, v11  }
0x3a9: {  	s8 =	simm.s32 $0x1;
	[tilespmem:v10+s0+$0x0] =	vst.idx.msk $0xffff, v12  }
0x3aa: {  	v10 =	vmov s8;
	v11 =	vld [tilespmem:s19+$0xFFFFFFB0]  }
0x3ab: {  	v12 =	vld [tilespmem:s19+$0xFFFFFFC0];
	v10 =	vand.u32 $0x7D, v10  }
0x3ac: {  	v61 =	vadd.s32 v6, v10  }
0x3ad: {  	v10 =	vadd.s32 v7, v10;
	_ =	sdelay $0x1  }
0x3ae: {  	v11 =	vadd.f32 v11, v8  }
0x3af: {  	v12 =	vadd.f32 v12, v9  }
0x3b0: {  	[tilespmem:v61+s0+$0x0] =	vst.idx.msk $0xffff, v11  }
0x3b1: {  	s15 =	simm.s32 $0x2;
	[tilespmem:v10+s0+$0x0] =	vst.idx.msk $0xffff, v12  }
0x3b2: {  	v10 =	vmov s15;
	v11 =	vld [tilespmem:s19+$0xFFFFFFD0]  }
0x3b3: {  	v12 =	vld [tilespmem:s19+$0xFFFFFFE0];
	v10 =	vand.u32 $0x7E, v10  }
0x3b4: {  	v62 =	vadd.s32 v6, v10  }
0x3b5: {  	v10 =	vadd.s32 v7, v10;
	_ =	sdelay $0x1  }
0x3b6: {  	v11 =	vadd.f32 v11, v8  }
0x3b7: {  	v12 =	vadd.f32 v12, v9  }
0x3b8: {  	[tilespmem:v62+s0+$0x0] =	vst.idx.msk $0xffff, v11  }
0x3b9: {  	s25 =	simm.s32 $0x3;
	[tilespmem:v10+s0+$0x0] =	vst.idx.msk $0xffff, v12  }
0x3ba: {  	v10 =	vmov s25;
	v11 =	vld [tilespmem:s19+$0xFFFFFFF0]  }
0x3bb: {  	v10 =	vand.u32 $0x7F, v10  }
0x3bc: {  	v12 =	vld [tilespmem:s19+$0x0];
	v63 =	vadd.s32 v6, v10;
	_ =	sdelay $0x1  }
0x3bd: {  	v10 =	vadd.s32 v7, v10  }
0x3be: {  	v14 =	vadd.f32 v11, v8;
	_ =	sdelay $0x1  }
0x3bf: {  	s6 =	simm.s32 $0x4;
	v11 =	vadd.f32 v12, v9;
	[tilespmem:v63+s0+$0x0] =	vst.idx.msk $0xffff, v14  }
.LBB2_20:
0x3c0: {  	p0 =	sne.s32 s6, $0x7C  }
0x3c1: {  	[tilespmem:v10+s0+$0x0] =	vst.idx.msk $0xffff, v11;
	s19 =	sadd.s32 $0x80, s19;
	s8 =	smov.u32 s6;
	s6 =	sadd.s32 $0x4, s6  }
0x3c2: {  	v10 =	vmov s8;
	v11 =	vld [tilespmem:s19+$0xFFFFFF90]  }
0x3c3: {  	v12 =	vld [tilespmem:s19+$0xFFFFFFA0];
	v10 =	vand.u32 $0x7C, v10  }
0x3c4: {  	v13 =	vadd.s32 v6, v10  }
0x3c5: {  	v10 =	vadd.s32 v7, v10;
	_ =	sdelay $0x1  }
0x3c6: {  	v11 =	vadd.f32 v11, v8  }
0x3c7: {  	v12 =	vadd.f32 v12, v9  }
0x3c8: {  	[tilespmem:v13+s0+$0x0] =	vst.idx.msk $0xffff, v11  }
0x3c9: {  	s15 =	sadd.s32 $0x1, s8;
	[tilespmem:v10+s0+$0x0] =	vst.idx.msk $0xffff, v12  }
0x3ca: {  	v10 =	vmov s15;
	v11 =	vld [tilespmem:s19+$0xFFFFFFB0]  }
0x3cb: {  	v10 =	vand.u32 $0x7D, v10;
	v12 =	vld [tilespmem:s19+$0xFFFFFFC0]  }
0x3cc: {  	v13 =	vadd.s32 v6, v10  }
0x3cd: {  	v10 =	vadd.s32 v7, v10;
	_ =	sdelay $0x1  }
0x3ce: {  	v11 =	vadd.f32 v11, v8  }
0x3cf: {  	v12 =	vadd.f32 v12, v9  }
0x3d0: {  	[tilespmem:v13+s0+$0x0] =	vst.idx.msk $0xffff, v11  }
0x3d1: {  	s15 =	sadd.s32 $0x2, s8;
	[tilespmem:v10+s0+$0x0] =	vst.idx.msk $0xffff, v12  }
0x3d2: {  	v10 =	vmov s15;
	v11 =	vld [tilespmem:s19+$0xFFFFFFD0]  }
0x3d3: {  	v10 =	vand.u32 $0x7E, v10;
	v12 =	vld [tilespmem:s19+$0xFFFFFFE0]  }
0x3d4: {  	v13 =	vadd.s32 v6, v10  }
0x3d5: {  	v10 =	vadd.s32 v7, v10;
	_ =	sdelay $0x1  }
0x3d6: {  	v11 =	vadd.f32 v11, v8  }
0x3d7: {  	v12 =	vadd.f32 v12, v9  }
0x3d8: {  	[tilespmem:v13+s0+$0x0] =	vst.idx.msk $0xffff, v11  }
0x3d9: {  	s8 =	sadd.s32 $0x3, s8;
	[tilespmem:v10+s0+$0x0] =	vst.idx.msk $0xffff, v12  }
0x3da: {  	v10 =	vmov s8;
	v11 =	vld [tilespmem:s19+$0xFFFFFFF0]  }
0x3db: {  	v10 =	vand.u32 $0x7F, v10;
	v12 =	vld [tilespmem:s19+$0x0]  }
0x3dc: {  	v13 =	vadd.s32 v6, v10  }
.Ltmp9:
0x3dd: {  	v10 =	vadd.s32 v7, v10;
	(pc) =	sbr.rel @p0 .LBB2_20-.Ltmp9, $4  }
0x3de: {  	_ = 	snop  }
0x3df: {  	v14 =	vadd.f32 v11, v8  }
0x3e0: {  	v11 =	vadd.f32 v12, v9  }
0x3e1: {  	[tilespmem:v13+s0+$0x0] =	vst.idx.msk $0xffff, v14  }
0x3e2: {  	_ = 	snop  }
0x3e3: {  	s6 =	sshll.u32 s20, $0x13  }
0x3e4: {  	s6 =	sor.u32 s11, s6  }
0x3e5: {  	s6 =	sshrl.u32 s6, $0x3  }
0x3e6: {  	[tilespmem:v10+s0+$0x0] =	vst.idx.msk $0xffff, v11;
	s8 =	sadd.s32 s1, s6  }
0x3e7: {  	[hbm4b:s8+s3] =	stream.linear.scatter [tilespmem:s0], [sflag:$0x4], $0x80, $0x38;
	[tilespmem:$0x12500] =	vst v63  }
0x3e8: {  	s19 =	simm.s32 $0xC888;
	s15 =	sadd.s32 $0x10, s8  }
0x3e9: {  	[hbm4b:s15+s3] =	stream.linear.scatter [tilespmem:s19], [sflag:$0x4], $0x80, $0x38;
	[tilespmem:$0x12500] =	vst v63  }
0x3ea: {  	s25 =	simm.s32 $0xC910;
	s20 =	sadd.s32 $0x20, s8  }
0x3eb: {  	[hbm4b:s20+s3] =	stream.linear.scatter [tilespmem:s25], [sflag:$0x4], $0x80, $0x38;
	[tilespmem:$0x12500] =	vst v63  }
0x3ec: {  	s20 =	sadd.s32 $0x30, s8;
	s25 =	simm.s32 $0xC998  }
0x3ed: {  	[hbm4b:s20+s3] =	stream.linear.scatter [tilespmem:s25], [sflag:$0x4], $0x80, $0x38;
	[tilespmem:$0x12500] =	vst v63  }
0x3ee: {  	s20 =	sadd.s32 $0x40, s8;
	s25 =	simm.s32 $0xCA20  }
0x3ef: {  	[hbm4b:s20+s3] =	stream.linear.scatter [tilespmem:s25], [sflag:$0x4], $0x80, $0x38;
	[tilespmem:$0x12500] =	vst v63  }
0x3f0: {  	s20 =	sadd.s32 $0x50, s8;
	s25 =	simm.s32 $0xCAA8  }
0x3f1: {  	[hbm4b:s20+s3] =	stream.linear.scatter [tilespmem:s25], [sflag:$0x4], $0x80, $0x38;
	[tilespmem:$0x12500] =	vst v63  }
0x3f2: {  	s19 =	sadd.s32 $0x60, s8;
	s20 =	simm.s32 $0xCB30  }
0x3f3: {  	[hbm4b:s19+s3] =	stream.linear.scatter [tilespmem:s20], [sflag:$0x4], $0x80, $0x38;
	[tilespmem:$0x12500] =	vst v63  }
0x3f4: {  	s8 =	sadd.s32 $0x70, s8;
	s25 =	simm.s32 $0xCBB8  }
0x3f5: {  	[hbm4b:s8+s3] =	stream.linear.scatter [tilespmem:s25], [sflag:$0x4], $0x80, $0x38;
	[tilespmem:$0x12500] =	vst v63  }
0x3f6: {  	s19 =	simm.s32 $0xCC40;
	s8 =	sadd.s32 s6, s12  }
0x3f7: {  	[hbm4b:s8+s3] =	stream.linear.scatter [tilespmem:s19], [sflag:$0x4], $0x80, $0x38;
	[tilespmem:$0x12500] =	vst v63  }
0x3f8: {  	s25 =	simm.s32 $0xCCC8;
	s20 =	sadd.s32 $0x10, s8  }
0x3f9: {  	[hbm4b:s20+s3] =	stream.linear.scatter [tilespmem:s25], [sflag:$0x4], $0x80, $0x38;
	[tilespmem:$0x12500] =	vst v63  }
0x3fa: {  	s20 =	sadd.s32 $0x20, s8;
	s25 =	simm.s32 $0xCD50  }
0x3fb: {  	[hbm4b:s20+s3] =	stream.linear.scatter [tilespmem:s25], [sflag:$0x4], $0x80, $0x38;
	[tilespmem:$0x12500] =	vst v63  }
0x3fc: {  	s20 =	sadd.s32 $0x30, s8;
	s25 =	simm.s32 $0xCDD8  }
0x3fd: {  	[hbm4b:s20+s3] =	stream.linear.scatter [tilespmem:s25], [sflag:$0x4], $0x80, $0x38;
	[tilespmem:$0x12500] =	vst v63  }
0x3fe: {  	s20 =	sadd.s32 $0x40, s8;
	s25 =	simm.s32 $0xCE60  }
0x3ff: {  	[hbm4b:s20+s3] =	stream.linear.scatter [tilespmem:s25], [sflag:$0x4], $0x80, $0x38;
	[tilespmem:$0x12500] =	vst v63  }
0x400: {  	s20 =	sadd.s32 $0x50, s8;
	s25 =	simm.s32 $0xCEE8  }
0x401: {  	[hbm4b:s20+s3] =	stream.linear.scatter [tilespmem:s25], [sflag:$0x4], $0x80, $0x38;
	[tilespmem:$0x12500] =	vst v63  }
0x402: {  	s19 =	sadd.s32 $0x60, s8;
	s20 =	simm.s32 $0xCF70  }
0x403: {  	[hbm4b:s19+s3] =	stream.linear.scatter [tilespmem:s20], [sflag:$0x4], $0x80, $0x38;
	[tilespmem:$0x12500] =	vst v63  }
0x404: {  	s8 =	sadd.s32 $0x70, s8;
	s25 =	simm.s32 $0xCFF8  }
0x405: {  	[hbm4b:s8+s3] =	stream.linear.scatter [tilespmem:s25], [sflag:$0x4], $0x80, $0x38;
	[tilespmem:$0x12500] =	vst v63  }
0x406: {  	s19 =	simm.s32 $0xD080;
	s8 =	sadd.s32 s6, s13  }
0x407: {  	[hbm4b:s8+s3] =	stream.linear.scatter [tilespmem:s19], [sflag:$0x4], $0x80, $0x38;
	[tilespmem:$0x12500] =	vst v63  }
0x408: {  	s25 =	simm.s32 $0xD108;
	s20 =	sadd.s32 $0x10, s8  }
0x409: {  	[hbm4b:s20+s3] =	stream.linear.scatter [tilespmem:s25], [sflag:$0x4], $0x80, $0x38;
	[tilespmem:$0x12500] =	vst v63  }
0x40a: {  	s20 =	sadd.s32 $0x20, s8;
	s25 =	simm.s32 $0xD190  }
0x40b: {  	[hbm4b:s20+s3] =	stream.linear.scatter [tilespmem:s25], [sflag:$0x4], $0x80, $0x38;
	[tilespmem:$0x12500] =	vst v63  }
0x40c: {  	s20 =	sadd.s32 $0x30, s8;
	s25 =	simm.s32 $0xD218  }
0x40d: {  	[hbm4b:s20+s3] =	stream.linear.scatter [tilespmem:s25], [sflag:$0x4], $0x80, $0x38;
	[tilespmem:$0x12500] =	vst v63  }
0x40e: {  	s20 =	sadd.s32 $0x40, s8;
	s25 =	simm.s32 $0xD2A0  }
0x40f: {  	[hbm4b:s20+s3] =	stream.linear.scatter [tilespmem:s25], [sflag:$0x4], $0x80, $0x38;
	[tilespmem:$0x12500] =	vst v63  }
0x410: {  	s20 =	sadd.s32 $0x50, s8;
	s25 =	simm.s32 $0xD328  }
0x411: {  	[hbm4b:s20+s3] =	stream.linear.scatter [tilespmem:s25], [sflag:$0x4], $0x80, $0x38;
	[tilespmem:$0x12500] =	vst v63  }
0x412: {  	s20 =	sadd.s32 $0x60, s8;
	s25 =	simm.s32 $0xD3B0  }
0x413: {  	[hbm4b:s20+s3] =	stream.linear.scatter [tilespmem:s25], [sflag:$0x4], $0x80, $0x38;
	[tilespmem:$0x12500] =	vst v63  }
0x414: {  	s8 =	sadd.s32 $0x70, s8;
	s20 =	simm.s32 $0xD438  }
0x415: {  	[hbm4b:s8+s3] =	stream.linear.scatter [tilespmem:s20], [sflag:$0x4], $0x80, $0x38;
	[tilespmem:$0x12500] =	vst v63  }
0x416: {  	s6 =	sadd.s32 s6, s14;
	s25 =	simm.s32 $0xD4C0  }
0x417: {  	[hbm4b:s6+s3] =	stream.linear.scatter [tilespmem:s25], [sflag:$0x4], $0x80, $0x38;
	[tilespmem:$0x12500] =	vst v63  }
0x418: {  	s15 =	sadd.s32 $0x10, s6;
	s19 =	simm.s32 $0xD548  }
0x419: {  	[hbm4b:s15+s3] =	stream.linear.scatter [tilespmem:s19], [sflag:$0x4], $0x80, $0x38;
	[tilespmem:$0x12500] =	vst v63  }
0x41a: {  	s20 =	sadd.s32 $0x20, s6;
	s25 =	simm.s32 $0xD5D0  }
0x41b: {  	[hbm4b:s20+s3] =	stream.linear.scatter [tilespmem:s25], [sflag:$0x4], $0x80, $0x38;
	[tilespmem:$0x12500] =	vst v63  }
0x41c: {  	s15 =	sadd.s32 $0x30, s6;
	s19 =	simm.s32 $0xD658  }
0x41d: {  	[hbm4b:s15+s3] =	stream.linear.scatter [tilespmem:s19], [sflag:$0x4], $0x80, $0x38;
	[tilespmem:$0x12500] =	vst v63  }
0x41e: {  	s20 =	sadd.s32 $0x40, s6;
	s25 =	simm.s32 $0xD6E0  }
0x41f: {  	[hbm4b:s20+s3] =	stream.linear.scatter [tilespmem:s25], [sflag:$0x4], $0x80, $0x38;
	[tilespmem:$0x12500] =	vst v63  }
0x420: {  	s15 =	sadd.s32 $0x50, s6;
	s19 =	simm.s32 $0xD768  }
0x421: {  	[hbm4b:s15+s3] =	stream.linear.scatter [tilespmem:s19], [sflag:$0x4], $0x80, $0x38;
	[tilespmem:$0x12500] =	vst v63  }
0x422: {  	s20 =	sadd.s32 $0x60, s6;
	s25 =	simm.s32 $0xD7F0  }
0x423: {  	[hbm4b:s20+s3] =	stream.linear.scatter [tilespmem:s25], [sflag:$0x4], $0x80, $0x38;
	[tilespmem:$0x12500] =	vst v63  }
0x424: {  	s6 =	sadd.s32 $0x70, s6;
	s15 =	simm.s32 $0xD878;
	s19 =	sshll.u32 s21, $0x11  }
0x425: {  	[hbm4b:s6+s3] =	stream.linear.scatter [tilespmem:s15], [sflag:$0x4], $0x80, $0x38;
	[tilespmem:$0x12500] =	vst v63  }
0x426: {  	s6 =	sor.u32 s11, s19  }
0x427: {  	s6 =	sshrl.u32 s6, $0x3  }
0x428: {  	s20 =	simm.s32 $0xD900;
	s8 =	sadd.s32 s1, s6  }
0x429: {  	[hbm4b:s8+s3] =	stream.linear.scatter [tilespmem:s20], [sflag:$0x4], $0x80, $0x38;
	[tilespmem:$0x12500] =	vst v63  }
0x42a: {  	s25 =	simm.s32 $0xD988;
	s21 =	sadd.s32 $0x10, s8  }
0x42b: {  	[hbm4b:s21+s3] =	stream.linear.scatter [tilespmem:s25], [sflag:$0x4], $0x80, $0x38;
	[tilespmem:$0x12500] =	vst v63  }
0x42c: {  	s19 =	sadd.s32 $0x20, s8;
	s20 =	simm.s32 $0xDA10  }
0x42d: {  	[hbm4b:s19+s3] =	stream.linear.scatter [tilespmem:s20], [sflag:$0x4], $0x80, $0x38;
	[tilespmem:$0x12500] =	vst v63  }
0x42e: {  	s21 =	sadd.s32 $0x30, s8;
	s25 =	simm.s32 $0xDA98  }
0x42f: {  	[hbm4b:s21+s3] =	stream.linear.scatter [tilespmem:s25], [sflag:$0x4], $0x80, $0x38;
	[tilespmem:$0x12500] =	vst v63  }
0x430: {  	s19 =	sadd.s32 $0x40, s8;
	s20 =	simm.s32 $0xDB20  }
0x431: {  	[hbm4b:s19+s3] =	stream.linear.scatter [tilespmem:s20], [sflag:$0x4], $0x80, $0x38;
	[tilespmem:$0x12500] =	vst v63  }
0x432: {  	s21 =	sadd.s32 $0x50, s8;
	s25 =	simm.s32 $0xDBA8  }
0x433: {  	[hbm4b:s21+s3] =	stream.linear.scatter [tilespmem:s25], [sflag:$0x4], $0x80, $0x38;
	[tilespmem:$0x12500] =	vst v63  }
0x434: {  	s19 =	sadd.s32 $0x60, s8;
	s20 =	simm.s32 $0xDC30  }
0x435: {  	[hbm4b:s19+s3] =	stream.linear.scatter [tilespmem:s20], [sflag:$0x4], $0x80, $0x38;
	[tilespmem:$0x12500] =	vst v63  }
0x436: {  	s8 =	sadd.s32 $0x70, s8;
	s21 =	simm.s32 $0xDCB8  }
0x437: {  	[hbm4b:s8+s3] =	stream.linear.scatter [tilespmem:s21], [sflag:$0x4], $0x80, $0x38;
	[tilespmem:$0x12500] =	vst v63  }
0x438: {  	s25 =	simm.s32 $0xDD40;
	s8 =	sadd.s32 s6, s12  }
0x439: {  	[hbm4b:s8+s3] =	stream.linear.scatter [tilespmem:s25], [sflag:$0x4], $0x80, $0x38;
	[tilespmem:$0x12500] =	vst v63  }
0x43a: {  	s20 =	simm.s32 $0xDDC8;
	s19 =	sadd.s32 $0x10, s8  }
0x43b: {  	[hbm4b:s19+s3] =	stream.linear.scatter [tilespmem:s20], [sflag:$0x4], $0x80, $0x38;
	[tilespmem:$0x12500] =	vst v63  }
0x43c: {  	s21 =	sadd.s32 $0x20, s8;
	s25 =	simm.s32 $0xDE50  }
0x43d: {  	[hbm4b:s21+s3] =	stream.linear.scatter [tilespmem:s25], [sflag:$0x4], $0x80, $0x38;
	[tilespmem:$0x12500] =	vst v63  }
0x43e: {  	s19 =	sadd.s32 $0x30, s8;
	s20 =	simm.s32 $0xDED8  }
0x43f: {  	[hbm4b:s19+s3] =	stream.linear.scatter [tilespmem:s20], [sflag:$0x4], $0x80, $0x38;
	[tilespmem:$0x12500] =	vst v63  }
0x440: {  	s21 =	sadd.s32 $0x40, s8;
	s25 =	simm.s32 $0xDF60  }
0x441: {  	[hbm4b:s21+s3] =	stream.linear.scatter [tilespmem:s25], [sflag:$0x4], $0x80, $0x38;
	[tilespmem:$0x12500] =	vst v63  }
0x442: {  	s19 =	sadd.s32 $0x50, s8;
	s20 =	simm.s32 $0xDFE8  }
0x443: {  	[hbm4b:s19+s3] =	stream.linear.scatter [tilespmem:s20], [sflag:$0x4], $0x80, $0x38;
	[tilespmem:$0x12500] =	vst v63  }
0x444: {  	s21 =	sadd.s32 $0x60, s8;
	s25 =	simm.s32 $0xE070  }
0x445: {  	[hbm4b:s21+s3] =	stream.linear.scatter [tilespmem:s25], [sflag:$0x4], $0x80, $0x38;
	[tilespmem:$0x12500] =	vst v63  }
0x446: {  	s8 =	sadd.s32 $0x70, s8;
	s19 =	simm.s32 $0xE0F8  }
0x447: {  	[hbm4b:s8+s3] =	stream.linear.scatter [tilespmem:s19], [sflag:$0x4], $0x80, $0x38;
	[tilespmem:$0x12500] =	vst v63  }
0x448: {  	s20 =	simm.s32 $0xE180;
	s8 =	sadd.s32 s6, s13  }
0x449: {  	[hbm4b:s8+s3] =	stream.linear.scatter [tilespmem:s20], [sflag:$0x4], $0x80, $0x38;
	[tilespmem:$0x12500] =	vst v63  }
0x44a: {  	s25 =	simm.s32 $0xE208;
	s21 =	sadd.s32 $0x10, s8  }
0x44b: {  	[hbm4b:s21+s3] =	stream.linear.scatter [tilespmem:s25], [sflag:$0x4], $0x80, $0x38;
	[tilespmem:$0x12500] =	vst v63  }
0x44c: {  	s19 =	sadd.s32 $0x20, s8;
	s20 =	simm.s32 $0xE290  }
0x44d: {  	[hbm4b:s19+s3] =	stream.linear.scatter [tilespmem:s20], [sflag:$0x4], $0x80, $0x38;
	[tilespmem:$0x12500] =	vst v63  }
0x44e: {  	s21 =	sadd.s32 $0x30, s8;
	s25 =	simm.s32 $0xE318  }
0x44f: {  	[hbm4b:s21+s3] =	stream.linear.scatter [tilespmem:s25], [sflag:$0x4], $0x80, $0x38;
	[tilespmem:$0x12500] =	vst v63  }
0x450: {  	s19 =	sadd.s32 $0x40, s8;
	s20 =	simm.s32 $0xE3A0  }
0x451: {  	[hbm4b:s19+s3] =	stream.linear.scatter [tilespmem:s20], [sflag:$0x4], $0x80, $0x38;
	[tilespmem:$0x12500] =	vst v63  }
0x452: {  	s21 =	sadd.s32 $0x50, s8;
	s25 =	simm.s32 $0xE428  }
0x453: {  	[hbm4b:s21+s3] =	stream.linear.scatter [tilespmem:s25], [sflag:$0x4], $0x80, $0x38;
	[tilespmem:$0x12500] =	vst v63  }
0x454: {  	s20 =	sadd.s32 $0x60, s8;
	s21 =	simm.s32 $0xE4B0  }
0x455: {  	[hbm4b:s20+s3] =	stream.linear.scatter [tilespmem:s21], [sflag:$0x4], $0x80, $0x38;
	[tilespmem:$0x12500] =	vst v63  }
0x456: {  	s8 =	sadd.s32 $0x70, s8;
	s25 =	simm.s32 $0xE538  }
0x457: {  	[hbm4b:s8+s3] =	stream.linear.scatter [tilespmem:s25], [sflag:$0x4], $0x80, $0x38;
	[tilespmem:$0x12500] =	vst v63  }
0x458: {  	s15 =	simm.s32 $0xE5C0;
	s6 =	sadd.s32 s6, s14  }
0x459: {  	[hbm4b:s6+s3] =	stream.linear.scatter [tilespmem:s15], [sflag:$0x4], $0x80, $0x38;
	[tilespmem:$0x12500] =	vst v63  }
0x45a: {  	s19 =	sadd.s32 $0x10, s6;
	s20 =	simm.s32 $0xE648  }
0x45b: {  	[hbm4b:s19+s3] =	stream.linear.scatter [tilespmem:s20], [sflag:$0x4], $0x80, $0x38;
	[tilespmem:$0x12500] =	vst v63  }
0x45c: {  	s21 =	sadd.s32 $0x20, s6;
	s25 =	simm.s32 $0xE6D0  }
0x45d: {  	[hbm4b:s21+s3] =	stream.linear.scatter [tilespmem:s25], [sflag:$0x4], $0x80, $0x38;
	[tilespmem:$0x12500] =	vst v63  }
0x45e: {  	s19 =	sadd.s32 $0x30, s6;
	s20 =	simm.s32 $0xE758  }
0x45f: {  	[hbm4b:s19+s3] =	stream.linear.scatter [tilespmem:s20], [sflag:$0x4], $0x80, $0x38;
	[tilespmem:$0x12500] =	vst v63  }
0x460: {  	s21 =	sadd.s32 $0x40, s6;
	s25 =	simm.s32 $0xE7E0  }
0x461: {  	[hbm4b:s21+s3] =	stream.linear.scatter [tilespmem:s25], [sflag:$0x4], $0x80, $0x38;
	[tilespmem:$0x12500] =	vst v63  }
0x462: {  	s15 =	sadd.s32 $0x50, s6;
	s19 =	simm.s32 $0xE868  }
0x463: {  	[hbm4b:s15+s3] =	stream.linear.scatter [tilespmem:s19], [sflag:$0x4], $0x80, $0x38;
	[tilespmem:$0x12500] =	vst v63  }
0x464: {  	s20 =	sadd.s32 $0x60, s6;
	s21 =	simm.s32 $0xE8F0  }
0x465: {  	[hbm4b:s20+s3] =	stream.linear.scatter [tilespmem:s21], [sflag:$0x4], $0x80, $0x38;
	[tilespmem:$0x12500] =	vst v63  }
0x466: {  	s6 =	sadd.s32 $0x70, s6;
	s25 =	simm.s32 $0xE978;
	s15 =	sshll.u32 s23, $0x11  }
0x467: {  	[hbm4b:s6+s3] =	stream.linear.scatter [tilespmem:s25], [sflag:$0x4], $0x80, $0x38;
	[tilespmem:$0x12500] =	vst v63  }
0x468: {  	s6 =	sor.u32 s11, s15  }
0x469: {  	s6 =	sshrl.u32 s6, $0x3  }
0x46a: {  	s19 =	simm.s32 $0xEA00;
	s8 =	sadd.s32 s1, s6  }
0x46b: {  	[hbm4b:s8+s3] =	stream.linear.scatter [tilespmem:s19], [sflag:$0x4], $0x80, $0x38;
	[tilespmem:$0x12500] =	vst v63  }
0x46c: {  	s21 =	simm.s32 $0xEA88;
	s20 =	sadd.s32 $0x10, s8  }
0x46d: {  	[hbm4b:s20+s3] =	stream.linear.scatter [tilespmem:s21], [sflag:$0x4], $0x80, $0x38;
	[tilespmem:$0x12500] =	vst v63  }
0x46e: {  	s25 =	simm.s32 $0xEB10;
	s23 =	sadd.s32 $0x20, s8  }
0x46f: {  	[hbm4b:s23+s3] =	stream.linear.scatter [tilespmem:s25], [sflag:$0x4], $0x80, $0x38;
	[tilespmem:$0x12500] =	vst v63  }
0x470: {  	s20 =	sadd.s32 $0x30, s8;
	s21 =	simm.s32 $0xEB98  }
0x471: {  	[hbm4b:s20+s3] =	stream.linear.scatter [tilespmem:s21], [sflag:$0x4], $0x80, $0x38;
	[tilespmem:$0x12500] =	vst v63  }
0x472: {  	s23 =	sadd.s32 $0x40, s8;
	s25 =	simm.s32 $0xEC20  }
0x473: {  	[hbm4b:s23+s3] =	stream.linear.scatter [tilespmem:s25], [sflag:$0x4], $0x80, $0x38;
	[tilespmem:$0x12500] =	vst v63  }
0x474: {  	s19 =	sadd.s32 $0x50, s8;
	s20 =	simm.s32 $0xECA8  }
0x475: {  	[hbm4b:s19+s3] =	stream.linear.scatter [tilespmem:s20], [sflag:$0x4], $0x80, $0x38;
	[tilespmem:$0x12500] =	vst v63  }
0x476: {  	s21 =	sadd.s32 $0x60, s8;
	s23 =	simm.s32 $0xED30  }
0x477: {  	[hbm4b:s21+s3] =	stream.linear.scatter [tilespmem:s23], [sflag:$0x4], $0x80, $0x38;
	[tilespmem:$0x12500] =	vst v63  }
0x478: {  	s8 =	sadd.s32 $0x70, s8;
	s25 =	simm.s32 $0xEDB8  }
0x479: {  	[hbm4b:s8+s3] =	stream.linear.scatter [tilespmem:s25], [sflag:$0x4], $0x80, $0x38;
	[tilespmem:$0x12500] =	vst v63  }
0x47a: {  	s19 =	simm.s32 $0xEE40;
	s8 =	sadd.s32 s6, s12  }
0x47b: {  	[hbm4b:s8+s3] =	stream.linear.scatter [tilespmem:s19], [sflag:$0x4], $0x80, $0x38;
	[tilespmem:$0x12500] =	vst v63  }
0x47c: {  	s21 =	simm.s32 $0xEEC8;
	s20 =	sadd.s32 $0x10, s8  }
0x47d: {  	[hbm4b:s20+s3] =	stream.linear.scatter [tilespmem:s21], [sflag:$0x4], $0x80, $0x38;
	[tilespmem:$0x12500] =	vst v63  }
0x47e: {  	s25 =	simm.s32 $0xEF50;
	s23 =	sadd.s32 $0x20, s8  }
0x47f: {  	[hbm4b:s23+s3] =	stream.linear.scatter [tilespmem:s25], [sflag:$0x4], $0x80, $0x38;
	[tilespmem:$0x12500] =	vst v63  }
0x480: {  	s20 =	sadd.s32 $0x30, s8;
	s21 =	simm.s32 $0xEFD8  }
0x481: {  	[hbm4b:s20+s3] =	stream.linear.scatter [tilespmem:s21], [sflag:$0x4], $0x80, $0x38;
	[tilespmem:$0x12500] =	vst v63  }
0x482: {  	s23 =	sadd.s32 $0x40, s8;
	s25 =	simm.s32 $0xF060  }
0x483: {  	[hbm4b:s23+s3] =	stream.linear.scatter [tilespmem:s25], [sflag:$0x4], $0x80, $0x38;
	[tilespmem:$0x12500] =	vst v63  }
0x484: {  	s19 =	sadd.s32 $0x50, s8;
	s20 =	simm.s32 $0xF0E8  }
0x485: {  	[hbm4b:s19+s3] =	stream.linear.scatter [tilespmem:s20], [sflag:$0x4], $0x80, $0x38;
	[tilespmem:$0x12500] =	vst v63  }
0x486: {  	s21 =	sadd.s32 $0x60, s8;
	s23 =	simm.s32 $0xF170  }
0x487: {  	[hbm4b:s21+s3] =	stream.linear.scatter [tilespmem:s23], [sflag:$0x4], $0x80, $0x38;
	[tilespmem:$0x12500] =	vst v63  }
0x488: {  	s8 =	sadd.s32 $0x70, s8;
	s25 =	simm.s32 $0xF1F8  }
0x489: {  	[hbm4b:s8+s3] =	stream.linear.scatter [tilespmem:s25], [sflag:$0x4], $0x80, $0x38;
	[tilespmem:$0x12500] =	vst v63  }
0x48a: {  	s19 =	simm.s32 $0xF280;
	s8 =	sadd.s32 s6, s13  }
0x48b: {  	[hbm4b:s8+s3] =	stream.linear.scatter [tilespmem:s19], [sflag:$0x4], $0x80, $0x38;
	[tilespmem:$0x12500] =	vst v63  }
0x48c: {  	s21 =	simm.s32 $0xF308;
	s20 =	sadd.s32 $0x10, s8  }
0x48d: {  	[hbm4b:s20+s3] =	stream.linear.scatter [tilespmem:s21], [sflag:$0x4], $0x80, $0x38;
	[tilespmem:$0x12500] =	vst v63  }
0x48e: {  	s25 =	simm.s32 $0xF390;
	s23 =	sadd.s32 $0x20, s8  }
0x48f: {  	[hbm4b:s23+s3] =	stream.linear.scatter [tilespmem:s25], [sflag:$0x4], $0x80, $0x38;
	[tilespmem:$0x12500] =	vst v63  }
0x490: {  	s20 =	sadd.s32 $0x30, s8;
	s21 =	simm.s32 $0xF418  }
0x491: {  	[hbm4b:s20+s3] =	stream.linear.scatter [tilespmem:s21], [sflag:$0x4], $0x80, $0x38;
	[tilespmem:$0x12500] =	vst v63  }
0x492: {  	s23 =	sadd.s32 $0x40, s8;
	s25 =	simm.s32 $0xF4A0  }
0x493: {  	[hbm4b:s23+s3] =	stream.linear.scatter [tilespmem:s25], [sflag:$0x4], $0x80, $0x38;
	[tilespmem:$0x12500] =	vst v63  }
0x494: {  	s19 =	sadd.s32 $0x50, s8;
	s20 =	simm.s32 $0xF528  }
0x495: {  	[hbm4b:s19+s3] =	stream.linear.scatter [tilespmem:s20], [sflag:$0x4], $0x80, $0x38;
	[tilespmem:$0x12500] =	vst v63  }
0x496: {  	s21 =	sadd.s32 $0x60, s8;
	s23 =	simm.s32 $0xF5B0  }
0x497: {  	[hbm4b:s21+s3] =	stream.linear.scatter [tilespmem:s23], [sflag:$0x4], $0x80, $0x38;
	[tilespmem:$0x12500] =	vst v63  }
0x498: {  	s8 =	sadd.s32 $0x70, s8;
	s25 =	simm.s32 $0xF638  }
0x499: {  	[hbm4b:s8+s3] =	stream.linear.scatter [tilespmem:s25], [sflag:$0x4], $0x80, $0x38;
	[tilespmem:$0x12500] =	vst v63  }
0x49a: {  	s6 =	sadd.s32 s6, s14;
	s19 =	simm.s32 $0xF6C0  }
0x49b: {  	[hbm4b:s6+s3] =	stream.linear.scatter [tilespmem:s19], [sflag:$0x4], $0x80, $0x38;
	[tilespmem:$0x12500] =	vst v63  }
0x49c: {  	s20 =	sadd.s32 $0x10, s6;
	s21 =	simm.s32 $0xF748  }
0x49d: {  	[hbm4b:s20+s3] =	stream.linear.scatter [tilespmem:s21], [sflag:$0x4], $0x80, $0x38;
	[tilespmem:$0x12500] =	vst v63  }
0x49e: {  	s23 =	sadd.s32 $0x20, s6;
	s25 =	simm.s32 $0xF7D0  }
0x49f: {  	[hbm4b:s23+s3] =	stream.linear.scatter [tilespmem:s25], [sflag:$0x4], $0x80, $0x38;
	[tilespmem:$0x12500] =	vst v63  }
0x4a0: {  	s15 =	sadd.s32 $0x30, s6;
	s19 =	simm.s32 $0xF858  }
0x4a1: {  	[hbm4b:s15+s3] =	stream.linear.scatter [tilespmem:s19], [sflag:$0x4], $0x80, $0x38;
	[tilespmem:$0x12500] =	vst v63  }
0x4a2: {  	s20 =	sadd.s32 $0x40, s6;
	s21 =	simm.s32 $0xF8E0  }
0x4a3: {  	[hbm4b:s20+s3] =	stream.linear.scatter [tilespmem:s21], [sflag:$0x4], $0x80, $0x38;
	[tilespmem:$0x12500] =	vst v63  }
0x4a4: {  	s23 =	sadd.s32 $0x50, s6;
	s25 =	simm.s32 $0xF968  }
0x4a5: {  	[hbm4b:s23+s3] =	stream.linear.scatter [tilespmem:s25], [sflag:$0x4], $0x80, $0x38;
	[tilespmem:$0x12500] =	vst v63  }
0x4a6: {  	s15 =	sadd.s32 $0x60, s6;
	s19 =	simm.s32 $0xF9F0  }
0x4a7: {  	[hbm4b:s15+s3] =	stream.linear.scatter [tilespmem:s19], [sflag:$0x4], $0x80, $0x38;
	[tilespmem:$0x12500] =	vst v63  }
0x4a8: {  	s6 =	sadd.s32 $0x70, s6;
	s20 =	simm.s32 $0xFA78;
	s21 =	sshll.u32 s24, $0x11  }
0x4a9: {  	[hbm4b:s6+s3] =	stream.linear.scatter [tilespmem:s20], [sflag:$0x4], $0x80, $0x38;
	[tilespmem:$0x12500] =	vst v63  }
0x4aa: {  	s6 =	sor.u32 s11, s21  }
0x4ab: {  	s6 =	sshrl.u32 s6, $0x3  }
0x4ac: {  	s23 =	simm.s32 $0xFB00;
	s8 =	sadd.s32 s1, s6  }
0x4ad: {  	[hbm4b:s8+s3] =	stream.linear.scatter [tilespmem:s23], [sflag:$0x4], $0x80, $0x38;
	[tilespmem:$0x12500] =	vst v63  }
0x4ae: {  	s25 =	simm.s32 $0xFB88;
	s24 =	sadd.s32 $0x10, s8  }
0x4af: {  	[hbm4b:s24+s3] =	stream.linear.scatter [tilespmem:s25], [sflag:$0x4], $0x80, $0x38;
	[tilespmem:$0x12500] =	vst v63  }
0x4b0: {  	s20 =	simm.s32 $0xFC10;
	s19 =	sadd.s32 $0x20, s8  }
0x4b1: {  	[hbm4b:s19+s3] =	stream.linear.scatter [tilespmem:s20], [sflag:$0x4], $0x80, $0x38;
	[tilespmem:$0x12500] =	vst v63  }
0x4b2: {  	s21 =	sadd.s32 $0x30, s8;
	s23 =	simm.s32 $0xFC98  }
0x4b3: {  	[hbm4b:s21+s3] =	stream.linear.scatter [tilespmem:s23], [sflag:$0x4], $0x80, $0x38;
	[tilespmem:$0x12500] =	vst v63  }
0x4b4: {  	s24 =	sadd.s32 $0x40, s8;
	s25 =	simm.s32 $0xFD20  }
0x4b5: {  	[hbm4b:s24+s3] =	stream.linear.scatter [tilespmem:s25], [sflag:$0x4], $0x80, $0x38;
	[tilespmem:$0x12500] =	vst v63  }
0x4b6: {  	s19 =	sadd.s32 $0x50, s8;
	s20 =	simm.s32 $0xFDA8  }
0x4b7: {  	[hbm4b:s19+s3] =	stream.linear.scatter [tilespmem:s20], [sflag:$0x4], $0x80, $0x38;
	[tilespmem:$0x12500] =	vst v63  }
0x4b8: {  	s21 =	sadd.s32 $0x60, s8;
	s23 =	simm.s32 $0xFE30  }
0x4b9: {  	[hbm4b:s21+s3] =	stream.linear.scatter [tilespmem:s23], [sflag:$0x4], $0x80, $0x38;
	[tilespmem:$0x12500] =	vst v63  }
0x4ba: {  	s8 =	sadd.s32 $0x70, s8;
	s24 =	simm.s32 $0xFEB8  }
0x4bb: {  	[hbm4b:s8+s3] =	stream.linear.scatter [tilespmem:s24], [sflag:$0x4], $0x80, $0x38;
	[tilespmem:$0x12500] =	vst v63  }
0x4bc: {  	s25 =	simm.s32 $0xFF40;
	s8 =	sadd.s32 s6, s12  }
0x4bd: {  	[hbm4b:s8+s3] =	stream.linear.scatter [tilespmem:s25], [sflag:$0x4], $0x80, $0x38;
	[tilespmem:$0x12500] =	vst v63  }
0x4be: {  	s20 =	simm.s32 $0xFFC8;
	s19 =	sadd.s32 $0x10, s8  }
0x4bf: {  	[hbm4b:s19+s3] =	stream.linear.scatter [tilespmem:s20], [sflag:$0x4], $0x80, $0x38;
	[tilespmem:$0x12500] =	vst v63  }
0x4c0: {  	s23 =	simm.s32 $0x10050;
	s21 =	sadd.s32 $0x20, s8  }
0x4c1: {  	[hbm4b:s21+s3] =	stream.linear.scatter [tilespmem:s23], [sflag:$0x4], $0x80, $0x38;
	[tilespmem:$0x12500] =	vst v63  }
0x4c2: {  	s24 =	sadd.s32 $0x30, s8;
	s25 =	simm.s32 $0x100D8  }
0x4c3: {  	[hbm4b:s24+s3] =	stream.linear.scatter [tilespmem:s25], [sflag:$0x4], $0x80, $0x38;
	[tilespmem:$0x12500] =	vst v63  }
0x4c4: {  	s19 =	sadd.s32 $0x40, s8;
	s20 =	simm.s32 $0x10160  }
0x4c5: {  	[hbm4b:s19+s3] =	stream.linear.scatter [tilespmem:s20], [sflag:$0x4], $0x80, $0x38;
	[tilespmem:$0x12500] =	vst v63  }
0x4c6: {  	s21 =	sadd.s32 $0x50, s8;
	s23 =	simm.s32 $0x101E8  }
0x4c7: {  	[hbm4b:s21+s3] =	stream.linear.scatter [tilespmem:s23], [sflag:$0x4], $0x80, $0x38;
	[tilespmem:$0x12500] =	vst v63  }
0x4c8: {  	s24 =	sadd.s32 $0x60, s8;
	s25 =	simm.s32 $0x10270  }
0x4c9: {  	[hbm4b:s24+s3] =	stream.linear.scatter [tilespmem:s25], [sflag:$0x4], $0x80, $0x38;
	[tilespmem:$0x12500] =	vst v63  }
0x4ca: {  	s8 =	sadd.s32 $0x70, s8;
	s19 =	simm.s32 $0x102F8  }
0x4cb: {  	[hbm4b:s8+s3] =	stream.linear.scatter [tilespmem:s19], [sflag:$0x4], $0x80, $0x38;
	[tilespmem:$0x12500] =	vst v63  }
0x4cc: {  	s20 =	simm.s32 $0x10380;
	s8 =	sadd.s32 s6, s13  }
0x4cd: {  	[hbm4b:s8+s3] =	stream.linear.scatter [tilespmem:s20], [sflag:$0x4], $0x80, $0x38;
	[tilespmem:$0x12500] =	vst v63  }
0x4ce: {  	s23 =	simm.s32 $0x10408;
	s21 =	sadd.s32 $0x10, s8  }
0x4cf: {  	[hbm4b:s21+s3] =	stream.linear.scatter [tilespmem:s23], [sflag:$0x4], $0x80, $0x38;
	[tilespmem:$0x12500] =	vst v63  }
0x4d0: {  	s25 =	simm.s32 $0x10490;
	s24 =	sadd.s32 $0x20, s8  }
0x4d1: {  	[hbm4b:s24+s3] =	stream.linear.scatter [tilespmem:s25], [sflag:$0x4], $0x80, $0x38;
	[tilespmem:$0x12500] =	vst v63  }
0x4d2: {  	s19 =	sadd.s32 $0x30, s8;
	s20 =	simm.s32 $0x10518  }
0x4d3: {  	[hbm4b:s19+s3] =	stream.linear.scatter [tilespmem:s20], [sflag:$0x4], $0x80, $0x38;
	[tilespmem:$0x12500] =	vst v63  }
0x4d4: {  	s21 =	sadd.s32 $0x40, s8;
	s23 =	simm.s32 $0x105A0  }
0x4d5: {  	[hbm4b:s21+s3] =	stream.linear.scatter [tilespmem:s23], [sflag:$0x4], $0x80, $0x38;
	[tilespmem:$0x12500] =	vst v63  }
0x4d6: {  	s24 =	sadd.s32 $0x50, s8;
	s25 =	simm.s32 $0x10628  }
0x4d7: {  	[hbm4b:s24+s3] =	stream.linear.scatter [tilespmem:s25], [sflag:$0x4], $0x80, $0x38;
	[tilespmem:$0x12500] =	vst v63  }
0x4d8: {  	s19 =	sadd.s32 $0x60, s8;
	s20 =	simm.s32 $0x106B0  }
0x4d9: {  	[hbm4b:s19+s3] =	stream.linear.scatter [tilespmem:s20], [sflag:$0x4], $0x80, $0x38;
	[tilespmem:$0x12500] =	vst v63  }
0x4da: {  	s8 =	sadd.s32 $0x70, s8  }
0x4db: {  	[hbm4b:s8+s3] =	stream.linear.scatter [tilespmem:s7], [sflag:$0x4], $0x80, $0x38;
	[tilespmem:$0x12500] =	vst v63  }
0x4dc: {  	s6 =	sadd.s32 s6, s14  }
0x4dd: {  	[hbm4b:s6+s3] =	stream.linear.scatter [tilespmem:s17], [sflag:$0x4], $0x80, $0x38;
	[tilespmem:$0x12500] =	vst v63  }
0x4de: {  	s21 =	sadd.s32 $0x10, s6  }
0x4df: {  	[hbm4b:s21+s3] =	stream.linear.scatter [tilespmem:s26], [sflag:$0x4], $0x80, $0x38;
	[tilespmem:$0x12500] =	vst v63  }
0x4e0: {  	s23 =	sadd.s32 $0x20, s6  }
0x4e1: {  	[hbm4b:s23+s3] =	stream.linear.scatter [tilespmem:s30], [sflag:$0x4], $0x80, $0x38;
	[tilespmem:$0x12500] =	vst v63  }
0x4e2: {  	s24 =	sadd.s32 $0x30, s6;
	s25 =	simm.s32 $0x10958  }
0x4e3: {  	[hbm4b:s24+s3] =	stream.linear.scatter [tilespmem:s25], [sflag:$0x4], $0x80, $0x38;
	[tilespmem:$0x12500] =	vst v63  }
0x4e4: {  	s16 =	sadd.s32 $0x1, s16;
	s15 =	sadd.s32 $0x40, s6;
	s19 =	simm.s32 $0x109E0  }
0x4e5: {  	[hbm4b:s15+s3] =	stream.linear.scatter [tilespmem:s19], [sflag:$0x4], $0x80, $0x38;
	[tilespmem:$0x12500] =	vst v63  }
0x4e6: {  	p0 =	sne.s32 s16, $0x19;
	s20 =	sadd.s32 $0x50, s6;
	s21 =	simm.s32 $0x10A68  }
0x4e7: {  	[hbm4b:s20+s3] =	stream.linear.scatter [tilespmem:s21], [sflag:$0x4], $0x80, $0x38;
	[tilespmem:$0x12500] =	vst v63  }
.Ltmp10:
0x4e8: {  	_ = 	snop;
	(pc) =	sbr.rel @p0 .LBB2_2-.Ltmp10, $4  }
0x4e9: {  	s23 =	sadd.s32 $0x60, s6;
	s24 =	simm.s32 $0x10AF0  }
0x4ea: {  	[hbm4b:s23+s3] =	stream.linear.scatter [tilespmem:s24], [sflag:$0x4], $0x80, $0x38;
	[tilespmem:$0x12500] =	vst v63  }
0x4eb: {  	s6 =	sadd.s32 $0x70, s6;
	s25 =	simm.s32 $0x10B78  }
0x4ec: {  	[hbm4b:s6+s3] =	stream.linear.scatter [tilespmem:s25], [sflag:$0x4], $0x80, $0x38;
	[tilespmem:$0x12500] =	vst v63  }
0x4ed: {  	_ =	swait.ge [sflag:s31], $0x400  }
0x4ee: {  	[sflag:s31] =	ssyncset.done $0x0  }
0x4ef: {  	[sflag:s31] =	ssyncadd.s32 $0xFFFFFC00  }
0x4f0: {  	_ =	swait.ge [sflag:s31], $0x400  }
0x4f1: {  	[sflag:s31] =	ssyncset.done $0x0  }
0x4f2: {  	[sflag:s31] =	ssyncadd.s32 $0xFFFFFC00  }
0x4f3: {  	_ =	swait.ge [sflag:s31], $0x400  }
0x4f4: {  	[sflag:s31] =	ssyncset.done $0x0  }
0x4f5: {  	[sflag:s31] =	ssyncadd.s32 $0xFFFFFC00  }
0x4f6: {  	_ =	swait.ge [sflag:s31], $0x400  }
0x4f7: {  	[sflag:s31] =	ssyncset.done $0x0  }
0x4f8: {  	[sflag:s31] =	ssyncadd.s32 $0xFFFFFC00  }
0x4f9: {  	_ =	swait.ge [sflag:s31], $0x400  }
0x4fa: {  	[sflag:s31] =	ssyncset.done $0x0  }
0x4fb: {  	[sflag:s31] =	ssyncadd.s32 $0xFFFFFC00  }
0x4fc: {  	_ =	swait.ge [sflag:s31], $0x400  }
0x4fd: {  	[sflag:s31] =	ssyncset.done $0x0  }
0x4fe: {  	[sflag:s31] =	ssyncadd.s32 $0xFFFFFC00  }
0x4ff: {  	_ =	swait.ge [sflag:s31], $0x400  }
0x500: {  	[sflag:s31] =	ssyncset.done $0x0  }
0x501: {  	[sflag:s31] =	ssyncadd.s32 $0xFFFFFC00  }
0x502: {  	_ =	swait.ge [sflag:s31], $0x400  }
0x503: {  	[sflag:s31] =	ssyncset.done $0x0  }
0x504: {  	[sflag:s31] =	ssyncadd.s32 $0xFFFFFC00  }
0x505: {  	_ =	swait.ge [sflag:s31], $0x400  }
0x506: {  	[sflag:s31] =	ssyncset.done $0x0  }
0x507: {  	[sflag:s31] =	ssyncadd.s32 $0xFFFFFC00  }
0x508: {  	_ =	swait.ge [sflag:s31], $0x400  }
0x509: {  	[sflag:s31] =	ssyncset.done $0x0  }
0x50a: {  	[sflag:s31] =	ssyncadd.s32 $0xFFFFFC00  }
0x50b: {  	_ =	swait.ge [sflag:s31], $0x400  }
0x50c: {  	[sflag:s31] =	ssyncset.done $0x0  }
0x50d: {  	[sflag:s31] =	ssyncadd.s32 $0xFFFFFC00  }
0x50e: {  	_ =	swait.ge [sflag:s31], $0x400  }
0x50f: {  	[sflag:s31] =	ssyncset.done $0x0  }
0x510: {  	[sflag:s31] =	ssyncadd.s32 $0xFFFFFC00  }
0x511: {  	_ =	swait.ge [sflag:s31], $0x400  }
0x512: {  	[sflag:s31] =	ssyncset.done $0x0  }
0x513: {  	[sflag:s31] =	ssyncadd.s32 $0xFFFFFC00  }
0x514: {  	_ =	swait.ge [sflag:s31], $0x400  }
0x515: {  	[sflag:s31] =	ssyncset.done $0x0  }
0x516: {  	[sflag:s31] =	ssyncadd.s32 $0xFFFFFC00  }
0x517: {  	_ =	swait.ge [sflag:s31], $0x400  }
0x518: {  	[sflag:s31] =	ssyncset.done $0x0  }
0x519: {  	[sflag:s31] =	ssyncadd.s32 $0xFFFFFC00  }
0x51a: {  	_ =	swait.ge [sflag:s31], $0x400  }
0x51b: {  	[sflag:s31] =	ssyncset.done $0x0  }
0x51c: {  	[sflag:s31] =	ssyncadd.s32 $0xFFFFFC00  }
0x51d: {  	_ =	swait.ge [sflag:s2], $0x400  }
0x51e: {  	[sflag:s2] =	ssyncset.done $0x0  }
0x51f: {  	[sflag:s2] =	ssyncadd.s32 $0xFFFFFC00  }
0x520: {  	_ =	swait.ge [sflag:s2], $0x400  }
0x521: {  	[sflag:s2] =	ssyncset.done $0x0  }
0x522: {  	[sflag:s2] =	ssyncadd.s32 $0xFFFFFC00  }
0x523: {  	_ =	swait.ge [sflag:s2], $0x400  }
0x524: {  	[sflag:s2] =	ssyncset.done $0x0  }
0x525: {  	[sflag:s2] =	ssyncadd.s32 $0xFFFFFC00  }
0x526: {  	_ =	swait.ge [sflag:s2], $0x400  }
0x527: {  	[sflag:s2] =	ssyncset.done $0x0  }
0x528: {  	[sflag:s2] =	ssyncadd.s32 $0xFFFFFC00  }
0x529: {  	_ =	swait.ge [sflag:s2], $0x400  }
0x52a: {  	[sflag:s2] =	ssyncset.done $0x0  }
0x52b: {  	[sflag:s2] =	ssyncadd.s32 $0xFFFFFC00  }
0x52c: {  	_ =	swait.ge [sflag:s2], $0x400  }
0x52d: {  	[sflag:s2] =	ssyncset.done $0x0  }
0x52e: {  	[sflag:s2] =	ssyncadd.s32 $0xFFFFFC00  }
0x52f: {  	_ =	swait.ge [sflag:s2], $0x400  }
0x530: {  	[sflag:s2] =	ssyncset.done $0x0  }
0x531: {  	[sflag:s2] =	ssyncadd.s32 $0xFFFFFC00  }
0x532: {  	_ =	swait.ge [sflag:s2], $0x400  }
0x533: {  	[sflag:s2] =	ssyncset.done $0x0  }
0x534: {  	[sflag:s2] =	ssyncadd.s32 $0xFFFFFC00  }
0x535: {  	_ =	swait.ge [sflag:s2], $0x400  }
0x536: {  	[sflag:s2] =	ssyncset.done $0x0  }
0x537: {  	[sflag:s2] =	ssyncadd.s32 $0xFFFFFC00  }
0x538: {  	_ =	swait.ge [sflag:s2], $0x400  }
0x539: {  	[sflag:s2] =	ssyncset.done $0x0  }
0x53a: {  	[sflag:s2] =	ssyncadd.s32 $0xFFFFFC00  }
0x53b: {  	_ =	swait.ge [sflag:s2], $0x400  }
0x53c: {  	[sflag:s2] =	ssyncset.done $0x0  }
0x53d: {  	[sflag:s2] =	ssyncadd.s32 $0xFFFFFC00  }
0x53e: {  	_ =	swait.ge [sflag:s2], $0x400  }
0x53f: {  	[sflag:s2] =	ssyncset.done $0x0  }
0x540: {  	[sflag:s2] =	ssyncadd.s32 $0xFFFFFC00  }
0x541: {  	_ =	swait.ge [sflag:s2], $0x400  }
0x542: {  	[sflag:s2] =	ssyncset.done $0x0  }
0x543: {  	[sflag:s2] =	ssyncadd.s32 $0xFFFFFC00  }
0x544: {  	_ =	swait.ge [sflag:s2], $0x400  }
0x545: {  	[sflag:s2] =	ssyncset.done $0x0  }
0x546: {  	[sflag:s2] =	ssyncadd.s32 $0xFFFFFC00  }
0x547: {  	_ =	swait.ge [sflag:s2], $0x400  }
0x548: {  	[sflag:s2] =	ssyncset.done $0x0  }
0x549: {  	[sflag:s2] =	ssyncadd.s32 $0xFFFFFC00  }
0x54a: {  	_ =	swait.ge [sflag:s2], $0x400  }
0x54b: {  	s8 =	rddreg [dreg:$0x7]  }
0x54c: {  	s6 =	rddreg [dreg:$0x6];
	s8 =	sadd.s32 $0x1, s8  }
0x54d: {  	p0 =	sne.s32 s8, s6  }
.Ltmp11:
0x54e: {  	_ = 	snop;
	(pc) =	sbr.rel @p0 .LBB2_1-.Ltmp11, $3  }
0x54f: {  	_ =	sdelay $0x1  }
0x550: {  	[sflag:s2] =	ssyncset.done $0x0  }
0x551: {  	[sflag:s2] =	ssyncadd.s32 $0xFFFFFC00  }
0x552: {  	_ =	sfence.sel $0x180000  }
0x553: {  	[bflag:$0x0] =	sbarrier.arrive $0xFFFF  }
0x554: {  	_ =	strace $0x90000047  }
0x555: {  	s0 =	stileid.u32;
	[bflag:$0x2] =	sbarrier.arrive $0xFFFF  }
0x556: {  	p0 =	sne.s32 s0, $0x0;
	s0 =	rddreg [dreg:$0x2]  }
0x557: {  	s0 =	sadd.s32 @!p0 $0x100000, s0  }
0x558: {  	[sflag:s0] =	ssyncadd.tile.s32 @!p0 $0x1;
	_ =	shalt  }
.Lfunc_end2:
_tile_overlayer_lowered:
.L_overlay_start_2:
0x559: {  	(tag) =	ssettag $0x2  }
0x55a: {  	s0 =	rddreg [dreg:$0x0];
	s2 =	stileid.u32  }
0x55b: {  	s1 =	rddreg [dreg:$0x1];
	p0 =	sne.s32 s2, $0x0  }
0x55c: {  	s3 =	rddreg [dreg:$0x2];
	[bflag:$0x3] =	sbarrier.arrive $0xFFFF;
	s2 =	simm.s32 @!p0 $0x1C05  }
0x55d: {  	[timem:s3], [sflag:s2] =	dma.local @!p0 [hbm:s0], s1  }
0x55e: {  	s0 =	simm.s32 @!p0 $0x5  }
0x55f: {  	_ =	swait.ge @!p0 [sflag:s0], s1  }
0x560: {  	s1 =	ssub.s32 @!p0 $0x0, s1;
	[sflag:s0] =	ssyncset.done @!p0 $0x0  }
0x561: {  	[sflag:s0] =	ssyncadd.s32 @!p0 s1  }
0x562: {  	[bflag:$0x3] =	sbarrier.arrive $0xFFFF  }
0x563: {  	_ =	shalt  }

</sc_bundles>
